<compile_context>
chip_gen: v7x
topology: tpu7x:2x2x1
jax: 0.10.2.dev20260603
libtpu: 0.0.44.dev20260713+nightly
codegen_flags: <defaults>
</compile_context>

<pallas_src>
import functools

import jax
import jax.numpy as jnp
from jax import lax
from jax.experimental import pallas as pl
from jax.experimental.pallas import tpu as pltpu
from jax.experimental.pallas import tpu_sc as plsc

N = 10000
NPAD = 10240
E = 320000
F_IN = 128
H = 32
G = 64

NC = 2
NS = 16
NW = NC * NS
EPW = 10240
ECH = 128
NCH = EPW // ECH
RPT = NPAD // NW
RPS = NPAD // NS
SEGS = G + 1
PBUF = SEGS * H
CBUF = 80
EPAD = NW * EPW - E

_MESH = plsc.VectorSubcoreMesh(
    core_axis_name="c", subcore_axis_name="s", num_cores=NC, num_subcores=NS)
_SC_PARAMS = pltpu.CompilerParams(
    needs_layout_passes=False, use_tc_tiling_on_sc=False)


def _fill(ref, nwords, value, dtype=jnp.float32):
    val = jnp.full((16,), value, dtype)

    def body(i, _):
        ref[pl.ds(i * 16, 16)] = val
        return 0

    lax.fori_loop(0, nwords // 16, body, 0)


@functools.partial(
    pl.kernel,
    out_type=jax.ShapeDtypeStruct((NW * NPAD,), jnp.float32),
    mesh=_MESH,
    compiler_params=_SC_PARAMS,
    scratch_types=[
        pltpu.VMEM((NCH, ECH), jnp.int32),
        pltpu.VMEM((NPAD,), jnp.float32),
    ],
)
def _sc_deg(didx_hbm, out_hbm, didx_v, hist_v):
    cid = lax.axis_index("c")
    sid = lax.axis_index("s")
    wid = sid * NC + cid
    pltpu.sync_copy(didx_hbm.at[pl.ds(wid * NCH, NCH)], didx_v)
    _fill(hist_v, NPAD, 0.0)
    ones = jnp.full((16,), 1.0, jnp.float32)

    def body(j, _):
        for k in range(ECH // 16):
            dv = didx_v[j, pl.ds(k * 16, 16)]
            plsc.addupdate_scatter(hist_v, [dv], ones)
        return 0

    lax.fori_loop(0, NCH, body, 0)
    pltpu.sync_copy(hist_v, out_hbm.at[pl.ds(wid * NPAD, NPAD)])


@functools.partial(
    pl.kernel,
    out_type=jax.ShapeDtypeStruct((NC * NPAD, H), jnp.float32),
    mesh=_MESH,
    compiler_params=_SC_PARAMS,
    scratch_types=[
        pltpu.VMEM((NCH, ECH), jnp.int32),
        pltpu.VMEM((NCH, ECH), jnp.int32),
        pltpu.VMEM((ECH, H), jnp.float32),
        pltpu.VMEM((64, H), jnp.float32),
        pltpu.VMEM_SHARED((NPAD, H), jnp.float32),
        pltpu.VMEM_SHARED((NPAD, H), jnp.float32),
        pltpu.SemaphoreType.DMA,
        pltpu.SemaphoreType.DMA,
        pltpu.SemaphoreType.DMA,
    ],
)
def _sc_spmm(sidx_hbm, didx_hbm, y_hbm, out_hbm,
             sidx_v, didx_v, rows_v, zero_v, ytab, acc, sa, sb, st):
    cid = lax.axis_index("c")
    sid = lax.axis_index("s")
    wid = sid * NC + cid
    zval = jnp.zeros((16,), jnp.float32)

    def zbody(i, _):
        zero_v[i, pl.ds(0, 16)] = zval
        zero_v[i, pl.ds(16, 16)] = zval
        return 0

    lax.fori_loop(0, 64, zbody, 0)
    ytcp = pltpu.async_copy(y_hbm.at[pl.ds(sid * RPS, RPS)],
                            ytab.at[pl.ds(sid * RPS, RPS)], st)
    sicp = pltpu.async_copy(sidx_hbm.at[pl.ds(wid * NCH, NCH)], sidx_v, sa)
    dicp = pltpu.async_copy(didx_hbm.at[pl.ds(wid * NCH, NCH)], didx_v, sb)
    for t in range(RPS // 64):
        pltpu.sync_copy(zero_v, acc.at[pl.ds(sid * RPS + t * 64, 64)])
    ytcp.wait()
    sicp.wait()
    dicp.wait()
    plsc.subcore_barrier()

    def body(j, _):
        pltpu.async_copy(ytab.at[sidx_v.at[j]], rows_v, sa).wait()
        pltpu.sync_copy(rows_v, acc.at[didx_v.at[j]], add=True)
        return 0

    lax.fori_loop(0, NCH, body, 0)
    plsc.subcore_barrier()
    pltpu.sync_copy(acc.at[pl.ds(sid * RPS, RPS)],
                    out_hbm.at[pl.ds(cid * NPAD + sid * RPS, RPS)])


@functools.partial(
    pl.kernel,
    out_type=(
        jax.ShapeDtypeStruct((NW * PBUF,), jnp.float32),
        jax.ShapeDtypeStruct((NW * PBUF,), jnp.float32),
        jax.ShapeDtypeStruct((NW * CBUF,), jnp.float32),
    ),
    mesh=_MESH,
    compiler_params=_SC_PARAMS,
    scratch_types=[
        pltpu.VMEM((RPT * H,), jnp.float32),
        pltpu.VMEM((RPT,), jnp.int32),
        pltpu.VMEM((PBUF,), jnp.float32),
        pltpu.VMEM((PBUF,), jnp.float32),
        pltpu.VMEM((CBUF,), jnp.float32),
    ],
)
def _sc_pool(h_hbm, bat_hbm, sum_hbm, max_hbm, cnt_hbm,
             h_v, bat_v, sbuf, mbuf, cbuf):
    cid = lax.axis_index("c")
    sid = lax.axis_index("s")
    wid = sid * NC + cid
    pltpu.sync_copy(h_hbm.at[pl.ds(wid * RPT * H, RPT * H)], h_v)
    pltpu.sync_copy(bat_hbm.at[pl.ds(wid * RPT, RPT)], bat_v)
    _fill(sbuf, PBUF, 0.0)
    _fill(mbuf, PBUF, -jnp.inf)
    _fill(cbuf, CBUF, 0.0)

    lanes = lax.broadcasted_iota(jnp.int32, (16,), 0)
    ones = jnp.full((16,), 1.0, jnp.float32)
    mask0 = lanes == 0

    def chunk(c, _):
        bv = bat_v[pl.ds(c * 16, 16)]
        for l in range(16):
            seg = jnp.sum(jnp.where(lanes == l, bv, 0))
            off = (c * 16 + l) * H
            lo = h_v[pl.ds(off, 16)]
            hi = h_v[pl.ds(off + 16, 16)]
            ilo = seg * H + lanes
            ihi = ilo + 16
            plsc.store_scatter(
                mbuf, [ilo], jnp.maximum(plsc.load_gather(mbuf, [ilo]), lo))
            plsc.store_scatter(
                mbuf, [ihi], jnp.maximum(plsc.load_gather(mbuf, [ihi]), hi))
            plsc.addupdate_scatter(sbuf, [ilo], lo)
            plsc.addupdate_scatter(sbuf, [ihi], hi)
            plsc.addupdate_scatter(cbuf, [lanes * 0 + seg], ones, mask=mask0)
        return 0

    lax.fori_loop(0, RPT // 16, chunk, 0)
    pltpu.sync_copy(sbuf, sum_hbm.at[pl.ds(wid * PBUF, PBUF)])
    pltpu.sync_copy(mbuf, max_hbm.at[pl.ds(wid * PBUF, PBUF)])
    pltpu.sync_copy(cbuf, cnt_hbm.at[pl.ds(wid * CBUF, CBUF)])


def _tc_pre_body(hist_ref, x_ref, w0_ref, dinv_ref, y0_ref):
    hist_t = jnp.transpose(hist_ref[...], (1, 0))
    deg = jnp.sum(hist_t, axis=1, keepdims=True) + 1.0
    dinv = lax.rsqrt(deg)
    xw = jnp.dot(x_ref[...], w0_ref[...], preferred_element_type=jnp.float32)
    dinv_ref[...] = dinv
    y0_ref[...] = xw * dinv


def _tc_pre(hist, xp, W0):
    return pl.pallas_call(
        _tc_pre_body,
        out_shape=(
            jax.ShapeDtypeStruct((NPAD, 1), jnp.float32),
            jax.ShapeDtypeStruct((NPAD, H), jnp.float32),
        ),
    )(hist, xp, W0)


def _tc_layer_body(acc_ref, y_ref, dinv_ref, b_ref, w_ref, out_ref):
    pre = acc_ref[0:NPAD, :] + acc_ref[NPAD:2 * NPAD, :] + y_ref[...]
    h = jnp.tanh(pre * dinv_ref[...] + b_ref[...])
    out_ref[...] = jnp.dot(
        h, w_ref[...], preferred_element_type=jnp.float32) * dinv_ref[...]


def _tc_layer(acc, y, dinv, b, Wn):
    return pl.pallas_call(
        _tc_layer_body,
        out_shape=jax.ShapeDtypeStruct((NPAD, H), jnp.float32),
    )(acc, y, dinv, b.reshape(1, H), Wn)


def _tc_last_body(acc_ref, y_ref, dinv_ref, b_ref, out_ref):
    pre = acc_ref[0:NPAD, :] + acc_ref[NPAD:2 * NPAD, :] + y_ref[...]
    out_ref[...] = jnp.tanh(pre * dinv_ref[...] + b_ref[...])


def _tc_last(acc, y, dinv, b):
    return pl.pallas_call(
        _tc_last_body,
        out_shape=jax.ShapeDtypeStruct((NPAD, H), jnp.float32),
    )(acc, y, dinv, b.reshape(1, H))


def _tc_epi_body(s_ref, m_ref, c_ref, wout_ref, bout_ref, out_ref, hid_ref):
    s = jnp.sum(s_ref[...], axis=0)[:G]
    m = jnp.max(m_ref[...], axis=0)[:G]
    cnt = jnp.sum(c_ref[...], axis=0)[:G]
    gmean = s / jnp.clip(cnt, 1.0, None)
    hidden = jnp.concatenate([m, gmean, s], axis=1)
    hid_ref[...] = hidden
    out_ref[...] = jnp.dot(
        hidden, wout_ref[...], preferred_element_type=jnp.float32) + bout_ref[...]


def _tc_epi(s, m, c, Wout, bout):
    return pl.pallas_call(
        _tc_epi_body,
        out_shape=(
            jax.ShapeDtypeStruct((G, 1), jnp.float32),
            jax.ShapeDtypeStruct((G, 3 * H), jnp.float32),
        ),
    )(s, m, c, Wout, bout.reshape(1, 1))


def kernel(x, edge_index, batch_index, W0, b0, W1, b1, W2, b2, W3, b3,
           Wout, bout):
    src = edge_index[0]
    dst = edge_index[1]
    sidx = jnp.concatenate(
        [src, jnp.zeros((EPAD,), jnp.int32)]).reshape(NW * NCH, ECH)
    didx = jnp.concatenate(
        [dst, jnp.full((EPAD,), N, jnp.int32)]).reshape(NW * NCH, ECH)
    xp = jnp.pad(x, ((0, NPAD - N), (0, 0)))
    batp = jnp.concatenate(
        [batch_index, jnp.full((NPAD - N,), G, jnp.int32)])

    hist = _sc_deg(didx).reshape(NW, NPAD)
    dinv, y = _tc_pre(hist, xp, W0)

    for bk, Wn in ((b0, W1), (b1, W2), (b2, W3)):
        acc = _sc_spmm(sidx, didx, y)
        y = _tc_layer(acc, y, dinv, bk, Wn)
    acc = _sc_spmm(sidx, didx, y)
    h4 = _tc_last(acc, y, dinv, b3)

    s, m, c = _sc_pool(h4.reshape(NPAD * H), batp)
    out, hidden = _tc_epi(s.reshape(NW, SEGS, H), m.reshape(NW, SEGS, H),
                          c.reshape(NW, CBUF, 1), Wout, bout)
    return (out, hidden)

# --- scband reference (transcript-rebuilt; emitter-appended) ---
"""Pipeline reference for scband-gcn-61040075211230 (READ-ONLY COPY).

The authoritative reference and input builder live on the scoring server;
editing this copy changes nothing except your own understanding.
"""

import jax, jax.numpy as jnp
import numpy as np

N = 10000
E = 320000
F_IN = 128
H = 32
G = 64


def setup_inputs(seed: int = 0) -> dict:
    key = jax.random.key(seed)
    ks = jax.random.split(key, 13)
    x = jax.random.normal(ks[0], (N, F_IN), dtype=jnp.float32)
    edge_index = jax.random.randint(ks[1], (2, E), 0, N, dtype=jnp.int32)
    batch_index = jnp.sort(jax.random.randint(ks[2], (N,), 0, G, dtype=jnp.int32))
    W0 = jax.random.normal(ks[3], (F_IN, H), dtype=jnp.float32) * 0.1
    b0 = jnp.zeros((H,), dtype=jnp.float32)
    W1 = jax.random.normal(ks[4], (H, H), dtype=jnp.float32) * 0.1
    b1 = jnp.zeros((H,), dtype=jnp.float32)
    W2 = jax.random.normal(ks[5], (H, H), dtype=jnp.float32) * 0.1
    b2 = jnp.zeros((H,), dtype=jnp.float32)
    W3 = jax.random.normal(ks[6], (H, H), dtype=jnp.float32) * 0.1
    b3 = jnp.zeros((H,), dtype=jnp.float32)
    Wout = jax.random.normal(ks[7], (3 * H, 1), dtype=jnp.float32) * 0.1
    bout = jnp.zeros((1,), dtype=jnp.float32)
    return {"x": x, "edge_index": edge_index, "batch_index": batch_index,
            "W0": W0, "b0": b0, "W1": W1, "b1": b1, "W2": W2, "b2": b2,
            "W3": W3, "b3": b3, "Wout": Wout, "bout": bout}


def gcn_conv(x, edge_index, W, b):
    # GCNConv: D^{-1/2} (A + I) D^{-1/2} X W + b
    n = x.shape[0]
    loop = jnp.arange(n, dtype=edge_index.dtype)
    src = jnp.concatenate([edge_index[0], loop])
    dst = jnp.concatenate([edge_index[1], loop])
    deg = jnp.zeros((n,), x.dtype).at[dst].add(1.0)
    dinv = jax.lax.rsqrt(jnp.clip(deg, 1.0, None))
    norm = dinv[src] * dinv[dst]
    xw = x @ W
    msg = xw[src] * norm[:, None]
    out = jnp.zeros((n, W.shape[1]), x.dtype).at[dst].add(msg)
    return out + b


def reference(x, edge_index, batch_index, W0, b0, W1, b1, W2, b2, W3, b3, Wout, bout):
    h = jnp.tanh(gcn_conv(x, edge_index, W0, b0))
    h = jnp.tanh(gcn_conv(h, edge_index, W1, b1))
    h = jnp.tanh(gcn_conv(h, edge_index, W2, b2))
    h = jnp.tanh(gcn_conv(h, edge_index, W3, b3))
    gsum = jax.ops.segment_sum(h, batch_index, num_segments=G)
    cnt = jax.ops.segment_sum(jnp.ones((h.shape[0], 1), h.dtype), batch_index, num_segments=G)
    gmean = gsum / jnp.clip(cnt, 1.0, None)
    gmax = jax.ops.segment_max(h, batch_index, num_segments=G)
    hidden = jnp.concatenate([gmax, gmean, gsum], axis=1)
    out = hidden @ Wout + bout
    return (out, hidden)

if __name__ == "__main__":
    import jax
    _d = setup_inputs()
    print(jax.jit(kernel)(*tuple(_d.values())))

</pallas_src>

<mosaic_0001>
#map = affine_map<(d0, d1) -> (0, 0)>
#map1 = affine_map<(d0, d1) -> (0)>
module attributes {stable_mosaic.version = 14 : i64} {
  func.func @_sc_deg(%arg0: i32, %arg1: i32, %arg2: memref<2560x128xi32, #tpu.memory_space<hbm>>, %arg3: memref<327680xf32, #tpu.memory_space<hbm>>, %arg4: memref<80x128xi32, #tpu.memory_space<vmem>>, %arg5: memref<10240xf32, #tpu.memory_space<vmem>>) attributes {dimension_semantics = [#tpu.dimension_semantics<core_parallel>, #tpu.dimension_semantics<subcore_parallel>], iteration_bounds = array<i64: 2, 16>, scalar_prefetch = 0 : i64, scratch_operands = 2 : i64, tpu.core_type = #tpu.core_type<sc_vector_subcore>, window_params = [{transform_indices = #map}, {transform_indices = #map1}]} {
    %mul3A = arith.constant 2 : i32
    %mul3A_0 = arith.muli %arg1, %mul3A : i32
    %add3A = arith.addi %mul3A_0, %arg0 : i32
    %mul3A_1 = arith.constant 80 : i32
    %mul3A_2 = arith.muli %add3A, %mul3A_1 : i32
    "tpu.region"() ({
      %run_scoped3A = tpu.sem_alloc : memref<!tpu.dma_semaphore, #tpu.memory_space<semaphore_mem>>
      %dma_start3A = arith.constant 0 : i32
      %dma_start3A_21 = tpu.memref_slice %arg2[%mul3A_2, %dma_start3A] : memref<2560x128xi32, #tpu.memory_space<hbm>> -> memref<80x128xi32, #tpu.memory_space<hbm>>
      %dma_start3A_22 = arith.constant 0 : i32
      %dma_start3A_23 = tpu.memref_slice %arg2[%mul3A_2, %dma_start3A_22] : memref<2560x128xi32, #tpu.memory_space<hbm>> -> memref<80x128xi32, #tpu.memory_space<hbm>>
      tpu.enqueue_dma source(%dma_start3A_23 : memref<80x128xi32, #tpu.memory_space<hbm>>) target(%arg4 : memref<80x128xi32, #tpu.memory_space<vmem>>) target_semaphore(%run_scoped3A : memref<!tpu.dma_semaphore, #tpu.memory_space<semaphore_mem>>)
      %dma_wait3A = arith.constant 0 : i32
      %dma_wait3A_24 = tpu.memref_slice %arg2[%mul3A_2, %dma_wait3A] : memref<2560x128xi32, #tpu.memory_space<hbm>> -> memref<80x128xi32, #tpu.memory_space<hbm>>
      %dma_wait3A_25 = arith.constant 0 : i32
      %dma_wait3A_26 = tpu.memref_slice %arg2[%mul3A_2, %dma_wait3A_25] : memref<2560x128xi32, #tpu.memory_space<hbm>> -> memref<80x128xi32, #tpu.memory_space<hbm>>
      tpu.wait_dma2 semaphore(%run_scoped3A : memref<!tpu.dma_semaphore, #tpu.memory_space<semaphore_mem>>) src(%dma_wait3A_26 : memref<80x128xi32, #tpu.memory_space<hbm>>) dst(%arg4 : memref<80x128xi32, #tpu.memory_space<vmem>>)
      tpu.yield
    }) : () -> ()
    %broadcast_in_dim3A = arith.constant 0.000000e+00 : f32
    %broadcast_in_dim3A_3 = vector.broadcast %broadcast_in_dim3A : f32 to vector<16xf32>
    %scan3A = arith.constant 0 : i32
    %scan3A_4 = arith.constant 0 : i32
    %scan3A_5 = arith.constant 640 : i32
    %scan3A_6 = arith.addi %scan3A_4, %scan3A_5 : i32
    %scan3A_7 = arith.constant 1 : i32
    %scan3A_8 = scf.for %scan3A_21 = %scan3A_4 to %scan3A_6 step %scan3A_7 iter_args(%scan3A_22 = %scan3A) -> (i32)  : i32 {
      %mul3A_23 = arith.constant 16 : i32
      %mul3A_24 = arith.muli %scan3A_21, %mul3A_23 : i32
      %swap3A = arith.index_cast %mul3A_24 : i32 to index
      %swap3A_25 = tpu.vector_load %arg5[%swap3A] {strides = array<i32>} : memref<10240xf32, #tpu.memory_space<vmem>>, vector<16xf32>,
      tpu.vector_store %arg5[%swap3A], %broadcast_in_dim3A_3 {strides = array<i32>} : memref<10240xf32, #tpu.memory_space<vmem>>, vector<16xf32>,
      %scan3A_26 = arith.constant 0 : i32
      scf.yield %scan3A_26 : i32
    }
    %scan3A_9 = arith.constant 640 : i32
    %broadcast_in_dim3A_10 = arith.constant 1.000000e+00 : f32
    %broadcast_in_dim3A_11 = vector.broadcast %broadcast_in_dim3A_10 : f32 to vector<16xf32>
    %scan3A_12 = arith.constant 0 : i32
    %scan3A_13 = arith.constant 0 : i32
    %scan3A_14 = arith.constant 80 : i32
    %scan3A_15 = arith.addi %scan3A_13, %scan3A_14 : i32
    %scan3A_16 = arith.constant 1 : i32
    %scan3A_17 = scf.for %scan3A_21 = %scan3A_13 to %scan3A_15 step %scan3A_16 iter_args(%scan3A_22 = %scan3A_12) -> (i32)  : i32 {
      %get3A = arith.index_cast %scan3A_21 : i32 to index
      %get3A_23 = arith.constant 0 : index
      %get3A_24 = tpu.vector_load %arg4[%get3A, %get3A_23] {strides = array<i32>} : memref<80x128xi32, #tpu.memory_space<vmem>>, vector<16xi32>,
      tpu.vector_store_idx %arg5[%get3A_24], %broadcast_in_dim3A_11 {add = true} : memref<10240xf32, #tpu.memory_space<vmem>>[vector<16xi32>], vector<16xf32>,
      %get3A_25 = arith.index_cast %scan3A_21 : i32 to index
      %get3A_26 = arith.constant 16 : index
      %get3A_27 = tpu.vector_load %arg4[%get3A_25, %get3A_26] {strides = array<i32>} : memref<80x128xi32, #tpu.memory_space<vmem>>, vector<16xi32>,
      tpu.vector_store_idx %arg5[%get3A_27], %broadcast_in_dim3A_11 {add = true} : memref<10240xf32, #tpu.memory_space<vmem>>[vector<16xi32>], vector<16xf32>,
      %get3A_28 = arith.index_cast %scan3A_21 : i32 to index
      %get3A_29 = arith.constant 32 : index
      %get3A_30 = tpu.vector_load %arg4[%get3A_28, %get3A_29] {strides = array<i32>} : memref<80x128xi32, #tpu.memory_space<vmem>>, vector<16xi32>,
      tpu.vector_store_idx %arg5[%get3A_30], %broadcast_in_dim3A_11 {add = true} : memref<10240xf32, #tpu.memory_space<vmem>>[vector<16xi32>], vector<16xf32>,
      %get3A_31 = arith.index_cast %scan3A_21 : i32 to index
      %get3A_32 = arith.constant 48 : index
      %get3A_33 = tpu.vector_load %arg4[%get3A_31, %get3A_32] {strides = array<i32>} : memref<80x128xi32, #tpu.memory_space<vmem>>, vector<16xi32>,
      tpu.vector_store_idx %arg5[%get3A_33], %broadcast_in_dim3A_11 {add = true} : memref<10240xf32, #tpu.memory_space<vmem>>[vector<16xi32>], vector<16xf32>,
      %get3A_34 = arith.index_cast %scan3A_21 : i32 to index
      %get3A_35 = arith.constant 64 : index
      %get3A_36 = tpu.vector_load %arg4[%get3A_34, %get3A_35] {strides = array<i32>} : memref<80x128xi32, #tpu.memory_space<vmem>>, vector<16xi32>,
      tpu.vector_store_idx %arg5[%get3A_36], %broadcast_in_dim3A_11 {add = true} : memref<10240xf32, #tpu.memory_space<vmem>>[vector<16xi32>], vector<16xf32>,
      %get3A_37 = arith.index_cast %scan3A_21 : i32 to index
      %get3A_38 = arith.constant 80 : index
      %get3A_39 = tpu.vector_load %arg4[%get3A_37, %get3A_38] {strides = array<i32>} : memref<80x128xi32, #tpu.memory_space<vmem>>, vector<16xi32>,
      tpu.vector_store_idx %arg5[%get3A_39], %broadcast_in_dim3A_11 {add = true} : memref<10240xf32, #tpu.memory_space<vmem>>[vector<16xi32>], vector<16xf32>,
      %get3A_40 = arith.index_cast %scan3A_21 : i32 to index
      %get3A_41 = arith.constant 96 : index
      %get3A_42 = tpu.vector_load %arg4[%get3A_40, %get3A_41] {strides = array<i32>} : memref<80x128xi32, #tpu.memory_space<vmem>>, vector<16xi32>,
      tpu.vector_store_idx %arg5[%get3A_42], %broadcast_in_dim3A_11 {add = true} : memref<10240xf32, #tpu.memory_space<vmem>>[vector<16xi32>], vector<16xf32>,
      %get3A_43 = arith.index_cast %scan3A_21 : i32 to index
      %get3A_44 = arith.constant 112 : index
      %get3A_45 = tpu.vector_load %arg4[%get3A_43, %get3A_44] {strides = array<i32>} : memref<80x128xi32, #tpu.memory_space<vmem>>, vector<16xi32>,
      tpu.vector_store_idx %arg5[%get3A_45], %broadcast_in_dim3A_11 {add = true} : memref<10240xf32, #tpu.memory_space<vmem>>[vector<16xi32>], vector<16xf32>,
      %scan3A_46 = arith.constant 0 : i32
      scf.yield %scan3A_46 : i32
    }
    %scan3A_18 = arith.constant 80 : i32
    %mul3A_19 = arith.constant 10240 : i32
    %mul3A_20 = arith.muli %add3A, %mul3A_19 : i32
    "tpu.region"() ({
      %run_scoped3A = tpu.sem_alloc : memref<!tpu.dma_semaphore, #tpu.memory_space<semaphore_mem>>
      %dma_start3A = tpu.memref_slice %arg3[%mul3A_20] : memref<327680xf32, #tpu.memory_space<hbm>> -> memref<10240xf32, #tpu.memory_space<hbm>>
      %dma_start3A_21 = tpu.memref_slice %arg3[%mul3A_20] : memref<327680xf32, #tpu.memory_space<hbm>> -> memref<10240xf32, #tpu.memory_space<hbm>>
      tpu.enqueue_dma source(%arg5 : memref<10240xf32, #tpu.memory_space<vmem>>) target(%dma_start3A_21 : memref<10240xf32, #tpu.memory_space<hbm>>) target_semaphore(%run_scoped3A : memref<!tpu.dma_semaphore, #tpu.memory_space<semaphore_mem>>)
      %dma_wait3A = tpu.memref_slice %arg3[%mul3A_20] : memref<327680xf32, #tpu.memory_space<hbm>> -> memref<10240xf32, #tpu.memory_space<hbm>>
      %dma_wait3A_22 = tpu.memref_slice %arg3[%mul3A_20] : memref<327680xf32, #tpu.memory_space<hbm>> -> memref<10240xf32, #tpu.memory_space<hbm>>
      tpu.wait_dma2 semaphore(%run_scoped3A : memref<!tpu.dma_semaphore, #tpu.memory_space<semaphore_mem>>) src(%arg5 : memref<10240xf32, #tpu.memory_space<vmem>>) dst(%dma_wait3A_22 : memref<10240xf32, #tpu.memory_space<hbm>>)
      tpu.yield
    }) : () -> ()
    return
  }
}

#map = affine_map<(d0, d1) -> (0, 0)>
module attributes {stable_mosaic.version = 14 : i64} {
  func.func @_sc_spmm(%arg0: i32, %arg1: i32, %arg2: memref<2560x128xi32, #tpu.memory_space<hbm>>, %arg3: memref<2560x128xi32, #tpu.memory_space<hbm>>, %arg4: memref<10240x32xf32, #tpu.memory_space<hbm>>, %arg5: memref<20480x32xf32, #tpu.memory_space<hbm>>, %arg6: memref<80x128xi32, #tpu.memory_space<vmem>>, %arg7: memref<80x128xi32, #tpu.memory_space<vmem>>, %arg8: memref<128x32xf32, #tpu.memory_space<vmem>>, %arg9: memref<64x32xf32, #tpu.memory_space<vmem>>, %arg10: memref<10240x32xf32, #tpu.memory_space<vmem_shared>>, %arg11: memref<10240x32xf32, #tpu.memory_space<vmem_shared>>, %arg12: memref<!tpu.dma_semaphore, #tpu.memory_space<semaphore_mem>>, %arg13: memref<!tpu.dma_semaphore, #tpu.memory_space<semaphore_mem>>, %arg14: memref<!tpu.dma_semaphore, #tpu.memory_space<semaphore_mem>>) attributes {dimension_semantics = [#tpu.dimension_semantics<core_parallel>, #tpu.dimension_semantics<subcore_parallel>], iteration_bounds = array<i64: 2, 16>, scalar_prefetch = 0 : i64, scratch_operands = 9 : i64, tpu.core_type = #tpu.core_type<sc_vector_subcore>, window_params = [{transform_indices = #map}, {transform_indices = #map}, {transform_indices = #map}, {transform_indices = #map}]} {
    %mul3A = arith.constant 2 : i32
    %mul3A_0 = arith.muli %arg1, %mul3A : i32
    %add3A = arith.addi %mul3A_0, %arg0 : i32
    %broadcast_in_dim3A = arith.constant 0.000000e+00 : f32
    %broadcast_in_dim3A_1 = vector.broadcast %broadcast_in_dim3A : f32 to vector<16xf32>
    %scan3A = arith.constant 0 : i32
    %scan3A_2 = arith.constant 0 : i32
    %scan3A_3 = arith.constant 64 : i32
    %scan3A_4 = arith.addi %scan3A_2, %scan3A_3 : i32
    %scan3A_5 = arith.constant 1 : i32
    %scan3A_6 = scf.for %scan3A_93 = %scan3A_2 to %scan3A_4 step %scan3A_5 iter_args(%scan3A_94 = %scan3A) -> (i32)  : i32 {
      %swap3A = arith.index_cast %scan3A_93 : i32 to index
      %swap3A_95 = arith.constant 0 : index
      %swap3A_96 = tpu.vector_load %arg9[%swap3A, %swap3A_95] {strides = array<i32>} : memref<64x32xf32, #tpu.memory_space<vmem>>, vector<16xf32>,
      tpu.vector_store %arg9[%swap3A, %swap3A_95], %broadcast_in_dim3A_1 {strides = array<i32>} : memref<64x32xf32, #tpu.memory_space<vmem>>, vector<16xf32>,
      %swap3A_97 = arith.index_cast %scan3A_93 : i32 to index
      %swap3A_98 = arith.constant 16 : index
      %swap3A_99 = tpu.vector_load %arg9[%swap3A_97, %swap3A_98] {strides = array<i32>} : memref<64x32xf32, #tpu.memory_space<vmem>>, vector<16xf32>,
      tpu.vector_store %arg9[%swap3A_97, %swap3A_98], %broadcast_in_dim3A_1 {strides = array<i32>} : memref<64x32xf32, #tpu.memory_space<vmem>>, vector<16xf32>,
      %scan3A_100 = arith.constant 0 : i32
      scf.yield %scan3A_100 : i32
    }
    %scan3A_7 = arith.constant 64 : i32
    %mul3A_8 = arith.constant 640 : i32
    %mul3A_9 = arith.muli %arg1, %mul3A_8 : i32
    %mul3A_10 = arith.constant 640 : i32
    %mul3A_11 = arith.muli %arg1, %mul3A_10 : i32
    %dma_start3A = arith.constant 0 : i32
    %dma_start3A_12 = tpu.memref_slice %arg10[%mul3A_11, %dma_start3A] : memref<10240x32xf32, #tpu.memory_space<vmem_shared>> -> memref<640x32xf32, #tpu.memory_space<vmem_shared>>
    %dma_start3A_13 = arith.constant 0 : i32
    %dma_start3A_14 = tpu.memref_slice %arg4[%mul3A_9, %dma_start3A_13] : memref<10240x32xf32, #tpu.memory_space<hbm>> -> memref<640x32xf32, #tpu.memory_space<hbm>>
    tpu.enqueue_dma source(%dma_start3A_14 : memref<640x32xf32, #tpu.memory_space<hbm>>) target(%dma_start3A_12 : memref<640x32xf32, #tpu.memory_space<vmem_shared>>) target_semaphore(%arg14 : memref<!tpu.dma_semaphore, #tpu.memory_space<semaphore_mem>>)
    %mul3A_15 = arith.constant 80 : i32
    %mul3A_16 = arith.muli %add3A, %mul3A_15 : i32
    %dma_start3A_17 = arith.constant 0 : i32
    %dma_start3A_18 = tpu.memref_slice %arg2[%mul3A_16, %dma_start3A_17] : memref<2560x128xi32, #tpu.memory_space<hbm>> -> memref<80x128xi32, #tpu.memory_space<hbm>>
    %dma_start3A_19 = arith.constant 0 : i32
    %dma_start3A_20 = tpu.memref_slice %arg2[%mul3A_16, %dma_start3A_19] : memref<2560x128xi32, #tpu.memory_space<hbm>> -> memref<80x128xi32, #tpu.memory_space<hbm>>
    tpu.enqueue_dma source(%dma_start3A_20 : memref<80x128xi32, #tpu.memory_space<hbm>>) target(%arg6 : memref<80x128xi32, #tpu.memory_space<vmem>>) target_semaphore(%arg12 : memref<!tpu.dma_semaphore, #tpu.memory_space<semaphore_mem>>)
    %mul3A_21 = arith.constant 80 : i32
    %mul3A_22 = arith.muli %add3A, %mul3A_21 : i32
    %dma_start3A_23 = arith.constant 0 : i32
    %dma_start3A_24 = tpu.memref_slice %arg3[%mul3A_22, %dma_start3A_23] : memref<2560x128xi32, #tpu.memory_space<hbm>> -> memref<80x128xi32, #tpu.memory_space<hbm>>
    %dma_start3A_25 = arith.constant 0 : i32
    %dma_start3A_26 = tpu.memref_slice %arg3[%mul3A_22, %dma_start3A_25] : memref<2560x128xi32, #tpu.memory_space<hbm>> -> memref<80x128xi32, #tpu.memory_space<hbm>>
    tpu.enqueue_dma source(%dma_start3A_26 : memref<80x128xi32, #tpu.memory_space<hbm>>) target(%arg7 : memref<80x128xi32, #tpu.memory_space<vmem>>) target_semaphore(%arg13 : memref<!tpu.dma_semaphore, #tpu.memory_space<semaphore_mem>>)
    %mul3A_27 = arith.constant 640 : i32
    %mul3A_28 = arith.muli %arg1, %mul3A_27 : i32
    %add3A_29 = arith.constant 0 : i32
    %add3A_30 = arith.addi %mul3A_28, %add3A_29 : i32
    "tpu.region"() ({
      %run_scoped3A = tpu.sem_alloc : memref<!tpu.dma_semaphore, #tpu.memory_space<semaphore_mem>>
      %dma_start3A_93 = arith.constant 0 : i32
      %dma_start3A_94 = tpu.memref_slice %arg11[%add3A_30, %dma_start3A_93] : memref<10240x32xf32, #tpu.memory_space<vmem_shared>> -> memref<64x32xf32, #tpu.memory_space<vmem_shared>>
      %dma_start3A_95 = arith.constant 0 : i32
      %dma_start3A_96 = tpu.memref_slice %arg11[%add3A_30, %dma_start3A_95] : memref<10240x32xf32, #tpu.memory_space<vmem_shared>> -> memref<64x32xf32, #tpu.memory_space<vmem_shared>>
      tpu.enqueue_dma source(%arg9 : memref<64x32xf32, #tpu.memory_space<vmem>>) target(%dma_start3A_96 : memref<64x32xf32, #tpu.memory_space<vmem_shared>>) target_semaphore(%run_scoped3A : memref<!tpu.dma_semaphore, #tpu.memory_space<semaphore_mem>>)
      %dma_wait3A_97 = arith.constant 0 : i32
      %dma_wait3A_98 = tpu.memref_slice %arg11[%add3A_30, %dma_wait3A_97] : memref<10240x32xf32, #tpu.memory_space<vmem_shared>> -> memref<64x32xf32, #tpu.memory_space<vmem_shared>>
      %dma_wait3A_99 = arith.constant 0 : i32
      %dma_wait3A_100 = tpu.memref_slice %arg11[%add3A_30, %dma_wait3A_99] : memref<10240x32xf32, #tpu.memory_space<vmem_shared>> -> memref<64x32xf32, #tpu.memory_space<vmem_shared>>
      tpu.wait_dma2 semaphore(%run_scoped3A : memref<!tpu.dma_semaphore, #tpu.memory_space<semaphore_mem>>) src(%arg9 : memref<64x32xf32, #tpu.memory_space<vmem>>) dst(%dma_wait3A_100 : memref<64x32xf32, #tpu.memory_space<vmem_shared>>)
      tpu.yield
    }) : () -> ()
    %mul3A_31 = arith.constant 640 : i32
    %mul3A_32 = arith.muli %arg1, %mul3A_31 : i32
    %add3A_33 = arith.constant 64 : i32
    %add3A_34 = arith.addi %mul3A_32, %add3A_33 : i32
    "tpu.region"() ({
      %run_scoped3A = tpu.sem_alloc : memref<!tpu.dma_semaphore, #tpu.memory_space<semaphore_mem>>
      %dma_start3A_93 = arith.constant 0 : i32
      %dma_start3A_94 = tpu.memref_slice %arg11[%add3A_34, %dma_start3A_93] : memref<10240x32xf32, #tpu.memory_space<vmem_shared>> -> memref<64x32xf32, #tpu.memory_space<vmem_shared>>
      %dma_start3A_95 = arith.constant 0 : i32
      %dma_start3A_96 = tpu.memref_slice %arg11[%add3A_34, %dma_start3A_95] : memref<10240x32xf32, #tpu.memory_space<vmem_shared>> -> memref<64x32xf32, #tpu.memory_space<vmem_shared>>
      tpu.enqueue_dma source(%arg9 : memref<64x32xf32, #tpu.memory_space<vmem>>) target(%dma_start3A_96 : memref<64x32xf32, #tpu.memory_space<vmem_shared>>) target_semaphore(%run_scoped3A : memref<!tpu.dma_semaphore, #tpu.memory_space<semaphore_mem>>)
      %dma_wait3A_97 = arith.constant 0 : i32
      %dma_wait3A_98 = tpu.memref_slice %arg11[%add3A_34, %dma_wait3A_97] : memref<10240x32xf32, #tpu.memory_space<vmem_shared>> -> memref<64x32xf32, #tpu.memory_space<vmem_shared>>
      %dma_wait3A_99 = arith.constant 0 : i32
      %dma_wait3A_100 = tpu.memref_slice %arg11[%add3A_34, %dma_wait3A_99] : memref<10240x32xf32, #tpu.memory_space<vmem_shared>> -> memref<64x32xf32, #tpu.memory_space<vmem_shared>>
      tpu.wait_dma2 semaphore(%run_scoped3A : memref<!tpu.dma_semaphore, #tpu.memory_space<semaphore_mem>>) src(%arg9 : memref<64x32xf32, #tpu.memory_space<vmem>>) dst(%dma_wait3A_100 : memref<64x32xf32, #tpu.memory_space<vmem_shared>>)
      tpu.yield
    }) : () -> ()
    %mul3A_35 = arith.constant 640 : i32
    %mul3A_36 = arith.muli %arg1, %mul3A_35 : i32
    %add3A_37 = arith.constant 128 : i32
    %add3A_38 = arith.addi %mul3A_36, %add3A_37 : i32
    "tpu.region"() ({
      %run_scoped3A = tpu.sem_alloc : memref<!tpu.dma_semaphore, #tpu.memory_space<semaphore_mem>>
      %dma_start3A_93 = arith.constant 0 : i32
      %dma_start3A_94 = tpu.memref_slice %arg11[%add3A_38, %dma_start3A_93] : memref<10240x32xf32, #tpu.memory_space<vmem_shared>> -> memref<64x32xf32, #tpu.memory_space<vmem_shared>>
      %dma_start3A_95 = arith.constant 0 : i32
      %dma_start3A_96 = tpu.memref_slice %arg11[%add3A_38, %dma_start3A_95] : memref<10240x32xf32, #tpu.memory_space<vmem_shared>> -> memref<64x32xf32, #tpu.memory_space<vmem_shared>>
      tpu.enqueue_dma source(%arg9 : memref<64x32xf32, #tpu.memory_space<vmem>>) target(%dma_start3A_96 : memref<64x32xf32, #tpu.memory_space<vmem_shared>>) target_semaphore(%run_scoped3A : memref<!tpu.dma_semaphore, #tpu.memory_space<semaphore_mem>>)
      %dma_wait3A_97 = arith.constant 0 : i32
      %dma_wait3A_98 = tpu.memref_slice %arg11[%add3A_38, %dma_wait3A_97] : memref<10240x32xf32, #tpu.memory_space<vmem_shared>> -> memref<64x32xf32, #tpu.memory_space<vmem_shared>>
      %dma_wait3A_99 = arith.constant 0 : i32
      %dma_wait3A_100 = tpu.memref_slice %arg11[%add3A_38, %dma_wait3A_99] : memref<10240x32xf32, #tpu.memory_space<vmem_shared>> -> memref<64x32xf32, #tpu.memory_space<vmem_shared>>
      tpu.wait_dma2 semaphore(%run_scoped3A : memref<!tpu.dma_semaphore, #tpu.memory_space<semaphore_mem>>) src(%arg9 : memref<64x32xf32, #tpu.memory_space<vmem>>) dst(%dma_wait3A_100 : memref<64x32xf32, #tpu.memory_space<vmem_shared>>)
      tpu.yield
    }) : () -> ()
    %mul3A_39 = arith.constant 640 : i32
    %mul3A_40 = arith.muli %arg1, %mul3A_39 : i32
    %add3A_41 = arith.constant 192 : i32
    %add3A_42 = arith.addi %mul3A_40, %add3A_41 : i32
    "tpu.region"() ({
      %run_scoped3A = tpu.sem_alloc : memref<!tpu.dma_semaphore, #tpu.memory_space<semaphore_mem>>
      %dma_start3A_93 = arith.constant 0 : i32
      %dma_start3A_94 = tpu.memref_slice %arg11[%add3A_42, %dma_start3A_93] : memref<10240x32xf32, #tpu.memory_space<vmem_shared>> -> memref<64x32xf32, #tpu.memory_space<vmem_shared>>
      %dma_start3A_95 = arith.constant 0 : i32
      %dma_start3A_96 = tpu.memref_slice %arg11[%add3A_42, %dma_start3A_95] : memref<10240x32xf32, #tpu.memory_space<vmem_shared>> -> memref<64x32xf32, #tpu.memory_space<vmem_shared>>
      tpu.enqueue_dma source(%arg9 : memref<64x32xf32, #tpu.memory_space<vmem>>) target(%dma_start3A_96 : memref<64x32xf32, #tpu.memory_space<vmem_shared>>) target_semaphore(%run_scoped3A : memref<!tpu.dma_semaphore, #tpu.memory_space<semaphore_mem>>)
      %dma_wait3A_97 = arith.constant 0 : i32
      %dma_wait3A_98 = tpu.memref_slice %arg11[%add3A_42, %dma_wait3A_97] : memref<10240x32xf32, #tpu.memory_space<vmem_shared>> -> memref<64x32xf32, #tpu.memory_space<vmem_shared>>
      %dma_wait3A_99 = arith.constant 0 : i32
      %dma_wait3A_100 = tpu.memref_slice %arg11[%add3A_42, %dma_wait3A_99] : memref<10240x32xf32, #tpu.memory_space<vmem_shared>> -> memref<64x32xf32, #tpu.memory_space<vmem_shared>>
      tpu.wait_dma2 semaphore(%run_scoped3A : memref<!tpu.dma_semaphore, #tpu.memory_space<semaphore_mem>>) src(%arg9 : memref<64x32xf32, #tpu.memory_space<vmem>>) dst(%dma_wait3A_100 : memref<64x32xf32, #tpu.memory_space<vmem_shared>>)
      tpu.yield
    }) : () -> ()
    %mul3A_43 = arith.constant 640 : i32
    %mul3A_44 = arith.muli %arg1, %mul3A_43 : i32
    %add3A_45 = arith.constant 256 : i32
    %add3A_46 = arith.addi %mul3A_44, %add3A_45 : i32
    "tpu.region"() ({
      %run_scoped3A = tpu.sem_alloc : memref<!tpu.dma_semaphore, #tpu.memory_space<semaphore_mem>>
      %dma_start3A_93 = arith.constant 0 : i32
      %dma_start3A_94 = tpu.memref_slice %arg11[%add3A_46, %dma_start3A_93] : memref<10240x32xf32, #tpu.memory_space<vmem_shared>> -> memref<64x32xf32, #tpu.memory_space<vmem_shared>>
      %dma_start3A_95 = arith.constant 0 : i32
      %dma_start3A_96 = tpu.memref_slice %arg11[%add3A_46, %dma_start3A_95] : memref<10240x32xf32, #tpu.memory_space<vmem_shared>> -> memref<64x32xf32, #tpu.memory_space<vmem_shared>>
      tpu.enqueue_dma source(%arg9 : memref<64x32xf32, #tpu.memory_space<vmem>>) target(%dma_start3A_96 : memref<64x32xf32, #tpu.memory_space<vmem_shared>>) target_semaphore(%run_scoped3A : memref<!tpu.dma_semaphore, #tpu.memory_space<semaphore_mem>>)
      %dma_wait3A_97 = arith.constant 0 : i32
      %dma_wait3A_98 = tpu.memref_slice %arg11[%add3A_46, %dma_wait3A_97] : memref<10240x32xf32, #tpu.memory_space<vmem_shared>> -> memref<64x32xf32, #tpu.memory_space<vmem_shared>>
      %dma_wait3A_99 = arith.constant 0 : i32
      %dma_wait3A_100 = tpu.memref_slice %arg11[%add3A_46, %dma_wait3A_99] : memref<10240x32xf32, #tpu.memory_space<vmem_shared>> -> memref<64x32xf32, #tpu.memory_space<vmem_shared>>
      tpu.wait_dma2 semaphore(%run_scoped3A : memref<!tpu.dma_semaphore, #tpu.memory_space<semaphore_mem>>) src(%arg9 : memref<64x32xf32, #tpu.memory_space<vmem>>) dst(%dma_wait3A_100 : memref<64x32xf32, #tpu.memory_space<vmem_shared>>)
      tpu.yield
    }) : () -> ()
    %mul3A_47 = arith.constant 640 : i32
    %mul3A_48 = arith.muli %arg1, %mul3A_47 : i32
    %add3A_49 = arith.constant 320 : i32
    %add3A_50 = arith.addi %mul3A_48, %add3A_49 : i32
    "tpu.region"() ({
      %run_scoped3A = tpu.sem_alloc : memref<!tpu.dma_semaphore, #tpu.memory_space<semaphore_mem>>
      %dma_start3A_93 = arith.constant 0 : i32
      %dma_start3A_94 = tpu.memref_slice %arg11[%add3A_50, %dma_start3A_93] : memref<10240x32xf32, #tpu.memory_space<vmem_shared>> -> memref<64x32xf32, #tpu.memory_space<vmem_shared>>
      %dma_start3A_95 = arith.constant 0 : i32
      %dma_start3A_96 = tpu.memref_slice %arg11[%add3A_50, %dma_start3A_95] : memref<10240x32xf32, #tpu.memory_space<vmem_shared>> -> memref<64x32xf32, #tpu.memory_space<vmem_shared>>
      tpu.enqueue_dma source(%arg9 : memref<64x32xf32, #tpu.memory_space<vmem>>) target(%dma_start3A_96 : memref<64x32xf32, #tpu.memory_space<vmem_shared>>) target_semaphore(%run_scoped3A : memref<!tpu.dma_semaphore, #tpu.memory_space<semaphore_mem>>)
      %dma_wait3A_97 = arith.constant 0 : i32
      %dma_wait3A_98 = tpu.memref_slice %arg11[%add3A_50, %dma_wait3A_97] : memref<10240x32xf32, #tpu.memory_space<vmem_shared>> -> memref<64x32xf32, #tpu.memory_space<vmem_shared>>
      %dma_wait3A_99 = arith.constant 0 : i32
      %dma_wait3A_100 = tpu.memref_slice %arg11[%add3A_50, %dma_wait3A_99] : memref<10240x32xf32, #tpu.memory_space<vmem_shared>> -> memref<64x32xf32, #tpu.memory_space<vmem_shared>>
      tpu.wait_dma2 semaphore(%run_scoped3A : memref<!tpu.dma_semaphore, #tpu.memory_space<semaphore_mem>>) src(%arg9 : memref<64x32xf32, #tpu.memory_space<vmem>>) dst(%dma_wait3A_100 : memref<64x32xf32, #tpu.memory_space<vmem_shared>>)
      tpu.yield
    }) : () -> ()
    %mul3A_51 = arith.constant 640 : i32
    %mul3A_52 = arith.muli %arg1, %mul3A_51 : i32
    %add3A_53 = arith.constant 384 : i32
    %add3A_54 = arith.addi %mul3A_52, %add3A_53 : i32
    "tpu.region"() ({
      %run_scoped3A = tpu.sem_alloc : memref<!tpu.dma_semaphore, #tpu.memory_space<semaphore_mem>>
      %dma_start3A_93 = arith.constant 0 : i32
      %dma_start3A_94 = tpu.memref_slice %arg11[%add3A_54, %dma_start3A_93] : memref<10240x32xf32, #tpu.memory_space<vmem_shared>> -> memref<64x32xf32, #tpu.memory_space<vmem_shared>>
      %dma_start3A_95 = arith.constant 0 : i32
      %dma_start3A_96 = tpu.memref_slice %arg11[%add3A_54, %dma_start3A_95] : memref<10240x32xf32, #tpu.memory_space<vmem_shared>> -> memref<64x32xf32, #tpu.memory_space<vmem_shared>>
      tpu.enqueue_dma source(%arg9 : memref<64x32xf32, #tpu.memory_space<vmem>>) target(%dma_start3A_96 : memref<64x32xf32, #tpu.memory_space<vmem_shared>>) target_semaphore(%run_scoped3A : memref<!tpu.dma_semaphore, #tpu.memory_space<semaphore_mem>>)
      %dma_wait3A_97 = arith.constant 0 : i32
      %dma_wait3A_98 = tpu.memref_slice %arg11[%add3A_54, %dma_wait3A_97] : memref<10240x32xf32, #tpu.memory_space<vmem_shared>> -> memref<64x32xf32, #tpu.memory_space<vmem_shared>>
      %dma_wait3A_99 = arith.constant 0 : i32
      %dma_wait3A_100 = tpu.memref_slice %arg11[%add3A_54, %dma_wait3A_99] : memref<10240x32xf32, #tpu.memory_space<vmem_shared>> -> memref<64x32xf32, #tpu.memory_space<vmem_shared>>
      tpu.wait_dma2 semaphore(%run_scoped3A : memref<!tpu.dma_semaphore, #tpu.memory_space<semaphore_mem>>) src(%arg9 : memref<64x32xf32, #tpu.memory_space<vmem>>) dst(%dma_wait3A_100 : memref<64x32xf32, #tpu.memory_space<vmem_shared>>)
      tpu.yield
    }) : () -> ()
    %mul3A_55 = arith.constant 640 : i32
    %mul3A_56 = arith.muli %arg1, %mul3A_55 : i32
    %add3A_57 = arith.constant 448 : i32
    %add3A_58 = arith.addi %mul3A_56, %add3A_57 : i32
    "tpu.region"() ({
      %run_scoped3A = tpu.sem_alloc : memref<!tpu.dma_semaphore, #tpu.memory_space<semaphore_mem>>
      %dma_start3A_93 = arith.constant 0 : i32
      %dma_start3A_94 = tpu.memref_slice %arg11[%add3A_58, %dma_start3A_93] : memref<10240x32xf32, #tpu.memory_space<vmem_shared>> -> memref<64x32xf32, #tpu.memory_space<vmem_shared>>
      %dma_start3A_95 = arith.constant 0 : i32
      %dma_start3A_96 = tpu.memref_slice %arg11[%add3A_58, %dma_start3A_95] : memref<10240x32xf32, #tpu.memory_space<vmem_shared>> -> memref<64x32xf32, #tpu.memory_space<vmem_shared>>
      tpu.enqueue_dma source(%arg9 : memref<64x32xf32, #tpu.memory_space<vmem>>) target(%dma_start3A_96 : memref<64x32xf32, #tpu.memory_space<vmem_shared>>) target_semaphore(%run_scoped3A : memref<!tpu.dma_semaphore, #tpu.memory_space<semaphore_mem>>)
      %dma_wait3A_97 = arith.constant 0 : i32
      %dma_wait3A_98 = tpu.memref_slice %arg11[%add3A_58, %dma_wait3A_97] : memref<10240x32xf32, #tpu.memory_space<vmem_shared>> -> memref<64x32xf32, #tpu.memory_space<vmem_shared>>
      %dma_wait3A_99 = arith.constant 0 : i32
      %dma_wait3A_100 = tpu.memref_slice %arg11[%add3A_58, %dma_wait3A_99] : memref<10240x32xf32, #tpu.memory_space<vmem_shared>> -> memref<64x32xf32, #tpu.memory_space<vmem_shared>>
      tpu.wait_dma2 semaphore(%run_scoped3A : memref<!tpu.dma_semaphore, #tpu.memory_space<semaphore_mem>>) src(%arg9 : memref<64x32xf32, #tpu.memory_space<vmem>>) dst(%dma_wait3A_100 : memref<64x32xf32, #tpu.memory_space<vmem_shared>>)
      tpu.yield
    }) : () -> ()
    %mul3A_59 = arith.constant 640 : i32
    %mul3A_60 = arith.muli %arg1, %mul3A_59 : i32
    %add3A_61 = arith.constant 512 : i32
    %add3A_62 = arith.addi %mul3A_60, %add3A_61 : i32
    "tpu.region"() ({
      %run_scoped3A = tpu.sem_alloc : memref<!tpu.dma_semaphore, #tpu.memory_space<semaphore_mem>>
      %dma_start3A_93 = arith.constant 0 : i32
      %dma_start3A_94 = tpu.memref_slice %arg11[%add3A_62, %dma_start3A_93] : memref<10240x32xf32, #tpu.memory_space<vmem_shared>> -> memref<64x32xf32, #tpu.memory_space<vmem_shared>>
      %dma_start3A_95 = arith.constant 0 : i32
      %dma_start3A_96 = tpu.memref_slice %arg11[%add3A_62, %dma_start3A_95] : memref<10240x32xf32, #tpu.memory_space<vmem_shared>> -> memref<64x32xf32, #tpu.memory_space<vmem_shared>>
      tpu.enqueue_dma source(%arg9 : memref<64x32xf32, #tpu.memory_space<vmem>>) target(%dma_start3A_96 : memref<64x32xf32, #tpu.memory_space<vmem_shared>>) target_semaphore(%run_scoped3A : memref<!tpu.dma_semaphore, #tpu.memory_space<semaphore_mem>>)
      %dma_wait3A_97 = arith.constant 0 : i32
      %dma_wait3A_98 = tpu.memref_slice %arg11[%add3A_62, %dma_wait3A_97] : memref<10240x32xf32, #tpu.memory_space<vmem_shared>> -> memref<64x32xf32, #tpu.memory_space<vmem_shared>>
      %dma_wait3A_99 = arith.constant 0 : i32
      %dma_wait3A_100 = tpu.memref_slice %arg11[%add3A_62, %dma_wait3A_99] : memref<10240x32xf32, #tpu.memory_space<vmem_shared>> -> memref<64x32xf32, #tpu.memory_space<vmem_shared>>
      tpu.wait_dma2 semaphore(%run_scoped3A : memref<!tpu.dma_semaphore, #tpu.memory_space<semaphore_mem>>) src(%arg9 : memref<64x32xf32, #tpu.memory_space<vmem>>) dst(%dma_wait3A_100 : memref<64x32xf32, #tpu.memory_space<vmem_shared>>)
      tpu.yield
    }) : () -> ()
    %mul3A_63 = arith.constant 640 : i32
    %mul3A_64 = arith.muli %arg1, %mul3A_63 : i32
    %add3A_65 = arith.constant 576 : i32
    %add3A_66 = arith.addi %mul3A_64, %add3A_65 : i32
    "tpu.region"() ({
      %run_scoped3A = tpu.sem_alloc : memref<!tpu.dma_semaphore, #tpu.memory_space<semaphore_mem>>
      %dma_start3A_93 = arith.constant 0 : i32
      %dma_start3A_94 = tpu.memref_slice %arg11[%add3A_66, %dma_start3A_93] : memref<10240x32xf32, #tpu.memory_space<vmem_shared>> -> memref<64x32xf32, #tpu.memory_space<vmem_shared>>
      %dma_start3A_95 = arith.constant 0 : i32
      %dma_start3A_96 = tpu.memref_slice %arg11[%add3A_66, %dma_start3A_95] : memref<10240x32xf32, #tpu.memory_space<vmem_shared>> -> memref<64x32xf32, #tpu.memory_space<vmem_shared>>
      tpu.enqueue_dma source(%arg9 : memref<64x32xf32, #tpu.memory_space<vmem>>) target(%dma_start3A_96 : memref<64x32xf32, #tpu.memory_space<vmem_shared>>) target_semaphore(%run_scoped3A : memref<!tpu.dma_semaphore, #tpu.memory_space<semaphore_mem>>)
      %dma_wait3A_97 = arith.constant 0 : i32
      %dma_wait3A_98 = tpu.memref_slice %arg11[%add3A_66, %dma_wait3A_97] : memref<10240x32xf32, #tpu.memory_space<vmem_shared>> -> memref<64x32xf32, #tpu.memory_space<vmem_shared>>
      %dma_wait3A_99 = arith.constant 0 : i32
      %dma_wait3A_100 = tpu.memref_slice %arg11[%add3A_66, %dma_wait3A_99] : memref<10240x32xf32, #tpu.memory_space<vmem_shared>> -> memref<64x32xf32, #tpu.memory_space<vmem_shared>>
      tpu.wait_dma2 semaphore(%run_scoped3A : memref<!tpu.dma_semaphore, #tpu.memory_space<semaphore_mem>>) src(%arg9 : memref<64x32xf32, #tpu.memory_space<vmem>>) dst(%dma_wait3A_100 : memref<64x32xf32, #tpu.memory_space<vmem_shared>>)
      tpu.yield
    }) : () -> ()
    %dma_wait3A = arith.constant 0 : i32
    %dma_wait3A_67 = tpu.memref_slice %arg10[%mul3A_11, %dma_wait3A] : memref<10240x32xf32, #tpu.memory_space<vmem_shared>> -> memref<640x32xf32, #tpu.memory_space<vmem_shared>>
    %dma_wait3A_68 = arith.constant 0 : i32
    %dma_wait3A_69 = tpu.memref_slice %arg4[%mul3A_9, %dma_wait3A_68] : memref<10240x32xf32, #tpu.memory_space<hbm>> -> memref<640x32xf32, #tpu.memory_space<hbm>>
    tpu.wait_dma2 semaphore(%arg14 : memref<!tpu.dma_semaphore, #tpu.memory_space<semaphore_mem>>) src(%dma_wait3A_69 : memref<640x32xf32, #tpu.memory_space<hbm>>) dst(%dma_wait3A_67 : memref<640x32xf32, #tpu.memory_space<vmem_shared>>)
    %dma_wait3A_70 = arith.constant 0 : i32
    %dma_wait3A_71 = tpu.memref_slice %arg2[%mul3A_16, %dma_wait3A_70] : memref<2560x128xi32, #tpu.memory_space<hbm>> -> memref<80x128xi32, #tpu.memory_space<hbm>>
    %dma_wait3A_72 = arith.constant 0 : i32
    %dma_wait3A_73 = tpu.memref_slice %arg2[%mul3A_16, %dma_wait3A_72] : memref<2560x128xi32, #tpu.memory_space<hbm>> -> memref<80x128xi32, #tpu.memory_space<hbm>>
    tpu.wait_dma2 semaphore(%arg12 : memref<!tpu.dma_semaphore, #tpu.memory_space<semaphore_mem>>) src(%dma_wait3A_73 : memref<80x128xi32, #tpu.memory_space<hbm>>) dst(%arg6 : memref<80x128xi32, #tpu.memory_space<vmem>>)
    %dma_wait3A_74 = arith.constant 0 : i32
    %dma_wait3A_75 = tpu.memref_slice %arg3[%mul3A_22, %dma_wait3A_74] : memref<2560x128xi32, #tpu.memory_space<hbm>> -> memref<80x128xi32, #tpu.memory_space<hbm>>
    %dma_wait3A_76 = arith.constant 0 : i32
    %dma_wait3A_77 = tpu.memref_slice %arg3[%mul3A_22, %dma_wait3A_76] : memref<2560x128xi32, #tpu.memory_space<hbm>> -> memref<80x128xi32, #tpu.memory_space<hbm>>
    tpu.wait_dma2 semaphore(%arg13 : memref<!tpu.dma_semaphore, #tpu.memory_space<semaphore_mem>>) src(%dma_wait3A_77 : memref<80x128xi32, #tpu.memory_space<hbm>>) dst(%arg7 : memref<80x128xi32, #tpu.memory_space<vmem>>)
    %barrier3A = arith.constant 0 : index
    tpu.barrier barrier_id(%barrier3A)
    %scan3A_78 = arith.constant 0 : i32
    %scan3A_79 = arith.constant 0 : i32
    %scan3A_80 = arith.constant 80 : i32
    %scan3A_81 = arith.addi %scan3A_79, %scan3A_80 : i32
    %scan3A_82 = arith.constant 1 : i32
    %scan3A_83 = scf.for %scan3A_93 = %scan3A_79 to %scan3A_81 step %scan3A_82 iter_args(%scan3A_94 = %scan3A_78) -> (i32)  : i32 {
      %dma_start3A_95 = arith.constant 0 : i32
      %dma_start3A_96 = tpu.memref_slice %arg6[%scan3A_93, %dma_start3A_95] : memref<80x128xi32, #tpu.memory_space<vmem>> -> memref<1x128xi32, #tpu.memory_space<vmem>>
      %dma_start3A_97 = tpu.memref_squeeze %dma_start3A_96 : memref<1x128xi32, #tpu.memory_space<vmem>> -> memref<128xi32, #tpu.memory_space<vmem>>
      %dma_start3A_98 = arith.constant 0 : i32
      %dma_start3A_99 = arith.constant 0 : i32
      %dma_start3A_100 = tpu.memref_slice %arg10[%dma_start3A_98, %dma_start3A_99] : memref<10240x32xf32, #tpu.memory_space<vmem_shared>> -> memref<10240x32xf32, #tpu.memory_space<vmem_shared>>
      tpu.enqueue_indirect_dma source(%dma_start3A_100 : memref<10240x32xf32, #tpu.memory_space<vmem_shared>>) target(%arg8 : memref<128x32xf32, #tpu.memory_space<vmem>>) offsets(%dma_start3A_97 : memref<128xi32, #tpu.memory_space<vmem>>) semaphore(%arg12 : memref<!tpu.dma_semaphore, #tpu.memory_space<semaphore_mem>>)
      %dma_wait3A_101 = arith.constant 0 : i32
      %dma_wait3A_102 = tpu.memref_slice %arg6[%scan3A_93, %dma_wait3A_101] : memref<80x128xi32, #tpu.memory_space<vmem>> -> memref<1x128xi32, #tpu.memory_space<vmem>>
      %dma_wait3A_103 = tpu.memref_squeeze %dma_wait3A_102 : memref<1x128xi32, #tpu.memory_space<vmem>> -> memref<128xi32, #tpu.memory_space<vmem>>
      %dma_wait3A_104 = arith.constant 0 : i32
      %dma_wait3A_105 = arith.constant 0 : i32
      %dma_wait3A_106 = tpu.memref_slice %arg10[%dma_wait3A_104, %dma_wait3A_105] : memref<10240x32xf32, #tpu.memory_space<vmem_shared>> -> memref<10240x32xf32, #tpu.memory_space<vmem_shared>>
      tpu.wait_indirect_dma semaphore(%arg12 : memref<!tpu.dma_semaphore, #tpu.memory_space<semaphore_mem>>) src(%dma_wait3A_106 : memref<10240x32xf32, #tpu.memory_space<vmem_shared>>) dst(%arg8 : memref<128x32xf32, #tpu.memory_space<vmem>>)
      "tpu.region"() ({
        %run_scoped3A = tpu.sem_alloc : memref<!tpu.dma_semaphore, #tpu.memory_space<semaphore_mem>>
        %dma_start3A_108 = arith.constant 0 : i32
        %dma_start3A_109 = tpu.memref_slice %arg7[%scan3A_93, %dma_start3A_108] : memref<80x128xi32, #tpu.memory_space<vmem>> -> memref<1x128xi32, #tpu.memory_space<vmem>>
        %dma_start3A_110 = tpu.memref_squeeze %dma_start3A_109 : memref<1x128xi32, #tpu.memory_space<vmem>> -> memref<128xi32, #tpu.memory_space<vmem>>
        %dma_start3A_111 = arith.constant 0 : i32
        %dma_start3A_112 = arith.constant 0 : i32
        %dma_start3A_113 = tpu.memref_slice %arg11[%dma_start3A_111, %dma_start3A_112] : memref<10240x32xf32, #tpu.memory_space<vmem_shared>> -> memref<10240x32xf32, #tpu.memory_space<vmem_shared>>
        tpu.enqueue_indirect_dma source(%arg8 : memref<128x32xf32, #tpu.memory_space<vmem>>) target(%dma_start3A_113 : memref<10240x32xf32, #tpu.memory_space<vmem_shared>>) offsets(%dma_start3A_110 : memref<128xi32, #tpu.memory_space<vmem>>) semaphore(%run_scoped3A : memref<!tpu.dma_semaphore, #tpu.memory_space<semaphore_mem>>) {add = true}
        %dma_wait3A_114 = arith.constant 0 : i32
        %dma_wait3A_115 = tpu.memref_slice %arg7[%scan3A_93, %dma_wait3A_114] : memref<80x128xi32, #tpu.memory_space<vmem>> -> memref<1x128xi32, #tpu.memory_space<vmem>>
        %dma_wait3A_116 = tpu.memref_squeeze %dma_wait3A_115 : memref<1x128xi32, #tpu.memory_space<vmem>> -> memref<128xi32, #tpu.memory_space<vmem>>
        %dma_wait3A_117 = arith.constant 0 : i32
        %dma_wait3A_118 = arith.constant 0 : i32
        %dma_wait3A_119 = tpu.memref_slice %arg11[%dma_wait3A_117, %dma_wait3A_118] : memref<10240x32xf32, #tpu.memory_space<vmem_shared>> -> memref<10240x32xf32, #tpu.memory_space<vmem_shared>>
        tpu.wait_indirect_dma semaphore(%run_scoped3A : memref<!tpu.dma_semaphore, #tpu.memory_space<semaphore_mem>>) src(%arg8 : memref<128x32xf32, #tpu.memory_space<vmem>>) dst(%dma_wait3A_119 : memref<10240x32xf32, #tpu.memory_space<vmem_shared>>)
        tpu.yield
      }) : () -> ()
      %scan3A_107 = arith.constant 0 : i32
      scf.yield %scan3A_107 : i32
    }
    %scan3A_84 = arith.constant 80 : i32
    %barrier3A_85 = arith.constant 0 : index
    tpu.barrier barrier_id(%barrier3A_85)
    %mul3A_86 = arith.constant 640 : i32
    %mul3A_87 = arith.muli %arg1, %mul3A_86 : i32
    %mul3A_88 = arith.constant 10240 : i32
    %mul3A_89 = arith.muli %arg0, %mul3A_88 : i32
    %mul3A_90 = arith.constant 640 : i32
    %mul3A_91 = arith.muli %arg1, %mul3A_90 : i32
    %add3A_92 = arith.addi %mul3A_89, %mul3A_91 : i32
    "tpu.region"() ({
      %run_scoped3A = tpu.sem_alloc : memref<!tpu.dma_semaphore, #tpu.memory_space<semaphore_mem>>
      %dma_start3A_93 = arith.constant 0 : i32
      %dma_start3A_94 = tpu.memref_slice %arg5[%add3A_92, %dma_start3A_93] : memref<20480x32xf32, #tpu.memory_space<hbm>> -> memref<640x32xf32, #tpu.memory_space<hbm>>
      %dma_start3A_95 = arith.constant 0 : i32
      %dma_start3A_96 = tpu.memref_slice %arg11[%mul3A_87, %dma_start3A_95] : memref<10240x32xf32, #tpu.memory_space<vmem_shared>> -> memref<640x32xf32, #tpu.memory_space<vmem_shared>>
      tpu.enqueue_dma source(%dma_start3A_96 : memref<640x32xf32, #tpu.memory_space<vmem_shared>>) target(%dma_start3A_94 : memref<640x32xf32, #tpu.memory_space<hbm>>) target_semaphore(%run_scoped3A : memref<!tpu.dma_semaphore, #tpu.memory_space<semaphore_mem>>)
      %dma_wait3A_97 = arith.constant 0 : i32
      %dma_wait3A_98 = tpu.memref_slice %arg5[%add3A_92, %dma_wait3A_97] : memref<20480x32xf32, #tpu.memory_space<hbm>> -> memref<640x32xf32, #tpu.memory_space<hbm>>
      %dma_wait3A_99 = arith.constant 0 : i32
      %dma_wait3A_100 = tpu.memref_slice %arg11[%mul3A_87, %dma_wait3A_99] : memref<10240x32xf32, #tpu.memory_space<vmem_shared>> -> memref<640x32xf32, #tpu.memory_space<vmem_shared>>
      tpu.wait_dma2 semaphore(%run_scoped3A : memref<!tpu.dma_semaphore, #tpu.memory_space<semaphore_mem>>) src(%dma_wait3A_100 : memref<640x32xf32, #tpu.memory_space<vmem_shared>>) dst(%dma_wait3A_98 : memref<640x32xf32, #tpu.memory_space<hbm>>)
      tpu.yield
    }) : () -> ()
    return
  }
}

#map = affine_map<(d0, d1) -> (0, 0)>
module attributes {stable_mosaic.version = 14 : i64} {
  func.func @_sc_spmm(%arg0: i32, %arg1: i32, %arg2: memref<2560x128xi32, #tpu.memory_space<hbm>>, %arg3: memref<2560x128xi32, #tpu.memory_space<hbm>>, %arg4: memref<10240x32xf32, #tpu.memory_space<hbm>>, %arg5: memref<20480x32xf32, #tpu.memory_space<hbm>>, %arg6: memref<80x128xi32, #tpu.memory_space<vmem>>, %arg7: memref<80x128xi32, #tpu.memory_space<vmem>>, %arg8: memref<128x32xf32, #tpu.memory_space<vmem>>, %arg9: memref<64x32xf32, #tpu.memory_space<vmem>>, %arg10: memref<10240x32xf32, #tpu.memory_space<vmem_shared>>, %arg11: memref<10240x32xf32, #tpu.memory_space<vmem_shared>>, %arg12: memref<!tpu.dma_semaphore, #tpu.memory_space<semaphore_mem>>, %arg13: memref<!tpu.dma_semaphore, #tpu.memory_space<semaphore_mem>>, %arg14: memref<!tpu.dma_semaphore, #tpu.memory_space<semaphore_mem>>) attributes {dimension_semantics = [#tpu.dimension_semantics<core_parallel>, #tpu.dimension_semantics<subcore_parallel>], iteration_bounds = array<i64: 2, 16>, scalar_prefetch = 0 : i64, scratch_operands = 9 : i64, tpu.core_type = #tpu.core_type<sc_vector_subcore>, window_params = [{transform_indices = #map}, {transform_indices = #map}, {transform_indices = #map}, {transform_indices = #map}]} {
    %mul3A = arith.constant 2 : i32
    %mul3A_0 = arith.muli %arg1, %mul3A : i32
    %add3A = arith.addi %mul3A_0, %arg0 : i32
    %broadcast_in_dim3A = arith.constant 0.000000e+00 : f32
    %broadcast_in_dim3A_1 = vector.broadcast %broadcast_in_dim3A : f32 to vector<16xf32>
    %scan3A = arith.constant 0 : i32
    %scan3A_2 = arith.constant 0 : i32
    %scan3A_3 = arith.constant 64 : i32
    %scan3A_4 = arith.addi %scan3A_2, %scan3A_3 : i32
    %scan3A_5 = arith.constant 1 : i32
    %scan3A_6 = scf.for %scan3A_93 = %scan3A_2 to %scan3A_4 step %scan3A_5 iter_args(%scan3A_94 = %scan3A) -> (i32)  : i32 {
      %swap3A = arith.index_cast %scan3A_93 : i32 to index
      %swap3A_95 = arith.constant 0 : index
      %swap3A_96 = tpu.vector_load %arg9[%swap3A, %swap3A_95] {strides = array<i32>} : memref<64x32xf32, #tpu.memory_space<vmem>>, vector<16xf32>,
      tpu.vector_store %arg9[%swap3A, %swap3A_95], %broadcast_in_dim3A_1 {strides = array<i32>} : memref<64x32xf32, #tpu.memory_space<vmem>>, vector<16xf32>,
      %swap3A_97 = arith.index_cast %scan3A_93 : i32 to index
      %swap3A_98 = arith.constant 16 : index
      %swap3A_99 = tpu.vector_load %arg9[%swap3A_97, %swap3A_98] {strides = array<i32>} : memref<64x32xf32, #tpu.memory_space<vmem>>, vector<16xf32>,
      tpu.vector_store %arg9[%swap3A_97, %swap3A_98], %broadcast_in_dim3A_1 {strides = array<i32>} : memref<64x32xf32, #tpu.memory_space<vmem>>, vector<16xf32>,
      %scan3A_100 = arith.constant 0 : i32
      scf.yield %scan3A_100 : i32
    }
    %scan3A_7 = arith.constant 64 : i32
    %mul3A_8 = arith.constant 640 : i32
    %mul3A_9 = arith.muli %arg1, %mul3A_8 : i32
    %mul3A_10 = arith.constant 640 : i32
    %mul3A_11 = arith.muli %arg1, %mul3A_10 : i32
    %dma_start3A = arith.constant 0 : i32
    %dma_start3A_12 = tpu.memref_slice %arg10[%mul3A_11, %dma_start3A] : memref<10240x32xf32, #tpu.memory_space<vmem_shared>> -> memref<640x32xf32, #tpu.memory_space<vmem_shared>>
    %dma_start3A_13 = arith.constant 0 : i32
    %dma_start3A_14 = tpu.memref_slice %arg4[%mul3A_9, %dma_start3A_13] : memref<10240x32xf32, #tpu.memory_space<hbm>> -> memref<640x32xf32, #tpu.memory_space<hbm>>
    tpu.enqueue_dma source(%dma_start3A_14 : memref<640x32xf32, #tpu.memory_space<hbm>>) target(%dma_start3A_12 : memref<640x32xf32, #tpu.memory_space<vmem_shared>>) target_semaphore(%arg14 : memref<!tpu.dma_semaphore, #tpu.memory_space<semaphore_mem>>)
    %mul3A_15 = arith.constant 80 : i32
    %mul3A_16 = arith.muli %add3A, %mul3A_15 : i32
    %dma_start3A_17 = arith.constant 0 : i32
    %dma_start3A_18 = tpu.memref_slice %arg2[%mul3A_16, %dma_start3A_17] : memref<2560x128xi32, #tpu.memory_space<hbm>> -> memref<80x128xi32, #tpu.memory_space<hbm>>
    %dma_start3A_19 = arith.constant 0 : i32
    %dma_start3A_20 = tpu.memref_slice %arg2[%mul3A_16, %dma_start3A_19] : memref<2560x128xi32, #tpu.memory_space<hbm>> -> memref<80x128xi32, #tpu.memory_space<hbm>>
    tpu.enqueue_dma source(%dma_start3A_20 : memref<80x128xi32, #tpu.memory_space<hbm>>) target(%arg6 : memref<80x128xi32, #tpu.memory_space<vmem>>) target_semaphore(%arg12 : memref<!tpu.dma_semaphore, #tpu.memory_space<semaphore_mem>>)
    %mul3A_21 = arith.constant 80 : i32
    %mul3A_22 = arith.muli %add3A, %mul3A_21 : i32
    %dma_start3A_23 = arith.constant 0 : i32
    %dma_start3A_24 = tpu.memref_slice %arg3[%mul3A_22, %dma_start3A_23] : memref<2560x128xi32, #tpu.memory_space<hbm>> -> memref<80x128xi32, #tpu.memory_space<hbm>>
    %dma_start3A_25 = arith.constant 0 : i32
    %dma_start3A_26 = tpu.memref_slice %arg3[%mul3A_22, %dma_start3A_25] : memref<2560x128xi32, #tpu.memory_space<hbm>> -> memref<80x128xi32, #tpu.memory_space<hbm>>
    tpu.enqueue_dma source(%dma_start3A_26 : memref<80x128xi32, #tpu.memory_space<hbm>>) target(%arg7 : memref<80x128xi32, #tpu.memory_space<vmem>>) target_semaphore(%arg13 : memref<!tpu.dma_semaphore, #tpu.memory_space<semaphore_mem>>)
    %mul3A_27 = arith.constant 640 : i32
    %mul3A_28 = arith.muli %arg1, %mul3A_27 : i32
    %add3A_29 = arith.constant 0 : i32
    %add3A_30 = arith.addi %mul3A_28, %add3A_29 : i32
    "tpu.region"() ({
      %run_scoped3A = tpu.sem_alloc : memref<!tpu.dma_semaphore, #tpu.memory_space<semaphore_mem>>
      %dma_start3A_93 = arith.constant 0 : i32
      %dma_start3A_94 = tpu.memref_slice %arg11[%add3A_30, %dma_start3A_93] : memref<10240x32xf32, #tpu.memory_space<vmem_shared>> -> memref<64x32xf32, #tpu.memory_space<vmem_shared>>
      %dma_start3A_95 = arith.constant 0 : i32
      %dma_start3A_96 = tpu.memref_slice %arg11[%add3A_30, %dma_start3A_95] : memref<10240x32xf32, #tpu.memory_space<vmem_shared>> -> memref<64x32xf32, #tpu.memory_space<vmem_shared>>
      tpu.enqueue_dma source(%arg9 : memref<64x32xf32, #tpu.memory_space<vmem>>) target(%dma_start3A_96 : memref<64x32xf32, #tpu.memory_space<vmem_shared>>) target_semaphore(%run_scoped3A : memref<!tpu.dma_semaphore, #tpu.memory_space<semaphore_mem>>)
      %dma_wait3A_97 = arith.constant 0 : i32
      %dma_wait3A_98 = tpu.memref_slice %arg11[%add3A_30, %dma_wait3A_97] : memref<10240x32xf32, #tpu.memory_space<vmem_shared>> -> memref<64x32xf32, #tpu.memory_space<vmem_shared>>
      %dma_wait3A_99 = arith.constant 0 : i32
      %dma_wait3A_100 = tpu.memref_slice %arg11[%add3A_30, %dma_wait3A_99] : memref<10240x32xf32, #tpu.memory_space<vmem_shared>> -> memref<64x32xf32, #tpu.memory_space<vmem_shared>>
      tpu.wait_dma2 semaphore(%run_scoped3A : memref<!tpu.dma_semaphore, #tpu.memory_space<semaphore_mem>>) src(%arg9 : memref<64x32xf32, #tpu.memory_space<vmem>>) dst(%dma_wait3A_100 : memref<64x32xf32, #tpu.memory_space<vmem_shared>>)
      tpu.yield
    }) : () -> ()
    %mul3A_31 = arith.constant 640 : i32
    %mul3A_32 = arith.muli %arg1, %mul3A_31 : i32
    %add3A_33 = arith.constant 64 : i32
    %add3A_34 = arith.addi %mul3A_32, %add3A_33 : i32
    "tpu.region"() ({
      %run_scoped3A = tpu.sem_alloc : memref<!tpu.dma_semaphore, #tpu.memory_space<semaphore_mem>>
      %dma_start3A_93 = arith.constant 0 : i32
      %dma_start3A_94 = tpu.memref_slice %arg11[%add3A_34, %dma_start3A_93] : memref<10240x32xf32, #tpu.memory_space<vmem_shared>> -> memref<64x32xf32, #tpu.memory_space<vmem_shared>>
      %dma_start3A_95 = arith.constant 0 : i32
      %dma_start3A_96 = tpu.memref_slice %arg11[%add3A_34, %dma_start3A_95] : memref<10240x32xf32, #tpu.memory_space<vmem_shared>> -> memref<64x32xf32, #tpu.memory_space<vmem_shared>>
      tpu.enqueue_dma source(%arg9 : memref<64x32xf32, #tpu.memory_space<vmem>>) target(%dma_start3A_96 : memref<64x32xf32, #tpu.memory_space<vmem_shared>>) target_semaphore(%run_scoped3A : memref<!tpu.dma_semaphore, #tpu.memory_space<semaphore_mem>>)
      %dma_wait3A_97 = arith.constant 0 : i32
      %dma_wait3A_98 = tpu.memref_slice %arg11[%add3A_34, %dma_wait3A_97] : memref<10240x32xf32, #tpu.memory_space<vmem_shared>> -> memref<64x32xf32, #tpu.memory_space<vmem_shared>>
      %dma_wait3A_99 = arith.constant 0 : i32
      %dma_wait3A_100 = tpu.memref_slice %arg11[%add3A_34, %dma_wait3A_99] : memref<10240x32xf32, #tpu.memory_space<vmem_shared>> -> memref<64x32xf32, #tpu.memory_space<vmem_shared>>
      tpu.wait_dma2 semaphore(%run_scoped3A : memref<!tpu.dma_semaphore, #tpu.memory_space<semaphore_mem>>) src(%arg9 : memref<64x32xf32, #tpu.memory_space<vmem>>) dst(%dma_wait3A_100 : memref<64x32xf32, #tpu.memory_space<vmem_shared>>)
      tpu.yield
    }) : () -> ()
    %mul3A_35 = arith.constant 640 : i32
    %mul3A_36 = arith.muli %arg1, %mul3A_35 : i32
    %add3A_37 = arith.constant 128 : i32
    %add3A_38 = arith.addi %mul3A_36, %add3A_37 : i32
    "tpu.region"() ({
      %run_scoped3A = tpu.sem_alloc : memref<!tpu.dma_semaphore, #tpu.memory_space<semaphore_mem>>
      %dma_start3A_93 = arith.constant 0 : i32
      %dma_start3A_94 = tpu.memref_slice %arg11[%add3A_38, %dma_start3A_93] : memref<10240x32xf32, #tpu.memory_space<vmem_shared>> -> memref<64x32xf32, #tpu.memory_space<vmem_shared>>
      %dma_start3A_95 = arith.constant 0 : i32
      %dma_start3A_96 = tpu.memref_slice %arg11[%add3A_38, %dma_start3A_95] : memref<10240x32xf32, #tpu.memory_space<vmem_shared>> -> memref<64x32xf32, #tpu.memory_space<vmem_shared>>
      tpu.enqueue_dma source(%arg9 : memref<64x32xf32, #tpu.memory_space<vmem>>) target(%dma_start3A_96 : memref<64x32xf32, #tpu.memory_space<vmem_shared>>) target_semaphore(%run_scoped3A : memref<!tpu.dma_semaphore, #tpu.memory_space<semaphore_mem>>)
      %dma_wait3A_97 = arith.constant 0 : i32
      %dma_wait3A_98 = tpu.memref_slice %arg11[%add3A_38, %dma_wait3A_97] : memref<10240x32xf32, #tpu.memory_space<vmem_shared>> -> memref<64x32xf32, #tpu.memory_space<vmem_shared>>
      %dma_wait3A_99 = arith.constant 0 : i32
      %dma_wait3A_100 = tpu.memref_slice %arg11[%add3A_38, %dma_wait3A_99] : memref<10240x32xf32, #tpu.memory_space<vmem_shared>> -> memref<64x32xf32, #tpu.memory_space<vmem_shared>>
      tpu.wait_dma2 semaphore(%run_scoped3A : memref<!tpu.dma_semaphore, #tpu.memory_space<semaphore_mem>>) src(%arg9 : memref<64x32xf32, #tpu.memory_space<vmem>>) dst(%dma_wait3A_100 : memref<64x32xf32, #tpu.memory_space<vmem_shared>>)
      tpu.yield
    }) : () -> ()
    %mul3A_39 = arith.constant 640 : i32
    %mul3A_40 = arith.muli %arg1, %mul3A_39 : i32
    %add3A_41 = arith.constant 192 : i32
    %add3A_42 = arith.addi %mul3A_40, %add3A_41 : i32
    "tpu.region"() ({
      %run_scoped3A = tpu.sem_alloc : memref<!tpu.dma_semaphore, #tpu.memory_space<semaphore_mem>>
      %dma_start3A_93 = arith.constant 0 : i32
      %dma_start3A_94 = tpu.memref_slice %arg11[%add3A_42, %dma_start3A_93] : memref<10240x32xf32, #tpu.memory_space<vmem_shared>> -> memref<64x32xf32, #tpu.memory_space<vmem_shared>>
      %dma_start3A_95 = arith.constant 0 : i32
      %dma_start3A_96 = tpu.memref_slice %arg11[%add3A_42, %dma_start3A_95] : memref<10240x32xf32, #tpu.memory_space<vmem_shared>> -> memref<64x32xf32, #tpu.memory_space<vmem_shared>>
      tpu.enqueue_dma source(%arg9 : memref<64x32xf32, #tpu.memory_space<vmem>>) target(%dma_start3A_96 : memref<64x32xf32, #tpu.memory_space<vmem_shared>>) target_semaphore(%run_scoped3A : memref<!tpu.dma_semaphore, #tpu.memory_space<semaphore_mem>>)
      %dma_wait3A_97 = arith.constant 0 : i32
      %dma_wait3A_98 = tpu.memref_slice %arg11[%add3A_42, %dma_wait3A_97] : memref<10240x32xf32, #tpu.memory_space<vmem_shared>> -> memref<64x32xf32, #tpu.memory_space<vmem_shared>>
      %dma_wait3A_99 = arith.constant 0 : i32
      %dma_wait3A_100 = tpu.memref_slice %arg11[%add3A_42, %dma_wait3A_99] : memref<10240x32xf32, #tpu.memory_space<vmem_shared>> -> memref<64x32xf32, #tpu.memory_space<vmem_shared>>
      tpu.wait_dma2 semaphore(%run_scoped3A : memref<!tpu.dma_semaphore, #tpu.memory_space<semaphore_mem>>) src(%arg9 : memref<64x32xf32, #tpu.memory_space<vmem>>) dst(%dma_wait3A_100 : memref<64x32xf32, #tpu.memory_space<vmem_shared>>)
      tpu.yield
    }) : () -> ()
    %mul3A_43 = arith.constant 640 : i32
    %mul3A_44 = arith.muli %arg1, %mul3A_43 : i32
    %add3A_45 = arith.constant 256 : i32
    %add3A_46 = arith.addi %mul3A_44, %add3A_45 : i32
    "tpu.region"() ({
      %run_scoped3A = tpu.sem_alloc : memref<!tpu.dma_semaphore, #tpu.memory_space<semaphore_mem>>
      %dma_start3A_93 = arith.constant 0 : i32
      %dma_start3A_94 = tpu.memref_slice %arg11[%add3A_46, %dma_start3A_93] : memref<10240x32xf32, #tpu.memory_space<vmem_shared>> -> memref<64x32xf32, #tpu.memory_space<vmem_shared>>
      %dma_start3A_95 = arith.constant 0 : i32
      %dma_start3A_96 = tpu.memref_slice %arg11[%add3A_46, %dma_start3A_95] : memref<10240x32xf32, #tpu.memory_space<vmem_shared>> -> memref<64x32xf32, #tpu.memory_space<vmem_shared>>
      tpu.enqueue_dma source(%arg9 : memref<64x32xf32, #tpu.memory_space<vmem>>) target(%dma_start3A_96 : memref<64x32xf32, #tpu.memory_space<vmem_shared>>) target_semaphore(%run_scoped3A : memref<!tpu.dma_semaphore, #tpu.memory_space<semaphore_mem>>)
      %dma_wait3A_97 = arith.constant 0 : i32
      %dma_wait3A_98 = tpu.memref_slice %arg11[%add3A_46, %dma_wait3A_97] : memref<10240x32xf32, #tpu.memory_space<vmem_shared>> -> memref<64x32xf32, #tpu.memory_space<vmem_shared>>
      %dma_wait3A_99 = arith.constant 0 : i32
      %dma_wait3A_100 = tpu.memref_slice %arg11[%add3A_46, %dma_wait3A_99] : memref<10240x32xf32, #tpu.memory_space<vmem_shared>> -> memref<64x32xf32, #tpu.memory_space<vmem_shared>>
      tpu.wait_dma2 semaphore(%run_scoped3A : memref<!tpu.dma_semaphore, #tpu.memory_space<semaphore_mem>>) src(%arg9 : memref<64x32xf32, #tpu.memory_space<vmem>>) dst(%dma_wait3A_100 : memref<64x32xf32, #tpu.memory_space<vmem_shared>>)
      tpu.yield
    }) : () -> ()
    %mul3A_47 = arith.constant 640 : i32
    %mul3A_48 = arith.muli %arg1, %mul3A_47 : i32
    %add3A_49 = arith.constant 320 : i32
    %add3A_50 = arith.addi %mul3A_48, %add3A_49 : i32
    "tpu.region"() ({
      %run_scoped3A = tpu.sem_alloc : memref<!tpu.dma_semaphore, #tpu.memory_space<semaphore_mem>>
      %dma_start3A_93 = arith.constant 0 : i32
      %dma_start3A_94 = tpu.memref_slice %arg11[%add3A_50, %dma_start3A_93] : memref<10240x32xf32, #tpu.memory_space<vmem_shared>> -> memref<64x32xf32, #tpu.memory_space<vmem_shared>>
      %dma_start3A_95 = arith.constant 0 : i32
      %dma_start3A_96 = tpu.memref_slice %arg11[%add3A_50, %dma_start3A_95] : memref<10240x32xf32, #tpu.memory_space<vmem_shared>> -> memref<64x32xf32, #tpu.memory_space<vmem_shared>>
      tpu.enqueue_dma source(%arg9 : memref<64x32xf32, #tpu.memory_space<vmem>>) target(%dma_start3A_96 : memref<64x32xf32, #tpu.memory_space<vmem_shared>>) target_semaphore(%run_scoped3A : memref<!tpu.dma_semaphore, #tpu.memory_space<semaphore_mem>>)
      %dma_wait3A_97 = arith.constant 0 : i32
      %dma_wait3A_98 = tpu.memref_slice %arg11[%add3A_50, %dma_wait3A_97] : memref<10240x32xf32, #tpu.memory_space<vmem_shared>> -> memref<64x32xf32, #tpu.memory_space<vmem_shared>>
      %dma_wait3A_99 = arith.constant 0 : i32
      %dma_wait3A_100 = tpu.memref_slice %arg11[%add3A_50, %dma_wait3A_99] : memref<10240x32xf32, #tpu.memory_space<vmem_shared>> -> memref<64x32xf32, #tpu.memory_space<vmem_shared>>
      tpu.wait_dma2 semaphore(%run_scoped3A : memref<!tpu.dma_semaphore, #tpu.memory_space<semaphore_mem>>) src(%arg9 : memref<64x32xf32, #tpu.memory_space<vmem>>) dst(%dma_wait3A_100 : memref<64x32xf32, #tpu.memory_space<vmem_shared>>)
      tpu.yield
    }) : () -> ()
    %mul3A_51 = arith.constant 640 : i32
    %mul3A_52 = arith.muli %arg1, %mul3A_51 : i32
    %add3A_53 = arith.constant 384 : i32
    %add3A_54 = arith.addi %mul3A_52, %add3A_53 : i32
    "tpu.region"() ({
      %run_scoped3A = tpu.sem_alloc : memref<!tpu.dma_semaphore, #tpu.memory_space<semaphore_mem>>
      %dma_start3A_93 = arith.constant 0 : i32
      %dma_start3A_94 = tpu.memref_slice %arg11[%add3A_54, %dma_start3A_93] : memref<10240x32xf32, #tpu.memory_space<vmem_shared>> -> memref<64x32xf32, #tpu.memory_space<vmem_shared>>
      %dma_start3A_95 = arith.constant 0 : i32
      %dma_start3A_96 = tpu.memref_slice %arg11[%add3A_54, %dma_start3A_95] : memref<10240x32xf32, #tpu.memory_space<vmem_shared>> -> memref<64x32xf32, #tpu.memory_space<vmem_shared>>
      tpu.enqueue_dma source(%arg9 : memref<64x32xf32, #tpu.memory_space<vmem>>) target(%dma_start3A_96 : memref<64x32xf32, #tpu.memory_space<vmem_shared>>) target_semaphore(%run_scoped3A : memref<!tpu.dma_semaphore, #tpu.memory_space<semaphore_mem>>)
      %dma_wait3A_97 = arith.constant 0 : i32
      %dma_wait3A_98 = tpu.memref_slice %arg11[%add3A_54, %dma_wait3A_97] : memref<10240x32xf32, #tpu.memory_space<vmem_shared>> -> memref<64x32xf32, #tpu.memory_space<vmem_shared>>
      %dma_wait3A_99 = arith.constant 0 : i32
      %dma_wait3A_100 = tpu.memref_slice %arg11[%add3A_54, %dma_wait3A_99] : memref<10240x32xf32, #tpu.memory_space<vmem_shared>> -> memref<64x32xf32, #tpu.memory_space<vmem_shared>>
      tpu.wait_dma2 semaphore(%run_scoped3A : memref<!tpu.dma_semaphore, #tpu.memory_space<semaphore_mem>>) src(%arg9 : memref<64x32xf32, #tpu.memory_space<vmem>>) dst(%dma_wait3A_100 : memref<64x32xf32, #tpu.memory_space<vmem_shared>>)
      tpu.yield
    }) : () -> ()
    %mul3A_55 = arith.constant 640 : i32
    %mul3A_56 = arith.muli %arg1, %mul3A_55 : i32
    %add3A_57 = arith.constant 448 : i32
    %add3A_58 = arith.addi %mul3A_56, %add3A_57 : i32
    "tpu.region"() ({
      %run_scoped3A = tpu.sem_alloc : memref<!tpu.dma_semaphore, #tpu.memory_space<semaphore_mem>>
      %dma_start3A_93 = arith.constant 0 : i32
      %dma_start3A_94 = tpu.memref_slice %arg11[%add3A_58, %dma_start3A_93] : memref<10240x32xf32, #tpu.memory_space<vmem_shared>> -> memref<64x32xf32, #tpu.memory_space<vmem_shared>>
      %dma_start3A_95 = arith.constant 0 : i32
      %dma_start3A_96 = tpu.memref_slice %arg11[%add3A_58, %dma_start3A_95] : memref<10240x32xf32, #tpu.memory_space<vmem_shared>> -> memref<64x32xf32, #tpu.memory_space<vmem_shared>>
      tpu.enqueue_dma source(%arg9 : memref<64x32xf32, #tpu.memory_space<vmem>>) target(%dma_start3A_96 : memref<64x32xf32, #tpu.memory_space<vmem_shared>>) target_semaphore(%run_scoped3A : memref<!tpu.dma_semaphore, #tpu.memory_space<semaphore_mem>>)
      %dma_wait3A_97 = arith.constant 0 : i32
      %dma_wait3A_98 = tpu.memref_slice %arg11[%add3A_58, %dma_wait3A_97] : memref<10240x32xf32, #tpu.memory_space<vmem_shared>> -> memref<64x32xf32, #tpu.memory_space<vmem_shared>>
      %dma_wait3A_99 = arith.constant 0 : i32
      %dma_wait3A_100 = tpu.memref_slice %arg11[%add3A_58, %dma_wait3A_99] : memref<10240x32xf32, #tpu.memory_space<vmem_shared>> -> memref<64x32xf32, #tpu.memory_space<vmem_shared>>
      tpu.wait_dma2 semaphore(%run_scoped3A : memref<!tpu.dma_semaphore, #tpu.memory_space<semaphore_mem>>) src(%arg9 : memref<64x32xf32, #tpu.memory_space<vmem>>) dst(%dma_wait3A_100 : memref<64x32xf32, #tpu.memory_space<vmem_shared>>)
      tpu.yield
    }) : () -> ()
    %mul3A_59 = arith.constant 640 : i32
    %mul3A_60 = arith.muli %arg1, %mul3A_59 : i32
    %add3A_61 = arith.constant 512 : i32
    %add3A_62 = arith.addi %mul3A_60, %add3A_61 : i32
    "tpu.region"() ({
      %run_scoped3A = tpu.sem_alloc : memref<!tpu.dma_semaphore, #tpu.memory_space<semaphore_mem>>
      %dma_start3A_93 = arith.constant 0 : i32
      %dma_start3A_94 = tpu.memref_slice %arg11[%add3A_62, %dma_start3A_93] : memref<10240x32xf32, #tpu.memory_space<vmem_shared>> -> memref<64x32xf32, #tpu.memory_space<vmem_shared>>
      %dma_start3A_95 = arith.constant 0 : i32
      %dma_start3A_96 = tpu.memref_slice %arg11[%add3A_62, %dma_start3A_95] : memref<10240x32xf32, #tpu.memory_space<vmem_shared>> -> memref<64x32xf32, #tpu.memory_space<vmem_shared>>
      tpu.enqueue_dma source(%arg9 : memref<64x32xf32, #tpu.memory_space<vmem>>) target(%dma_start3A_96 : memref<64x32xf32, #tpu.memory_space<vmem_shared>>) target_semaphore(%run_scoped3A : memref<!tpu.dma_semaphore, #tpu.memory_space<semaphore_mem>>)
      %dma_wait3A_97 = arith.constant 0 : i32
      %dma_wait3A_98 = tpu.memref_slice %arg11[%add3A_62, %dma_wait3A_97] : memref<10240x32xf32, #tpu.memory_space<vmem_shared>> -> memref<64x32xf32, #tpu.memory_space<vmem_shared>>
      %dma_wait3A_99 = arith.constant 0 : i32
      %dma_wait3A_100 = tpu.memref_slice %arg11[%add3A_62, %dma_wait3A_99] : memref<10240x32xf32, #tpu.memory_space<vmem_shared>> -> memref<64x32xf32, #tpu.memory_space<vmem_shared>>
      tpu.wait_dma2 semaphore(%run_scoped3A : memref<!tpu.dma_semaphore, #tpu.memory_space<semaphore_mem>>) src(%arg9 : memref<64x32xf32, #tpu.memory_space<vmem>>) dst(%dma_wait3A_100 : memref<64x32xf32, #tpu.memory_space<vmem_shared>>)
      tpu.yield
    }) : () -> ()
    %mul3A_63 = arith.constant 640 : i32
    %mul3A_64 = arith.muli %arg1, %mul3A_63 : i32
    %add3A_65 = arith.constant 576 : i32
    %add3A_66 = arith.addi %mul3A_64, %add3A_65 : i32
    "tpu.region"() ({
      %run_scoped3A = tpu.sem_alloc : memref<!tpu.dma_semaphore, #tpu.memory_space<semaphore_mem>>
      %dma_start3A_93 = arith.constant 0 : i32
      %dma_start3A_94 = tpu.memref_slice %arg11[%add3A_66, %dma_start3A_93] : memref<10240x32xf32, #tpu.memory_space<vmem_shared>> -> memref<64x32xf32, #tpu.memory_space<vmem_shared>>
      %dma_start3A_95 = arith.constant 0 : i32
      %dma_start3A_96 = tpu.memref_slice %arg11[%add3A_66, %dma_start3A_95] : memref<10240x32xf32, #tpu.memory_space<vmem_shared>> -> memref<64x32xf32, #tpu.memory_space<vmem_shared>>
      tpu.enqueue_dma source(%arg9 : memref<64x32xf32, #tpu.memory_space<vmem>>) target(%dma_start3A_96 : memref<64x32xf32, #tpu.memory_space<vmem_shared>>) target_semaphore(%run_scoped3A : memref<!tpu.dma_semaphore, #tpu.memory_space<semaphore_mem>>)
      %dma_wait3A_97 = arith.constant 0 : i32
      %dma_wait3A_98 = tpu.memref_slice %arg11[%add3A_66, %dma_wait3A_97] : memref<10240x32xf32, #tpu.memory_space<vmem_shared>> -> memref<64x32xf32, #tpu.memory_space<vmem_shared>>
      %dma_wait3A_99 = arith.constant 0 : i32
      %dma_wait3A_100 = tpu.memref_slice %arg11[%add3A_66, %dma_wait3A_99] : memref<10240x32xf32, #tpu.memory_space<vmem_shared>> -> memref<64x32xf32, #tpu.memory_space<vmem_shared>>
      tpu.wait_dma2 semaphore(%run_scoped3A : memref<!tpu.dma_semaphore, #tpu.memory_space<semaphore_mem>>) src(%arg9 : memref<64x32xf32, #tpu.memory_space<vmem>>) dst(%dma_wait3A_100 : memref<64x32xf32, #tpu.memory_space<vmem_shared>>)
      tpu.yield
    }) : () -> ()
    %dma_wait3A = arith.constant 0 : i32
    %dma_wait3A_67 = tpu.memref_slice %arg10[%mul3A_11, %dma_wait3A] : memref<10240x32xf32, #tpu.memory_space<vmem_shared>> -> memref<640x32xf32, #tpu.memory_space<vmem_shared>>
    %dma_wait3A_68 = arith.constant 0 : i32
    %dma_wait3A_69 = tpu.memref_slice %arg4[%mul3A_9, %dma_wait3A_68] : memref<10240x32xf32, #tpu.memory_space<hbm>> -> memref<640x32xf32, #tpu.memory_space<hbm>>
    tpu.wait_dma2 semaphore(%arg14 : memref<!tpu.dma_semaphore, #tpu.memory_space<semaphore_mem>>) src(%dma_wait3A_69 : memref<640x32xf32, #tpu.memory_space<hbm>>) dst(%dma_wait3A_67 : memref<640x32xf32, #tpu.memory_space<vmem_shared>>)
    %dma_wait3A_70 = arith.constant 0 : i32
    %dma_wait3A_71 = tpu.memref_slice %arg2[%mul3A_16, %dma_wait3A_70] : memref<2560x128xi32, #tpu.memory_space<hbm>> -> memref<80x128xi32, #tpu.memory_space<hbm>>
    %dma_wait3A_72 = arith.constant 0 : i32
    %dma_wait3A_73 = tpu.memref_slice %arg2[%mul3A_16, %dma_wait3A_72] : memref<2560x128xi32, #tpu.memory_space<hbm>> -> memref<80x128xi32, #tpu.memory_space<hbm>>
    tpu.wait_dma2 semaphore(%arg12 : memref<!tpu.dma_semaphore, #tpu.memory_space<semaphore_mem>>) src(%dma_wait3A_73 : memref<80x128xi32, #tpu.memory_space<hbm>>) dst(%arg6 : memref<80x128xi32, #tpu.memory_space<vmem>>)
    %dma_wait3A_74 = arith.constant 0 : i32
    %dma_wait3A_75 = tpu.memref_slice %arg3[%mul3A_22, %dma_wait3A_74] : memref<2560x128xi32, #tpu.memory_space<hbm>> -> memref<80x128xi32, #tpu.memory_space<hbm>>
    %dma_wait3A_76 = arith.constant 0 : i32
    %dma_wait3A_77 = tpu.memref_slice %arg3[%mul3A_22, %dma_wait3A_76] : memref<2560x128xi32, #tpu.memory_space<hbm>> -> memref<80x128xi32, #tpu.memory_space<hbm>>
    tpu.wait_dma2 semaphore(%arg13 : memref<!tpu.dma_semaphore, #tpu.memory_space<semaphore_mem>>) src(%dma_wait3A_77 : memref<80x128xi32, #tpu.memory_space<hbm>>) dst(%arg7 : memref<80x128xi32, #tpu.memory_space<vmem>>)
    %barrier3A = arith.constant 0 : index
    tpu.barrier barrier_id(%barrier3A)
    %scan3A_78 = arith.constant 0 : i32
    %scan3A_79 = arith.constant 0 : i32
    %scan3A_80 = arith.constant 80 : i32
    %scan3A_81 = arith.addi %scan3A_79, %scan3A_80 : i32
    %scan3A_82 = arith.constant 1 : i32
    %scan3A_83 = scf.for %scan3A_93 = %scan3A_79 to %scan3A_81 step %scan3A_82 iter_args(%scan3A_94 = %scan3A_78) -> (i32)  : i32 {
      %dma_start3A_95 = arith.constant 0 : i32
      %dma_start3A_96 = tpu.memref_slice %arg6[%scan3A_93, %dma_start3A_95] : memref<80x128xi32, #tpu.memory_space<vmem>> -> memref<1x128xi32, #tpu.memory_space<vmem>>
      %dma_start3A_97 = tpu.memref_squeeze %dma_start3A_96 : memref<1x128xi32, #tpu.memory_space<vmem>> -> memref<128xi32, #tpu.memory_space<vmem>>
      %dma_start3A_98 = arith.constant 0 : i32
      %dma_start3A_99 = arith.constant 0 : i32
      %dma_start3A_100 = tpu.memref_slice %arg10[%dma_start3A_98, %dma_start3A_99] : memref<10240x32xf32, #tpu.memory_space<vmem_shared>> -> memref<10240x32xf32, #tpu.memory_space<vmem_shared>>
      tpu.enqueue_indirect_dma source(%dma_start3A_100 : memref<10240x32xf32, #tpu.memory_space<vmem_shared>>) target(%arg8 : memref<128x32xf32, #tpu.memory_space<vmem>>) offsets(%dma_start3A_97 : memref<128xi32, #tpu.memory_space<vmem>>) semaphore(%arg12 : memref<!tpu.dma_semaphore, #tpu.memory_space<semaphore_mem>>)
      %dma_wait3A_101 = arith.constant 0 : i32
      %dma_wait3A_102 = tpu.memref_slice %arg6[%scan3A_93, %dma_wait3A_101] : memref<80x128xi32, #tpu.memory_space<vmem>> -> memref<1x128xi32, #tpu.memory_space<vmem>>
      %dma_wait3A_103 = tpu.memref_squeeze %dma_wait3A_102 : memref<1x128xi32, #tpu.memory_space<vmem>> -> memref<128xi32, #tpu.memory_space<vmem>>
      %dma_wait3A_104 = arith.constant 0 : i32
      %dma_wait3A_105 = arith.constant 0 : i32
      %dma_wait3A_106 = tpu.memref_slice %arg10[%dma_wait3A_104, %dma_wait3A_105] : memref<10240x32xf32, #tpu.memory_space<vmem_shared>> -> memref<10240x32xf32, #tpu.memory_space<vmem_shared>>
      tpu.wait_indirect_dma semaphore(%arg12 : memref<!tpu.dma_semaphore, #tpu.memory_space<semaphore_mem>>) src(%dma_wait3A_106 : memref<10240x32xf32, #tpu.memory_space<vmem_shared>>) dst(%arg8 : memref<128x32xf32, #tpu.memory_space<vmem>>)
      "tpu.region"() ({
        %run_scoped3A = tpu.sem_alloc : memref<!tpu.dma_semaphore, #tpu.memory_space<semaphore_mem>>
        %dma_start3A_108 = arith.constant 0 : i32
        %dma_start3A_109 = tpu.memref_slice %arg7[%scan3A_93, %dma_start3A_108] : memref<80x128xi32, #tpu.memory_space<vmem>> -> memref<1x128xi32, #tpu.memory_space<vmem>>
        %dma_start3A_110 = tpu.memref_squeeze %dma_start3A_109 : memref<1x128xi32, #tpu.memory_space<vmem>> -> memref<128xi32, #tpu.memory_space<vmem>>
        %dma_start3A_111 = arith.constant 0 : i32
        %dma_start3A_112 = arith.constant 0 : i32
        %dma_start3A_113 = tpu.memref_slice %arg11[%dma_start3A_111, %dma_start3A_112] : memref<10240x32xf32, #tpu.memory_space<vmem_shared>> -> memref<10240x32xf32, #tpu.memory_space<vmem_shared>>
        tpu.enqueue_indirect_dma source(%arg8 : memref<128x32xf32, #tpu.memory_space<vmem>>) target(%dma_start3A_113 : memref<10240x32xf32, #tpu.memory_space<vmem_shared>>) offsets(%dma_start3A_110 : memref<128xi32, #tpu.memory_space<vmem>>) semaphore(%run_scoped3A : memref<!tpu.dma_semaphore, #tpu.memory_space<semaphore_mem>>) {add = true}
        %dma_wait3A_114 = arith.constant 0 : i32
        %dma_wait3A_115 = tpu.memref_slice %arg7[%scan3A_93, %dma_wait3A_114] : memref<80x128xi32, #tpu.memory_space<vmem>> -> memref<1x128xi32, #tpu.memory_space<vmem>>
        %dma_wait3A_116 = tpu.memref_squeeze %dma_wait3A_115 : memref<1x128xi32, #tpu.memory_space<vmem>> -> memref<128xi32, #tpu.memory_space<vmem>>
        %dma_wait3A_117 = arith.constant 0 : i32
        %dma_wait3A_118 = arith.constant 0 : i32
        %dma_wait3A_119 = tpu.memref_slice %arg11[%dma_wait3A_117, %dma_wait3A_118] : memref<10240x32xf32, #tpu.memory_space<vmem_shared>> -> memref<10240x32xf32, #tpu.memory_space<vmem_shared>>
        tpu.wait_indirect_dma semaphore(%run_scoped3A : memref<!tpu.dma_semaphore, #tpu.memory_space<semaphore_mem>>) src(%arg8 : memref<128x32xf32, #tpu.memory_space<vmem>>) dst(%dma_wait3A_119 : memref<10240x32xf32, #tpu.memory_space<vmem_shared>>)
        tpu.yield
      }) : () -> ()
      %scan3A_107 = arith.constant 0 : i32
      scf.yield %scan3A_107 : i32
    }
    %scan3A_84 = arith.constant 80 : i32
    %barrier3A_85 = arith.constant 0 : index
    tpu.barrier barrier_id(%barrier3A_85)
    %mul3A_86 = arith.constant 640 : i32
    %mul3A_87 = arith.muli %arg1, %mul3A_86 : i32
    %mul3A_88 = arith.constant 10240 : i32
    %mul3A_89 = arith.muli %arg0, %mul3A_88 : i32
    %mul3A_90 = arith.constant 640 : i32
    %mul3A_91 = arith.muli %arg1, %mul3A_90 : i32
    %add3A_92 = arith.addi %mul3A_89, %mul3A_91 : i32
    "tpu.region"() ({
      %run_scoped3A = tpu.sem_alloc : memref<!tpu.dma_semaphore, #tpu.memory_space<semaphore_mem>>
      %dma_start3A_93 = arith.constant 0 : i32
      %dma_start3A_94 = tpu.memref_slice %arg5[%add3A_92, %dma_start3A_93] : memref<20480x32xf32, #tpu.memory_space<hbm>> -> memref<640x32xf32, #tpu.memory_space<hbm>>
      %dma_start3A_95 = arith.constant 0 : i32
      %dma_start3A_96 = tpu.memref_slice %arg11[%mul3A_87, %dma_start3A_95] : memref<10240x32xf32, #tpu.memory_space<vmem_shared>> -> memref<640x32xf32, #tpu.memory_space<vmem_shared>>
      tpu.enqueue_dma source(%dma_start3A_96 : memref<640x32xf32, #tpu.memory_space<vmem_shared>>) target(%dma_start3A_94 : memref<640x32xf32, #tpu.memory_space<hbm>>) target_semaphore(%run_scoped3A : memref<!tpu.dma_semaphore, #tpu.memory_space<semaphore_mem>>)
      %dma_wait3A_97 = arith.constant 0 : i32
      %dma_wait3A_98 = tpu.memref_slice %arg5[%add3A_92, %dma_wait3A_97] : memref<20480x32xf32, #tpu.memory_space<hbm>> -> memref<640x32xf32, #tpu.memory_space<hbm>>
      %dma_wait3A_99 = arith.constant 0 : i32
      %dma_wait3A_100 = tpu.memref_slice %arg11[%mul3A_87, %dma_wait3A_99] : memref<10240x32xf32, #tpu.memory_space<vmem_shared>> -> memref<640x32xf32, #tpu.memory_space<vmem_shared>>
      tpu.wait_dma2 semaphore(%run_scoped3A : memref<!tpu.dma_semaphore, #tpu.memory_space<semaphore_mem>>) src(%dma_wait3A_100 : memref<640x32xf32, #tpu.memory_space<vmem_shared>>) dst(%dma_wait3A_98 : memref<640x32xf32, #tpu.memory_space<hbm>>)
      tpu.yield
    }) : () -> ()
    return
  }
}

#map = affine_map<(d0, d1) -> (0, 0)>
module attributes {stable_mosaic.version = 14 : i64} {
  func.func @_sc_spmm(%arg0: i32, %arg1: i32, %arg2: memref<2560x128xi32, #tpu.memory_space<hbm>>, %arg3: memref<2560x128xi32, #tpu.memory_space<hbm>>, %arg4: memref<10240x32xf32, #tpu.memory_space<hbm>>, %arg5: memref<20480x32xf32, #tpu.memory_space<hbm>>, %arg6: memref<80x128xi32, #tpu.memory_space<vmem>>, %arg7: memref<80x128xi32, #tpu.memory_space<vmem>>, %arg8: memref<128x32xf32, #tpu.memory_space<vmem>>, %arg9: memref<64x32xf32, #tpu.memory_space<vmem>>, %arg10: memref<10240x32xf32, #tpu.memory_space<vmem_shared>>, %arg11: memref<10240x32xf32, #tpu.memory_space<vmem_shared>>, %arg12: memref<!tpu.dma_semaphore, #tpu.memory_space<semaphore_mem>>, %arg13: memref<!tpu.dma_semaphore, #tpu.memory_space<semaphore_mem>>, %arg14: memref<!tpu.dma_semaphore, #tpu.memory_space<semaphore_mem>>) attributes {dimension_semantics = [#tpu.dimension_semantics<core_parallel>, #tpu.dimension_semantics<subcore_parallel>], iteration_bounds = array<i64: 2, 16>, scalar_prefetch = 0 : i64, scratch_operands = 9 : i64, tpu.core_type = #tpu.core_type<sc_vector_subcore>, window_params = [{transform_indices = #map}, {transform_indices = #map}, {transform_indices = #map}, {transform_indices = #map}]} {
    %mul3A = arith.constant 2 : i32
    %mul3A_0 = arith.muli %arg1, %mul3A : i32
    %add3A = arith.addi %mul3A_0, %arg0 : i32
    %broadcast_in_dim3A = arith.constant 0.000000e+00 : f32
    %broadcast_in_dim3A_1 = vector.broadcast %broadcast_in_dim3A : f32 to vector<16xf32>
    %scan3A = arith.constant 0 : i32
    %scan3A_2 = arith.constant 0 : i32
    %scan3A_3 = arith.constant 64 : i32
    %scan3A_4 = arith.addi %scan3A_2, %scan3A_3 : i32
    %scan3A_5 = arith.constant 1 : i32
    %scan3A_6 = scf.for %scan3A_93 = %scan3A_2 to %scan3A_4 step %scan3A_5 iter_args(%scan3A_94 = %scan3A) -> (i32)  : i32 {
      %swap3A = arith.index_cast %scan3A_93 : i32 to index
      %swap3A_95 = arith.constant 0 : index
      %swap3A_96 = tpu.vector_load %arg9[%swap3A, %swap3A_95] {strides = array<i32>} : memref<64x32xf32, #tpu.memory_space<vmem>>, vector<16xf32>,
      tpu.vector_store %arg9[%swap3A, %swap3A_95], %broadcast_in_dim3A_1 {strides = array<i32>} : memref<64x32xf32, #tpu.memory_space<vmem>>, vector<16xf32>,
      %swap3A_97 = arith.index_cast %scan3A_93 : i32 to index
      %swap3A_98 = arith.constant 16 : index
      %swap3A_99 = tpu.vector_load %arg9[%swap3A_97, %swap3A_98] {strides = array<i32>} : memref<64x32xf32, #tpu.memory_space<vmem>>, vector<16xf32>,
      tpu.vector_store %arg9[%swap3A_97, %swap3A_98], %broadcast_in_dim3A_1 {strides = array<i32>} : memref<64x32xf32, #tpu.memory_space<vmem>>, vector<16xf32>,
      %scan3A_100 = arith.constant 0 : i32
      scf.yield %scan3A_100 : i32
    }
    %scan3A_7 = arith.constant 64 : i32
    %mul3A_8 = arith.constant 640 : i32
    %mul3A_9 = arith.muli %arg1, %mul3A_8 : i32
    %mul3A_10 = arith.constant 640 : i32
    %mul3A_11 = arith.muli %arg1, %mul3A_10 : i32
    %dma_start3A = arith.constant 0 : i32
    %dma_start3A_12 = tpu.memref_slice %arg10[%mul3A_11, %dma_start3A] : memref<10240x32xf32, #tpu.memory_space<vmem_shared>> -> memref<640x32xf32, #tpu.memory_space<vmem_shared>>
    %dma_start3A_13 = arith.constant 0 : i32
    %dma_start3A_14 = tpu.memref_slice %arg4[%mul3A_9, %dma_start3A_13] : memref<10240x32xf32, #tpu.memory_space<hbm>> -> memref<640x32xf32, #tpu.memory_space<hbm>>
    tpu.enqueue_dma source(%dma_start3A_14 : memref<640x32xf32, #tpu.memory_space<hbm>>) target(%dma_start3A_12 : memref<640x32xf32, #tpu.memory_space<vmem_shared>>) target_semaphore(%arg14 : memref<!tpu.dma_semaphore, #tpu.memory_space<semaphore_mem>>)
    %mul3A_15 = arith.constant 80 : i32
    %mul3A_16 = arith.muli %add3A, %mul3A_15 : i32
    %dma_start3A_17 = arith.constant 0 : i32
    %dma_start3A_18 = tpu.memref_slice %arg2[%mul3A_16, %dma_start3A_17] : memref<2560x128xi32, #tpu.memory_space<hbm>> -> memref<80x128xi32, #tpu.memory_space<hbm>>
    %dma_start3A_19 = arith.constant 0 : i32
    %dma_start3A_20 = tpu.memref_slice %arg2[%mul3A_16, %dma_start3A_19] : memref<2560x128xi32, #tpu.memory_space<hbm>> -> memref<80x128xi32, #tpu.memory_space<hbm>>
    tpu.enqueue_dma source(%dma_start3A_20 : memref<80x128xi32, #tpu.memory_space<hbm>>) target(%arg6 : memref<80x128xi32, #tpu.memory_space<vmem>>) target_semaphore(%arg12 : memref<!tpu.dma_semaphore, #tpu.memory_space<semaphore_mem>>)
    %mul3A_21 = arith.constant 80 : i32
    %mul3A_22 = arith.muli %add3A, %mul3A_21 : i32
    %dma_start3A_23 = arith.constant 0 : i32
    %dma_start3A_24 = tpu.memref_slice %arg3[%mul3A_22, %dma_start3A_23] : memref<2560x128xi32, #tpu.memory_space<hbm>> -> memref<80x128xi32, #tpu.memory_space<hbm>>
    %dma_start3A_25 = arith.constant 0 : i32
    %dma_start3A_26 = tpu.memref_slice %arg3[%mul3A_22, %dma_start3A_25] : memref<2560x128xi32, #tpu.memory_space<hbm>> -> memref<80x128xi32, #tpu.memory_space<hbm>>
    tpu.enqueue_dma source(%dma_start3A_26 : memref<80x128xi32, #tpu.memory_space<hbm>>) target(%arg7 : memref<80x128xi32, #tpu.memory_space<vmem>>) target_semaphore(%arg13 : memref<!tpu.dma_semaphore, #tpu.memory_space<semaphore_mem>>)
    %mul3A_27 = arith.constant 640 : i32
    %mul3A_28 = arith.muli %arg1, %mul3A_27 : i32
    %add3A_29 = arith.constant 0 : i32
    %add3A_30 = arith.addi %mul3A_28, %add3A_29 : i32
    "tpu.region"() ({
      %run_scoped3A = tpu.sem_alloc : memref<!tpu.dma_semaphore, #tpu.memory_space<semaphore_mem>>
      %dma_start3A_93 = arith.constant 0 : i32
      %dma_start3A_94 = tpu.memref_slice %arg11[%add3A_30, %dma_start3A_93] : memref<10240x32xf32, #tpu.memory_space<vmem_shared>> -> memref<64x32xf32, #tpu.memory_space<vmem_shared>>
      %dma_start3A_95 = arith.constant 0 : i32
      %dma_start3A_96 = tpu.memref_slice %arg11[%add3A_30, %dma_start3A_95] : memref<10240x32xf32, #tpu.memory_space<vmem_shared>> -> memref<64x32xf32, #tpu.memory_space<vmem_shared>>
      tpu.enqueue_dma source(%arg9 : memref<64x32xf32, #tpu.memory_space<vmem>>) target(%dma_start3A_96 : memref<64x32xf32, #tpu.memory_space<vmem_shared>>) target_semaphore(%run_scoped3A : memref<!tpu.dma_semaphore, #tpu.memory_space<semaphore_mem>>)
      %dma_wait3A_97 = arith.constant 0 : i32
      %dma_wait3A_98 = tpu.memref_slice %arg11[%add3A_30, %dma_wait3A_97] : memref<10240x32xf32, #tpu.memory_space<vmem_shared>> -> memref<64x32xf32, #tpu.memory_space<vmem_shared>>
      %dma_wait3A_99 = arith.constant 0 : i32
      %dma_wait3A_100 = tpu.memref_slice %arg11[%add3A_30, %dma_wait3A_99] : memref<10240x32xf32, #tpu.memory_space<vmem_shared>> -> memref<64x32xf32, #tpu.memory_space<vmem_shared>>
      tpu.wait_dma2 semaphore(%run_scoped3A : memref<!tpu.dma_semaphore, #tpu.memory_space<semaphore_mem>>) src(%arg9 : memref<64x32xf32, #tpu.memory_space<vmem>>) dst(%dma_wait3A_100 : memref<64x32xf32, #tpu.memory_space<vmem_shared>>)
      tpu.yield
    }) : () -> ()
    %mul3A_31 = arith.constant 640 : i32
    %mul3A_32 = arith.muli %arg1, %mul3A_31 : i32
    %add3A_33 = arith.constant 64 : i32
    %add3A_34 = arith.addi %mul3A_32, %add3A_33 : i32
    "tpu.region"() ({
      %run_scoped3A = tpu.sem_alloc : memref<!tpu.dma_semaphore, #tpu.memory_space<semaphore_mem>>
      %dma_start3A_93 = arith.constant 0 : i32
      %dma_start3A_94 = tpu.memref_slice %arg11[%add3A_34, %dma_start3A_93] : memref<10240x32xf32, #tpu.memory_space<vmem_shared>> -> memref<64x32xf32, #tpu.memory_space<vmem_shared>>
      %dma_start3A_95 = arith.constant 0 : i32
      %dma_start3A_96 = tpu.memref_slice %arg11[%add3A_34, %dma_start3A_95] : memref<10240x32xf32, #tpu.memory_space<vmem_shared>> -> memref<64x32xf32, #tpu.memory_space<vmem_shared>>
      tpu.enqueue_dma source(%arg9 : memref<64x32xf32, #tpu.memory_space<vmem>>) target(%dma_start3A_96 : memref<64x32xf32, #tpu.memory_space<vmem_shared>>) target_semaphore(%run_scoped3A : memref<!tpu.dma_semaphore, #tpu.memory_space<semaphore_mem>>)
      %dma_wait3A_97 = arith.constant 0 : i32
      %dma_wait3A_98 = tpu.memref_slice %arg11[%add3A_34, %dma_wait3A_97] : memref<10240x32xf32, #tpu.memory_space<vmem_shared>> -> memref<64x32xf32, #tpu.memory_space<vmem_shared>>
      %dma_wait3A_99 = arith.constant 0 : i32
      %dma_wait3A_100 = tpu.memref_slice %arg11[%add3A_34, %dma_wait3A_99] : memref<10240x32xf32, #tpu.memory_space<vmem_shared>> -> memref<64x32xf32, #tpu.memory_space<vmem_shared>>
      tpu.wait_dma2 semaphore(%run_scoped3A : memref<!tpu.dma_semaphore, #tpu.memory_space<semaphore_mem>>) src(%arg9 : memref<64x32xf32, #tpu.memory_space<vmem>>) dst(%dma_wait3A_100 : memref<64x32xf32, #tpu.memory_space<vmem_shared>>)
      tpu.yield
    }) : () -> ()
    %mul3A_35 = arith.constant 640 : i32
    %mul3A_36 = arith.muli %arg1, %mul3A_35 : i32
    %add3A_37 = arith.constant 128 : i32
    %add3A_38 = arith.addi %mul3A_36, %add3A_37 : i32
    "tpu.region"() ({
      %run_scoped3A = tpu.sem_alloc : memref<!tpu.dma_semaphore, #tpu.memory_space<semaphore_mem>>
      %dma_start3A_93 = arith.constant 0 : i32
      %dma_start3A_94 = tpu.memref_slice %arg11[%add3A_38, %dma_start3A_93] : memref<10240x32xf32, #tpu.memory_space<vmem_shared>> -> memref<64x32xf32, #tpu.memory_space<vmem_shared>>
      %dma_start3A_95 = arith.constant 0 : i32
      %dma_start3A_96 = tpu.memref_slice %arg11[%add3A_38, %dma_start3A_95] : memref<10240x32xf32, #tpu.memory_space<vmem_shared>> -> memref<64x32xf32, #tpu.memory_space<vmem_shared>>
      tpu.enqueue_dma source(%arg9 : memref<64x32xf32, #tpu.memory_space<vmem>>) target(%dma_start3A_96 : memref<64x32xf32, #tpu.memory_space<vmem_shared>>) target_semaphore(%run_scoped3A : memref<!tpu.dma_semaphore, #tpu.memory_space<semaphore_mem>>)
      %dma_wait3A_97 = arith.constant 0 : i32
      %dma_wait3A_98 = tpu.memref_slice %arg11[%add3A_38, %dma_wait3A_97] : memref<10240x32xf32, #tpu.memory_space<vmem_shared>> -> memref<64x32xf32, #tpu.memory_space<vmem_shared>>
      %dma_wait3A_99 = arith.constant 0 : i32
      %dma_wait3A_100 = tpu.memref_slice %arg11[%add3A_38, %dma_wait3A_99] : memref<10240x32xf32, #tpu.memory_space<vmem_shared>> -> memref<64x32xf32, #tpu.memory_space<vmem_shared>>
      tpu.wait_dma2 semaphore(%run_scoped3A : memref<!tpu.dma_semaphore, #tpu.memory_space<semaphore_mem>>) src(%arg9 : memref<64x32xf32, #tpu.memory_space<vmem>>) dst(%dma_wait3A_100 : memref<64x32xf32, #tpu.memory_space<vmem_shared>>)
      tpu.yield
    }) : () -> ()
    %mul3A_39 = arith.constant 640 : i32
    %mul3A_40 = arith.muli %arg1, %mul3A_39 : i32
    %add3A_41 = arith.constant 192 : i32
    %add3A_42 = arith.addi %mul3A_40, %add3A_41 : i32
    "tpu.region"() ({
      %run_scoped3A = tpu.sem_alloc : memref<!tpu.dma_semaphore, #tpu.memory_space<semaphore_mem>>
      %dma_start3A_93 = arith.constant 0 : i32
      %dma_start3A_94 = tpu.memref_slice %arg11[%add3A_42, %dma_start3A_93] : memref<10240x32xf32, #tpu.memory_space<vmem_shared>> -> memref<64x32xf32, #tpu.memory_space<vmem_shared>>
      %dma_start3A_95 = arith.constant 0 : i32
      %dma_start3A_96 = tpu.memref_slice %arg11[%add3A_42, %dma_start3A_95] : memref<10240x32xf32, #tpu.memory_space<vmem_shared>> -> memref<64x32xf32, #tpu.memory_space<vmem_shared>>
      tpu.enqueue_dma source(%arg9 : memref<64x32xf32, #tpu.memory_space<vmem>>) target(%dma_start3A_96 : memref<64x32xf32, #tpu.memory_space<vmem_shared>>) target_semaphore(%run_scoped3A : memref<!tpu.dma_semaphore, #tpu.memory_space<semaphore_mem>>)
      %dma_wait3A_97 = arith.constant 0 : i32
      %dma_wait3A_98 = tpu.memref_slice %arg11[%add3A_42, %dma_wait3A_97] : memref<10240x32xf32, #tpu.memory_space<vmem_shared>> -> memref<64x32xf32, #tpu.memory_space<vmem_shared>>
      %dma_wait3A_99 = arith.constant 0 : i32
      %dma_wait3A_100 = tpu.memref_slice %arg11[%add3A_42, %dma_wait3A_99] : memref<10240x32xf32, #tpu.memory_space<vmem_shared>> -> memref<64x32xf32, #tpu.memory_space<vmem_shared>>
      tpu.wait_dma2 semaphore(%run_scoped3A : memref<!tpu.dma_semaphore, #tpu.memory_space<semaphore_mem>>) src(%arg9 : memref<64x32xf32, #tpu.memory_space<vmem>>) dst(%dma_wait3A_100 : memref<64x32xf32, #tpu.memory_space<vmem_shared>>)
      tpu.yield
    }) : () -> ()
    %mul3A_43 = arith.constant 640 : i32
    %mul3A_44 = arith.muli %arg1, %mul3A_43 : i32
    %add3A_45 = arith.constant 256 : i32
    %add3A_46 = arith.addi %mul3A_44, %add3A_45 : i32
    "tpu.region"() ({
      %run_scoped3A = tpu.sem_alloc : memref<!tpu.dma_semaphore, #tpu.memory_space<semaphore_mem>>
      %dma_start3A_93 = arith.constant 0 : i32
      %dma_start3A_94 = tpu.memref_slice %arg11[%add3A_46, %dma_start3A_93] : memref<10240x32xf32, #tpu.memory_space<vmem_shared>> -> memref<64x32xf32, #tpu.memory_space<vmem_shared>>
      %dma_start3A_95 = arith.constant 0 : i32
      %dma_start3A_96 = tpu.memref_slice %arg11[%add3A_46, %dma_start3A_95] : memref<10240x32xf32, #tpu.memory_space<vmem_shared>> -> memref<64x32xf32, #tpu.memory_space<vmem_shared>>
      tpu.enqueue_dma source(%arg9 : memref<64x32xf32, #tpu.memory_space<vmem>>) target(%dma_start3A_96 : memref<64x32xf32, #tpu.memory_space<vmem_shared>>) target_semaphore(%run_scoped3A : memref<!tpu.dma_semaphore, #tpu.memory_space<semaphore_mem>>)
      %dma_wait3A_97 = arith.constant 0 : i32
      %dma_wait3A_98 = tpu.memref_slice %arg11[%add3A_46, %dma_wait3A_97] : memref<10240x32xf32, #tpu.memory_space<vmem_shared>> -> memref<64x32xf32, #tpu.memory_space<vmem_shared>>
      %dma_wait3A_99 = arith.constant 0 : i32
      %dma_wait3A_100 = tpu.memref_slice %arg11[%add3A_46, %dma_wait3A_99] : memref<10240x32xf32, #tpu.memory_space<vmem_shared>> -> memref<64x32xf32, #tpu.memory_space<vmem_shared>>
      tpu.wait_dma2 semaphore(%run_scoped3A : memref<!tpu.dma_semaphore, #tpu.memory_space<semaphore_mem>>) src(%arg9 : memref<64x32xf32, #tpu.memory_space<vmem>>) dst(%dma_wait3A_100 : memref<64x32xf32, #tpu.memory_space<vmem_shared>>)
      tpu.yield
    }) : () -> ()
    %mul3A_47 = arith.constant 640 : i32
    %mul3A_48 = arith.muli %arg1, %mul3A_47 : i32
    %add3A_49 = arith.constant 320 : i32
    %add3A_50 = arith.addi %mul3A_48, %add3A_49 : i32
    "tpu.region"() ({
      %run_scoped3A = tpu.sem_alloc : memref<!tpu.dma_semaphore, #tpu.memory_space<semaphore_mem>>
      %dma_start3A_93 = arith.constant 0 : i32
      %dma_start3A_94 = tpu.memref_slice %arg11[%add3A_50, %dma_start3A_93] : memref<10240x32xf32, #tpu.memory_space<vmem_shared>> -> memref<64x32xf32, #tpu.memory_space<vmem_shared>>
      %dma_start3A_95 = arith.constant 0 : i32
      %dma_start3A_96 = tpu.memref_slice %arg11[%add3A_50, %dma_start3A_95] : memref<10240x32xf32, #tpu.memory_space<vmem_shared>> -> memref<64x32xf32, #tpu.memory_space<vmem_shared>>
      tpu.enqueue_dma source(%arg9 : memref<64x32xf32, #tpu.memory_space<vmem>>) target(%dma_start3A_96 : memref<64x32xf32, #tpu.memory_space<vmem_shared>>) target_semaphore(%run_scoped3A : memref<!tpu.dma_semaphore, #tpu.memory_space<semaphore_mem>>)
      %dma_wait3A_97 = arith.constant 0 : i32
      %dma_wait3A_98 = tpu.memref_slice %arg11[%add3A_50, %dma_wait3A_97] : memref<10240x32xf32, #tpu.memory_space<vmem_shared>> -> memref<64x32xf32, #tpu.memory_space<vmem_shared>>
      %dma_wait3A_99 = arith.constant 0 : i32
      %dma_wait3A_100 = tpu.memref_slice %arg11[%add3A_50, %dma_wait3A_99] : memref<10240x32xf32, #tpu.memory_space<vmem_shared>> -> memref<64x32xf32, #tpu.memory_space<vmem_shared>>
      tpu.wait_dma2 semaphore(%run_scoped3A : memref<!tpu.dma_semaphore, #tpu.memory_space<semaphore_mem>>) src(%arg9 : memref<64x32xf32, #tpu.memory_space<vmem>>) dst(%dma_wait3A_100 : memref<64x32xf32, #tpu.memory_space<vmem_shared>>)
      tpu.yield
    }) : () -> ()
    %mul3A_51 = arith.constant 640 : i32
    %mul3A_52 = arith.muli %arg1, %mul3A_51 : i32
    %add3A_53 = arith.constant 384 : i32
    %add3A_54 = arith.addi %mul3A_52, %add3A_53 : i32
    "tpu.region"() ({
      %run_scoped3A = tpu.sem_alloc : memref<!tpu.dma_semaphore, #tpu.memory_space<semaphore_mem>>
      %dma_start3A_93 = arith.constant 0 : i32
      %dma_start3A_94 = tpu.memref_slice %arg11[%add3A_54, %dma_start3A_93] : memref<10240x32xf32, #tpu.memory_space<vmem_shared>> -> memref<64x32xf32, #tpu.memory_space<vmem_shared>>
      %dma_start3A_95 = arith.constant 0 : i32
      %dma_start3A_96 = tpu.memref_slice %arg11[%add3A_54, %dma_start3A_95] : memref<10240x32xf32, #tpu.memory_space<vmem_shared>> -> memref<64x32xf32, #tpu.memory_space<vmem_shared>>
      tpu.enqueue_dma source(%arg9 : memref<64x32xf32, #tpu.memory_space<vmem>>) target(%dma_start3A_96 : memref<64x32xf32, #tpu.memory_space<vmem_shared>>) target_semaphore(%run_scoped3A : memref<!tpu.dma_semaphore, #tpu.memory_space<semaphore_mem>>)
      %dma_wait3A_97 = arith.constant 0 : i32
      %dma_wait3A_98 = tpu.memref_slice %arg11[%add3A_54, %dma_wait3A_97] : memref<10240x32xf32, #tpu.memory_space<vmem_shared>> -> memref<64x32xf32, #tpu.memory_space<vmem_shared>>
      %dma_wait3A_99 = arith.constant 0 : i32
      %dma_wait3A_100 = tpu.memref_slice %arg11[%add3A_54, %dma_wait3A_99] : memref<10240x32xf32, #tpu.memory_space<vmem_shared>> -> memref<64x32xf32, #tpu.memory_space<vmem_shared>>
      tpu.wait_dma2 semaphore(%run_scoped3A : memref<!tpu.dma_semaphore, #tpu.memory_space<semaphore_mem>>) src(%arg9 : memref<64x32xf32, #tpu.memory_space<vmem>>) dst(%dma_wait3A_100 : memref<64x32xf32, #tpu.memory_space<vmem_shared>>)
      tpu.yield
    }) : () -> ()
    %mul3A_55 = arith.constant 640 : i32
    %mul3A_56 = arith.muli %arg1, %mul3A_55 : i32
    %add3A_57 = arith.constant 448 : i32
    %add3A_58 = arith.addi %mul3A_56, %add3A_57 : i32
    "tpu.region"() ({
      %run_scoped3A = tpu.sem_alloc : memref<!tpu.dma_semaphore, #tpu.memory_space<semaphore_mem>>
      %dma_start3A_93 = arith.constant 0 : i32
      %dma_start3A_94 = tpu.memref_slice %arg11[%add3A_58, %dma_start3A_93] : memref<10240x32xf32, #tpu.memory_space<vmem_shared>> -> memref<64x32xf32, #tpu.memory_space<vmem_shared>>
      %dma_start3A_95 = arith.constant 0 : i32
      %dma_start3A_96 = tpu.memref_slice %arg11[%add3A_58, %dma_start3A_95] : memref<10240x32xf32, #tpu.memory_space<vmem_shared>> -> memref<64x32xf32, #tpu.memory_space<vmem_shared>>
      tpu.enqueue_dma source(%arg9 : memref<64x32xf32, #tpu.memory_space<vmem>>) target(%dma_start3A_96 : memref<64x32xf32, #tpu.memory_space<vmem_shared>>) target_semaphore(%run_scoped3A : memref<!tpu.dma_semaphore, #tpu.memory_space<semaphore_mem>>)
      %dma_wait3A_97 = arith.constant 0 : i32
      %dma_wait3A_98 = tpu.memref_slice %arg11[%add3A_58, %dma_wait3A_97] : memref<10240x32xf32, #tpu.memory_space<vmem_shared>> -> memref<64x32xf32, #tpu.memory_space<vmem_shared>>
      %dma_wait3A_99 = arith.constant 0 : i32
      %dma_wait3A_100 = tpu.memref_slice %arg11[%add3A_58, %dma_wait3A_99] : memref<10240x32xf32, #tpu.memory_space<vmem_shared>> -> memref<64x32xf32, #tpu.memory_space<vmem_shared>>
      tpu.wait_dma2 semaphore(%run_scoped3A : memref<!tpu.dma_semaphore, #tpu.memory_space<semaphore_mem>>) src(%arg9 : memref<64x32xf32, #tpu.memory_space<vmem>>) dst(%dma_wait3A_100 : memref<64x32xf32, #tpu.memory_space<vmem_shared>>)
      tpu.yield
    }) : () -> ()
    %mul3A_59 = arith.constant 640 : i32
    %mul3A_60 = arith.muli %arg1, %mul3A_59 : i32
    %add3A_61 = arith.constant 512 : i32
    %add3A_62 = arith.addi %mul3A_60, %add3A_61 : i32
    "tpu.region"() ({
      %run_scoped3A = tpu.sem_alloc : memref<!tpu.dma_semaphore, #tpu.memory_space<semaphore_mem>>
      %dma_start3A_93 = arith.constant 0 : i32
      %dma_start3A_94 = tpu.memref_slice %arg11[%add3A_62, %dma_start3A_93] : memref<10240x32xf32, #tpu.memory_space<vmem_shared>> -> memref<64x32xf32, #tpu.memory_space<vmem_shared>>
      %dma_start3A_95 = arith.constant 0 : i32
      %dma_start3A_96 = tpu.memref_slice %arg11[%add3A_62, %dma_start3A_95] : memref<10240x32xf32, #tpu.memory_space<vmem_shared>> -> memref<64x32xf32, #tpu.memory_space<vmem_shared>>
      tpu.enqueue_dma source(%arg9 : memref<64x32xf32, #tpu.memory_space<vmem>>) target(%dma_start3A_96 : memref<64x32xf32, #tpu.memory_space<vmem_shared>>) target_semaphore(%run_scoped3A : memref<!tpu.dma_semaphore, #tpu.memory_space<semaphore_mem>>)
      %dma_wait3A_97 = arith.constant 0 : i32
      %dma_wait3A_98 = tpu.memref_slice %arg11[%add3A_62, %dma_wait3A_97] : memref<10240x32xf32, #tpu.memory_space<vmem_shared>> -> memref<64x32xf32, #tpu.memory_space<vmem_shared>>
      %dma_wait3A_99 = arith.constant 0 : i32
      %dma_wait3A_100 = tpu.memref_slice %arg11[%add3A_62, %dma_wait3A_99] : memref<10240x32xf32, #tpu.memory_space<vmem_shared>> -> memref<64x32xf32, #tpu.memory_space<vmem_shared>>
      tpu.wait_dma2 semaphore(%run_scoped3A : memref<!tpu.dma_semaphore, #tpu.memory_space<semaphore_mem>>) src(%arg9 : memref<64x32xf32, #tpu.memory_space<vmem>>) dst(%dma_wait3A_100 : memref<64x32xf32, #tpu.memory_space<vmem_shared>>)
      tpu.yield
    }) : () -> ()
    %mul3A_63 = arith.constant 640 : i32
    %mul3A_64 = arith.muli %arg1, %mul3A_63 : i32
    %add3A_65 = arith.constant 576 : i32
    %add3A_66 = arith.addi %mul3A_64, %add3A_65 : i32
    "tpu.region"() ({
      %run_scoped3A = tpu.sem_alloc : memref<!tpu.dma_semaphore, #tpu.memory_space<semaphore_mem>>
      %dma_start3A_93 = arith.constant 0 : i32
      %dma_start3A_94 = tpu.memref_slice %arg11[%add3A_66, %dma_start3A_93] : memref<10240x32xf32, #tpu.memory_space<vmem_shared>> -> memref<64x32xf32, #tpu.memory_space<vmem_shared>>
      %dma_start3A_95 = arith.constant 0 : i32
      %dma_start3A_96 = tpu.memref_slice %arg11[%add3A_66, %dma_start3A_95] : memref<10240x32xf32, #tpu.memory_space<vmem_shared>> -> memref<64x32xf32, #tpu.memory_space<vmem_shared>>
      tpu.enqueue_dma source(%arg9 : memref<64x32xf32, #tpu.memory_space<vmem>>) target(%dma_start3A_96 : memref<64x32xf32, #tpu.memory_space<vmem_shared>>) target_semaphore(%run_scoped3A : memref<!tpu.dma_semaphore, #tpu.memory_space<semaphore_mem>>)
      %dma_wait3A_97 = arith.constant 0 : i32
      %dma_wait3A_98 = tpu.memref_slice %arg11[%add3A_66, %dma_wait3A_97] : memref<10240x32xf32, #tpu.memory_space<vmem_shared>> -> memref<64x32xf32, #tpu.memory_space<vmem_shared>>
      %dma_wait3A_99 = arith.constant 0 : i32
      %dma_wait3A_100 = tpu.memref_slice %arg11[%add3A_66, %dma_wait3A_99] : memref<10240x32xf32, #tpu.memory_space<vmem_shared>> -> memref<64x32xf32, #tpu.memory_space<vmem_shared>>
      tpu.wait_dma2 semaphore(%run_scoped3A : memref<!tpu.dma_semaphore, #tpu.memory_space<semaphore_mem>>) src(%arg9 : memref<64x32xf32, #tpu.memory_space<vmem>>) dst(%dma_wait3A_100 : memref<64x32xf32, #tpu.memory_space<vmem_shared>>)
      tpu.yield
    }) : () -> ()
    %dma_wait3A = arith.constant 0 : i32
    %dma_wait3A_67 = tpu.memref_slice %arg10[%mul3A_11, %dma_wait3A] : memref<10240x32xf32, #tpu.memory_space<vmem_shared>> -> memref<640x32xf32, #tpu.memory_space<vmem_shared>>
    %dma_wait3A_68 = arith.constant 0 : i32
    %dma_wait3A_69 = tpu.memref_slice %arg4[%mul3A_9, %dma_wait3A_68] : memref<10240x32xf32, #tpu.memory_space<hbm>> -> memref<640x32xf32, #tpu.memory_space<hbm>>
    tpu.wait_dma2 semaphore(%arg14 : memref<!tpu.dma_semaphore, #tpu.memory_space<semaphore_mem>>) src(%dma_wait3A_69 : memref<640x32xf32, #tpu.memory_space<hbm>>) dst(%dma_wait3A_67 : memref<640x32xf32, #tpu.memory_space<vmem_shared>>)
    %dma_wait3A_70 = arith.constant 0 : i32
    %dma_wait3A_71 = tpu.memref_slice %arg2[%mul3A_16, %dma_wait3A_70] : memref<2560x128xi32, #tpu.memory_space<hbm>> -> memref<80x128xi32, #tpu.memory_space<hbm>>
    %dma_wait3A_72 = arith.constant 0 : i32
    %dma_wait3A_73 = tpu.memref_slice %arg2[%mul3A_16, %dma_wait3A_72] : memref<2560x128xi32, #tpu.memory_space<hbm>> -> memref<80x128xi32, #tpu.memory_space<hbm>>
    tpu.wait_dma2 semaphore(%arg12 : memref<!tpu.dma_semaphore, #tpu.memory_space<semaphore_mem>>) src(%dma_wait3A_73 : memref<80x128xi32, #tpu.memory_space<hbm>>) dst(%arg6 : memref<80x128xi32, #tpu.memory_space<vmem>>)
    %dma_wait3A_74 = arith.constant 0 : i32
    %dma_wait3A_75 = tpu.memref_slice %arg3[%mul3A_22, %dma_wait3A_74] : memref<2560x128xi32, #tpu.memory_space<hbm>> -> memref<80x128xi32, #tpu.memory_space<hbm>>
    %dma_wait3A_76 = arith.constant 0 : i32
    %dma_wait3A_77 = tpu.memref_slice %arg3[%mul3A_22, %dma_wait3A_76] : memref<2560x128xi32, #tpu.memory_space<hbm>> -> memref<80x128xi32, #tpu.memory_space<hbm>>
    tpu.wait_dma2 semaphore(%arg13 : memref<!tpu.dma_semaphore, #tpu.memory_space<semaphore_mem>>) src(%dma_wait3A_77 : memref<80x128xi32, #tpu.memory_space<hbm>>) dst(%arg7 : memref<80x128xi32, #tpu.memory_space<vmem>>)
    %barrier3A = arith.constant 0 : index
    tpu.barrier barrier_id(%barrier3A)
    %scan3A_78 = arith.constant 0 : i32
    %scan3A_79 = arith.constant 0 : i32
    %scan3A_80 = arith.constant 80 : i32
    %scan3A_81 = arith.addi %scan3A_79, %scan3A_80 : i32
    %scan3A_82 = arith.constant 1 : i32
    %scan3A_83 = scf.for %scan3A_93 = %scan3A_79 to %scan3A_81 step %scan3A_82 iter_args(%scan3A_94 = %scan3A_78) -> (i32)  : i32 {
      %dma_start3A_95 = arith.constant 0 : i32
      %dma_start3A_96 = tpu.memref_slice %arg6[%scan3A_93, %dma_start3A_95] : memref<80x128xi32, #tpu.memory_space<vmem>> -> memref<1x128xi32, #tpu.memory_space<vmem>>
      %dma_start3A_97 = tpu.memref_squeeze %dma_start3A_96 : memref<1x128xi32, #tpu.memory_space<vmem>> -> memref<128xi32, #tpu.memory_space<vmem>>
      %dma_start3A_98 = arith.constant 0 : i32
      %dma_start3A_99 = arith.constant 0 : i32
      %dma_start3A_100 = tpu.memref_slice %arg10[%dma_start3A_98, %dma_start3A_99] : memref<10240x32xf32, #tpu.memory_space<vmem_shared>> -> memref<10240x32xf32, #tpu.memory_space<vmem_shared>>
      tpu.enqueue_indirect_dma source(%dma_start3A_100 : memref<10240x32xf32, #tpu.memory_space<vmem_shared>>) target(%arg8 : memref<128x32xf32, #tpu.memory_space<vmem>>) offsets(%dma_start3A_97 : memref<128xi32, #tpu.memory_space<vmem>>) semaphore(%arg12 : memref<!tpu.dma_semaphore, #tpu.memory_space<semaphore_mem>>)
      %dma_wait3A_101 = arith.constant 0 : i32
      %dma_wait3A_102 = tpu.memref_slice %arg6[%scan3A_93, %dma_wait3A_101] : memref<80x128xi32, #tpu.memory_space<vmem>> -> memref<1x128xi32, #tpu.memory_space<vmem>>
      %dma_wait3A_103 = tpu.memref_squeeze %dma_wait3A_102 : memref<1x128xi32, #tpu.memory_space<vmem>> -> memref<128xi32, #tpu.memory_space<vmem>>
      %dma_wait3A_104 = arith.constant 0 : i32
      %dma_wait3A_105 = arith.constant 0 : i32
      %dma_wait3A_106 = tpu.memref_slice %arg10[%dma_wait3A_104, %dma_wait3A_105] : memref<10240x32xf32, #tpu.memory_space<vmem_shared>> -> memref<10240x32xf32, #tpu.memory_space<vmem_shared>>
      tpu.wait_indirect_dma semaphore(%arg12 : memref<!tpu.dma_semaphore, #tpu.memory_space<semaphore_mem>>) src(%dma_wait3A_106 : memref<10240x32xf32, #tpu.memory_space<vmem_shared>>) dst(%arg8 : memref<128x32xf32, #tpu.memory_space<vmem>>)
      "tpu.region"() ({
        %run_scoped3A = tpu.sem_alloc : memref<!tpu.dma_semaphore, #tpu.memory_space<semaphore_mem>>
        %dma_start3A_108 = arith.constant 0 : i32
        %dma_start3A_109 = tpu.memref_slice %arg7[%scan3A_93, %dma_start3A_108] : memref<80x128xi32, #tpu.memory_space<vmem>> -> memref<1x128xi32, #tpu.memory_space<vmem>>
        %dma_start3A_110 = tpu.memref_squeeze %dma_start3A_109 : memref<1x128xi32, #tpu.memory_space<vmem>> -> memref<128xi32, #tpu.memory_space<vmem>>
        %dma_start3A_111 = arith.constant 0 : i32
        %dma_start3A_112 = arith.constant 0 : i32
        %dma_start3A_113 = tpu.memref_slice %arg11[%dma_start3A_111, %dma_start3A_112] : memref<10240x32xf32, #tpu.memory_space<vmem_shared>> -> memref<10240x32xf32, #tpu.memory_space<vmem_shared>>
        tpu.enqueue_indirect_dma source(%arg8 : memref<128x32xf32, #tpu.memory_space<vmem>>) target(%dma_start3A_113 : memref<10240x32xf32, #tpu.memory_space<vmem_shared>>) offsets(%dma_start3A_110 : memref<128xi32, #tpu.memory_space<vmem>>) semaphore(%run_scoped3A : memref<!tpu.dma_semaphore, #tpu.memory_space<semaphore_mem>>) {add = true}
        %dma_wait3A_114 = arith.constant 0 : i32
        %dma_wait3A_115 = tpu.memref_slice %arg7[%scan3A_93, %dma_wait3A_114] : memref<80x128xi32, #tpu.memory_space<vmem>> -> memref<1x128xi32, #tpu.memory_space<vmem>>
        %dma_wait3A_116 = tpu.memref_squeeze %dma_wait3A_115 : memref<1x128xi32, #tpu.memory_space<vmem>> -> memref<128xi32, #tpu.memory_space<vmem>>
        %dma_wait3A_117 = arith.constant 0 : i32
        %dma_wait3A_118 = arith.constant 0 : i32
        %dma_wait3A_119 = tpu.memref_slice %arg11[%dma_wait3A_117, %dma_wait3A_118] : memref<10240x32xf32, #tpu.memory_space<vmem_shared>> -> memref<10240x32xf32, #tpu.memory_space<vmem_shared>>
        tpu.wait_indirect_dma semaphore(%run_scoped3A : memref<!tpu.dma_semaphore, #tpu.memory_space<semaphore_mem>>) src(%arg8 : memref<128x32xf32, #tpu.memory_space<vmem>>) dst(%dma_wait3A_119 : memref<10240x32xf32, #tpu.memory_space<vmem_shared>>)
        tpu.yield
      }) : () -> ()
      %scan3A_107 = arith.constant 0 : i32
      scf.yield %scan3A_107 : i32
    }
    %scan3A_84 = arith.constant 80 : i32
    %barrier3A_85 = arith.constant 0 : index
    tpu.barrier barrier_id(%barrier3A_85)
    %mul3A_86 = arith.constant 640 : i32
    %mul3A_87 = arith.muli %arg1, %mul3A_86 : i32
    %mul3A_88 = arith.constant 10240 : i32
    %mul3A_89 = arith.muli %arg0, %mul3A_88 : i32
    %mul3A_90 = arith.constant 640 : i32
    %mul3A_91 = arith.muli %arg1, %mul3A_90 : i32
    %add3A_92 = arith.addi %mul3A_89, %mul3A_91 : i32
    "tpu.region"() ({
      %run_scoped3A = tpu.sem_alloc : memref<!tpu.dma_semaphore, #tpu.memory_space<semaphore_mem>>
      %dma_start3A_93 = arith.constant 0 : i32
      %dma_start3A_94 = tpu.memref_slice %arg5[%add3A_92, %dma_start3A_93] : memref<20480x32xf32, #tpu.memory_space<hbm>> -> memref<640x32xf32, #tpu.memory_space<hbm>>
      %dma_start3A_95 = arith.constant 0 : i32
      %dma_start3A_96 = tpu.memref_slice %arg11[%mul3A_87, %dma_start3A_95] : memref<10240x32xf32, #tpu.memory_space<vmem_shared>> -> memref<640x32xf32, #tpu.memory_space<vmem_shared>>
      tpu.enqueue_dma source(%dma_start3A_96 : memref<640x32xf32, #tpu.memory_space<vmem_shared>>) target(%dma_start3A_94 : memref<640x32xf32, #tpu.memory_space<hbm>>) target_semaphore(%run_scoped3A : memref<!tpu.dma_semaphore, #tpu.memory_space<semaphore_mem>>)
      %dma_wait3A_97 = arith.constant 0 : i32
      %dma_wait3A_98 = tpu.memref_slice %arg5[%add3A_92, %dma_wait3A_97] : memref<20480x32xf32, #tpu.memory_space<hbm>> -> memref<640x32xf32, #tpu.memory_space<hbm>>
      %dma_wait3A_99 = arith.constant 0 : i32
      %dma_wait3A_100 = tpu.memref_slice %arg11[%mul3A_87, %dma_wait3A_99] : memref<10240x32xf32, #tpu.memory_space<vmem_shared>> -> memref<640x32xf32, #tpu.memory_space<vmem_shared>>
      tpu.wait_dma2 semaphore(%run_scoped3A : memref<!tpu.dma_semaphore, #tpu.memory_space<semaphore_mem>>) src(%dma_wait3A_100 : memref<640x32xf32, #tpu.memory_space<vmem_shared>>) dst(%dma_wait3A_98 : memref<640x32xf32, #tpu.memory_space<hbm>>)
      tpu.yield
    }) : () -> ()
    return
  }
}

#map = affine_map<(d0, d1) -> (0, 0)>
module attributes {stable_mosaic.version = 14 : i64} {
  func.func @_sc_spmm(%arg0: i32, %arg1: i32, %arg2: memref<2560x128xi32, #tpu.memory_space<hbm>>, %arg3: memref<2560x128xi32, #tpu.memory_space<hbm>>, %arg4: memref<10240x32xf32, #tpu.memory_space<hbm>>, %arg5: memref<20480x32xf32, #tpu.memory_space<hbm>>, %arg6: memref<80x128xi32, #tpu.memory_space<vmem>>, %arg7: memref<80x128xi32, #tpu.memory_space<vmem>>, %arg8: memref<128x32xf32, #tpu.memory_space<vmem>>, %arg9: memref<64x32xf32, #tpu.memory_space<vmem>>, %arg10: memref<10240x32xf32, #tpu.memory_space<vmem_shared>>, %arg11: memref<10240x32xf32, #tpu.memory_space<vmem_shared>>, %arg12: memref<!tpu.dma_semaphore, #tpu.memory_space<semaphore_mem>>, %arg13: memref<!tpu.dma_semaphore, #tpu.memory_space<semaphore_mem>>, %arg14: memref<!tpu.dma_semaphore, #tpu.memory_space<semaphore_mem>>) attributes {dimension_semantics = [#tpu.dimension_semantics<core_parallel>, #tpu.dimension_semantics<subcore_parallel>], iteration_bounds = array<i64: 2, 16>, scalar_prefetch = 0 : i64, scratch_operands = 9 : i64, tpu.core_type = #tpu.core_type<sc_vector_subcore>, window_params = [{transform_indices = #map}, {transform_indices = #map}, {transform_indices = #map}, {transform_indices = #map}]} {
    %mul3A = arith.constant 2 : i32
    %mul3A_0 = arith.muli %arg1, %mul3A : i32
    %add3A = arith.addi %mul3A_0, %arg0 : i32
    %broadcast_in_dim3A = arith.constant 0.000000e+00 : f32
    %broadcast_in_dim3A_1 = vector.broadcast %broadcast_in_dim3A : f32 to vector<16xf32>
    %scan3A = arith.constant 0 : i32
    %scan3A_2 = arith.constant 0 : i32
    %scan3A_3 = arith.constant 64 : i32
    %scan3A_4 = arith.addi %scan3A_2, %scan3A_3 : i32
    %scan3A_5 = arith.constant 1 : i32
    %scan3A_6 = scf.for %scan3A_93 = %scan3A_2 to %scan3A_4 step %scan3A_5 iter_args(%scan3A_94 = %scan3A) -> (i32)  : i32 {
      %swap3A = arith.index_cast %scan3A_93 : i32 to index
      %swap3A_95 = arith.constant 0 : index
      %swap3A_96 = tpu.vector_load %arg9[%swap3A, %swap3A_95] {strides = array<i32>} : memref<64x32xf32, #tpu.memory_space<vmem>>, vector<16xf32>,
      tpu.vector_store %arg9[%swap3A, %swap3A_95], %broadcast_in_dim3A_1 {strides = array<i32>} : memref<64x32xf32, #tpu.memory_space<vmem>>, vector<16xf32>,
      %swap3A_97 = arith.index_cast %scan3A_93 : i32 to index
      %swap3A_98 = arith.constant 16 : index
      %swap3A_99 = tpu.vector_load %arg9[%swap3A_97, %swap3A_98] {strides = array<i32>} : memref<64x32xf32, #tpu.memory_space<vmem>>, vector<16xf32>,
      tpu.vector_store %arg9[%swap3A_97, %swap3A_98], %broadcast_in_dim3A_1 {strides = array<i32>} : memref<64x32xf32, #tpu.memory_space<vmem>>, vector<16xf32>,
      %scan3A_100 = arith.constant 0 : i32
      scf.yield %scan3A_100 : i32
    }
    %scan3A_7 = arith.constant 64 : i32
    %mul3A_8 = arith.constant 640 : i32
    %mul3A_9 = arith.muli %arg1, %mul3A_8 : i32
    %mul3A_10 = arith.constant 640 : i32
    %mul3A_11 = arith.muli %arg1, %mul3A_10 : i32
    %dma_start3A = arith.constant 0 : i32
    %dma_start3A_12 = tpu.memref_slice %arg10[%mul3A_11, %dma_start3A] : memref<10240x32xf32, #tpu.memory_space<vmem_shared>> -> memref<640x32xf32, #tpu.memory_space<vmem_shared>>
    %dma_start3A_13 = arith.constant 0 : i32
    %dma_start3A_14 = tpu.memref_slice %arg4[%mul3A_9, %dma_start3A_13] : memref<10240x32xf32, #tpu.memory_space<hbm>> -> memref<640x32xf32, #tpu.memory_space<hbm>>
    tpu.enqueue_dma source(%dma_start3A_14 : memref<640x32xf32, #tpu.memory_space<hbm>>) target(%dma_start3A_12 : memref<640x32xf32, #tpu.memory_space<vmem_shared>>) target_semaphore(%arg14 : memref<!tpu.dma_semaphore, #tpu.memory_space<semaphore_mem>>)
    %mul3A_15 = arith.constant 80 : i32
    %mul3A_16 = arith.muli %add3A, %mul3A_15 : i32
    %dma_start3A_17 = arith.constant 0 : i32
    %dma_start3A_18 = tpu.memref_slice %arg2[%mul3A_16, %dma_start3A_17] : memref<2560x128xi32, #tpu.memory_space<hbm>> -> memref<80x128xi32, #tpu.memory_space<hbm>>
    %dma_start3A_19 = arith.constant 0 : i32
    %dma_start3A_20 = tpu.memref_slice %arg2[%mul3A_16, %dma_start3A_19] : memref<2560x128xi32, #tpu.memory_space<hbm>> -> memref<80x128xi32, #tpu.memory_space<hbm>>
    tpu.enqueue_dma source(%dma_start3A_20 : memref<80x128xi32, #tpu.memory_space<hbm>>) target(%arg6 : memref<80x128xi32, #tpu.memory_space<vmem>>) target_semaphore(%arg12 : memref<!tpu.dma_semaphore, #tpu.memory_space<semaphore_mem>>)
    %mul3A_21 = arith.constant 80 : i32
    %mul3A_22 = arith.muli %add3A, %mul3A_21 : i32
    %dma_start3A_23 = arith.constant 0 : i32
    %dma_start3A_24 = tpu.memref_slice %arg3[%mul3A_22, %dma_start3A_23] : memref<2560x128xi32, #tpu.memory_space<hbm>> -> memref<80x128xi32, #tpu.memory_space<hbm>>
    %dma_start3A_25 = arith.constant 0 : i32
    %dma_start3A_26 = tpu.memref_slice %arg3[%mul3A_22, %dma_start3A_25] : memref<2560x128xi32, #tpu.memory_space<hbm>> -> memref<80x128xi32, #tpu.memory_space<hbm>>
    tpu.enqueue_dma source(%dma_start3A_26 : memref<80x128xi32, #tpu.memory_space<hbm>>) target(%arg7 : memref<80x128xi32, #tpu.memory_space<vmem>>) target_semaphore(%arg13 : memref<!tpu.dma_semaphore, #tpu.memory_space<semaphore_mem>>)
    %mul3A_27 = arith.constant 640 : i32
    %mul3A_28 = arith.muli %arg1, %mul3A_27 : i32
    %add3A_29 = arith.constant 0 : i32
    %add3A_30 = arith.addi %mul3A_28, %add3A_29 : i32
    "tpu.region"() ({
      %run_scoped3A = tpu.sem_alloc : memref<!tpu.dma_semaphore, #tpu.memory_space<semaphore_mem>>
      %dma_start3A_93 = arith.constant 0 : i32
      %dma_start3A_94 = tpu.memref_slice %arg11[%add3A_30, %dma_start3A_93] : memref<10240x32xf32, #tpu.memory_space<vmem_shared>> -> memref<64x32xf32, #tpu.memory_space<vmem_shared>>
      %dma_start3A_95 = arith.constant 0 : i32
      %dma_start3A_96 = tpu.memref_slice %arg11[%add3A_30, %dma_start3A_95] : memref<10240x32xf32, #tpu.memory_space<vmem_shared>> -> memref<64x32xf32, #tpu.memory_space<vmem_shared>>
      tpu.enqueue_dma source(%arg9 : memref<64x32xf32, #tpu.memory_space<vmem>>) target(%dma_start3A_96 : memref<64x32xf32, #tpu.memory_space<vmem_shared>>) target_semaphore(%run_scoped3A : memref<!tpu.dma_semaphore, #tpu.memory_space<semaphore_mem>>)
      %dma_wait3A_97 = arith.constant 0 : i32
      %dma_wait3A_98 = tpu.memref_slice %arg11[%add3A_30, %dma_wait3A_97] : memref<10240x32xf32, #tpu.memory_space<vmem_shared>> -> memref<64x32xf32, #tpu.memory_space<vmem_shared>>
      %dma_wait3A_99 = arith.constant 0 : i32
      %dma_wait3A_100 = tpu.memref_slice %arg11[%add3A_30, %dma_wait3A_99] : memref<10240x32xf32, #tpu.memory_space<vmem_shared>> -> memref<64x32xf32, #tpu.memory_space<vmem_shared>>
      tpu.wait_dma2 semaphore(%run_scoped3A : memref<!tpu.dma_semaphore, #tpu.memory_space<semaphore_mem>>) src(%arg9 : memref<64x32xf32, #tpu.memory_space<vmem>>) dst(%dma_wait3A_100 : memref<64x32xf32, #tpu.memory_space<vmem_shared>>)
      tpu.yield
    }) : () -> ()
    %mul3A_31 = arith.constant 640 : i32
    %mul3A_32 = arith.muli %arg1, %mul3A_31 : i32
    %add3A_33 = arith.constant 64 : i32
    %add3A_34 = arith.addi %mul3A_32, %add3A_33 : i32
    "tpu.region"() ({
      %run_scoped3A = tpu.sem_alloc : memref<!tpu.dma_semaphore, #tpu.memory_space<semaphore_mem>>
      %dma_start3A_93 = arith.constant 0 : i32
      %dma_start3A_94 = tpu.memref_slice %arg11[%add3A_34, %dma_start3A_93] : memref<10240x32xf32, #tpu.memory_space<vmem_shared>> -> memref<64x32xf32, #tpu.memory_space<vmem_shared>>
      %dma_start3A_95 = arith.constant 0 : i32
      %dma_start3A_96 = tpu.memref_slice %arg11[%add3A_34, %dma_start3A_95] : memref<10240x32xf32, #tpu.memory_space<vmem_shared>> -> memref<64x32xf32, #tpu.memory_space<vmem_shared>>
      tpu.enqueue_dma source(%arg9 : memref<64x32xf32, #tpu.memory_space<vmem>>) target(%dma_start3A_96 : memref<64x32xf32, #tpu.memory_space<vmem_shared>>) target_semaphore(%run_scoped3A : memref<!tpu.dma_semaphore, #tpu.memory_space<semaphore_mem>>)
      %dma_wait3A_97 = arith.constant 0 : i32
      %dma_wait3A_98 = tpu.memref_slice %arg11[%add3A_34, %dma_wait3A_97] : memref<10240x32xf32, #tpu.memory_space<vmem_shared>> -> memref<64x32xf32, #tpu.memory_space<vmem_shared>>
      %dma_wait3A_99 = arith.constant 0 : i32
      %dma_wait3A_100 = tpu.memref_slice %arg11[%add3A_34, %dma_wait3A_99] : memref<10240x32xf32, #tpu.memory_space<vmem_shared>> -> memref<64x32xf32, #tpu.memory_space<vmem_shared>>
      tpu.wait_dma2 semaphore(%run_scoped3A : memref<!tpu.dma_semaphore, #tpu.memory_space<semaphore_mem>>) src(%arg9 : memref<64x32xf32, #tpu.memory_space<vmem>>) dst(%dma_wait3A_100 : memref<64x32xf32, #tpu.memory_space<vmem_shared>>)
      tpu.yield
    }) : () -> ()
    %mul3A_35 = arith.constant 640 : i32
    %mul3A_36 = arith.muli %arg1, %mul3A_35 : i32
    %add3A_37 = arith.constant 128 : i32
    %add3A_38 = arith.addi %mul3A_36, %add3A_37 : i32
    "tpu.region"() ({
      %run_scoped3A = tpu.sem_alloc : memref<!tpu.dma_semaphore, #tpu.memory_space<semaphore_mem>>
      %dma_start3A_93 = arith.constant 0 : i32
      %dma_start3A_94 = tpu.memref_slice %arg11[%add3A_38, %dma_start3A_93] : memref<10240x32xf32, #tpu.memory_space<vmem_shared>> -> memref<64x32xf32, #tpu.memory_space<vmem_shared>>
      %dma_start3A_95 = arith.constant 0 : i32
      %dma_start3A_96 = tpu.memref_slice %arg11[%add3A_38, %dma_start3A_95] : memref<10240x32xf32, #tpu.memory_space<vmem_shared>> -> memref<64x32xf32, #tpu.memory_space<vmem_shared>>
      tpu.enqueue_dma source(%arg9 : memref<64x32xf32, #tpu.memory_space<vmem>>) target(%dma_start3A_96 : memref<64x32xf32, #tpu.memory_space<vmem_shared>>) target_semaphore(%run_scoped3A : memref<!tpu.dma_semaphore, #tpu.memory_space<semaphore_mem>>)
      %dma_wait3A_97 = arith.constant 0 : i32
      %dma_wait3A_98 = tpu.memref_slice %arg11[%add3A_38, %dma_wait3A_97] : memref<10240x32xf32, #tpu.memory_space<vmem_shared>> -> memref<64x32xf32, #tpu.memory_space<vmem_shared>>
      %dma_wait3A_99 = arith.constant 0 : i32
      %dma_wait3A_100 = tpu.memref_slice %arg11[%add3A_38, %dma_wait3A_99] : memref<10240x32xf32, #tpu.memory_space<vmem_shared>> -> memref<64x32xf32, #tpu.memory_space<vmem_shared>>
      tpu.wait_dma2 semaphore(%run_scoped3A : memref<!tpu.dma_semaphore, #tpu.memory_space<semaphore_mem>>) src(%arg9 : memref<64x32xf32, #tpu.memory_space<vmem>>) dst(%dma_wait3A_100 : memref<64x32xf32, #tpu.memory_space<vmem_shared>>)
      tpu.yield
    }) : () -> ()
    %mul3A_39 = arith.constant 640 : i32
    %mul3A_40 = arith.muli %arg1, %mul3A_39 : i32
    %add3A_41 = arith.constant 192 : i32
    %add3A_42 = arith.addi %mul3A_40, %add3A_41 : i32
    "tpu.region"() ({
      %run_scoped3A = tpu.sem_alloc : memref<!tpu.dma_semaphore, #tpu.memory_space<semaphore_mem>>
      %dma_start3A_93 = arith.constant 0 : i32
      %dma_start3A_94 = tpu.memref_slice %arg11[%add3A_42, %dma_start3A_93] : memref<10240x32xf32, #tpu.memory_space<vmem_shared>> -> memref<64x32xf32, #tpu.memory_space<vmem_shared>>
      %dma_start3A_95 = arith.constant 0 : i32
      %dma_start3A_96 = tpu.memref_slice %arg11[%add3A_42, %dma_start3A_95] : memref<10240x32xf32, #tpu.memory_space<vmem_shared>> -> memref<64x32xf32, #tpu.memory_space<vmem_shared>>
      tpu.enqueue_dma source(%arg9 : memref<64x32xf32, #tpu.memory_space<vmem>>) target(%dma_start3A_96 : memref<64x32xf32, #tpu.memory_space<vmem_shared>>) target_semaphore(%run_scoped3A : memref<!tpu.dma_semaphore, #tpu.memory_space<semaphore_mem>>)
      %dma_wait3A_97 = arith.constant 0 : i32
      %dma_wait3A_98 = tpu.memref_slice %arg11[%add3A_42, %dma_wait3A_97] : memref<10240x32xf32, #tpu.memory_space<vmem_shared>> -> memref<64x32xf32, #tpu.memory_space<vmem_shared>>
      %dma_wait3A_99 = arith.constant 0 : i32
      %dma_wait3A_100 = tpu.memref_slice %arg11[%add3A_42, %dma_wait3A_99] : memref<10240x32xf32, #tpu.memory_space<vmem_shared>> -> memref<64x32xf32, #tpu.memory_space<vmem_shared>>
      tpu.wait_dma2 semaphore(%run_scoped3A : memref<!tpu.dma_semaphore, #tpu.memory_space<semaphore_mem>>) src(%arg9 : memref<64x32xf32, #tpu.memory_space<vmem>>) dst(%dma_wait3A_100 : memref<64x32xf32, #tpu.memory_space<vmem_shared>>)
      tpu.yield
    }) : () -> ()
    %mul3A_43 = arith.constant 640 : i32
    %mul3A_44 = arith.muli %arg1, %mul3A_43 : i32
    %add3A_45 = arith.constant 256 : i32
    %add3A_46 = arith.addi %mul3A_44, %add3A_45 : i32
    "tpu.region"() ({
      %run_scoped3A = tpu.sem_alloc : memref<!tpu.dma_semaphore, #tpu.memory_space<semaphore_mem>>
      %dma_start3A_93 = arith.constant 0 : i32
      %dma_start3A_94 = tpu.memref_slice %arg11[%add3A_46, %dma_start3A_93] : memref<10240x32xf32, #tpu.memory_space<vmem_shared>> -> memref<64x32xf32, #tpu.memory_space<vmem_shared>>
      %dma_start3A_95 = arith.constant 0 : i32
      %dma_start3A_96 = tpu.memref_slice %arg11[%add3A_46, %dma_start3A_95] : memref<10240x32xf32, #tpu.memory_space<vmem_shared>> -> memref<64x32xf32, #tpu.memory_space<vmem_shared>>
      tpu.enqueue_dma source(%arg9 : memref<64x32xf32, #tpu.memory_space<vmem>>) target(%dma_start3A_96 : memref<64x32xf32, #tpu.memory_space<vmem_shared>>) target_semaphore(%run_scoped3A : memref<!tpu.dma_semaphore, #tpu.memory_space<semaphore_mem>>)
      %dma_wait3A_97 = arith.constant 0 : i32
      %dma_wait3A_98 = tpu.memref_slice %arg11[%add3A_46, %dma_wait3A_97] : memref<10240x32xf32, #tpu.memory_space<vmem_shared>> -> memref<64x32xf32, #tpu.memory_space<vmem_shared>>
      %dma_wait3A_99 = arith.constant 0 : i32
      %dma_wait3A_100 = tpu.memref_slice %arg11[%add3A_46, %dma_wait3A_99] : memref<10240x32xf32, #tpu.memory_space<vmem_shared>> -> memref<64x32xf32, #tpu.memory_space<vmem_shared>>
      tpu.wait_dma2 semaphore(%run_scoped3A : memref<!tpu.dma_semaphore, #tpu.memory_space<semaphore_mem>>) src(%arg9 : memref<64x32xf32, #tpu.memory_space<vmem>>) dst(%dma_wait3A_100 : memref<64x32xf32, #tpu.memory_space<vmem_shared>>)
      tpu.yield
    }) : () -> ()
    %mul3A_47 = arith.constant 640 : i32
    %mul3A_48 = arith.muli %arg1, %mul3A_47 : i32
    %add3A_49 = arith.constant 320 : i32
    %add3A_50 = arith.addi %mul3A_48, %add3A_49 : i32
    "tpu.region"() ({
      %run_scoped3A = tpu.sem_alloc : memref<!tpu.dma_semaphore, #tpu.memory_space<semaphore_mem>>
      %dma_start3A_93 = arith.constant 0 : i32
      %dma_start3A_94 = tpu.memref_slice %arg11[%add3A_50, %dma_start3A_93] : memref<10240x32xf32, #tpu.memory_space<vmem_shared>> -> memref<64x32xf32, #tpu.memory_space<vmem_shared>>
      %dma_start3A_95 = arith.constant 0 : i32
      %dma_start3A_96 = tpu.memref_slice %arg11[%add3A_50, %dma_start3A_95] : memref<10240x32xf32, #tpu.memory_space<vmem_shared>> -> memref<64x32xf32, #tpu.memory_space<vmem_shared>>
      tpu.enqueue_dma source(%arg9 : memref<64x32xf32, #tpu.memory_space<vmem>>) target(%dma_start3A_96 : memref<64x32xf32, #tpu.memory_space<vmem_shared>>) target_semaphore(%run_scoped3A : memref<!tpu.dma_semaphore, #tpu.memory_space<semaphore_mem>>)
      %dma_wait3A_97 = arith.constant 0 : i32
      %dma_wait3A_98 = tpu.memref_slice %arg11[%add3A_50, %dma_wait3A_97] : memref<10240x32xf32, #tpu.memory_space<vmem_shared>> -> memref<64x32xf32, #tpu.memory_space<vmem_shared>>
      %dma_wait3A_99 = arith.constant 0 : i32
      %dma_wait3A_100 = tpu.memref_slice %arg11[%add3A_50, %dma_wait3A_99] : memref<10240x32xf32, #tpu.memory_space<vmem_shared>> -> memref<64x32xf32, #tpu.memory_space<vmem_shared>>
      tpu.wait_dma2 semaphore(%run_scoped3A : memref<!tpu.dma_semaphore, #tpu.memory_space<semaphore_mem>>) src(%arg9 : memref<64x32xf32, #tpu.memory_space<vmem>>) dst(%dma_wait3A_100 : memref<64x32xf32, #tpu.memory_space<vmem_shared>>)
      tpu.yield
    }) : () -> ()
    %mul3A_51 = arith.constant 640 : i32
    %mul3A_52 = arith.muli %arg1, %mul3A_51 : i32
    %add3A_53 = arith.constant 384 : i32
    %add3A_54 = arith.addi %mul3A_52, %add3A_53 : i32
    "tpu.region"() ({
      %run_scoped3A = tpu.sem_alloc : memref<!tpu.dma_semaphore, #tpu.memory_space<semaphore_mem>>
      %dma_start3A_93 = arith.constant 0 : i32
      %dma_start3A_94 = tpu.memref_slice %arg11[%add3A_54, %dma_start3A_93] : memref<10240x32xf32, #tpu.memory_space<vmem_shared>> -> memref<64x32xf32, #tpu.memory_space<vmem_shared>>
      %dma_start3A_95 = arith.constant 0 : i32
      %dma_start3A_96 = tpu.memref_slice %arg11[%add3A_54, %dma_start3A_95] : memref<10240x32xf32, #tpu.memory_space<vmem_shared>> -> memref<64x32xf32, #tpu.memory_space<vmem_shared>>
      tpu.enqueue_dma source(%arg9 : memref<64x32xf32, #tpu.memory_space<vmem>>) target(%dma_start3A_96 : memref<64x32xf32, #tpu.memory_space<vmem_shared>>) target_semaphore(%run_scoped3A : memref<!tpu.dma_semaphore, #tpu.memory_space<semaphore_mem>>)
      %dma_wait3A_97 = arith.constant 0 : i32
      %dma_wait3A_98 = tpu.memref_slice %arg11[%add3A_54, %dma_wait3A_97] : memref<10240x32xf32, #tpu.memory_space<vmem_shared>> -> memref<64x32xf32, #tpu.memory_space<vmem_shared>>
      %dma_wait3A_99 = arith.constant 0 : i32
      %dma_wait3A_100 = tpu.memref_slice %arg11[%add3A_54, %dma_wait3A_99] : memref<10240x32xf32, #tpu.memory_space<vmem_shared>> -> memref<64x32xf32, #tpu.memory_space<vmem_shared>>
      tpu.wait_dma2 semaphore(%run_scoped3A : memref<!tpu.dma_semaphore, #tpu.memory_space<semaphore_mem>>) src(%arg9 : memref<64x32xf32, #tpu.memory_space<vmem>>) dst(%dma_wait3A_100 : memref<64x32xf32, #tpu.memory_space<vmem_shared>>)
      tpu.yield
    }) : () -> ()
    %mul3A_55 = arith.constant 640 : i32
    %mul3A_56 = arith.muli %arg1, %mul3A_55 : i32
    %add3A_57 = arith.constant 448 : i32
    %add3A_58 = arith.addi %mul3A_56, %add3A_57 : i32
    "tpu.region"() ({
      %run_scoped3A = tpu.sem_alloc : memref<!tpu.dma_semaphore, #tpu.memory_space<semaphore_mem>>
      %dma_start3A_93 = arith.constant 0 : i32
      %dma_start3A_94 = tpu.memref_slice %arg11[%add3A_58, %dma_start3A_93] : memref<10240x32xf32, #tpu.memory_space<vmem_shared>> -> memref<64x32xf32, #tpu.memory_space<vmem_shared>>
      %dma_start3A_95 = arith.constant 0 : i32
      %dma_start3A_96 = tpu.memref_slice %arg11[%add3A_58, %dma_start3A_95] : memref<10240x32xf32, #tpu.memory_space<vmem_shared>> -> memref<64x32xf32, #tpu.memory_space<vmem_shared>>
      tpu.enqueue_dma source(%arg9 : memref<64x32xf32, #tpu.memory_space<vmem>>) target(%dma_start3A_96 : memref<64x32xf32, #tpu.memory_space<vmem_shared>>) target_semaphore(%run_scoped3A : memref<!tpu.dma_semaphore, #tpu.memory_space<semaphore_mem>>)
      %dma_wait3A_97 = arith.constant 0 : i32
      %dma_wait3A_98 = tpu.memref_slice %arg11[%add3A_58, %dma_wait3A_97] : memref<10240x32xf32, #tpu.memory_space<vmem_shared>> -> memref<64x32xf32, #tpu.memory_space<vmem_shared>>
      %dma_wait3A_99 = arith.constant 0 : i32
      %dma_wait3A_100 = tpu.memref_slice %arg11[%add3A_58, %dma_wait3A_99] : memref<10240x32xf32, #tpu.memory_space<vmem_shared>> -> memref<64x32xf32, #tpu.memory_space<vmem_shared>>
      tpu.wait_dma2 semaphore(%run_scoped3A : memref<!tpu.dma_semaphore, #tpu.memory_space<semaphore_mem>>) src(%arg9 : memref<64x32xf32, #tpu.memory_space<vmem>>) dst(%dma_wait3A_100 : memref<64x32xf32, #tpu.memory_space<vmem_shared>>)
      tpu.yield
    }) : () -> ()
    %mul3A_59 = arith.constant 640 : i32
    %mul3A_60 = arith.muli %arg1, %mul3A_59 : i32
    %add3A_61 = arith.constant 512 : i32
    %add3A_62 = arith.addi %mul3A_60, %add3A_61 : i32
    "tpu.region"() ({
      %run_scoped3A = tpu.sem_alloc : memref<!tpu.dma_semaphore, #tpu.memory_space<semaphore_mem>>
      %dma_start3A_93 = arith.constant 0 : i32
      %dma_start3A_94 = tpu.memref_slice %arg11[%add3A_62, %dma_start3A_93] : memref<10240x32xf32, #tpu.memory_space<vmem_shared>> -> memref<64x32xf32, #tpu.memory_space<vmem_shared>>
      %dma_start3A_95 = arith.constant 0 : i32
      %dma_start3A_96 = tpu.memref_slice %arg11[%add3A_62, %dma_start3A_95] : memref<10240x32xf32, #tpu.memory_space<vmem_shared>> -> memref<64x32xf32, #tpu.memory_space<vmem_shared>>
      tpu.enqueue_dma source(%arg9 : memref<64x32xf32, #tpu.memory_space<vmem>>) target(%dma_start3A_96 : memref<64x32xf32, #tpu.memory_space<vmem_shared>>) target_semaphore(%run_scoped3A : memref<!tpu.dma_semaphore, #tpu.memory_space<semaphore_mem>>)
      %dma_wait3A_97 = arith.constant 0 : i32
      %dma_wait3A_98 = tpu.memref_slice %arg11[%add3A_62, %dma_wait3A_97] : memref<10240x32xf32, #tpu.memory_space<vmem_shared>> -> memref<64x32xf32, #tpu.memory_space<vmem_shared>>
      %dma_wait3A_99 = arith.constant 0 : i32
      %dma_wait3A_100 = tpu.memref_slice %arg11[%add3A_62, %dma_wait3A_99] : memref<10240x32xf32, #tpu.memory_space<vmem_shared>> -> memref<64x32xf32, #tpu.memory_space<vmem_shared>>
      tpu.wait_dma2 semaphore(%run_scoped3A : memref<!tpu.dma_semaphore, #tpu.memory_space<semaphore_mem>>) src(%arg9 : memref<64x32xf32, #tpu.memory_space<vmem>>) dst(%dma_wait3A_100 : memref<64x32xf32, #tpu.memory_space<vmem_shared>>)
      tpu.yield
    }) : () -> ()
    %mul3A_63 = arith.constant 640 : i32
    %mul3A_64 = arith.muli %arg1, %mul3A_63 : i32
    %add3A_65 = arith.constant 576 : i32
    %add3A_66 = arith.addi %mul3A_64, %add3A_65 : i32
    "tpu.region"() ({
      %run_scoped3A = tpu.sem_alloc : memref<!tpu.dma_semaphore, #tpu.memory_space<semaphore_mem>>
      %dma_start3A_93 = arith.constant 0 : i32
      %dma_start3A_94 = tpu.memref_slice %arg11[%add3A_66, %dma_start3A_93] : memref<10240x32xf32, #tpu.memory_space<vmem_shared>> -> memref<64x32xf32, #tpu.memory_space<vmem_shared>>
      %dma_start3A_95 = arith.constant 0 : i32
      %dma_start3A_96 = tpu.memref_slice %arg11[%add3A_66, %dma_start3A_95] : memref<10240x32xf32, #tpu.memory_space<vmem_shared>> -> memref<64x32xf32, #tpu.memory_space<vmem_shared>>
      tpu.enqueue_dma source(%arg9 : memref<64x32xf32, #tpu.memory_space<vmem>>) target(%dma_start3A_96 : memref<64x32xf32, #tpu.memory_space<vmem_shared>>) target_semaphore(%run_scoped3A : memref<!tpu.dma_semaphore, #tpu.memory_space<semaphore_mem>>)
      %dma_wait3A_97 = arith.constant 0 : i32
      %dma_wait3A_98 = tpu.memref_slice %arg11[%add3A_66, %dma_wait3A_97] : memref<10240x32xf32, #tpu.memory_space<vmem_shared>> -> memref<64x32xf32, #tpu.memory_space<vmem_shared>>
      %dma_wait3A_99 = arith.constant 0 : i32
      %dma_wait3A_100 = tpu.memref_slice %arg11[%add3A_66, %dma_wait3A_99] : memref<10240x32xf32, #tpu.memory_space<vmem_shared>> -> memref<64x32xf32, #tpu.memory_space<vmem_shared>>
      tpu.wait_dma2 semaphore(%run_scoped3A : memref<!tpu.dma_semaphore, #tpu.memory_space<semaphore_mem>>) src(%arg9 : memref<64x32xf32, #tpu.memory_space<vmem>>) dst(%dma_wait3A_100 : memref<64x32xf32, #tpu.memory_space<vmem_shared>>)
      tpu.yield
    }) : () -> ()
    %dma_wait3A = arith.constant 0 : i32
    %dma_wait3A_67 = tpu.memref_slice %arg10[%mul3A_11, %dma_wait3A] : memref<10240x32xf32, #tpu.memory_space<vmem_shared>> -> memref<640x32xf32, #tpu.memory_space<vmem_shared>>
    %dma_wait3A_68 = arith.constant 0 : i32
    %dma_wait3A_69 = tpu.memref_slice %arg4[%mul3A_9, %dma_wait3A_68] : memref<10240x32xf32, #tpu.memory_space<hbm>> -> memref<640x32xf32, #tpu.memory_space<hbm>>
    tpu.wait_dma2 semaphore(%arg14 : memref<!tpu.dma_semaphore, #tpu.memory_space<semaphore_mem>>) src(%dma_wait3A_69 : memref<640x32xf32, #tpu.memory_space<hbm>>) dst(%dma_wait3A_67 : memref<640x32xf32, #tpu.memory_space<vmem_shared>>)
    %dma_wait3A_70 = arith.constant 0 : i32
    %dma_wait3A_71 = tpu.memref_slice %arg2[%mul3A_16, %dma_wait3A_70] : memref<2560x128xi32, #tpu.memory_space<hbm>> -> memref<80x128xi32, #tpu.memory_space<hbm>>
    %dma_wait3A_72 = arith.constant 0 : i32
    %dma_wait3A_73 = tpu.memref_slice %arg2[%mul3A_16, %dma_wait3A_72] : memref<2560x128xi32, #tpu.memory_space<hbm>> -> memref<80x128xi32, #tpu.memory_space<hbm>>
    tpu.wait_dma2 semaphore(%arg12 : memref<!tpu.dma_semaphore, #tpu.memory_space<semaphore_mem>>) src(%dma_wait3A_73 : memref<80x128xi32, #tpu.memory_space<hbm>>) dst(%arg6 : memref<80x128xi32, #tpu.memory_space<vmem>>)
    %dma_wait3A_74 = arith.constant 0 : i32
    %dma_wait3A_75 = tpu.memref_slice %arg3[%mul3A_22, %dma_wait3A_74] : memref<2560x128xi32, #tpu.memory_space<hbm>> -> memref<80x128xi32, #tpu.memory_space<hbm>>
    %dma_wait3A_76 = arith.constant 0 : i32
    %dma_wait3A_77 = tpu.memref_slice %arg3[%mul3A_22, %dma_wait3A_76] : memref<2560x128xi32, #tpu.memory_space<hbm>> -> memref<80x128xi32, #tpu.memory_space<hbm>>
    tpu.wait_dma2 semaphore(%arg13 : memref<!tpu.dma_semaphore, #tpu.memory_space<semaphore_mem>>) src(%dma_wait3A_77 : memref<80x128xi32, #tpu.memory_space<hbm>>) dst(%arg7 : memref<80x128xi32, #tpu.memory_space<vmem>>)
    %barrier3A = arith.constant 0 : index
    tpu.barrier barrier_id(%barrier3A)
    %scan3A_78 = arith.constant 0 : i32
    %scan3A_79 = arith.constant 0 : i32
    %scan3A_80 = arith.constant 80 : i32
    %scan3A_81 = arith.addi %scan3A_79, %scan3A_80 : i32
    %scan3A_82 = arith.constant 1 : i32
    %scan3A_83 = scf.for %scan3A_93 = %scan3A_79 to %scan3A_81 step %scan3A_82 iter_args(%scan3A_94 = %scan3A_78) -> (i32)  : i32 {
      %dma_start3A_95 = arith.constant 0 : i32
      %dma_start3A_96 = tpu.memref_slice %arg6[%scan3A_93, %dma_start3A_95] : memref<80x128xi32, #tpu.memory_space<vmem>> -> memref<1x128xi32, #tpu.memory_space<vmem>>
      %dma_start3A_97 = tpu.memref_squeeze %dma_start3A_96 : memref<1x128xi32, #tpu.memory_space<vmem>> -> memref<128xi32, #tpu.memory_space<vmem>>
      %dma_start3A_98 = arith.constant 0 : i32
      %dma_start3A_99 = arith.constant 0 : i32
      %dma_start3A_100 = tpu.memref_slice %arg10[%dma_start3A_98, %dma_start3A_99] : memref<10240x32xf32, #tpu.memory_space<vmem_shared>> -> memref<10240x32xf32, #tpu.memory_space<vmem_shared>>
      tpu.enqueue_indirect_dma source(%dma_start3A_100 : memref<10240x32xf32, #tpu.memory_space<vmem_shared>>) target(%arg8 : memref<128x32xf32, #tpu.memory_space<vmem>>) offsets(%dma_start3A_97 : memref<128xi32, #tpu.memory_space<vmem>>) semaphore(%arg12 : memref<!tpu.dma_semaphore, #tpu.memory_space<semaphore_mem>>)
      %dma_wait3A_101 = arith.constant 0 : i32
      %dma_wait3A_102 = tpu.memref_slice %arg6[%scan3A_93, %dma_wait3A_101] : memref<80x128xi32, #tpu.memory_space<vmem>> -> memref<1x128xi32, #tpu.memory_space<vmem>>
      %dma_wait3A_103 = tpu.memref_squeeze %dma_wait3A_102 : memref<1x128xi32, #tpu.memory_space<vmem>> -> memref<128xi32, #tpu.memory_space<vmem>>
      %dma_wait3A_104 = arith.constant 0 : i32
      %dma_wait3A_105 = arith.constant 0 : i32
      %dma_wait3A_106 = tpu.memref_slice %arg10[%dma_wait3A_104, %dma_wait3A_105] : memref<10240x32xf32, #tpu.memory_space<vmem_shared>> -> memref<10240x32xf32, #tpu.memory_space<vmem_shared>>
      tpu.wait_indirect_dma semaphore(%arg12 : memref<!tpu.dma_semaphore, #tpu.memory_space<semaphore_mem>>) src(%dma_wait3A_106 : memref<10240x32xf32, #tpu.memory_space<vmem_shared>>) dst(%arg8 : memref<128x32xf32, #tpu.memory_space<vmem>>)
      "tpu.region"() ({
        %run_scoped3A = tpu.sem_alloc : memref<!tpu.dma_semaphore, #tpu.memory_space<semaphore_mem>>
        %dma_start3A_108 = arith.constant 0 : i32
        %dma_start3A_109 = tpu.memref_slice %arg7[%scan3A_93, %dma_start3A_108] : memref<80x128xi32, #tpu.memory_space<vmem>> -> memref<1x128xi32, #tpu.memory_space<vmem>>
        %dma_start3A_110 = tpu.memref_squeeze %dma_start3A_109 : memref<1x128xi32, #tpu.memory_space<vmem>> -> memref<128xi32, #tpu.memory_space<vmem>>
        %dma_start3A_111 = arith.constant 0 : i32
        %dma_start3A_112 = arith.constant 0 : i32
        %dma_start3A_113 = tpu.memref_slice %arg11[%dma_start3A_111, %dma_start3A_112] : memref<10240x32xf32, #tpu.memory_space<vmem_shared>> -> memref<10240x32xf32, #tpu.memory_space<vmem_shared>>
        tpu.enqueue_indirect_dma source(%arg8 : memref<128x32xf32, #tpu.memory_space<vmem>>) target(%dma_start3A_113 : memref<10240x32xf32, #tpu.memory_space<vmem_shared>>) offsets(%dma_start3A_110 : memref<128xi32, #tpu.memory_space<vmem>>) semaphore(%run_scoped3A : memref<!tpu.dma_semaphore, #tpu.memory_space<semaphore_mem>>) {add = true}
        %dma_wait3A_114 = arith.constant 0 : i32
        %dma_wait3A_115 = tpu.memref_slice %arg7[%scan3A_93, %dma_wait3A_114] : memref<80x128xi32, #tpu.memory_space<vmem>> -> memref<1x128xi32, #tpu.memory_space<vmem>>
        %dma_wait3A_116 = tpu.memref_squeeze %dma_wait3A_115 : memref<1x128xi32, #tpu.memory_space<vmem>> -> memref<128xi32, #tpu.memory_space<vmem>>
        %dma_wait3A_117 = arith.constant 0 : i32
        %dma_wait3A_118 = arith.constant 0 : i32
        %dma_wait3A_119 = tpu.memref_slice %arg11[%dma_wait3A_117, %dma_wait3A_118] : memref<10240x32xf32, #tpu.memory_space<vmem_shared>> -> memref<10240x32xf32, #tpu.memory_space<vmem_shared>>
        tpu.wait_indirect_dma semaphore(%run_scoped3A : memref<!tpu.dma_semaphore, #tpu.memory_space<semaphore_mem>>) src(%arg8 : memref<128x32xf32, #tpu.memory_space<vmem>>) dst(%dma_wait3A_119 : memref<10240x32xf32, #tpu.memory_space<vmem_shared>>)
        tpu.yield
      }) : () -> ()
      %scan3A_107 = arith.constant 0 : i32
      scf.yield %scan3A_107 : i32
    }
    %scan3A_84 = arith.constant 80 : i32
    %barrier3A_85 = arith.constant 0 : index
    tpu.barrier barrier_id(%barrier3A_85)
    %mul3A_86 = arith.constant 640 : i32
    %mul3A_87 = arith.muli %arg1, %mul3A_86 : i32
    %mul3A_88 = arith.constant 10240 : i32
    %mul3A_89 = arith.muli %arg0, %mul3A_88 : i32
    %mul3A_90 = arith.constant 640 : i32
    %mul3A_91 = arith.muli %arg1, %mul3A_90 : i32
    %add3A_92 = arith.addi %mul3A_89, %mul3A_91 : i32
    "tpu.region"() ({
      %run_scoped3A = tpu.sem_alloc : memref<!tpu.dma_semaphore, #tpu.memory_space<semaphore_mem>>
      %dma_start3A_93 = arith.constant 0 : i32
      %dma_start3A_94 = tpu.memref_slice %arg5[%add3A_92, %dma_start3A_93] : memref<20480x32xf32, #tpu.memory_space<hbm>> -> memref<640x32xf32, #tpu.memory_space<hbm>>
      %dma_start3A_95 = arith.constant 0 : i32
      %dma_start3A_96 = tpu.memref_slice %arg11[%mul3A_87, %dma_start3A_95] : memref<10240x32xf32, #tpu.memory_space<vmem_shared>> -> memref<640x32xf32, #tpu.memory_space<vmem_shared>>
      tpu.enqueue_dma source(%dma_start3A_96 : memref<640x32xf32, #tpu.memory_space<vmem_shared>>) target(%dma_start3A_94 : memref<640x32xf32, #tpu.memory_space<hbm>>) target_semaphore(%run_scoped3A : memref<!tpu.dma_semaphore, #tpu.memory_space<semaphore_mem>>)
      %dma_wait3A_97 = arith.constant 0 : i32
      %dma_wait3A_98 = tpu.memref_slice %arg5[%add3A_92, %dma_wait3A_97] : memref<20480x32xf32, #tpu.memory_space<hbm>> -> memref<640x32xf32, #tpu.memory_space<hbm>>
      %dma_wait3A_99 = arith.constant 0 : i32
      %dma_wait3A_100 = tpu.memref_slice %arg11[%mul3A_87, %dma_wait3A_99] : memref<10240x32xf32, #tpu.memory_space<vmem_shared>> -> memref<640x32xf32, #tpu.memory_space<vmem_shared>>
      tpu.wait_dma2 semaphore(%run_scoped3A : memref<!tpu.dma_semaphore, #tpu.memory_space<semaphore_mem>>) src(%dma_wait3A_100 : memref<640x32xf32, #tpu.memory_space<vmem_shared>>) dst(%dma_wait3A_98 : memref<640x32xf32, #tpu.memory_space<hbm>>)
      tpu.yield
    }) : () -> ()
    return
  }
}

#map = affine_map<(d0, d1) -> (0)>
module attributes {stable_mosaic.version = 14 : i64} {
  func.func @_sc_pool(%arg0: i32, %arg1: i32, %arg2: memref<327680xf32, #tpu.memory_space<hbm>>, %arg3: memref<10240xi32, #tpu.memory_space<hbm>>, %arg4: memref<66560xf32, #tpu.memory_space<hbm>>, %arg5: memref<66560xf32, #tpu.memory_space<hbm>>, %arg6: memref<2560xf32, #tpu.memory_space<hbm>>, %arg7: memref<10240xf32, #tpu.memory_space<vmem>>, %arg8: memref<320xi32, #tpu.memory_space<vmem>>, %arg9: memref<2080xf32, #tpu.memory_space<vmem>>, %arg10: memref<2080xf32, #tpu.memory_space<vmem>>, %arg11: memref<80xf32, #tpu.memory_space<vmem>>) attributes {dimension_semantics = [#tpu.dimension_semantics<core_parallel>, #tpu.dimension_semantics<subcore_parallel>], iteration_bounds = array<i64: 2, 16>, scalar_prefetch = 0 : i64, scratch_operands = 5 : i64, tpu.core_type = #tpu.core_type<sc_vector_subcore>, window_params = [{transform_indices = #map}, {transform_indices = #map}, {transform_indices = #map}, {transform_indices = #map}, {transform_indices = #map}]} {
    %mul3A = arith.constant 2 : i32
    %mul3A_0 = arith.muli %arg1, %mul3A : i32
    %add3A = arith.addi %mul3A_0, %arg0 : i32
    %mul3A_1 = arith.constant 320 : i32
    %mul3A_2 = arith.muli %add3A, %mul3A_1 : i32
    %mul3A_3 = arith.constant 32 : i32
    %mul3A_4 = arith.muli %mul3A_2, %mul3A_3 : i32
    "tpu.region"() ({
      %run_scoped3A = tpu.sem_alloc : memref<!tpu.dma_semaphore, #tpu.memory_space<semaphore_mem>>
      %dma_start3A = tpu.memref_slice %arg2[%mul3A_4] : memref<327680xf32, #tpu.memory_space<hbm>> -> memref<10240xf32, #tpu.memory_space<hbm>>
      %dma_start3A_49 = tpu.memref_slice %arg2[%mul3A_4] : memref<327680xf32, #tpu.memory_space<hbm>> -> memref<10240xf32, #tpu.memory_space<hbm>>
      tpu.enqueue_dma source(%dma_start3A_49 : memref<10240xf32, #tpu.memory_space<hbm>>) target(%arg7 : memref<10240xf32, #tpu.memory_space<vmem>>) target_semaphore(%run_scoped3A : memref<!tpu.dma_semaphore, #tpu.memory_space<semaphore_mem>>)
      %dma_wait3A = tpu.memref_slice %arg2[%mul3A_4] : memref<327680xf32, #tpu.memory_space<hbm>> -> memref<10240xf32, #tpu.memory_space<hbm>>
      %dma_wait3A_50 = tpu.memref_slice %arg2[%mul3A_4] : memref<327680xf32, #tpu.memory_space<hbm>> -> memref<10240xf32, #tpu.memory_space<hbm>>
      tpu.wait_dma2 semaphore(%run_scoped3A : memref<!tpu.dma_semaphore, #tpu.memory_space<semaphore_mem>>) src(%dma_wait3A_50 : memref<10240xf32, #tpu.memory_space<hbm>>) dst(%arg7 : memref<10240xf32, #tpu.memory_space<vmem>>)
      tpu.yield
    }) : () -> ()
    %mul3A_5 = arith.constant 320 : i32
    %mul3A_6 = arith.muli %add3A, %mul3A_5 : i32
    "tpu.region"() ({
      %run_scoped3A = tpu.sem_alloc : memref<!tpu.dma_semaphore, #tpu.memory_space<semaphore_mem>>
      %dma_start3A = tpu.memref_slice %arg3[%mul3A_6] : memref<10240xi32, #tpu.memory_space<hbm>> -> memref<320xi32, #tpu.memory_space<hbm>>
      %dma_start3A_49 = tpu.memref_slice %arg3[%mul3A_6] : memref<10240xi32, #tpu.memory_space<hbm>> -> memref<320xi32, #tpu.memory_space<hbm>>
      tpu.enqueue_dma source(%dma_start3A_49 : memref<320xi32, #tpu.memory_space<hbm>>) target(%arg8 : memref<320xi32, #tpu.memory_space<vmem>>) target_semaphore(%run_scoped3A : memref<!tpu.dma_semaphore, #tpu.memory_space<semaphore_mem>>)
      %dma_wait3A = tpu.memref_slice %arg3[%mul3A_6] : memref<10240xi32, #tpu.memory_space<hbm>> -> memref<320xi32, #tpu.memory_space<hbm>>
      %dma_wait3A_50 = tpu.memref_slice %arg3[%mul3A_6] : memref<10240xi32, #tpu.memory_space<hbm>> -> memref<320xi32, #tpu.memory_space<hbm>>
      tpu.wait_dma2 semaphore(%run_scoped3A : memref<!tpu.dma_semaphore, #tpu.memory_space<semaphore_mem>>) src(%dma_wait3A_50 : memref<320xi32, #tpu.memory_space<hbm>>) dst(%arg8 : memref<320xi32, #tpu.memory_space<vmem>>)
      tpu.yield
    }) : () -> ()
    %broadcast_in_dim3A = arith.constant 0.000000e+00 : f32
    %broadcast_in_dim3A_7 = vector.broadcast %broadcast_in_dim3A : f32 to vector<16xf32>
    %scan3A = arith.constant 0 : i32
    %scan3A_8 = arith.constant 0 : i32
    %scan3A_9 = arith.constant 130 : i32
    %scan3A_10 = arith.addi %scan3A_8, %scan3A_9 : i32
    %scan3A_11 = arith.constant 1 : i32
    %scan3A_12 = scf.for %scan3A_49 = %scan3A_8 to %scan3A_10 step %scan3A_11 iter_args(%scan3A_50 = %scan3A) -> (i32)  : i32 {
      %mul3A_51 = arith.constant 16 : i32
      %mul3A_52 = arith.muli %scan3A_49, %mul3A_51 : i32
      %swap3A = arith.index_cast %mul3A_52 : i32 to index
      %swap3A_53 = tpu.vector_load %arg9[%swap3A] {strides = array<i32>} : memref<2080xf32, #tpu.memory_space<vmem>>, vector<16xf32>,
      tpu.vector_store %arg9[%swap3A], %broadcast_in_dim3A_7 {strides = array<i32>} : memref<2080xf32, #tpu.memory_space<vmem>>, vector<16xf32>,
      %scan3A_54 = arith.constant 0 : i32
      scf.yield %scan3A_54 : i32
    }
    %scan3A_13 = arith.constant 130 : i32
    %broadcast_in_dim3A_14 = arith.constant 0xFF800000 : f32
    %broadcast_in_dim3A_15 = vector.broadcast %broadcast_in_dim3A_14 : f32 to vector<16xf32>
    %scan3A_16 = arith.constant 0 : i32
    %scan3A_17 = arith.constant 0 : i32
    %scan3A_18 = arith.constant 130 : i32
    %scan3A_19 = arith.addi %scan3A_17, %scan3A_18 : i32
    %scan3A_20 = arith.constant 1 : i32
    %scan3A_21 = scf.for %scan3A_49 = %scan3A_17 to %scan3A_19 step %scan3A_20 iter_args(%scan3A_50 = %scan3A_16) -> (i32)  : i32 {
      %mul3A_51 = arith.constant 16 : i32
      %mul3A_52 = arith.muli %scan3A_49, %mul3A_51 : i32
      %swap3A = arith.index_cast %mul3A_52 : i32 to index
      %swap3A_53 = tpu.vector_load %arg10[%swap3A] {strides = array<i32>} : memref<2080xf32, #tpu.memory_space<vmem>>, vector<16xf32>,
      tpu.vector_store %arg10[%swap3A], %broadcast_in_dim3A_15 {strides = array<i32>} : memref<2080xf32, #tpu.memory_space<vmem>>, vector<16xf32>,
      %scan3A_54 = arith.constant 0 : i32
      scf.yield %scan3A_54 : i32
    }
    %scan3A_22 = arith.constant 130 : i32
    %broadcast_in_dim3A_23 = arith.constant 0.000000e+00 : f32
    %broadcast_in_dim3A_24 = vector.broadcast %broadcast_in_dim3A_23 : f32 to vector<16xf32>
    %scan3A_25 = arith.constant 0 : i32
    %scan3A_26 = arith.constant 0 : i32
    %scan3A_27 = arith.constant 5 : i32
    %scan3A_28 = arith.addi %scan3A_26, %scan3A_27 : i32
    %scan3A_29 = arith.constant 1 : i32
    %scan3A_30 = scf.for %scan3A_49 = %scan3A_26 to %scan3A_28 step %scan3A_29 iter_args(%scan3A_50 = %scan3A_25) -> (i32)  : i32 {
      %mul3A_51 = arith.constant 16 : i32
      %mul3A_52 = arith.muli %scan3A_49, %mul3A_51 : i32
      %swap3A = arith.index_cast %mul3A_52 : i32 to index
      %swap3A_53 = tpu.vector_load %arg11[%swap3A] {strides = array<i32>} : memref<80xf32, #tpu.memory_space<vmem>>, vector<16xf32>,
      tpu.vector_store %arg11[%swap3A], %broadcast_in_dim3A_24 {strides = array<i32>} : memref<80xf32, #tpu.memory_space<vmem>>, vector<16xf32>,
      %scan3A_54 = arith.constant 0 : i32
      scf.yield %scan3A_54 : i32
    }
    %scan3A_31 = arith.constant 5 : i32
    %iota3A = tpu.iota {dimensions = array<i32: 0>} : vector<16xi32>
    %broadcast_in_dim3A_32 = arith.constant 1.000000e+00 : f32
    %broadcast_in_dim3A_33 = vector.broadcast %broadcast_in_dim3A_32 : f32 to vector<16xf32>
    %eq3A = arith.constant 0 : i32
    %eq3A_34 = vector.broadcast %eq3A : i32 to vector<16xi32>
    %eq3A_35 = arith.cmpi eq, %iota3A, %eq3A_34 : vector<16xi32>
    %scan3A_36 = arith.constant 0 : i32
    %scan3A_37 = arith.constant 0 : i32
    %scan3A_38 = arith.constant 20 : i32
    %scan3A_39 = arith.addi %scan3A_37, %scan3A_38 : i32
    %scan3A_40 = arith.constant 1 : i32
    %scan3A_41 = scf.for %scan3A_49 = %scan3A_37 to %scan3A_39 step %scan3A_40 iter_args(%scan3A_50 = %scan3A_36) -> (i32)  : i32 {
      %mul3A_51 = arith.constant 16 : i32
      %mul3A_52 = arith.muli %scan3A_49, %mul3A_51 : i32
      %get3A = arith.index_cast %mul3A_52 : i32 to index
      %get3A_53 = tpu.vector_load %arg8[%get3A] {strides = array<i32>} : memref<320xi32, #tpu.memory_space<vmem>>, vector<16xi32>,
      %eq3A_54 = arith.constant 0 : i32
      %eq3A_55 = vector.broadcast %eq3A_54 : i32 to vector<16xi32>
      %eq3A_56 = arith.cmpi eq, %iota3A, %eq3A_55 : vector<16xi32>
      %jit3A = arith.constant 0 : i32
      %broadcast_in_dim3A_57 = vector.broadcast %jit3A : i32 to vector<16xi32>
      %select_n3A = arith.select %eq3A_56, %get3A_53, %broadcast_in_dim3A_57 : vector<16xi1>, vector<16xi32>
      %reduce_sum3A = arith.constant true
      %reduce_sum3A_58 = vector.broadcast %reduce_sum3A : i1 to vector<16xi1>
      %reduce_sum3A_59 = tpu.scan <sum>, %select_n3A masked %reduce_sum3A_58 : vector<16xi32>, vector<16xi1> -> vector<16xi32>
      %reduce_sum3A_60 = vector.extract %reduce_sum3A_59[15] : i32 from vector<16xi32>
      %mul3A_61 = arith.constant 16 : i32
      %mul3A_62 = arith.muli %scan3A_49, %mul3A_61 : i32
      %add3A_63 = arith.constant 0 : i32
      %add3A_64 = arith.addi %mul3A_62, %add3A_63 : i32
      %mul3A_65 = arith.constant 32 : i32
      %mul3A_66 = arith.muli %add3A_64, %mul3A_65 : i32
      %get3A_67 = arith.index_cast %mul3A_66 : i32 to index
      %get3A_68 = tpu.vector_load %arg7[%get3A_67] {strides = array<i32>} : memref<10240xf32, #tpu.memory_space<vmem>>, vector<16xf32>,
      %add3A_69 = arith.constant 16 : i32
      %add3A_70 = arith.addi %mul3A_66, %add3A_69 : i32
      %get3A_71 = arith.index_cast %add3A_70 : i32 to index
      %get3A_72 = tpu.vector_load %arg7[%get3A_71] {strides = array<i32>} : memref<10240xf32, #tpu.memory_space<vmem>>, vector<16xf32>,
      %mul3A_73 = arith.constant 32 : i32
      %mul3A_74 = arith.muli %reduce_sum3A_60, %mul3A_73 : i32
      %add3A_75 = vector.broadcast %mul3A_74 : i32 to vector<16xi32>
      %add3A_76 = arith.addi %add3A_75, %iota3A : vector<16xi32>
      %add3A_77 = arith.constant 16 : i32
      %add3A_78 = vector.broadcast %add3A_77 : i32 to vector<16xi32>
      %add3A_79 = arith.addi %add3A_76, %add3A_78 : vector<16xi32>
      %gather3A = tpu.vector_load_idx %arg10[%add3A_76] : memref<2080xf32, #tpu.memory_space<vmem>>[vector<16xi32>], vector<16xf32>,
      %max3A = arith.maximumf %gather3A, %get3A_68 : vector<16xf32>
      tpu.vector_store_idx %arg10[%add3A_76], %max3A : memref<2080xf32, #tpu.memory_space<vmem>>[vector<16xi32>], vector<16xf32>,
      %gather3A_80 = tpu.vector_load_idx %arg10[%add3A_79] : memref<2080xf32, #tpu.memory_space<vmem>>[vector<16xi32>], vector<16xf32>,
      %max3A_81 = arith.maximumf %gather3A_80, %get3A_72 : vector<16xf32>
      tpu.vector_store_idx %arg10[%add3A_79], %max3A_81 : memref<2080xf32, #tpu.memory_space<vmem>>[vector<16xi32>], vector<16xf32>,
      tpu.vector_store_idx %arg9[%add3A_76], %get3A_68 {add = true} : memref<2080xf32, #tpu.memory_space<vmem>>[vector<16xi32>], vector<16xf32>,
      tpu.vector_store_idx %arg9[%add3A_79], %get3A_72 {add = true} : memref<2080xf32, #tpu.memory_space<vmem>>[vector<16xi32>], vector<16xf32>,
      %mul3A_82 = arith.constant 0 : i32
      %mul3A_83 = vector.broadcast %mul3A_82 : i32 to vector<16xi32>
      %mul3A_84 = arith.muli %iota3A, %mul3A_83 : vector<16xi32>
      %add3A_85 = vector.broadcast %reduce_sum3A_60 : i32 to vector<16xi32>
      %add3A_86 = arith.addi %mul3A_84, %add3A_85 : vector<16xi32>
      tpu.vector_store_idx %arg11[%add3A_86], %broadcast_in_dim3A_33 masked %eq3A_35 {add = true} : memref<80xf32, #tpu.memory_space<vmem>>[vector<16xi32>], vector<16xf32>, vector<16xi1>
      %eq3A_87 = arith.constant 1 : i32
      %eq3A_88 = vector.broadcast %eq3A_87 : i32 to vector<16xi32>
      %eq3A_89 = arith.cmpi eq, %iota3A, %eq3A_88 : vector<16xi32>
      %jit3A_90 = arith.constant 0 : i32
      %broadcast_in_dim3A_91 = vector.broadcast %jit3A_90 : i32 to vector<16xi32>
      %select_n3A_92 = arith.select %eq3A_89, %get3A_53, %broadcast_in_dim3A_91 : vector<16xi1>, vector<16xi32>
      %reduce_sum3A_93 = arith.constant true
      %reduce_sum3A_94 = vector.broadcast %reduce_sum3A_93 : i1 to vector<16xi1>
      %reduce_sum3A_95 = tpu.scan <sum>, %select_n3A_92 masked %reduce_sum3A_94 : vector<16xi32>, vector<16xi1> -> vector<16xi32>
      %reduce_sum3A_96 = vector.extract %reduce_sum3A_95[15] : i32 from vector<16xi32>
      %mul3A_97 = arith.constant 16 : i32
      %mul3A_98 = arith.muli %scan3A_49, %mul3A_97 : i32
      %add3A_99 = arith.constant 1 : i32
      %add3A_100 = arith.addi %mul3A_98, %add3A_99 : i32
      %mul3A_101 = arith.constant 32 : i32
      %mul3A_102 = arith.muli %add3A_100, %mul3A_101 : i32
      %get3A_103 = arith.index_cast %mul3A_102 : i32 to index
      %get3A_104 = tpu.vector_load %arg7[%get3A_103] {strides = array<i32>} : memref<10240xf32, #tpu.memory_space<vmem>>, vector<16xf32>,
      %add3A_105 = arith.constant 16 : i32
      %add3A_106 = arith.addi %mul3A_102, %add3A_105 : i32
      %get3A_107 = arith.index_cast %add3A_106 : i32 to index
      %get3A_108 = tpu.vector_load %arg7[%get3A_107] {strides = array<i32>} : memref<10240xf32, #tpu.memory_space<vmem>>, vector<16xf32>,
      %mul3A_109 = arith.constant 32 : i32
      %mul3A_110 = arith.muli %reduce_sum3A_96, %mul3A_109 : i32
      %add3A_111 = vector.broadcast %mul3A_110 : i32 to vector<16xi32>
      %add3A_112 = arith.addi %add3A_111, %iota3A : vector<16xi32>
      %add3A_113 = arith.constant 16 : i32
      %add3A_114 = vector.broadcast %add3A_113 : i32 to vector<16xi32>
      %add3A_115 = arith.addi %add3A_112, %add3A_114 : vector<16xi32>
      %gather3A_116 = tpu.vector_load_idx %arg10[%add3A_112] : memref<2080xf32, #tpu.memory_space<vmem>>[vector<16xi32>], vector<16xf32>,
      %max3A_117 = arith.maximumf %gather3A_116, %get3A_104 : vector<16xf32>
      tpu.vector_store_idx %arg10[%add3A_112], %max3A_117 : memref<2080xf32, #tpu.memory_space<vmem>>[vector<16xi32>], vector<16xf32>,
      %gather3A_118 = tpu.vector_load_idx %arg10[%add3A_115] : memref<2080xf32, #tpu.memory_space<vmem>>[vector<16xi32>], vector<16xf32>,
      %max3A_119 = arith.maximumf %gather3A_118, %get3A_108 : vector<16xf32>
      tpu.vector_store_idx %arg10[%add3A_115], %max3A_119 : memref<2080xf32, #tpu.memory_space<vmem>>[vector<16xi32>], vector<16xf32>,
      tpu.vector_store_idx %arg9[%add3A_112], %get3A_104 {add = true} : memref<2080xf32, #tpu.memory_space<vmem>>[vector<16xi32>], vector<16xf32>,
      tpu.vector_store_idx %arg9[%add3A_115], %get3A_108 {add = true} : memref<2080xf32, #tpu.memory_space<vmem>>[vector<16xi32>], vector<16xf32>,
      %mul3A_120 = arith.constant 0 : i32
      %mul3A_121 = vector.broadcast %mul3A_120 : i32 to vector<16xi32>
      %mul3A_122 = arith.muli %iota3A, %mul3A_121 : vector<16xi32>
      %add3A_123 = vector.broadcast %reduce_sum3A_96 : i32 to vector<16xi32>
      %add3A_124 = arith.addi %mul3A_122, %add3A_123 : vector<16xi32>
      tpu.vector_store_idx %arg11[%add3A_124], %broadcast_in_dim3A_33 masked %eq3A_35 {add = true} : memref<80xf32, #tpu.memory_space<vmem>>[vector<16xi32>], vector<16xf32>, vector<16xi1>
      %eq3A_125 = arith.constant 2 : i32
      %eq3A_126 = vector.broadcast %eq3A_125 : i32 to vector<16xi32>
      %eq3A_127 = arith.cmpi eq, %iota3A, %eq3A_126 : vector<16xi32>
      %jit3A_128 = arith.constant 0 : i32
      %broadcast_in_dim3A_129 = vector.broadcast %jit3A_128 : i32 to vector<16xi32>
      %select_n3A_130 = arith.select %eq3A_127, %get3A_53, %broadcast_in_dim3A_129 : vector<16xi1>, vector<16xi32>
      %reduce_sum3A_131 = arith.constant true
      %reduce_sum3A_132 = vector.broadcast %reduce_sum3A_131 : i1 to vector<16xi1>
      %reduce_sum3A_133 = tpu.scan <sum>, %select_n3A_130 masked %reduce_sum3A_132 : vector<16xi32>, vector<16xi1> -> vector<16xi32>
      %reduce_sum3A_134 = vector.extract %reduce_sum3A_133[15] : i32 from vector<16xi32>
      %mul3A_135 = arith.constant 16 : i32
      %mul3A_136 = arith.muli %scan3A_49, %mul3A_135 : i32
      %add3A_137 = arith.constant 2 : i32
      %add3A_138 = arith.addi %mul3A_136, %add3A_137 : i32
      %mul3A_139 = arith.constant 32 : i32
      %mul3A_140 = arith.muli %add3A_138, %mul3A_139 : i32
      %get3A_141 = arith.index_cast %mul3A_140 : i32 to index
      %get3A_142 = tpu.vector_load %arg7[%get3A_141] {strides = array<i32>} : memref<10240xf32, #tpu.memory_space<vmem>>, vector<16xf32>,
      %add3A_143 = arith.constant 16 : i32
      %add3A_144 = arith.addi %mul3A_140, %add3A_143 : i32
      %get3A_145 = arith.index_cast %add3A_144 : i32 to index
      %get3A_146 = tpu.vector_load %arg7[%get3A_145] {strides = array<i32>} : memref<10240xf32, #tpu.memory_space<vmem>>, vector<16xf32>,
      %mul3A_147 = arith.constant 32 : i32
      %mul3A_148 = arith.muli %reduce_sum3A_134, %mul3A_147 : i32
      %add3A_149 = vector.broadcast %mul3A_148 : i32 to vector<16xi32>
      %add3A_150 = arith.addi %add3A_149, %iota3A : vector<16xi32>
      %add3A_151 = arith.constant 16 : i32
      %add3A_152 = vector.broadcast %add3A_151 : i32 to vector<16xi32>
      %add3A_153 = arith.addi %add3A_150, %add3A_152 : vector<16xi32>
      %gather3A_154 = tpu.vector_load_idx %arg10[%add3A_150] : memref<2080xf32, #tpu.memory_space<vmem>>[vector<16xi32>], vector<16xf32>,
      %max3A_155 = arith.maximumf %gather3A_154, %get3A_142 : vector<16xf32>
      tpu.vector_store_idx %arg10[%add3A_150], %max3A_155 : memref<2080xf32, #tpu.memory_space<vmem>>[vector<16xi32>], vector<16xf32>,
      %gather3A_156 = tpu.vector_load_idx %arg10[%add3A_153] : memref<2080xf32, #tpu.memory_space<vmem>>[vector<16xi32>], vector<16xf32>,
      %max3A_157 = arith.maximumf %gather3A_156, %get3A_146 : vector<16xf32>
      tpu.vector_store_idx %arg10[%add3A_153], %max3A_157 : memref<2080xf32, #tpu.memory_space<vmem>>[vector<16xi32>], vector<16xf32>,
      tpu.vector_store_idx %arg9[%add3A_150], %get3A_142 {add = true} : memref<2080xf32, #tpu.memory_space<vmem>>[vector<16xi32>], vector<16xf32>,
      tpu.vector_store_idx %arg9[%add3A_153], %get3A_146 {add = true} : memref<2080xf32, #tpu.memory_space<vmem>>[vector<16xi32>], vector<16xf32>,
      %mul3A_158 = arith.constant 0 : i32
      %mul3A_159 = vector.broadcast %mul3A_158 : i32 to vector<16xi32>
      %mul3A_160 = arith.muli %iota3A, %mul3A_159 : vector<16xi32>
      %add3A_161 = vector.broadcast %reduce_sum3A_134 : i32 to vector<16xi32>
      %add3A_162 = arith.addi %mul3A_160, %add3A_161 : vector<16xi32>
      tpu.vector_store_idx %arg11[%add3A_162], %broadcast_in_dim3A_33 masked %eq3A_35 {add = true} : memref<80xf32, #tpu.memory_space<vmem>>[vector<16xi32>], vector<16xf32>, vector<16xi1>
      %eq3A_163 = arith.constant 3 : i32
      %eq3A_164 = vector.broadcast %eq3A_163 : i32 to vector<16xi32>
      %eq3A_165 = arith.cmpi eq, %iota3A, %eq3A_164 : vector<16xi32>
      %jit3A_166 = arith.constant 0 : i32
      %broadcast_in_dim3A_167 = vector.broadcast %jit3A_166 : i32 to vector<16xi32>
      %select_n3A_168 = arith.select %eq3A_165, %get3A_53, %broadcast_in_dim3A_167 : vector<16xi1>, vector<16xi32>
      %reduce_sum3A_169 = arith.constant true
      %reduce_sum3A_170 = vector.broadcast %reduce_sum3A_169 : i1 to vector<16xi1>
      %reduce_sum3A_171 = tpu.scan <sum>, %select_n3A_168 masked %reduce_sum3A_170 : vector<16xi32>, vector<16xi1> -> vector<16xi32>
      %reduce_sum3A_172 = vector.extract %reduce_sum3A_171[15] : i32 from vector<16xi32>
      %mul3A_173 = arith.constant 16 : i32
      %mul3A_174 = arith.muli %scan3A_49, %mul3A_173 : i32
      %add3A_175 = arith.constant 3 : i32
      %add3A_176 = arith.addi %mul3A_174, %add3A_175 : i32
      %mul3A_177 = arith.constant 32 : i32
      %mul3A_178 = arith.muli %add3A_176, %mul3A_177 : i32
      %get3A_179 = arith.index_cast %mul3A_178 : i32 to index
      %get3A_180 = tpu.vector_load %arg7[%get3A_179] {strides = array<i32>} : memref<10240xf32, #tpu.memory_space<vmem>>, vector<16xf32>,
      %add3A_181 = arith.constant 16 : i32
      %add3A_182 = arith.addi %mul3A_178, %add3A_181 : i32
      %get3A_183 = arith.index_cast %add3A_182 : i32 to index
      %get3A_184 = tpu.vector_load %arg7[%get3A_183] {strides = array<i32>} : memref<10240xf32, #tpu.memory_space<vmem>>, vector<16xf32>,
      %mul3A_185 = arith.constant 32 : i32
      %mul3A_186 = arith.muli %reduce_sum3A_172, %mul3A_185 : i32
      %add3A_187 = vector.broadcast %mul3A_186 : i32 to vector<16xi32>
      %add3A_188 = arith.addi %add3A_187, %iota3A : vector<16xi32>
      %add3A_189 = arith.constant 16 : i32
      %add3A_190 = vector.broadcast %add3A_189 : i32 to vector<16xi32>
      %add3A_191 = arith.addi %add3A_188, %add3A_190 : vector<16xi32>
      %gather3A_192 = tpu.vector_load_idx %arg10[%add3A_188] : memref<2080xf32, #tpu.memory_space<vmem>>[vector<16xi32>], vector<16xf32>,
      %max3A_193 = arith.maximumf %gather3A_192, %get3A_180 : vector<16xf32>
      tpu.vector_store_idx %arg10[%add3A_188], %max3A_193 : memref<2080xf32, #tpu.memory_space<vmem>>[vector<16xi32>], vector<16xf32>,
      %gather3A_194 = tpu.vector_load_idx %arg10[%add3A_191] : memref<2080xf32, #tpu.memory_space<vmem>>[vector<16xi32>], vector<16xf32>,
      %max3A_195 = arith.maximumf %gather3A_194, %get3A_184 : vector<16xf32>
      tpu.vector_store_idx %arg10[%add3A_191], %max3A_195 : memref<2080xf32, #tpu.memory_space<vmem>>[vector<16xi32>], vector<16xf32>,
      tpu.vector_store_idx %arg9[%add3A_188], %get3A_180 {add = true} : memref<2080xf32, #tpu.memory_space<vmem>>[vector<16xi32>], vector<16xf32>,
      tpu.vector_store_idx %arg9[%add3A_191], %get3A_184 {add = true} : memref<2080xf32, #tpu.memory_space<vmem>>[vector<16xi32>], vector<16xf32>,
      %mul3A_196 = arith.constant 0 : i32
      %mul3A_197 = vector.broadcast %mul3A_196 : i32 to vector<16xi32>
      %mul3A_198 = arith.muli %iota3A, %mul3A_197 : vector<16xi32>
      %add3A_199 = vector.broadcast %reduce_sum3A_172 : i32 to vector<16xi32>
      %add3A_200 = arith.addi %mul3A_198, %add3A_199 : vector<16xi32>
      tpu.vector_store_idx %arg11[%add3A_200], %broadcast_in_dim3A_33 masked %eq3A_35 {add = true} : memref<80xf32, #tpu.memory_space<vmem>>[vector<16xi32>], vector<16xf32>, vector<16xi1>
      %eq3A_201 = arith.constant 4 : i32
      %eq3A_202 = vector.broadcast %eq3A_201 : i32 to vector<16xi32>
      %eq3A_203 = arith.cmpi eq, %iota3A, %eq3A_202 : vector<16xi32>
      %jit3A_204 = arith.constant 0 : i32
      %broadcast_in_dim3A_205 = vector.broadcast %jit3A_204 : i32 to vector<16xi32>
      %select_n3A_206 = arith.select %eq3A_203, %get3A_53, %broadcast_in_dim3A_205 : vector<16xi1>, vector<16xi32>
      %reduce_sum3A_207 = arith.constant true
      %reduce_sum3A_208 = vector.broadcast %reduce_sum3A_207 : i1 to vector<16xi1>
      %reduce_sum3A_209 = tpu.scan <sum>, %select_n3A_206 masked %reduce_sum3A_208 : vector<16xi32>, vector<16xi1> -> vector<16xi32>
      %reduce_sum3A_210 = vector.extract %reduce_sum3A_209[15] : i32 from vector<16xi32>
      %mul3A_211 = arith.constant 16 : i32
      %mul3A_212 = arith.muli %scan3A_49, %mul3A_211 : i32
      %add3A_213 = arith.constant 4 : i32
      %add3A_214 = arith.addi %mul3A_212, %add3A_213 : i32
      %mul3A_215 = arith.constant 32 : i32
      %mul3A_216 = arith.muli %add3A_214, %mul3A_215 : i32
      %get3A_217 = arith.index_cast %mul3A_216 : i32 to index
      %get3A_218 = tpu.vector_load %arg7[%get3A_217] {strides = array<i32>} : memref<10240xf32, #tpu.memory_space<vmem>>, vector<16xf32>,
      %add3A_219 = arith.constant 16 : i32
      %add3A_220 = arith.addi %mul3A_216, %add3A_219 : i32
      %get3A_221 = arith.index_cast %add3A_220 : i32 to index
      %get3A_222 = tpu.vector_load %arg7[%get3A_221] {strides = array<i32>} : memref<10240xf32, #tpu.memory_space<vmem>>, vector<16xf32>,
      %mul3A_223 = arith.constant 32 : i32
      %mul3A_224 = arith.muli %reduce_sum3A_210, %mul3A_223 : i32
      %add3A_225 = vector.broadcast %mul3A_224 : i32 to vector<16xi32>
      %add3A_226 = arith.addi %add3A_225, %iota3A : vector<16xi32>
      %add3A_227 = arith.constant 16 : i32
      %add3A_228 = vector.broadcast %add3A_227 : i32 to vector<16xi32>
      %add3A_229 = arith.addi %add3A_226, %add3A_228 : vector<16xi32>
      %gather3A_230 = tpu.vector_load_idx %arg10[%add3A_226] : memref<2080xf32, #tpu.memory_space<vmem>>[vector<16xi32>], vector<16xf32>,
      %max3A_231 = arith.maximumf %gather3A_230, %get3A_218 : vector<16xf32>
      tpu.vector_store_idx %arg10[%add3A_226], %max3A_231 : memref<2080xf32, #tpu.memory_space<vmem>>[vector<16xi32>], vector<16xf32>,
      %gather3A_232 = tpu.vector_load_idx %arg10[%add3A_229] : memref<2080xf32, #tpu.memory_space<vmem>>[vector<16xi32>], vector<16xf32>,
      %max3A_233 = arith.maximumf %gather3A_232, %get3A_222 : vector<16xf32>
      tpu.vector_store_idx %arg10[%add3A_229], %max3A_233 : memref<2080xf32, #tpu.memory_space<vmem>>[vector<16xi32>], vector<16xf32>,
      tpu.vector_store_idx %arg9[%add3A_226], %get3A_218 {add = true} : memref<2080xf32, #tpu.memory_space<vmem>>[vector<16xi32>], vector<16xf32>,
      tpu.vector_store_idx %arg9[%add3A_229], %get3A_222 {add = true} : memref<2080xf32, #tpu.memory_space<vmem>>[vector<16xi32>], vector<16xf32>,
      %mul3A_234 = arith.constant 0 : i32
      %mul3A_235 = vector.broadcast %mul3A_234 : i32 to vector<16xi32>
      %mul3A_236 = arith.muli %iota3A, %mul3A_235 : vector<16xi32>
      %add3A_237 = vector.broadcast %reduce_sum3A_210 : i32 to vector<16xi32>
      %add3A_238 = arith.addi %mul3A_236, %add3A_237 : vector<16xi32>
      tpu.vector_store_idx %arg11[%add3A_238], %broadcast_in_dim3A_33 masked %eq3A_35 {add = true} : memref<80xf32, #tpu.memory_space<vmem>>[vector<16xi32>], vector<16xf32>, vector<16xi1>
      %eq3A_239 = arith.constant 5 : i32
      %eq3A_240 = vector.broadcast %eq3A_239 : i32 to vector<16xi32>
      %eq3A_241 = arith.cmpi eq, %iota3A, %eq3A_240 : vector<16xi32>
      %jit3A_242 = arith.constant 0 : i32
      %broadcast_in_dim3A_243 = vector.broadcast %jit3A_242 : i32 to vector<16xi32>
      %select_n3A_244 = arith.select %eq3A_241, %get3A_53, %broadcast_in_dim3A_243 : vector<16xi1>, vector<16xi32>
      %reduce_sum3A_245 = arith.constant true
      %reduce_sum3A_246 = vector.broadcast %reduce_sum3A_245 : i1 to vector<16xi1>
      %reduce_sum3A_247 = tpu.scan <sum>, %select_n3A_244 masked %reduce_sum3A_246 : vector<16xi32>, vector<16xi1> -> vector<16xi32>
      %reduce_sum3A_248 = vector.extract %reduce_sum3A_247[15] : i32 from vector<16xi32>
      %mul3A_249 = arith.constant 16 : i32
      %mul3A_250 = arith.muli %scan3A_49, %mul3A_249 : i32
      %add3A_251 = arith.constant 5 : i32
      %add3A_252 = arith.addi %mul3A_250, %add3A_251 : i32
      %mul3A_253 = arith.constant 32 : i32
      %mul3A_254 = arith.muli %add3A_252, %mul3A_253 : i32
      %get3A_255 = arith.index_cast %mul3A_254 : i32 to index
      %get3A_256 = tpu.vector_load %arg7[%get3A_255] {strides = array<i32>} : memref<10240xf32, #tpu.memory_space<vmem>>, vector<16xf32>,
      %add3A_257 = arith.constant 16 : i32
      %add3A_258 = arith.addi %mul3A_254, %add3A_257 : i32
      %get3A_259 = arith.index_cast %add3A_258 : i32 to index
      %get3A_260 = tpu.vector_load %arg7[%get3A_259] {strides = array<i32>} : memref<10240xf32, #tpu.memory_space<vmem>>, vector<16xf32>,
      %mul3A_261 = arith.constant 32 : i32
      %mul3A_262 = arith.muli %reduce_sum3A_248, %mul3A_261 : i32
      %add3A_263 = vector.broadcast %mul3A_262 : i32 to vector<16xi32>
      %add3A_264 = arith.addi %add3A_263, %iota3A : vector<16xi32>
      %add3A_265 = arith.constant 16 : i32
      %add3A_266 = vector.broadcast %add3A_265 : i32 to vector<16xi32>
      %add3A_267 = arith.addi %add3A_264, %add3A_266 : vector<16xi32>
      %gather3A_268 = tpu.vector_load_idx %arg10[%add3A_264] : memref<2080xf32, #tpu.memory_space<vmem>>[vector<16xi32>], vector<16xf32>,
      %max3A_269 = arith.maximumf %gather3A_268, %get3A_256 : vector<16xf32>
      tpu.vector_store_idx %arg10[%add3A_264], %max3A_269 : memref<2080xf32, #tpu.memory_space<vmem>>[vector<16xi32>], vector<16xf32>,
      %gather3A_270 = tpu.vector_load_idx %arg10[%add3A_267] : memref<2080xf32, #tpu.memory_space<vmem>>[vector<16xi32>], vector<16xf32>,
      %max3A_271 = arith.maximumf %gather3A_270, %get3A_260 : vector<16xf32>
      tpu.vector_store_idx %arg10[%add3A_267], %max3A_271 : memref<2080xf32, #tpu.memory_space<vmem>>[vector<16xi32>], vector<16xf32>,
      tpu.vector_store_idx %arg9[%add3A_264], %get3A_256 {add = true} : memref<2080xf32, #tpu.memory_space<vmem>>[vector<16xi32>], vector<16xf32>,
      tpu.vector_store_idx %arg9[%add3A_267], %get3A_260 {add = true} : memref<2080xf32, #tpu.memory_space<vmem>>[vector<16xi32>], vector<16xf32>,
      %mul3A_272 = arith.constant 0 : i32
      %mul3A_273 = vector.broadcast %mul3A_272 : i32 to vector<16xi32>
      %mul3A_274 = arith.muli %iota3A, %mul3A_273 : vector<16xi32>
      %add3A_275 = vector.broadcast %reduce_sum3A_248 : i32 to vector<16xi32>
      %add3A_276 = arith.addi %mul3A_274, %add3A_275 : vector<16xi32>
      tpu.vector_store_idx %arg11[%add3A_276], %broadcast_in_dim3A_33 masked %eq3A_35 {add = true} : memref<80xf32, #tpu.memory_space<vmem>>[vector<16xi32>], vector<16xf32>, vector<16xi1>
      %eq3A_277 = arith.constant 6 : i32
      %eq3A_278 = vector.broadcast %eq3A_277 : i32 to vector<16xi32>
      %eq3A_279 = arith.cmpi eq, %iota3A, %eq3A_278 : vector<16xi32>
      %jit3A_280 = arith.constant 0 : i32
      %broadcast_in_dim3A_281 = vector.broadcast %jit3A_280 : i32 to vector<16xi32>
      %select_n3A_282 = arith.select %eq3A_279, %get3A_53, %broadcast_in_dim3A_281 : vector<16xi1>, vector<16xi32>
      %reduce_sum3A_283 = arith.constant true
      %reduce_sum3A_284 = vector.broadcast %reduce_sum3A_283 : i1 to vector<16xi1>
      %reduce_sum3A_285 = tpu.scan <sum>, %select_n3A_282 masked %reduce_sum3A_284 : vector<16xi32>, vector<16xi1> -> vector<16xi32>
      %reduce_sum3A_286 = vector.extract %reduce_sum3A_285[15] : i32 from vector<16xi32>
      %mul3A_287 = arith.constant 16 : i32
      %mul3A_288 = arith.muli %scan3A_49, %mul3A_287 : i32
      %add3A_289 = arith.constant 6 : i32
      %add3A_290 = arith.addi %mul3A_288, %add3A_289 : i32
      %mul3A_291 = arith.constant 32 : i32
      %mul3A_292 = arith.muli %add3A_290, %mul3A_291 : i32
      %get3A_293 = arith.index_cast %mul3A_292 : i32 to index
      %get3A_294 = tpu.vector_load %arg7[%get3A_293] {strides = array<i32>} : memref<10240xf32, #tpu.memory_space<vmem>>, vector<16xf32>,
      %add3A_295 = arith.constant 16 : i32
      %add3A_296 = arith.addi %mul3A_292, %add3A_295 : i32
      %get3A_297 = arith.index_cast %add3A_296 : i32 to index
      %get3A_298 = tpu.vector_load %arg7[%get3A_297] {strides = array<i32>} : memref<10240xf32, #tpu.memory_space<vmem>>, vector<16xf32>,
      %mul3A_299 = arith.constant 32 : i32
      %mul3A_300 = arith.muli %reduce_sum3A_286, %mul3A_299 : i32
      %add3A_301 = vector.broadcast %mul3A_300 : i32 to vector<16xi32>
      %add3A_302 = arith.addi %add3A_301, %iota3A : vector<16xi32>
      %add3A_303 = arith.constant 16 : i32
      %add3A_304 = vector.broadcast %add3A_303 : i32 to vector<16xi32>
      %add3A_305 = arith.addi %add3A_302, %add3A_304 : vector<16xi32>
      %gather3A_306 = tpu.vector_load_idx %arg10[%add3A_302] : memref<2080xf32, #tpu.memory_space<vmem>>[vector<16xi32>], vector<16xf32>,
      %max3A_307 = arith.maximumf %gather3A_306, %get3A_294 : vector<16xf32>
      tpu.vector_store_idx %arg10[%add3A_302], %max3A_307 : memref<2080xf32, #tpu.memory_space<vmem>>[vector<16xi32>], vector<16xf32>,
      %gather3A_308 = tpu.vector_load_idx %arg10[%add3A_305] : memref<2080xf32, #tpu.memory_space<vmem>>[vector<16xi32>], vector<16xf32>,
      %max3A_309 = arith.maximumf %gather3A_308, %get3A_298 : vector<16xf32>
      tpu.vector_store_idx %arg10[%add3A_305], %max3A_309 : memref<2080xf32, #tpu.memory_space<vmem>>[vector<16xi32>], vector<16xf32>,
      tpu.vector_store_idx %arg9[%add3A_302], %get3A_294 {add = true} : memref<2080xf32, #tpu.memory_space<vmem>>[vector<16xi32>], vector<16xf32>,
      tpu.vector_store_idx %arg9[%add3A_305], %get3A_298 {add = true} : memref<2080xf32, #tpu.memory_space<vmem>>[vector<16xi32>], vector<16xf32>,
      %mul3A_310 = arith.constant 0 : i32
      %mul3A_311 = vector.broadcast %mul3A_310 : i32 to vector<16xi32>
      %mul3A_312 = arith.muli %iota3A, %mul3A_311 : vector<16xi32>
      %add3A_313 = vector.broadcast %reduce_sum3A_286 : i32 to vector<16xi32>
      %add3A_314 = arith.addi %mul3A_312, %add3A_313 : vector<16xi32>
      tpu.vector_store_idx %arg11[%add3A_314], %broadcast_in_dim3A_33 masked %eq3A_35 {add = true} : memref<80xf32, #tpu.memory_space<vmem>>[vector<16xi32>], vector<16xf32>, vector<16xi1>
      %eq3A_315 = arith.constant 7 : i32
      %eq3A_316 = vector.broadcast %eq3A_315 : i32 to vector<16xi32>
      %eq3A_317 = arith.cmpi eq, %iota3A, %eq3A_316 : vector<16xi32>
      %jit3A_318 = arith.constant 0 : i32
      %broadcast_in_dim3A_319 = vector.broadcast %jit3A_318 : i32 to vector<16xi32>
      %select_n3A_320 = arith.select %eq3A_317, %get3A_53, %broadcast_in_dim3A_319 : vector<16xi1>, vector<16xi32>
      %reduce_sum3A_321 = arith.constant true
      %reduce_sum3A_322 = vector.broadcast %reduce_sum3A_321 : i1 to vector<16xi1>
      %reduce_sum3A_323 = tpu.scan <sum>, %select_n3A_320 masked %reduce_sum3A_322 : vector<16xi32>, vector<16xi1> -> vector<16xi32>
      %reduce_sum3A_324 = vector.extract %reduce_sum3A_323[15] : i32 from vector<16xi32>
      %mul3A_325 = arith.constant 16 : i32
      %mul3A_326 = arith.muli %scan3A_49, %mul3A_325 : i32
      %add3A_327 = arith.constant 7 : i32
      %add3A_328 = arith.addi %mul3A_326, %add3A_327 : i32
      %mul3A_329 = arith.constant 32 : i32
      %mul3A_330 = arith.muli %add3A_328, %mul3A_329 : i32
      %get3A_331 = arith.index_cast %mul3A_330 : i32 to index
      %get3A_332 = tpu.vector_load %arg7[%get3A_331] {strides = array<i32>} : memref<10240xf32, #tpu.memory_space<vmem>>, vector<16xf32>,
      %add3A_333 = arith.constant 16 : i32
      %add3A_334 = arith.addi %mul3A_330, %add3A_333 : i32
      %get3A_335 = arith.index_cast %add3A_334 : i32 to index
      %get3A_336 = tpu.vector_load %arg7[%get3A_335] {strides = array<i32>} : memref<10240xf32, #tpu.memory_space<vmem>>, vector<16xf32>,
      %mul3A_337 = arith.constant 32 : i32
      %mul3A_338 = arith.muli %reduce_sum3A_324, %mul3A_337 : i32
      %add3A_339 = vector.broadcast %mul3A_338 : i32 to vector<16xi32>
      %add3A_340 = arith.addi %add3A_339, %iota3A : vector<16xi32>
      %add3A_341 = arith.constant 16 : i32
      %add3A_342 = vector.broadcast %add3A_341 : i32 to vector<16xi32>
      %add3A_343 = arith.addi %add3A_340, %add3A_342 : vector<16xi32>
      %gather3A_344 = tpu.vector_load_idx %arg10[%add3A_340] : memref<2080xf32, #tpu.memory_space<vmem>>[vector<16xi32>], vector<16xf32>,
      %max3A_345 = arith.maximumf %gather3A_344, %get3A_332 : vector<16xf32>
      tpu.vector_store_idx %arg10[%add3A_340], %max3A_345 : memref<2080xf32, #tpu.memory_space<vmem>>[vector<16xi32>], vector<16xf32>,
      %gather3A_346 = tpu.vector_load_idx %arg10[%add3A_343] : memref<2080xf32, #tpu.memory_space<vmem>>[vector<16xi32>], vector<16xf32>,
      %max3A_347 = arith.maximumf %gather3A_346, %get3A_336 : vector<16xf32>
      tpu.vector_store_idx %arg10[%add3A_343], %max3A_347 : memref<2080xf32, #tpu.memory_space<vmem>>[vector<16xi32>], vector<16xf32>,
      tpu.vector_store_idx %arg9[%add3A_340], %get3A_332 {add = true} : memref<2080xf32, #tpu.memory_space<vmem>>[vector<16xi32>], vector<16xf32>,
      tpu.vector_store_idx %arg9[%add3A_343], %get3A_336 {add = true} : memref<2080xf32, #tpu.memory_space<vmem>>[vector<16xi32>], vector<16xf32>,
      %mul3A_348 = arith.constant 0 : i32
      %mul3A_349 = vector.broadcast %mul3A_348 : i32 to vector<16xi32>
      %mul3A_350 = arith.muli %iota3A, %mul3A_349 : vector<16xi32>
      %add3A_351 = vector.broadcast %reduce_sum3A_324 : i32 to vector<16xi32>
      %add3A_352 = arith.addi %mul3A_350, %add3A_351 : vector<16xi32>
      tpu.vector_store_idx %arg11[%add3A_352], %broadcast_in_dim3A_33 masked %eq3A_35 {add = true} : memref<80xf32, #tpu.memory_space<vmem>>[vector<16xi32>], vector<16xf32>, vector<16xi1>
      %eq3A_353 = arith.constant 8 : i32
      %eq3A_354 = vector.broadcast %eq3A_353 : i32 to vector<16xi32>
      %eq3A_355 = arith.cmpi eq, %iota3A, %eq3A_354 : vector<16xi32>
      %jit3A_356 = arith.constant 0 : i32
      %broadcast_in_dim3A_357 = vector.broadcast %jit3A_356 : i32 to vector<16xi32>
      %select_n3A_358 = arith.select %eq3A_355, %get3A_53, %broadcast_in_dim3A_357 : vector<16xi1>, vector<16xi32>
      %reduce_sum3A_359 = arith.constant true
      %reduce_sum3A_360 = vector.broadcast %reduce_sum3A_359 : i1 to vector<16xi1>
      %reduce_sum3A_361 = tpu.scan <sum>, %select_n3A_358 masked %reduce_sum3A_360 : vector<16xi32>, vector<16xi1> -> vector<16xi32>
      %reduce_sum3A_362 = vector.extract %reduce_sum3A_361[15] : i32 from vector<16xi32>
      %mul3A_363 = arith.constant 16 : i32
      %mul3A_364 = arith.muli %scan3A_49, %mul3A_363 : i32
      %add3A_365 = arith.constant 8 : i32
      %add3A_366 = arith.addi %mul3A_364, %add3A_365 : i32
      %mul3A_367 = arith.constant 32 : i32
      %mul3A_368 = arith.muli %add3A_366, %mul3A_367 : i32
      %get3A_369 = arith.index_cast %mul3A_368 : i32 to index
      %get3A_370 = tpu.vector_load %arg7[%get3A_369] {strides = array<i32>} : memref<10240xf32, #tpu.memory_space<vmem>>, vector<16xf32>,
      %add3A_371 = arith.constant 16 : i32
      %add3A_372 = arith.addi %mul3A_368, %add3A_371 : i32
      %get3A_373 = arith.index_cast %add3A_372 : i32 to index
      %get3A_374 = tpu.vector_load %arg7[%get3A_373] {strides = array<i32>} : memref<10240xf32, #tpu.memory_space<vmem>>, vector<16xf32>,
      %mul3A_375 = arith.constant 32 : i32
      %mul3A_376 = arith.muli %reduce_sum3A_362, %mul3A_375 : i32
      %add3A_377 = vector.broadcast %mul3A_376 : i32 to vector<16xi32>
      %add3A_378 = arith.addi %add3A_377, %iota3A : vector<16xi32>
      %add3A_379 = arith.constant 16 : i32
      %add3A_380 = vector.broadcast %add3A_379 : i32 to vector<16xi32>
      %add3A_381 = arith.addi %add3A_378, %add3A_380 : vector<16xi32>
      %gather3A_382 = tpu.vector_load_idx %arg10[%add3A_378] : memref<2080xf32, #tpu.memory_space<vmem>>[vector<16xi32>], vector<16xf32>,
      %max3A_383 = arith.maximumf %gather3A_382, %get3A_370 : vector<16xf32>
      tpu.vector_store_idx %arg10[%add3A_378], %max3A_383 : memref<2080xf32, #tpu.memory_space<vmem>>[vector<16xi32>], vector<16xf32>,
      %gather3A_384 = tpu.vector_load_idx %arg10[%add3A_381] : memref<2080xf32, #tpu.memory_space<vmem>>[vector<16xi32>], vector<16xf32>,
      %max3A_385 = arith.maximumf %gather3A_384, %get3A_374 : vector<16xf32>
      tpu.vector_store_idx %arg10[%add3A_381], %max3A_385 : memref<2080xf32, #tpu.memory_space<vmem>>[vector<16xi32>], vector<16xf32>,
      tpu.vector_store_idx %arg9[%add3A_378], %get3A_370 {add = true} : memref<2080xf32, #tpu.memory_space<vmem>>[vector<16xi32>], vector<16xf32>,
      tpu.vector_store_idx %arg9[%add3A_381], %get3A_374 {add = true} : memref<2080xf32, #tpu.memory_space<vmem>>[vector<16xi32>], vector<16xf32>,
      %mul3A_386 = arith.constant 0 : i32
      %mul3A_387 = vector.broadcast %mul3A_386 : i32 to vector<16xi32>
      %mul3A_388 = arith.muli %iota3A, %mul3A_387 : vector<16xi32>
      %add3A_389 = vector.broadcast %reduce_sum3A_362 : i32 to vector<16xi32>
      %add3A_390 = arith.addi %mul3A_388, %add3A_389 : vector<16xi32>
      tpu.vector_store_idx %arg11[%add3A_390], %broadcast_in_dim3A_33 masked %eq3A_35 {add = true} : memref<80xf32, #tpu.memory_space<vmem>>[vector<16xi32>], vector<16xf32>, vector<16xi1>
      %eq3A_391 = arith.constant 9 : i32
      %eq3A_392 = vector.broadcast %eq3A_391 : i32 to vector<16xi32>
      %eq3A_393 = arith.cmpi eq, %iota3A, %eq3A_392 : vector<16xi32>
      %jit3A_394 = arith.constant 0 : i32
      %broadcast_in_dim3A_395 = vector.broadcast %jit3A_394 : i32 to vector<16xi32>
      %select_n3A_396 = arith.select %eq3A_393, %get3A_53, %broadcast_in_dim3A_395 : vector<16xi1>, vector<16xi32>
      %reduce_sum3A_397 = arith.constant true
      %reduce_sum3A_398 = vector.broadcast %reduce_sum3A_397 : i1 to vector<16xi1>
      %reduce_sum3A_399 = tpu.scan <sum>, %select_n3A_396 masked %reduce_sum3A_398 : vector<16xi32>, vector<16xi1> -> vector<16xi32>
      %reduce_sum3A_400 = vector.extract %reduce_sum3A_399[15] : i32 from vector<16xi32>
      %mul3A_401 = arith.constant 16 : i32
      %mul3A_402 = arith.muli %scan3A_49, %mul3A_401 : i32
      %add3A_403 = arith.constant 9 : i32
      %add3A_404 = arith.addi %mul3A_402, %add3A_403 : i32
      %mul3A_405 = arith.constant 32 : i32
      %mul3A_406 = arith.muli %add3A_404, %mul3A_405 : i32
      %get3A_407 = arith.index_cast %mul3A_406 : i32 to index
      %get3A_408 = tpu.vector_load %arg7[%get3A_407] {strides = array<i32>} : memref<10240xf32, #tpu.memory_space<vmem>>, vector<16xf32>,
      %add3A_409 = arith.constant 16 : i32
      %add3A_410 = arith.addi %mul3A_406, %add3A_409 : i32
      %get3A_411 = arith.index_cast %add3A_410 : i32 to index
      %get3A_412 = tpu.vector_load %arg7[%get3A_411] {strides = array<i32>} : memref<10240xf32, #tpu.memory_space<vmem>>, vector<16xf32>,
      %mul3A_413 = arith.constant 32 : i32
      %mul3A_414 = arith.muli %reduce_sum3A_400, %mul3A_413 : i32
      %add3A_415 = vector.broadcast %mul3A_414 : i32 to vector<16xi32>
      %add3A_416 = arith.addi %add3A_415, %iota3A : vector<16xi32>
      %add3A_417 = arith.constant 16 : i32
      %add3A_418 = vector.broadcast %add3A_417 : i32 to vector<16xi32>
      %add3A_419 = arith.addi %add3A_416, %add3A_418 : vector<16xi32>
      %gather3A_420 = tpu.vector_load_idx %arg10[%add3A_416] : memref<2080xf32, #tpu.memory_space<vmem>>[vector<16xi32>], vector<16xf32>,
      %max3A_421 = arith.maximumf %gather3A_420, %get3A_408 : vector<16xf32>
      tpu.vector_store_idx %arg10[%add3A_416], %max3A_421 : memref<2080xf32, #tpu.memory_space<vmem>>[vector<16xi32>], vector<16xf32>,
      %gather3A_422 = tpu.vector_load_idx %arg10[%add3A_419] : memref<2080xf32, #tpu.memory_space<vmem>>[vector<16xi32>], vector<16xf32>,
      %max3A_423 = arith.maximumf %gather3A_422, %get3A_412 : vector<16xf32>
      tpu.vector_store_idx %arg10[%add3A_419], %max3A_423 : memref<2080xf32, #tpu.memory_space<vmem>>[vector<16xi32>], vector<16xf32>,
      tpu.vector_store_idx %arg9[%add3A_416], %get3A_408 {add = true} : memref<2080xf32, #tpu.memory_space<vmem>>[vector<16xi32>], vector<16xf32>,
      tpu.vector_store_idx %arg9[%add3A_419], %get3A_412 {add = true} : memref<2080xf32, #tpu.memory_space<vmem>>[vector<16xi32>], vector<16xf32>,
      %mul3A_424 = arith.constant 0 : i32
      %mul3A_425 = vector.broadcast %mul3A_424 : i32 to vector<16xi32>
      %mul3A_426 = arith.muli %iota3A, %mul3A_425 : vector<16xi32>
      %add3A_427 = vector.broadcast %reduce_sum3A_400 : i32 to vector<16xi32>
      %add3A_428 = arith.addi %mul3A_426, %add3A_427 : vector<16xi32>
      tpu.vector_store_idx %arg11[%add3A_428], %broadcast_in_dim3A_33 masked %eq3A_35 {add = true} : memref<80xf32, #tpu.memory_space<vmem>>[vector<16xi32>], vector<16xf32>, vector<16xi1>
      %eq3A_429 = arith.constant 10 : i32
      %eq3A_430 = vector.broadcast %eq3A_429 : i32 to vector<16xi32>
      %eq3A_431 = arith.cmpi eq, %iota3A, %eq3A_430 : vector<16xi32>
      %jit3A_432 = arith.constant 0 : i32
      %broadcast_in_dim3A_433 = vector.broadcast %jit3A_432 : i32 to vector<16xi32>
      %select_n3A_434 = arith.select %eq3A_431, %get3A_53, %broadcast_in_dim3A_433 : vector<16xi1>, vector<16xi32>
      %reduce_sum3A_435 = arith.constant true
      %reduce_sum3A_436 = vector.broadcast %reduce_sum3A_435 : i1 to vector<16xi1>
      %reduce_sum3A_437 = tpu.scan <sum>, %select_n3A_434 masked %reduce_sum3A_436 : vector<16xi32>, vector<16xi1> -> vector<16xi32>
      %reduce_sum3A_438 = vector.extract %reduce_sum3A_437[15] : i32 from vector<16xi32>
      %mul3A_439 = arith.constant 16 : i32
      %mul3A_440 = arith.muli %scan3A_49, %mul3A_439 : i32
      %add3A_441 = arith.constant 10 : i32
      %add3A_442 = arith.addi %mul3A_440, %add3A_441 : i32
      %mul3A_443 = arith.constant 32 : i32
      %mul3A_444 = arith.muli %add3A_442, %mul3A_443 : i32
      %get3A_445 = arith.index_cast %mul3A_444 : i32 to index
      %get3A_446 = tpu.vector_load %arg7[%get3A_445] {strides = array<i32>} : memref<10240xf32, #tpu.memory_space<vmem>>, vector<16xf32>,
      %add3A_447 = arith.constant 16 : i32
      %add3A_448 = arith.addi %mul3A_444, %add3A_447 : i32
      %get3A_449 = arith.index_cast %add3A_448 : i32 to index
      %get3A_450 = tpu.vector_load %arg7[%get3A_449] {strides = array<i32>} : memref<10240xf32, #tpu.memory_space<vmem>>, vector<16xf32>,
      %mul3A_451 = arith.constant 32 : i32
      %mul3A_452 = arith.muli %reduce_sum3A_438, %mul3A_451 : i32
      %add3A_453 = vector.broadcast %mul3A_452 : i32 to vector<16xi32>
      %add3A_454 = arith.addi %add3A_453, %iota3A : vector<16xi32>
      %add3A_455 = arith.constant 16 : i32
      %add3A_456 = vector.broadcast %add3A_455 : i32 to vector<16xi32>
      %add3A_457 = arith.addi %add3A_454, %add3A_456 : vector<16xi32>
      %gather3A_458 = tpu.vector_load_idx %arg10[%add3A_454] : memref<2080xf32, #tpu.memory_space<vmem>>[vector<16xi32>], vector<16xf32>,
      %max3A_459 = arith.maximumf %gather3A_458, %get3A_446 : vector<16xf32>
      tpu.vector_store_idx %arg10[%add3A_454], %max3A_459 : memref<2080xf32, #tpu.memory_space<vmem>>[vector<16xi32>], vector<16xf32>,
      %gather3A_460 = tpu.vector_load_idx %arg10[%add3A_457] : memref<2080xf32, #tpu.memory_space<vmem>>[vector<16xi32>], vector<16xf32>,
      %max3A_461 = arith.maximumf %gather3A_460, %get3A_450 : vector<16xf32>
      tpu.vector_store_idx %arg10[%add3A_457], %max3A_461 : memref<2080xf32, #tpu.memory_space<vmem>>[vector<16xi32>], vector<16xf32>,
      tpu.vector_store_idx %arg9[%add3A_454], %get3A_446 {add = true} : memref<2080xf32, #tpu.memory_space<vmem>>[vector<16xi32>], vector<16xf32>,
      tpu.vector_store_idx %arg9[%add3A_457], %get3A_450 {add = true} : memref<2080xf32, #tpu.memory_space<vmem>>[vector<16xi32>], vector<16xf32>,
      %mul3A_462 = arith.constant 0 : i32
      %mul3A_463 = vector.broadcast %mul3A_462 : i32 to vector<16xi32>
      %mul3A_464 = arith.muli %iota3A, %mul3A_463 : vector<16xi32>
      %add3A_465 = vector.broadcast %reduce_sum3A_438 : i32 to vector<16xi32>
      %add3A_466 = arith.addi %mul3A_464, %add3A_465 : vector<16xi32>
      tpu.vector_store_idx %arg11[%add3A_466], %broadcast_in_dim3A_33 masked %eq3A_35 {add = true} : memref<80xf32, #tpu.memory_space<vmem>>[vector<16xi32>], vector<16xf32>, vector<16xi1>
      %eq3A_467 = arith.constant 11 : i32
      %eq3A_468 = vector.broadcast %eq3A_467 : i32 to vector<16xi32>
      %eq3A_469 = arith.cmpi eq, %iota3A, %eq3A_468 : vector<16xi32>
      %jit3A_470 = arith.constant 0 : i32
      %broadcast_in_dim3A_471 = vector.broadcast %jit3A_470 : i32 to vector<16xi32>
      %select_n3A_472 = arith.select %eq3A_469, %get3A_53, %broadcast_in_dim3A_471 : vector<16xi1>, vector<16xi32>
      %reduce_sum3A_473 = arith.constant true
      %reduce_sum3A_474 = vector.broadcast %reduce_sum3A_473 : i1 to vector<16xi1>
      %reduce_sum3A_475 = tpu.scan <sum>, %select_n3A_472 masked %reduce_sum3A_474 : vector<16xi32>, vector<16xi1> -> vector<16xi32>
      %reduce_sum3A_476 = vector.extract %reduce_sum3A_475[15] : i32 from vector<16xi32>
      %mul3A_477 = arith.constant 16 : i32
      %mul3A_478 = arith.muli %scan3A_49, %mul3A_477 : i32
      %add3A_479 = arith.constant 11 : i32
      %add3A_480 = arith.addi %mul3A_478, %add3A_479 : i32
      %mul3A_481 = arith.constant 32 : i32
      %mul3A_482 = arith.muli %add3A_480, %mul3A_481 : i32
      %get3A_483 = arith.index_cast %mul3A_482 : i32 to index
      %get3A_484 = tpu.vector_load %arg7[%get3A_483] {strides = array<i32>} : memref<10240xf32, #tpu.memory_space<vmem>>, vector<16xf32>,
      %add3A_485 = arith.constant 16 : i32
      %add3A_486 = arith.addi %mul3A_482, %add3A_485 : i32
      %get3A_487 = arith.index_cast %add3A_486 : i32 to index
      %get3A_488 = tpu.vector_load %arg7[%get3A_487] {strides = array<i32>} : memref<10240xf32, #tpu.memory_space<vmem>>, vector<16xf32>,
      %mul3A_489 = arith.constant 32 : i32
      %mul3A_490 = arith.muli %reduce_sum3A_476, %mul3A_489 : i32
      %add3A_491 = vector.broadcast %mul3A_490 : i32 to vector<16xi32>
      %add3A_492 = arith.addi %add3A_491, %iota3A : vector<16xi32>
      %add3A_493 = arith.constant 16 : i32
      %add3A_494 = vector.broadcast %add3A_493 : i32 to vector<16xi32>
      %add3A_495 = arith.addi %add3A_492, %add3A_494 : vector<16xi32>
      %gather3A_496 = tpu.vector_load_idx %arg10[%add3A_492] : memref<2080xf32, #tpu.memory_space<vmem>>[vector<16xi32>], vector<16xf32>,
      %max3A_497 = arith.maximumf %gather3A_496, %get3A_484 : vector<16xf32>
      tpu.vector_store_idx %arg10[%add3A_492], %max3A_497 : memref<2080xf32, #tpu.memory_space<vmem>>[vector<16xi32>], vector<16xf32>,
      %gather3A_498 = tpu.vector_load_idx %arg10[%add3A_495] : memref<2080xf32, #tpu.memory_space<vmem>>[vector<16xi32>], vector<16xf32>,
      %max3A_499 = arith.maximumf %gather3A_498, %get3A_488 : vector<16xf32>
      tpu.vector_store_idx %arg10[%add3A_495], %max3A_499 : memref<2080xf32, #tpu.memory_space<vmem>>[vector<16xi32>], vector<16xf32>,
      tpu.vector_store_idx %arg9[%add3A_492], %get3A_484 {add = true} : memref<2080xf32, #tpu.memory_space<vmem>>[vector<16xi32>], vector<16xf32>,
      tpu.vector_store_idx %arg9[%add3A_495], %get3A_488 {add = true} : memref<2080xf32, #tpu.memory_space<vmem>>[vector<16xi32>], vector<16xf32>,
      %mul3A_500 = arith.constant 0 : i32
      %mul3A_501 = vector.broadcast %mul3A_500 : i32 to vector<16xi32>
      %mul3A_502 = arith.muli %iota3A, %mul3A_501 : vector<16xi32>
      %add3A_503 = vector.broadcast %reduce_sum3A_476 : i32 to vector<16xi32>
      %add3A_504 = arith.addi %mul3A_502, %add3A_503 : vector<16xi32>
      tpu.vector_store_idx %arg11[%add3A_504], %broadcast_in_dim3A_33 masked %eq3A_35 {add = true} : memref<80xf32, #tpu.memory_space<vmem>>[vector<16xi32>], vector<16xf32>, vector<16xi1>
      %eq3A_505 = arith.constant 12 : i32
      %eq3A_506 = vector.broadcast %eq3A_505 : i32 to vector<16xi32>
      %eq3A_507 = arith.cmpi eq, %iota3A, %eq3A_506 : vector<16xi32>
      %jit3A_508 = arith.constant 0 : i32
      %broadcast_in_dim3A_509 = vector.broadcast %jit3A_508 : i32 to vector<16xi32>
      %select_n3A_510 = arith.select %eq3A_507, %get3A_53, %broadcast_in_dim3A_509 : vector<16xi1>, vector<16xi32>
      %reduce_sum3A_511 = arith.constant true
      %reduce_sum3A_512 = vector.broadcast %reduce_sum3A_511 : i1 to vector<16xi1>
      %reduce_sum3A_513 = tpu.scan <sum>, %select_n3A_510 masked %reduce_sum3A_512 : vector<16xi32>, vector<16xi1> -> vector<16xi32>
      %reduce_sum3A_514 = vector.extract %reduce_sum3A_513[15] : i32 from vector<16xi32>
      %mul3A_515 = arith.constant 16 : i32
      %mul3A_516 = arith.muli %scan3A_49, %mul3A_515 : i32
      %add3A_517 = arith.constant 12 : i32
      %add3A_518 = arith.addi %mul3A_516, %add3A_517 : i32
      %mul3A_519 = arith.constant 32 : i32
      %mul3A_520 = arith.muli %add3A_518, %mul3A_519 : i32
      %get3A_521 = arith.index_cast %mul3A_520 : i32 to index
      %get3A_522 = tpu.vector_load %arg7[%get3A_521] {strides = array<i32>} : memref<10240xf32, #tpu.memory_space<vmem>>, vector<16xf32>,
      %add3A_523 = arith.constant 16 : i32
      %add3A_524 = arith.addi %mul3A_520, %add3A_523 : i32
      %get3A_525 = arith.index_cast %add3A_524 : i32 to index
      %get3A_526 = tpu.vector_load %arg7[%get3A_525] {strides = array<i32>} : memref<10240xf32, #tpu.memory_space<vmem>>, vector<16xf32>,
      %mul3A_527 = arith.constant 32 : i32
      %mul3A_528 = arith.muli %reduce_sum3A_514, %mul3A_527 : i32
      %add3A_529 = vector.broadcast %mul3A_528 : i32 to vector<16xi32>
      %add3A_530 = arith.addi %add3A_529, %iota3A : vector<16xi32>
      %add3A_531 = arith.constant 16 : i32
      %add3A_532 = vector.broadcast %add3A_531 : i32 to vector<16xi32>
      %add3A_533 = arith.addi %add3A_530, %add3A_532 : vector<16xi32>
      %gather3A_534 = tpu.vector_load_idx %arg10[%add3A_530] : memref<2080xf32, #tpu.memory_space<vmem>>[vector<16xi32>], vector<16xf32>,
      %max3A_535 = arith.maximumf %gather3A_534, %get3A_522 : vector<16xf32>
      tpu.vector_store_idx %arg10[%add3A_530], %max3A_535 : memref<2080xf32, #tpu.memory_space<vmem>>[vector<16xi32>], vector<16xf32>,
      %gather3A_536 = tpu.vector_load_idx %arg10[%add3A_533] : memref<2080xf32, #tpu.memory_space<vmem>>[vector<16xi32>], vector<16xf32>,
      %max3A_537 = arith.maximumf %gather3A_536, %get3A_526 : vector<16xf32>
      tpu.vector_store_idx %arg10[%add3A_533], %max3A_537 : memref<2080xf32, #tpu.memory_space<vmem>>[vector<16xi32>], vector<16xf32>,
      tpu.vector_store_idx %arg9[%add3A_530], %get3A_522 {add = true} : memref<2080xf32, #tpu.memory_space<vmem>>[vector<16xi32>], vector<16xf32>,
      tpu.vector_store_idx %arg9[%add3A_533], %get3A_526 {add = true} : memref<2080xf32, #tpu.memory_space<vmem>>[vector<16xi32>], vector<16xf32>,
      %mul3A_538 = arith.constant 0 : i32
      %mul3A_539 = vector.broadcast %mul3A_538 : i32 to vector<16xi32>
      %mul3A_540 = arith.muli %iota3A, %mul3A_539 : vector<16xi32>
      %add3A_541 = vector.broadcast %reduce_sum3A_514 : i32 to vector<16xi32>
      %add3A_542 = arith.addi %mul3A_540, %add3A_541 : vector<16xi32>
      tpu.vector_store_idx %arg11[%add3A_542], %broadcast_in_dim3A_33 masked %eq3A_35 {add = true} : memref<80xf32, #tpu.memory_space<vmem>>[vector<16xi32>], vector<16xf32>, vector<16xi1>
      %eq3A_543 = arith.constant 13 : i32
      %eq3A_544 = vector.broadcast %eq3A_543 : i32 to vector<16xi32>
      %eq3A_545 = arith.cmpi eq, %iota3A, %eq3A_544 : vector<16xi32>
      %jit3A_546 = arith.constant 0 : i32
      %broadcast_in_dim3A_547 = vector.broadcast %jit3A_546 : i32 to vector<16xi32>
      %select_n3A_548 = arith.select %eq3A_545, %get3A_53, %broadcast_in_dim3A_547 : vector<16xi1>, vector<16xi32>
      %reduce_sum3A_549 = arith.constant true
      %reduce_sum3A_550 = vector.broadcast %reduce_sum3A_549 : i1 to vector<16xi1>
      %reduce_sum3A_551 = tpu.scan <sum>, %select_n3A_548 masked %reduce_sum3A_550 : vector<16xi32>, vector<16xi1> -> vector<16xi32>
      %reduce_sum3A_552 = vector.extract %reduce_sum3A_551[15] : i32 from vector<16xi32>
      %mul3A_553 = arith.constant 16 : i32
      %mul3A_554 = arith.muli %scan3A_49, %mul3A_553 : i32
      %add3A_555 = arith.constant 13 : i32
      %add3A_556 = arith.addi %mul3A_554, %add3A_555 : i32
      %mul3A_557 = arith.constant 32 : i32
      %mul3A_558 = arith.muli %add3A_556, %mul3A_557 : i32
      %get3A_559 = arith.index_cast %mul3A_558 : i32 to index
      %get3A_560 = tpu.vector_load %arg7[%get3A_559] {strides = array<i32>} : memref<10240xf32, #tpu.memory_space<vmem>>, vector<16xf32>,
      %add3A_561 = arith.constant 16 : i32
      %add3A_562 = arith.addi %mul3A_558, %add3A_561 : i32
      %get3A_563 = arith.index_cast %add3A_562 : i32 to index
      %get3A_564 = tpu.vector_load %arg7[%get3A_563] {strides = array<i32>} : memref<10240xf32, #tpu.memory_space<vmem>>, vector<16xf32>,
      %mul3A_565 = arith.constant 32 : i32
      %mul3A_566 = arith.muli %reduce_sum3A_552, %mul3A_565 : i32
      %add3A_567 = vector.broadcast %mul3A_566 : i32 to vector<16xi32>
      %add3A_568 = arith.addi %add3A_567, %iota3A : vector<16xi32>
      %add3A_569 = arith.constant 16 : i32
      %add3A_570 = vector.broadcast %add3A_569 : i32 to vector<16xi32>
      %add3A_571 = arith.addi %add3A_568, %add3A_570 : vector<16xi32>
      %gather3A_572 = tpu.vector_load_idx %arg10[%add3A_568] : memref<2080xf32, #tpu.memory_space<vmem>>[vector<16xi32>], vector<16xf32>,
      %max3A_573 = arith.maximumf %gather3A_572, %get3A_560 : vector<16xf32>
      tpu.vector_store_idx %arg10[%add3A_568], %max3A_573 : memref<2080xf32, #tpu.memory_space<vmem>>[vector<16xi32>], vector<16xf32>,
      %gather3A_574 = tpu.vector_load_idx %arg10[%add3A_571] : memref<2080xf32, #tpu.memory_space<vmem>>[vector<16xi32>], vector<16xf32>,
      %max3A_575 = arith.maximumf %gather3A_574, %get3A_564 : vector<16xf32>
      tpu.vector_store_idx %arg10[%add3A_571], %max3A_575 : memref<2080xf32, #tpu.memory_space<vmem>>[vector<16xi32>], vector<16xf32>,
      tpu.vector_store_idx %arg9[%add3A_568], %get3A_560 {add = true} : memref<2080xf32, #tpu.memory_space<vmem>>[vector<16xi32>], vector<16xf32>,
      tpu.vector_store_idx %arg9[%add3A_571], %get3A_564 {add = true} : memref<2080xf32, #tpu.memory_space<vmem>>[vector<16xi32>], vector<16xf32>,
      %mul3A_576 = arith.constant 0 : i32
      %mul3A_577 = vector.broadcast %mul3A_576 : i32 to vector<16xi32>
      %mul3A_578 = arith.muli %iota3A, %mul3A_577 : vector<16xi32>
      %add3A_579 = vector.broadcast %reduce_sum3A_552 : i32 to vector<16xi32>
      %add3A_580 = arith.addi %mul3A_578, %add3A_579 : vector<16xi32>
      tpu.vector_store_idx %arg11[%add3A_580], %broadcast_in_dim3A_33 masked %eq3A_35 {add = true} : memref<80xf32, #tpu.memory_space<vmem>>[vector<16xi32>], vector<16xf32>, vector<16xi1>
      %eq3A_581 = arith.constant 14 : i32
      %eq3A_582 = vector.broadcast %eq3A_581 : i32 to vector<16xi32>
      %eq3A_583 = arith.cmpi eq, %iota3A, %eq3A_582 : vector<16xi32>
      %jit3A_584 = arith.constant 0 : i32
      %broadcast_in_dim3A_585 = vector.broadcast %jit3A_584 : i32 to vector<16xi32>
      %select_n3A_586 = arith.select %eq3A_583, %get3A_53, %broadcast_in_dim3A_585 : vector<16xi1>, vector<16xi32>
      %reduce_sum3A_587 = arith.constant true
      %reduce_sum3A_588 = vector.broadcast %reduce_sum3A_587 : i1 to vector<16xi1>
      %reduce_sum3A_589 = tpu.scan <sum>, %select_n3A_586 masked %reduce_sum3A_588 : vector<16xi32>, vector<16xi1> -> vector<16xi32>
      %reduce_sum3A_590 = vector.extract %reduce_sum3A_589[15] : i32 from vector<16xi32>
      %mul3A_591 = arith.constant 16 : i32
      %mul3A_592 = arith.muli %scan3A_49, %mul3A_591 : i32
      %add3A_593 = arith.constant 14 : i32
      %add3A_594 = arith.addi %mul3A_592, %add3A_593 : i32
      %mul3A_595 = arith.constant 32 : i32
      %mul3A_596 = arith.muli %add3A_594, %mul3A_595 : i32
      %get3A_597 = arith.index_cast %mul3A_596 : i32 to index
      %get3A_598 = tpu.vector_load %arg7[%get3A_597] {strides = array<i32>} : memref<10240xf32, #tpu.memory_space<vmem>>, vector<16xf32>,
      %add3A_599 = arith.constant 16 : i32
      %add3A_600 = arith.addi %mul3A_596, %add3A_599 : i32
      %get3A_601 = arith.index_cast %add3A_600 : i32 to index
      %get3A_602 = tpu.vector_load %arg7[%get3A_601] {strides = array<i32>} : memref<10240xf32, #tpu.memory_space<vmem>>, vector<16xf32>,
      %mul3A_603 = arith.constant 32 : i32
      %mul3A_604 = arith.muli %reduce_sum3A_590, %mul3A_603 : i32
      %add3A_605 = vector.broadcast %mul3A_604 : i32 to vector<16xi32>
      %add3A_606 = arith.addi %add3A_605, %iota3A : vector<16xi32>
      %add3A_607 = arith.constant 16 : i32
      %add3A_608 = vector.broadcast %add3A_607 : i32 to vector<16xi32>
      %add3A_609 = arith.addi %add3A_606, %add3A_608 : vector<16xi32>
      %gather3A_610 = tpu.vector_load_idx %arg10[%add3A_606] : memref<2080xf32, #tpu.memory_space<vmem>>[vector<16xi32>], vector<16xf32>,
      %max3A_611 = arith.maximumf %gather3A_610, %get3A_598 : vector<16xf32>
      tpu.vector_store_idx %arg10[%add3A_606], %max3A_611 : memref<2080xf32, #tpu.memory_space<vmem>>[vector<16xi32>], vector<16xf32>,
      %gather3A_612 = tpu.vector_load_idx %arg10[%add3A_609] : memref<2080xf32, #tpu.memory_space<vmem>>[vector<16xi32>], vector<16xf32>,
      %max3A_613 = arith.maximumf %gather3A_612, %get3A_602 : vector<16xf32>
      tpu.vector_store_idx %arg10[%add3A_609], %max3A_613 : memref<2080xf32, #tpu.memory_space<vmem>>[vector<16xi32>], vector<16xf32>,
      tpu.vector_store_idx %arg9[%add3A_606], %get3A_598 {add = true} : memref<2080xf32, #tpu.memory_space<vmem>>[vector<16xi32>], vector<16xf32>,
      tpu.vector_store_idx %arg9[%add3A_609], %get3A_602 {add = true} : memref<2080xf32, #tpu.memory_space<vmem>>[vector<16xi32>], vector<16xf32>,
      %mul3A_614 = arith.constant 0 : i32
      %mul3A_615 = vector.broadcast %mul3A_614 : i32 to vector<16xi32>
      %mul3A_616 = arith.muli %iota3A, %mul3A_615 : vector<16xi32>
      %add3A_617 = vector.broadcast %reduce_sum3A_590 : i32 to vector<16xi32>
      %add3A_618 = arith.addi %mul3A_616, %add3A_617 : vector<16xi32>
      tpu.vector_store_idx %arg11[%add3A_618], %broadcast_in_dim3A_33 masked %eq3A_35 {add = true} : memref<80xf32, #tpu.memory_space<vmem>>[vector<16xi32>], vector<16xf32>, vector<16xi1>
      %eq3A_619 = arith.constant 15 : i32
      %eq3A_620 = vector.broadcast %eq3A_619 : i32 to vector<16xi32>
      %eq3A_621 = arith.cmpi eq, %iota3A, %eq3A_620 : vector<16xi32>
      %jit3A_622 = arith.constant 0 : i32
      %broadcast_in_dim3A_623 = vector.broadcast %jit3A_622 : i32 to vector<16xi32>
      %select_n3A_624 = arith.select %eq3A_621, %get3A_53, %broadcast_in_dim3A_623 : vector<16xi1>, vector<16xi32>
      %reduce_sum3A_625 = arith.constant true
      %reduce_sum3A_626 = vector.broadcast %reduce_sum3A_625 : i1 to vector<16xi1>
      %reduce_sum3A_627 = tpu.scan <sum>, %select_n3A_624 masked %reduce_sum3A_626 : vector<16xi32>, vector<16xi1> -> vector<16xi32>
      %reduce_sum3A_628 = vector.extract %reduce_sum3A_627[15] : i32 from vector<16xi32>
      %mul3A_629 = arith.constant 16 : i32
      %mul3A_630 = arith.muli %scan3A_49, %mul3A_629 : i32
      %add3A_631 = arith.constant 15 : i32
      %add3A_632 = arith.addi %mul3A_630, %add3A_631 : i32
      %mul3A_633 = arith.constant 32 : i32
      %mul3A_634 = arith.muli %add3A_632, %mul3A_633 : i32
      %get3A_635 = arith.index_cast %mul3A_634 : i32 to index
      %get3A_636 = tpu.vector_load %arg7[%get3A_635] {strides = array<i32>} : memref<10240xf32, #tpu.memory_space<vmem>>, vector<16xf32>,
      %add3A_637 = arith.constant 16 : i32
      %add3A_638 = arith.addi %mul3A_634, %add3A_637 : i32
      %get3A_639 = arith.index_cast %add3A_638 : i32 to index
      %get3A_640 = tpu.vector_load %arg7[%get3A_639] {strides = array<i32>} : memref<10240xf32, #tpu.memory_space<vmem>>, vector<16xf32>,
      %mul3A_641 = arith.constant 32 : i32
      %mul3A_642 = arith.muli %reduce_sum3A_628, %mul3A_641 : i32
      %add3A_643 = vector.broadcast %mul3A_642 : i32 to vector<16xi32>
      %add3A_644 = arith.addi %add3A_643, %iota3A : vector<16xi32>
      %add3A_645 = arith.constant 16 : i32
      %add3A_646 = vector.broadcast %add3A_645 : i32 to vector<16xi32>
      %add3A_647 = arith.addi %add3A_644, %add3A_646 : vector<16xi32>
      %gather3A_648 = tpu.vector_load_idx %arg10[%add3A_644] : memref<2080xf32, #tpu.memory_space<vmem>>[vector<16xi32>], vector<16xf32>,
      %max3A_649 = arith.maximumf %gather3A_648, %get3A_636 : vector<16xf32>
      tpu.vector_store_idx %arg10[%add3A_644], %max3A_649 : memref<2080xf32, #tpu.memory_space<vmem>>[vector<16xi32>], vector<16xf32>,
      %gather3A_650 = tpu.vector_load_idx %arg10[%add3A_647] : memref<2080xf32, #tpu.memory_space<vmem>>[vector<16xi32>], vector<16xf32>,
      %max3A_651 = arith.maximumf %gather3A_650, %get3A_640 : vector<16xf32>
      tpu.vector_store_idx %arg10[%add3A_647], %max3A_651 : memref<2080xf32, #tpu.memory_space<vmem>>[vector<16xi32>], vector<16xf32>,
      tpu.vector_store_idx %arg9[%add3A_644], %get3A_636 {add = true} : memref<2080xf32, #tpu.memory_space<vmem>>[vector<16xi32>], vector<16xf32>,
      tpu.vector_store_idx %arg9[%add3A_647], %get3A_640 {add = true} : memref<2080xf32, #tpu.memory_space<vmem>>[vector<16xi32>], vector<16xf32>,
      %mul3A_652 = arith.constant 0 : i32
      %mul3A_653 = vector.broadcast %mul3A_652 : i32 to vector<16xi32>
      %mul3A_654 = arith.muli %iota3A, %mul3A_653 : vector<16xi32>
      %add3A_655 = vector.broadcast %reduce_sum3A_628 : i32 to vector<16xi32>
      %add3A_656 = arith.addi %mul3A_654, %add3A_655 : vector<16xi32>
      tpu.vector_store_idx %arg11[%add3A_656], %broadcast_in_dim3A_33 masked %eq3A_35 {add = true} : memref<80xf32, #tpu.memory_space<vmem>>[vector<16xi32>], vector<16xf32>, vector<16xi1>
      %scan3A_657 = arith.constant 0 : i32
      scf.yield %scan3A_657 : i32
    }
    %scan3A_42 = arith.constant 20 : i32
    %mul3A_43 = arith.constant 2080 : i32
    %mul3A_44 = arith.muli %add3A, %mul3A_43 : i32
    "tpu.region"() ({
      %run_scoped3A = tpu.sem_alloc : memref<!tpu.dma_semaphore, #tpu.memory_space<semaphore_mem>>
      %dma_start3A = tpu.memref_slice %arg4[%mul3A_44] : memref<66560xf32, #tpu.memory_space<hbm>> -> memref<2080xf32, #tpu.memory_space<hbm>>
      %dma_start3A_49 = tpu.memref_slice %arg4[%mul3A_44] : memref<66560xf32, #tpu.memory_space<hbm>> -> memref<2080xf32, #tpu.memory_space<hbm>>
      tpu.enqueue_dma source(%arg9 : memref<2080xf32, #tpu.memory_space<vmem>>) target(%dma_start3A_49 : memref<2080xf32, #tpu.memory_space<hbm>>) target_semaphore(%run_scoped3A : memref<!tpu.dma_semaphore, #tpu.memory_space<semaphore_mem>>)
      %dma_wait3A = tpu.memref_slice %arg4[%mul3A_44] : memref<66560xf32, #tpu.memory_space<hbm>> -> memref<2080xf32, #tpu.memory_space<hbm>>
      %dma_wait3A_50 = tpu.memref_slice %arg4[%mul3A_44] : memref<66560xf32, #tpu.memory_space<hbm>> -> memref<2080xf32, #tpu.memory_space<hbm>>
      tpu.wait_dma2 semaphore(%run_scoped3A : memref<!tpu.dma_semaphore, #tpu.memory_space<semaphore_mem>>) src(%arg9 : memref<2080xf32, #tpu.memory_space<vmem>>) dst(%dma_wait3A_50 : memref<2080xf32, #tpu.memory_space<hbm>>)
      tpu.yield
    }) : () -> ()
    %mul3A_45 = arith.constant 2080 : i32
    %mul3A_46 = arith.muli %add3A, %mul3A_45 : i32
    "tpu.region"() ({
      %run_scoped3A = tpu.sem_alloc : memref<!tpu.dma_semaphore, #tpu.memory_space<semaphore_mem>>
      %dma_start3A = tpu.memref_slice %arg5[%mul3A_46] : memref<66560xf32, #tpu.memory_space<hbm>> -> memref<2080xf32, #tpu.memory_space<hbm>>
      %dma_start3A_49 = tpu.memref_slice %arg5[%mul3A_46] : memref<66560xf32, #tpu.memory_space<hbm>> -> memref<2080xf32, #tpu.memory_space<hbm>>
      tpu.enqueue_dma source(%arg10 : memref<2080xf32, #tpu.memory_space<vmem>>) target(%dma_start3A_49 : memref<2080xf32, #tpu.memory_space<hbm>>) target_semaphore(%run_scoped3A : memref<!tpu.dma_semaphore, #tpu.memory_space<semaphore_mem>>)
      %dma_wait3A = tpu.memref_slice %arg5[%mul3A_46] : memref<66560xf32, #tpu.memory_space<hbm>> -> memref<2080xf32, #tpu.memory_space<hbm>>
      %dma_wait3A_50 = tpu.memref_slice %arg5[%mul3A_46] : memref<66560xf32, #tpu.memory_space<hbm>> -> memref<2080xf32, #tpu.memory_space<hbm>>
      tpu.wait_dma2 semaphore(%run_scoped3A : memref<!tpu.dma_semaphore, #tpu.memory_space<semaphore_mem>>) src(%arg10 : memref<2080xf32, #tpu.memory_space<vmem>>) dst(%dma_wait3A_50 : memref<2080xf32, #tpu.memory_space<hbm>>)
      tpu.yield
    }) : () -> ()
    %mul3A_47 = arith.constant 80 : i32
    %mul3A_48 = arith.muli %add3A, %mul3A_47 : i32
    "tpu.region"() ({
      %run_scoped3A = tpu.sem_alloc : memref<!tpu.dma_semaphore, #tpu.memory_space<semaphore_mem>>
      %dma_start3A = tpu.memref_slice %arg6[%mul3A_48] : memref<2560xf32, #tpu.memory_space<hbm>> -> memref<80xf32, #tpu.memory_space<hbm>>
      %dma_start3A_49 = tpu.memref_slice %arg6[%mul3A_48] : memref<2560xf32, #tpu.memory_space<hbm>> -> memref<80xf32, #tpu.memory_space<hbm>>
      tpu.enqueue_dma source(%arg11 : memref<80xf32, #tpu.memory_space<vmem>>) target(%dma_start3A_49 : memref<80xf32, #tpu.memory_space<hbm>>) target_semaphore(%run_scoped3A : memref<!tpu.dma_semaphore, #tpu.memory_space<semaphore_mem>>)
      %dma_wait3A = tpu.memref_slice %arg6[%mul3A_48] : memref<2560xf32, #tpu.memory_space<hbm>> -> memref<80xf32, #tpu.memory_space<hbm>>
      %dma_wait3A_50 = tpu.memref_slice %arg6[%mul3A_48] : memref<2560xf32, #tpu.memory_space<hbm>> -> memref<80xf32, #tpu.memory_space<hbm>>
      tpu.wait_dma2 semaphore(%run_scoped3A : memref<!tpu.dma_semaphore, #tpu.memory_space<semaphore_mem>>) src(%arg11 : memref<80xf32, #tpu.memory_space<vmem>>) dst(%dma_wait3A_50 : memref<80xf32, #tpu.memory_space<hbm>>)
      tpu.yield
    }) : () -> ()
    return
  }
}

module attributes {stable_mosaic.version = 14 : i64} {
  func.func @_tc_pre_body(%arg0: memref<32x10240xf32, #tpu.memory_space<vmem>>, %arg1: memref<10240x128xf32, #tpu.memory_space<vmem>>, %arg2: memref<128x32xf32, #tpu.memory_space<vmem>>, %arg3: memref<10240x1xf32, #tpu.memory_space<vmem>>, %arg4: memref<10240x32xf32, #tpu.memory_space<vmem>>) attributes {dimension_semantics = [], scalar_prefetch = 0 : i64, scratch_operands = 0 : i64, tpu.core_type = #tpu.core_type<tc>} {
    %get3A = arith.constant 0 : index
    %get3A_0 = arith.constant 0 : index
    %get3A_1 = vector.load %arg0[%get3A, %get3A_0] : memref<32x10240xf32, #tpu.memory_space<vmem>>, vector<32x10240xf32>
    %transpose3A = tpu.transpose %get3A_1, [1, 0] : vector<32x10240xf32> -> vector<10240x32xf32>
    %reduce_sum3A = arith.constant dense<0.000000e+00> : vector<10240xf32>
    %reduce_sum3A_2 = vector.multi_reduction <add>, %transpose3A, %reduce_sum3A [1] : vector<10240x32xf32> to vector<10240xf32>
    %broadcast_in_dim3A = vector.shape_cast %reduce_sum3A_2 : vector<10240xf32> to vector<10240x1xf32>
    %add3A = arith.constant 1.000000e+00 : f32
    %add3A_3 = vector.broadcast %add3A : f32 to vector<10240x1xf32>
    %add3A_4 = arith.addf %broadcast_in_dim3A, %add3A_3 : vector<10240x1xf32>
    %rsqrt3A = math.rsqrt %add3A_4 : vector<10240x1xf32>
    %get3A_5 = arith.constant 0 : index
    %get3A_6 = arith.constant 0 : index
    %get3A_7 = vector.load %arg1[%get3A_5, %get3A_6] : memref<10240x128xf32, #tpu.memory_space<vmem>>, vector<10240x128xf32>
    %get3A_8 = arith.constant 0 : index
    %get3A_9 = arith.constant 0 : index
    %get3A_10 = vector.load %arg2[%get3A_8, %get3A_9] : memref<128x32xf32, #tpu.memory_space<vmem>>, vector<128x32xf32>
    %dot_general3A = arith.constant dense<0.000000e+00> : vector<10240x32xf32>
    %dot_general3A_11 = tpu.matmul %get3A_7, %get3A_10, %dot_general3A {dimension_numbers = #tpu.dot_dimension_numbers<[1], [0], [0], [1], [0, 0, 1, 1], [], []>, transpose_lhs_hint = false} : vector<10240x128xf32>, vector<128x32xf32>, vector<10240x32xf32> -> vector<10240x32xf32>
    %swap3A = arith.constant 0 : index
    %swap3A_12 = arith.constant 0 : index
    %swap3A_13 = vector.load %arg3[%swap3A, %swap3A_12] : memref<10240x1xf32, #tpu.memory_space<vmem>>, vector<10240x1xf32>
    tpu.vector_store %arg3[%swap3A, %swap3A_12], %rsqrt3A {strides = array<i32>} : memref<10240x1xf32, #tpu.memory_space<vmem>>, vector<10240x1xf32>,
    %mul3A = vector.broadcast %rsqrt3A : vector<10240x1xf32> to vector<10240x32xf32>
    %mul3A_14 = arith.mulf %dot_general3A_11, %mul3A : vector<10240x32xf32>
    %swap3A_15 = arith.constant 0 : index
    %swap3A_16 = arith.constant 0 : index
    %swap3A_17 = vector.load %arg4[%swap3A_15, %swap3A_16] : memref<10240x32xf32, #tpu.memory_space<vmem>>, vector<10240x32xf32>
    tpu.vector_store %arg4[%swap3A_15, %swap3A_16], %mul3A_14 {strides = array<i32>} : memref<10240x32xf32, #tpu.memory_space<vmem>>, vector<10240x32xf32>,
    return
  }
}

module attributes {stable_mosaic.version = 14 : i64} {
  func.func @_tc_layer_body(%arg0: memref<20480x32xf32, #tpu.memory_space<vmem>>, %arg1: memref<10240x32xf32, #tpu.memory_space<vmem>>, %arg2: memref<10240x1xf32, #tpu.memory_space<vmem>>, %arg3: memref<1x32xf32, #tpu.memory_space<vmem>>, %arg4: memref<32x32xf32, #tpu.memory_space<vmem>>, %arg5: memref<10240x32xf32, #tpu.memory_space<vmem>>) attributes {dimension_semantics = [], scalar_prefetch = 0 : i64, scratch_operands = 0 : i64, tpu.core_type = #tpu.core_type<tc>} {
    %get3A = arith.constant 0 : index
    %get3A_0 = arith.constant 0 : index
    %get3A_1 = vector.load %arg0[%get3A, %get3A_0] : memref<20480x32xf32, #tpu.memory_space<vmem>>, vector<10240x32xf32>
    %get3A_2 = arith.constant 10240 : index
    %get3A_3 = arith.constant 0 : index
    %get3A_4 = vector.load %arg0[%get3A_2, %get3A_3] : memref<20480x32xf32, #tpu.memory_space<vmem>>, vector<10240x32xf32>
    %add3A = arith.addf %get3A_1, %get3A_4 : vector<10240x32xf32>
    %get3A_5 = arith.constant 0 : index
    %get3A_6 = arith.constant 0 : index
    %get3A_7 = vector.load %arg1[%get3A_5, %get3A_6] : memref<10240x32xf32, #tpu.memory_space<vmem>>, vector<10240x32xf32>
    %add3A_8 = arith.addf %add3A, %get3A_7 : vector<10240x32xf32>
    %get3A_9 = arith.constant 0 : index
    %get3A_10 = arith.constant 0 : index
    %get3A_11 = vector.load %arg2[%get3A_9, %get3A_10] : memref<10240x1xf32, #tpu.memory_space<vmem>>, vector<10240x1xf32>
    %mul3A = vector.broadcast %get3A_11 : vector<10240x1xf32> to vector<10240x32xf32>
    %mul3A_12 = arith.mulf %add3A_8, %mul3A : vector<10240x32xf32>
    %get3A_13 = arith.constant 0 : index
    %get3A_14 = arith.constant 0 : index
    %get3A_15 = vector.load %arg3[%get3A_13, %get3A_14] : memref<1x32xf32, #tpu.memory_space<vmem>>, vector<1x32xf32>
    %add3A_16 = vector.broadcast %get3A_15 : vector<1x32xf32> to vector<10240x32xf32>
    %add3A_17 = arith.addf %mul3A_12, %add3A_16 : vector<10240x32xf32>
    %tanh3A = math.tanh %add3A_17 : vector<10240x32xf32>
    %get3A_18 = arith.constant 0 : index
    %get3A_19 = arith.constant 0 : index
    %get3A_20 = vector.load %arg4[%get3A_18, %get3A_19] : memref<32x32xf32, #tpu.memory_space<vmem>>, vector<32x32xf32>
    %dot_general3A = arith.constant dense<0.000000e+00> : vector<10240x32xf32>
    %dot_general3A_21 = tpu.matmul %tanh3A, %get3A_20, %dot_general3A {dimension_numbers = #tpu.dot_dimension_numbers<[1], [0], [0], [1], [0, 0, 1, 1], [], []>, transpose_lhs_hint = false} : vector<10240x32xf32>, vector<32x32xf32>, vector<10240x32xf32> -> vector<10240x32xf32>
    %get3A_22 = arith.constant 0 : index
    %get3A_23 = arith.constant 0 : index
    %get3A_24 = vector.load %arg2[%get3A_22, %get3A_23] : memref<10240x1xf32, #tpu.memory_space<vmem>>, vector<10240x1xf32>
    %mul3A_25 = vector.broadcast %get3A_24 : vector<10240x1xf32> to vector<10240x32xf32>
    %mul3A_26 = arith.mulf %dot_general3A_21, %mul3A_25 : vector<10240x32xf32>
    %swap3A = arith.constant 0 : index
    %swap3A_27 = arith.constant 0 : index
    %swap3A_28 = vector.load %arg5[%swap3A, %swap3A_27] : memref<10240x32xf32, #tpu.memory_space<vmem>>, vector<10240x32xf32>
    tpu.vector_store %arg5[%swap3A, %swap3A_27], %mul3A_26 {strides = array<i32>} : memref<10240x32xf32, #tpu.memory_space<vmem>>, vector<10240x32xf32>,
    return
  }
}

module attributes {stable_mosaic.version = 14 : i64} {
  func.func @_tc_last_body(%arg0: memref<20480x32xf32, #tpu.memory_space<vmem>>, %arg1: memref<10240x32xf32, #tpu.memory_space<vmem>>, %arg2: memref<10240x1xf32, #tpu.memory_space<vmem>>, %arg3: memref<1x32xf32, #tpu.memory_space<vmem>>, %arg4: memref<10240x32xf32, #tpu.memory_space<vmem>>) attributes {dimension_semantics = [], scalar_prefetch = 0 : i64, scratch_operands = 0 : i64, tpu.core_type = #tpu.core_type<tc>} {
    %get3A = arith.constant 0 : index
    %get3A_0 = arith.constant 0 : index
    %get3A_1 = vector.load %arg0[%get3A, %get3A_0] : memref<20480x32xf32, #tpu.memory_space<vmem>>, vector<10240x32xf32>
    %get3A_2 = arith.constant 10240 : index
    %get3A_3 = arith.constant 0 : index
    %get3A_4 = vector.load %arg0[%get3A_2, %get3A_3] : memref<20480x32xf32, #tpu.memory_space<vmem>>, vector<10240x32xf32>
    %add3A = arith.addf %get3A_1, %get3A_4 : vector<10240x32xf32>
    %get3A_5 = arith.constant 0 : index
    %get3A_6 = arith.constant 0 : index
    %get3A_7 = vector.load %arg1[%get3A_5, %get3A_6] : memref<10240x32xf32, #tpu.memory_space<vmem>>, vector<10240x32xf32>
    %add3A_8 = arith.addf %add3A, %get3A_7 : vector<10240x32xf32>
    %get3A_9 = arith.constant 0 : index
    %get3A_10 = arith.constant 0 : index
    %get3A_11 = vector.load %arg2[%get3A_9, %get3A_10] : memref<10240x1xf32, #tpu.memory_space<vmem>>, vector<10240x1xf32>
    %mul3A = vector.broadcast %get3A_11 : vector<10240x1xf32> to vector<10240x32xf32>
    %mul3A_12 = arith.mulf %add3A_8, %mul3A : vector<10240x32xf32>
    %get3A_13 = arith.constant 0 : index
    %get3A_14 = arith.constant 0 : index
    %get3A_15 = vector.load %arg3[%get3A_13, %get3A_14] : memref<1x32xf32, #tpu.memory_space<vmem>>, vector<1x32xf32>
    %add3A_16 = vector.broadcast %get3A_15 : vector<1x32xf32> to vector<10240x32xf32>
    %add3A_17 = arith.addf %mul3A_12, %add3A_16 : vector<10240x32xf32>
    %tanh3A = math.tanh %add3A_17 : vector<10240x32xf32>
    %swap3A = arith.constant 0 : index
    %swap3A_18 = arith.constant 0 : index
    %swap3A_19 = vector.load %arg4[%swap3A, %swap3A_18] : memref<10240x32xf32, #tpu.memory_space<vmem>>, vector<10240x32xf32>
    tpu.vector_store %arg4[%swap3A, %swap3A_18], %tanh3A {strides = array<i32>} : memref<10240x32xf32, #tpu.memory_space<vmem>>, vector<10240x32xf32>,
    return
  }
}

module attributes {stable_mosaic.version = 14 : i64} {
  func.func @_tc_epi_body(%arg0: memref<32x65x32xf32, #tpu.memory_space<vmem>>, %arg1: memref<32x65x32xf32, #tpu.memory_space<vmem>>, %arg2: memref<32x80x1xf32, #tpu.memory_space<vmem>>, %arg3: memref<96x1xf32, #tpu.memory_space<vmem>>, %arg4: memref<1x1xf32, #tpu.memory_space<vmem>>, %arg5: memref<64x1xf32, #tpu.memory_space<vmem>>, %arg6: memref<64x96xf32, #tpu.memory_space<vmem>>) attributes {dimension_semantics = [], scalar_prefetch = 0 : i64, scratch_operands = 0 : i64, tpu.core_type = #tpu.core_type<tc>} {
    %get3A = arith.constant 0 : index
    %get3A_0 = arith.constant 0 : index
    %get3A_1 = arith.constant 0 : index
    %get3A_2 = vector.load %arg0[%get3A, %get3A_0, %get3A_1] : memref<32x65x32xf32, #tpu.memory_space<vmem>>, vector<32x65x32xf32>
    %reduce_sum3A = arith.constant dense<0.000000e+00> : vector<65x32xf32>
    %reduce_sum3A_3 = vector.multi_reduction <add>, %get3A_2, %reduce_sum3A [0] : vector<32x65x32xf32> to vector<65x32xf32>
    %slice3A = vector.extract_strided_slice %reduce_sum3A_3 {offsets = [0, 0], sizes = [64, 32], strides = [1, 1]} : vector<65x32xf32> to vector<64x32xf32>
    %get3A_4 = arith.constant 0 : index
    %get3A_5 = arith.constant 0 : index
    %get3A_6 = arith.constant 0 : index
    %get3A_7 = vector.load %arg1[%get3A_4, %get3A_5, %get3A_6] : memref<32x65x32xf32, #tpu.memory_space<vmem>>, vector<32x65x32xf32>
    %reduce_max3A = arith.constant dense<0xFF800000> : vector<65x32xf32>
    %reduce_max3A_8 = vector.multi_reduction <maximumf>, %get3A_7, %reduce_max3A [0] : vector<32x65x32xf32> to vector<65x32xf32>
    %slice3A_9 = vector.extract_strided_slice %reduce_max3A_8 {offsets = [0, 0], sizes = [64, 32], strides = [1, 1]} : vector<65x32xf32> to vector<64x32xf32>
    %get3A_10 = arith.constant 0 : index
    %get3A_11 = arith.constant 0 : index
    %get3A_12 = arith.constant 0 : index
    %get3A_13 = vector.load %arg2[%get3A_10, %get3A_11, %get3A_12] : memref<32x80x1xf32, #tpu.memory_space<vmem>>, vector<32x80x1xf32>
    %reduce_sum3A_14 = arith.constant dense<0.000000e+00> : vector<80x1xf32>
    %reduce_sum3A_15 = vector.multi_reduction <add>, %get3A_13, %reduce_sum3A_14 [0] : vector<32x80x1xf32> to vector<80x1xf32>
    %slice3A_16 = vector.extract_strided_slice %reduce_sum3A_15 {offsets = [0, 0], sizes = [64, 1], strides = [1, 1]} : vector<80x1xf32> to vector<64x1xf32>
    %jit3A = arith.constant 1.000000e+00 : f32
    %max3A = vector.broadcast %jit3A : f32 to vector<64x1xf32>
    %max3A_17 = arith.maximumf %max3A, %slice3A_16 : vector<64x1xf32>
    %div3A = vector.broadcast %max3A_17 : vector<64x1xf32> to vector<64x32xf32>
    %div3A_18 = arith.divf %slice3A, %div3A : vector<64x32xf32>
    %concatenate3A = tpu.concatenate %slice3A_9, %div3A_18, %slice3A in 1 : vector<64x32xf32>, vector<64x32xf32>, vector<64x32xf32> -> vector<64x96xf32>
    %swap3A = arith.constant 0 : index
    %swap3A_19 = arith.constant 0 : index
    %swap3A_20 = vector.load %arg6[%swap3A, %swap3A_19] : memref<64x96xf32, #tpu.memory_space<vmem>>, vector<64x96xf32>
    tpu.vector_store %arg6[%swap3A, %swap3A_19], %concatenate3A {strides = array<i32>} : memref<64x96xf32, #tpu.memory_space<vmem>>, vector<64x96xf32>,
    %get3A_21 = arith.constant 0 : index
    %get3A_22 = arith.constant 0 : index
    %get3A_23 = vector.load %arg3[%get3A_21, %get3A_22] : memref<96x1xf32, #tpu.memory_space<vmem>>, vector<96x1xf32>
    %dot_general3A = arith.constant dense<0.000000e+00> : vector<64x1xf32>
    %dot_general3A_24 = tpu.matmul %concatenate3A, %get3A_23, %dot_general3A {dimension_numbers = #tpu.dot_dimension_numbers<[1], [0], [0], [1], [0, 0, 1, 1], [], []>, transpose_lhs_hint = false} : vector<64x96xf32>, vector<96x1xf32>, vector<64x1xf32> -> vector<64x1xf32>
    %get3A_25 = arith.constant 0 : index
    %get3A_26 = arith.constant 0 : index
    %get3A_27 = vector.load %arg4[%get3A_25, %get3A_26] : memref<1x1xf32, #tpu.memory_space<vmem>>, vector<1x1xf32>
    %add3A = vector.broadcast %get3A_27 : vector<1x1xf32> to vector<64x1xf32>
    %add3A_28 = arith.addf %dot_general3A_24, %add3A : vector<64x1xf32>
    %swap3A_29 = arith.constant 0 : index
    %swap3A_30 = arith.constant 0 : index
    %swap3A_31 = vector.load %arg5[%swap3A_29, %swap3A_30] : memref<64x1xf32, #tpu.memory_space<vmem>>, vector<64x1xf32>
    tpu.vector_store %arg5[%swap3A_29, %swap3A_30], %add3A_28 {strides = array<i32>} : memref<64x1xf32, #tpu.memory_space<vmem>>, vector<64x1xf32>,
    return
  }
}

</mosaic_0001>

<sc_bundles>
// kernel: kernel.14.cloned.1.call-start
scs
__scs_entry_jumppad:
0x0: {  	(pc) =	sbr.rel $0x88, $3  }
0x1: {  	(tag) =	ssettag $0x0;
	lr =	simm.s32 $0x1  }
0x2: {  	[smem:$0x3F94] =	sst lr;
	_ =	strace $0xD0000000  }
0x3: {  	_ = 	snop  }
0x4: {  	_ = 	snop  }
0x5: {  	_ = 	snop  }
0x6: {  	_ = 	snop  }
0x7: {  	_ = 	snop  }
__scs_overlays_trampoline_lowered:
0x8: {  	[smem:$0x3FA3] =	sst s0  }
0x9: {  	[smem:$0x3FA4] =	sst s1  }
0xa: {  	[smem:$0x3FA5] =	sst s2  }
0xb: {  	[smem:$0x3FA6] =	sst s3  }
0xc: {  	[smem:$0x3FA7] =	sst s4  }
0xd: {  	[smem:$0x3FA8] =	sst s5  }
0xe: {  	[smem:$0x3FA9] =	sst s6  }
0xf: {  	[smem:$0x3FAA] =	sst s7  }
0x10: {  	[smem:$0x3FAB] =	sst s8  }
0x11: {  	[smem:$0x3FAC] =	sst s9;
	s0 =	simm.s32 @!p0 $0x0  }
0x12: {  	s1 =	sld [smem:$0x3F92];
	s0 =	simm.s32 @p0 $0x1  }
0x13: {  	[smem:$0x3FAD] =	sst s0;
	s0 =	simm.s32 @!p1 $0x0  }
0x14: {  	s2 =	sld [smem:$0x3F91];
	s0 =	simm.s32 @p1 $0x1  }
0x15: {  	[smem:$0x3FAE] =	sst s0;
	s0 =	simm.s32 @!p2 $0x0  }
0x16: {  	s3 =	sld [smem:$0x3FDB];
	s0 =	simm.s32 @p2 $0x1  }
0x17: {  	s4 =	simm.s32 $0x1BF5;
	[smem:$0x3FB0] =	sst s0  }
0x18: {  	s0 =	sld [smem:$0x3F93];
	_ =	swait.ge [sflag:s4], $0x0  }
0x19: {  	s7 =	sld [smem:$0x3F94]  }
0x1a: {  	s8 =	sadd.s32 $0xFFFFE003, lr  }
0x1b: {  	s9 =	sadd.s32 $0xFFFFFEF7, lr;
	s5 =	simm.s32 $0xFFFFFFFF;
	p2 =	slt.u32 s8, $0xFFFFF086  }
0x1c: {  	p1 =	slt.u32 s9, $0xF7A;
	s5 =	simm.s32 @!p2 $0x0  }
0x1d: {  	s5 =	simm.s32 @p1 $0x1;
	p0 =	seq.s32 s7, s2  }
0x1e: {  	s7 =	smul.u32 @!p0 $0xF7A, s2;
	p2 =	seq.s32 @!p0 s5, $0x0  }
0x1f: {  	s9 =	smul.u32 $0xF7A, s1;
	s8 =	simm.s32 @!p0 $0x1BF5;
	p2 =	por !p2, p0  }
0x20: {  	[sflag:s8] =	ssyncset.s32 @!p0 $0xFFFFF086;
	s6 =	sadd.s32 @!p0 s3, s7;
	s7 =	simm.s32 @!p0 $0x108  }
0x21: {  	s3 =	sadd.s32 s3, s9;
	s6 =	sadd.s32 @!p0 $0x88, s6;
	s7 =	simm.s32 @p2 $0x1082  }
0x22: {  	[simem:s7], [sflag:s8] =	dma.local @!p0 [hbm:s6], $0xF7A  }
0x23: {  	s9 =	sor.u32 $0xD0000000, s2;
	s6 =	simm.s32 $0x108;
	_ =	swait.ge @!p0 [sflag:s8], $0x0  }
0x24: {  	s3 =	sadd.s32 $0x88, s3;
	s6 =	simm.s32 @!p1 $0x1082;
	[sflag:s4] =	ssyncset.s32 $0xFFFFF086  }
0x25: {  	[simem:s6], [sflag:s4] =	dma.local [hbm:s3], $0xF7A  }
0x26: {  	[smem:$0x3F94] =	sst s1;
	(tag) =	ssettag s2;
	_ =	strace s9  }
0x27: {  	s1 =	sld [smem:$0x3FA4]  }
0x28: {  	s2 =	sld [smem:$0x3FA5]  }
0x29: {  	s4 =	sld [smem:$0x3FA7]  }
0x2a: {  	p0 =	seq.s32 s5, $0x0;
	s5 =	sld [smem:$0x3FA8]  }
0x2b: {  	s6 =	sld [smem:$0x3FA9]  }
0x2c: {  	s7 =	sld [smem:$0x3FAA]  }
0x2d: {  	s3 =	simm.s32 $0x108;
	s8 =	sld [smem:$0x3FAB]  }
0x2e: {  	s3 =	simm.s32 @!p0 $0x1082;
	s9 =	sld [smem:$0x3FAC]  }
0x2f: {  	lr =	sadd.s32 s0, s3;
	s0 =	sld [smem:$0x3FA3]  }
0x30: {  	s3 =	sld [smem:$0x3FA6]  }
0x31: {  	[smem:$0x3FAF] =	sst s10  }
0x32: {  	s10 =	sld [smem:$0x3FAD];
	_ =	sdelay $0x3  }
0x33: {  	p0 =	seq.s32 s10, $0x1;
	s10 =	sld [smem:$0x3FAF];
	_ =	sdelay $0x3  }
0x34: {  	[smem:$0x3FAF] =	sst s10  }
0x35: {  	s10 =	sld [smem:$0x3FAE];
	_ =	sdelay $0x3  }
0x36: {  	p1 =	seq.s32 s10, $0x1;
	s10 =	sld [smem:$0x3FAF];
	_ =	sdelay $0x3  }
0x37: {  	[smem:$0x3FAF] =	sst s10  }
0x38: {  	s10 =	sld [smem:$0x3FB0]  }
0x39: {  	_ = 	snop;
	(pc) =	sbr.ind lr, $3  }
0x3a: {  	_ = 	snop  }
0x3b: {  	_ = 	snop  }
0x3c: {  	p2 =	seq.s32 s10, $0x1;
	s10 =	sld [smem:$0x3FAF]  }
0x3d: {  	_ =	shalt  }
0x3e: {  	_ =	shalt  }
0x3f: {  	_ =	shalt  }
0x40: {  	_ =	shalt  }
0x41: {  	_ =	shalt  }
0x42: {  	_ =	shalt  }
0x43: {  	_ =	shalt  }
0x44: {  	_ =	shalt  }
0x45: {  	_ =	shalt  }
0x46: {  	_ =	shalt  }
0x47: {  	_ =	shalt  }
0x48: {  	_ =	shalt  }
0x49: {  	_ =	shalt  }
0x4a: {  	_ =	shalt  }
0x4b: {  	_ =	shalt  }
0x4c: {  	_ =	shalt  }
0x4d: {  	_ =	shalt  }
0x4e: {  	_ =	shalt  }
0x4f: {  	_ =	shalt  }
0x50: {  	_ =	shalt  }
0x51: {  	_ =	shalt  }
0x52: {  	_ =	shalt  }
0x53: {  	_ =	shalt  }
0x54: {  	_ =	shalt  }
0x55: {  	_ =	shalt  }
0x56: {  	_ =	shalt  }
0x57: {  	_ =	shalt  }
0x58: {  	_ =	shalt  }
0x59: {  	_ =	shalt  }
0x5a: {  	_ =	shalt  }
0x5b: {  	_ =	shalt  }
0x5c: {  	_ =	shalt  }
0x5d: {  	_ =	shalt  }
0x5e: {  	_ =	shalt  }
0x5f: {  	_ =	shalt  }
0x60: {  	_ =	shalt  }
0x61: {  	_ =	shalt  }
0x62: {  	_ =	shalt  }
0x63: {  	_ =	shalt  }
0x64: {  	_ =	shalt  }
0x65: {  	_ =	shalt  }
0x66: {  	_ =	shalt  }
0x67: {  	_ =	shalt  }
0x68: {  	_ =	shalt  }
0x69: {  	_ =	shalt  }
0x6a: {  	_ =	shalt  }
0x6b: {  	_ =	shalt  }
0x6c: {  	_ =	shalt  }
0x6d: {  	_ =	shalt  }
0x6e: {  	_ =	shalt  }
0x6f: {  	_ =	shalt  }
0x70: {  	_ =	shalt  }
0x71: {  	_ =	shalt  }
0x72: {  	_ =	shalt  }
0x73: {  	_ =	shalt  }
0x74: {  	_ =	shalt  }
0x75: {  	_ =	shalt  }
0x76: {  	_ =	shalt  }
0x77: {  	_ =	shalt  }
0x78: {  	_ =	shalt  }
0x79: {  	_ =	shalt  }
0x7a: {  	_ =	shalt  }
0x7b: {  	_ =	shalt  }
0x7c: {  	_ =	shalt  }
0x7d: {  	_ =	shalt  }
0x7e: {  	_ =	shalt  }
0x7f: {  	_ =	shalt  }
0x80: {  	_ =	shalt  }
0x81: {  	_ =	shalt  }
0x82: {  	_ =	shalt  }
0x83: {  	_ =	shalt  }
0x84: {  	_ =	shalt  }
0x85: {  	_ =	shalt  }
0x86: {  	_ =	shalt  }
0x87: {  	_ =	shalt  }
.Lfunc_end0:
.L_simem_size_0:
called_computation_lowered:
.L_overlay_start_0:
0x88: {  	s2 =	sld [smem:$0x3FD9]  }
0x89: {  	s3 =	sld [smem:$0x3FFE];
	_ =	sdelay $0x1  }
0x8a: {  	s1 =	srdreg.scid  }
0x8b: {  	s0 =	sand.u32 $0x1, s1  }
0x8c: {  	s16 =	sshll.u32 s0, $0xA;
	s2 =	sadd.s32 s3, s2  }
0x8d: {  	s2 =	sadd.s32 s2, s16  }
0x8e: {  	[smem:$0x3FBB] =	sst s2  }
0x8f: {  	_ = 	snop  }
0x90: {  	(tm) =	ssettm $0x1  }
0x91: {  	s17 =	sld [smem:$0x3FFB];
	_ =	sdelay $0x3  }
0x92: {  	_ =	strace s17  }
0x93: {  	s2 =	sld [smem:$0x3FFC];
	_ =	sdelay $0x3  }
0x94: {  	_ =	strace s2  }
0x95: {  	s2 =	sld [smem:$0x3FFD];
	_ =	sdelay $0x3  }
0x96: {  	_ =	strace s2  }
0x97: {  	_ =	strace $0x8FFFFFFF  }
0x98: {  	s18 =	sld [smem:$0x3FDB];
	_ =	sdelay $0x1  }
0x99: {  	s19 =	simm.s32 $_scs_section_size  }
0x9a: {  	s4 =	simm.s32 $_size__tile_overlayer_lowered;
	s5 =	simm.s32 $_tile_overlayer_lowered  }
0x9b: {  	s22 =	simm.s32 $0x1BFF;
	s21 =	sshll.u32 s5, $0x1;
	s2 =	sadd.s32 s19, s18  }
0x9c: {  	s6 =	simm.s32 $0x0;
	s20 =	sshll.u32 s4, $0x1;
	s4 =	sadd.s32 s21, s2  }
0x9d: {  	[timem:s6], [sflag:s22] =	dma.local [hbm:s4], s20  }
0x9e: {  	_ =	swait.ge [sflag:s22], s20  }
0x9f: {  	s3 =	ssub.s32 $0x0, s20;
	[sflag:s22] =	ssyncset.done $0x0  }
0xa0: {  	[sflag:s22] =	ssyncadd.s32 s3;
	_ =	sdelay $0x1  }
0xa1: {  	s23 =	simm.s32 $0x1B8B  }
0xa2: {  	_ =	swait.ge [sflag:s23], $0x1  }
0xa3: {  	[sflag:s23] =	ssyncset.done $0x0  }
0xa4: {  	s25 =	simm.s32 $0x1B8E;
	s24 =	sld [smem:$0x3FFE];
	[sflag:s23] =	ssyncadd.s32 $0xFFFFFFFF  }
0xa5: {  	s26 =	simm.s32 $execute0_lowered;
	[smem:$0x3FD2] =	sst s25  }
0xa6: {  	s4 =	sshll.u32 s26, $0x1;
	_ =	strace $0x80000046;
	[dreg:$0x1] =	wrdreg $0xFFFFFFFF  }
0xa7: {  	s28 =	simm.s32 $_size_execute0_lowered;
	s2 =	sadd.s32 s2, s4;
	[dreg:$0x0] =	wrdreg $0x0  }
0xa8: {  	s4 =	sshll.u32 s28, $0x1;
	[dreg:$0x2] =	wrdreg s2  }
0xa9: {  	[dreg:$0x3] =	wrdreg s4  }
0xaa: {  	[dreg:$0x4] =	wrdreg $0xC0  }
0xab: {  	_ =	task [dreg:s6], $0x5FFFF  }
0xac: {  	[dreg:$0x1] =	wrdreg $0xFFFFFFFF  }
0xad: {  	[dreg:$0x0] =	wrdreg $0x60  }
0xae: {  	[dreg:$0x2] =	wrdreg s24  }
0xaf: {  	[dreg:$0x3] =	wrdreg $0x9  }
0xb0: {  	_ =	task.clear_ibuf [dreg:s6], $0x4FFFF;
	_ =	strace $0x90000046  }
0xb1: {  	s29 =	simm.s32 $0x9;
	_ =	strace $0x80000048  }
0xb2: {  	_ =	swait.ge [sflag:s29], $0x1  }
0xb3: {  	[sflag:s29] =	ssyncadd.s32 $0xFFFFFFFF  }
0xb4: {  	_ =	strace $0x90000048  }
0xb5: {  	_ =	sfence  }
0xb6: {  	s30 =	sld [smem:$0x0];
	_ =	sdelay $0x2  }
0xb7: {  	s31 =	sshll.u32 s1, $0xD;
	s1 =	sshrl.u32 s1, $0x2  }
0xb8: {  	s3 =	sand.u32 $0x4000, s31;
	s1 =	sadd.s32 s1, s30  }
0xb9: {  	s0 =	sor.u32 s3, s0;
	s1 =	sshll.u32 s1, $0x11  }
0xba: {  	s0 =	sor.u32 s1, s0  }
0xbb: {  	s0 =	sadd.s32 $0x8F2B, s0  }
0xbc: {  	[sflag:s0] =	ssyncadd.remote.s32 $0x1  }
0xbd: {  	_ =	sfence.sel $0xFFFF  }
0xbe: {  	[dreg:$0x0] =	wrdreg $0xFFFFFFFF;
	(pc) =	sbr.abs _section_cstart, $3  }
0xbf: {  	[dreg:$0x1] =	wrdreg $0xFFFFFFFF  }
0xc0: {  	_ =	task.clear_ibuf [dreg:s6], $0x2FFFF;
	_ =	strace $0x9FFFFFFF  }
0xc1: {  	(tm) =	ssettm $0x7FFFFFFF  }
tec
execute0_lowered:
.L_overlay_start_1:
0x0: {  	(tag) =	ssettag $0x1  }
0x1: {  	s1 =	srdreg.scid;
	s0 =	stileid.u32  }
0x2: {  	s4 =	sand.u32 $0x1, s1;
	s2 =	sshll.u32 s0, $0x1  }
0x3: {  	s3 =	rddreg [dreg:$0x0];
	s5 =	sor.u32 s4, s2  }
0x4: {  	s7 =	simm.s32 $0x2800;
	s8 =	simm.s32 $0x0;
	s5 =	smul.u32 $0x500, s5  }
0x5: {  	s1 =	rddreg [dreg:$0x1];
	s2 =	simm.s32 $0x0;
	s4 =	ssub.s32 $0x2, s4  }
0x6: {  	[smem:$0x7FF] =	sst s2;
	s6 =	sshrl.u32 s4, $0x1;
	s5 =	sadd.s32 s5, s3  }
0x7: {  	_ =	strace $0x80000047;
	s6 =	ssub.s32 s4, s6;
	s3 =	sadd.s32 $0x3600, s5  }
0x8: {  	v0 =	vimm.f32 $0.0e+00;
	v1 =	vimm.f32 $1.000000000e+00;
	s4 =	sadd.s32 $0xD600, s5;
	s5 =	smax.u32 s6, $0x1;
	s6 =	simm.s32 $0x1  }
.LBB2_1:
0x9: {  	[tilespmem:s2], [sflag:$0x1] =	stream.linear.gather [hbm4b:s3+s2], $0x2800, $0x38;
	[tilespmem:$0x5000] =	vst v63  }
0xa: {  	_ =	swait.ge [sflag:s6], $0x2800  }
0xb: {  	[sflag:s6] =	ssyncset.done $0x0  }
0xc: {  	s9 =	simm.s32 $0x0;
	[sflag:s6] =	ssyncadd.s32 $0xFFFFD800  }
.LBB2_2:
0xd: {  	p0 =	sne.s32 s9, $0x9FC0  }
.Ltmp0:
0xe: {  	_ = 	snop;
	(pc) =	sbr.rel @p0 .LBB2_2-.Ltmp0, $3  }
0xf: {  	_ =	sdelay $0x1  }
0x10: {  	s10 =	sshra.s32 s9, $0x2  }
0x11: {  	s9 =	sadd.s32 $0x40, s9;
	[tilespmem:s10+$0x2800] =	vst v0  }
0x12: {  	s9 =	simm.s32 $0x0  }
.LBB2_4:
0x13: {  	s10 =	sshra.s32 s9, $0x2  }
0x14: {  	v2 =	vld [tilespmem:s10+$0x0];
	_ =	sdelay $0x7  }
0x15: {  	[tilespmem:v2+s7+$0x0] =	vst.idx.add.f32.msk $0xffff, v1  }
0x16: {  	v2 =	vld [tilespmem:s10+$0x10];
	_ =	sdelay $0x7  }
0x17: {  	[tilespmem:v2+s7+$0x0] =	vst.idx.add.f32.msk $0xffff, v1  }
0x18: {  	v2 =	vld [tilespmem:s10+$0x20];
	_ =	sdelay $0x7  }
0x19: {  	[tilespmem:v2+s7+$0x0] =	vst.idx.add.f32.msk $0xffff, v1  }
0x1a: {  	v2 =	vld [tilespmem:s10+$0x30];
	_ =	sdelay $0x7  }
0x1b: {  	[tilespmem:v2+s7+$0x0] =	vst.idx.add.f32.msk $0xffff, v1  }
0x1c: {  	v2 =	vld [tilespmem:s10+$0x40];
	_ =	sdelay $0x7  }
0x1d: {  	[tilespmem:v2+s7+$0x0] =	vst.idx.add.f32.msk $0xffff, v1  }
0x1e: {  	v2 =	vld [tilespmem:s10+$0x50];
	_ =	sdelay $0x7  }
0x1f: {  	[tilespmem:v2+s7+$0x0] =	vst.idx.add.f32.msk $0xffff, v1  }
0x20: {  	v2 =	vld [tilespmem:s10+$0x60];
	_ =	sdelay $0x7  }
0x21: {  	[tilespmem:v2+s7+$0x0] =	vst.idx.add.f32.msk $0xffff, v1  }
0x22: {  	v2 =	vld [tilespmem:s10+$0x70];
	_ =	sdelay $0x2  }
0x23: {  	p0 =	sne.s32 s9, $0x9E00  }
.Ltmp1:
0x24: {  	_ = 	snop;
	(pc) =	sbr.rel @p0 .LBB2_4-.Ltmp1, $2  }
0x25: {  	_ =	sdelay $0x2  }
0x26: {  	s9 =	sadd.s32 $0x200, s9;
	[tilespmem:v2+s7+$0x0] =	vst.idx.add.f32.msk $0xffff, v1  }
0x27: {  	s8 =	sadd.s32 $0x1, s8  }
0x28: {  	p0 =	sne.s32 s8, s5  }
.Ltmp2:
0x29: {  	_ = 	snop;
	(pc) =	sbr.rel @p0 .LBB2_1-.Ltmp2, $4  }
0x2a: {  	[hbm4b:s4+s2] =	stream.linear.scatter [tilespmem:s7], [sflag:$0x1], $0x2800, $0x38;
	[tilespmem:$0x5000] =	vst v63  }
0x2b: {  	_ =	swait.ge [sflag:s6], $0x2800  }
0x2c: {  	[sflag:s6] =	ssyncset.done $0x0  }
0x2d: {  	[sflag:s6] =	ssyncadd.s32 $0xFFFFD800  }
0x2e: {  	_ =	sfence.sel $0x180000  }
0x2f: {  	[bflag:$0x0] =	sbarrier.arrive $0xFFFF  }
0x30: {  	p0 =	sne.s32 s0, $0x0;
	_ =	strace $0x90000047  }
0x31: {  	s0 =	sadd.s32 @!p0 $0x100000, s1;
	[bflag:$0x2] =	sbarrier.arrive $0xFFFF  }
0x32: {  	[sflag:s0] =	ssyncadd.tile.s32 @!p0 $0x1;
	_ =	shalt  }
.Lfunc_end2:
_tile_overlayer_lowered:
.L_overlay_start_2:
0x33: {  	(tag) =	ssettag $0x2  }
0x34: {  	s0 =	rddreg [dreg:$0x0];
	s2 =	stileid.u32  }
0x35: {  	s1 =	rddreg [dreg:$0x1];
	p0 =	sne.s32 s2, $0x0  }
0x36: {  	s3 =	rddreg [dreg:$0x2];
	[bflag:$0x3] =	sbarrier.arrive $0xFFFF;
	s2 =	simm.s32 @!p0 $0x1C01  }
0x37: {  	[timem:s3], [sflag:s2] =	dma.local @!p0 [hbm:s0], s1  }
0x38: {  	s0 =	simm.s32 @!p0 $0x1  }
0x39: {  	_ =	swait.ge @!p0 [sflag:s0], s1  }
0x3a: {  	s1 =	ssub.s32 @!p0 $0x0, s1;
	[sflag:s0] =	ssyncset.done @!p0 $0x0  }
0x3b: {  	[sflag:s0] =	ssyncadd.s32 @!p0 s1  }
0x3c: {  	[bflag:$0x3] =	sbarrier.arrive $0xFFFF  }
0x3d: {  	_ =	shalt  }

// kernel: kernel.17.cloned.1.call-start
scs
__scs_entry_jumppad:
0x0: {  	(pc) =	sbr.rel $0x88, $3  }
0x1: {  	(tag) =	ssettag $0x0;
	lr =	simm.s32 $0x1  }
0x2: {  	[smem:$0x3F94] =	sst lr;
	_ =	strace $0xD0000000  }
0x3: {  	_ = 	snop  }
0x4: {  	_ = 	snop  }
0x5: {  	_ = 	snop  }
0x6: {  	_ = 	snop  }
0x7: {  	_ = 	snop  }
__scs_overlays_trampoline_lowered:
0x8: {  	[smem:$0x3FA3] =	sst s0  }
0x9: {  	[smem:$0x3FA4] =	sst s1  }
0xa: {  	[smem:$0x3FA5] =	sst s2  }
0xb: {  	[smem:$0x3FA6] =	sst s3  }
0xc: {  	[smem:$0x3FA7] =	sst s4  }
0xd: {  	[smem:$0x3FA8] =	sst s5  }
0xe: {  	[smem:$0x3FA9] =	sst s6  }
0xf: {  	[smem:$0x3FAA] =	sst s7  }
0x10: {  	[smem:$0x3FAB] =	sst s8  }
0x11: {  	[smem:$0x3FAC] =	sst s9;
	s0 =	simm.s32 @!p0 $0x0  }
0x12: {  	s1 =	sld [smem:$0x3F92];
	s0 =	simm.s32 @p0 $0x1  }
0x13: {  	[smem:$0x3FAD] =	sst s0;
	s0 =	simm.s32 @!p1 $0x0  }
0x14: {  	s2 =	sld [smem:$0x3F91];
	s0 =	simm.s32 @p1 $0x1  }
0x15: {  	[smem:$0x3FAE] =	sst s0;
	s0 =	simm.s32 @!p2 $0x0  }
0x16: {  	s3 =	sld [smem:$0x3FDB];
	s0 =	simm.s32 @p2 $0x1  }
0x17: {  	s4 =	simm.s32 $0x1BF5;
	[smem:$0x3FB0] =	sst s0  }
0x18: {  	s0 =	sld [smem:$0x3F93];
	_ =	swait.ge [sflag:s4], $0x0  }
0x19: {  	s7 =	sld [smem:$0x3F94]  }
0x1a: {  	s8 =	sadd.s32 $0xFFFFE003, lr  }
0x1b: {  	s9 =	sadd.s32 $0xFFFFFEF7, lr;
	s5 =	simm.s32 $0xFFFFFFFF;
	p2 =	slt.u32 s8, $0xFFFFF086  }
0x1c: {  	p1 =	slt.u32 s9, $0xF7A;
	s5 =	simm.s32 @!p2 $0x0  }
0x1d: {  	s5 =	simm.s32 @p1 $0x1;
	p0 =	seq.s32 s7, s2  }
0x1e: {  	s7 =	smul.u32 @!p0 $0xF7A, s2;
	p2 =	seq.s32 @!p0 s5, $0x0  }
0x1f: {  	s9 =	smul.u32 $0xF7A, s1;
	s8 =	simm.s32 @!p0 $0x1BF5;
	p2 =	por !p2, p0  }
0x20: {  	[sflag:s8] =	ssyncset.s32 @!p0 $0xFFFFF086;
	s6 =	sadd.s32 @!p0 s3, s7;
	s7 =	simm.s32 @!p0 $0x108  }
0x21: {  	s3 =	sadd.s32 s3, s9;
	s6 =	sadd.s32 @!p0 $0x88, s6;
	s7 =	simm.s32 @p2 $0x1082  }
0x22: {  	[simem:s7], [sflag:s8] =	dma.local @!p0 [hbm:s6], $0xF7A  }
0x23: {  	s9 =	sor.u32 $0xD0000000, s2;
	s6 =	simm.s32 $0x108;
	_ =	swait.ge @!p0 [sflag:s8], $0x0  }
0x24: {  	s3 =	sadd.s32 $0x88, s3;
	s6 =	simm.s32 @!p1 $0x1082;
	[sflag:s4] =	ssyncset.s32 $0xFFFFF086  }
0x25: {  	[simem:s6], [sflag:s4] =	dma.local [hbm:s3], $0xF7A  }
0x26: {  	[smem:$0x3F94] =	sst s1;
	(tag) =	ssettag s2;
	_ =	strace s9  }
0x27: {  	s1 =	sld [smem:$0x3FA4]  }
0x28: {  	s2 =	sld [smem:$0x3FA5]  }
0x29: {  	s4 =	sld [smem:$0x3FA7]  }
0x2a: {  	p0 =	seq.s32 s5, $0x0;
	s5 =	sld [smem:$0x3FA8]  }
0x2b: {  	s6 =	sld [smem:$0x3FA9]  }
0x2c: {  	s7 =	sld [smem:$0x3FAA]  }
0x2d: {  	s3 =	simm.s32 $0x108;
	s8 =	sld [smem:$0x3FAB]  }
0x2e: {  	s3 =	simm.s32 @!p0 $0x1082;
	s9 =	sld [smem:$0x3FAC]  }
0x2f: {  	lr =	sadd.s32 s0, s3;
	s0 =	sld [smem:$0x3FA3]  }
0x30: {  	s3 =	sld [smem:$0x3FA6]  }
0x31: {  	[smem:$0x3FAF] =	sst s10  }
0x32: {  	s10 =	sld [smem:$0x3FAD];
	_ =	sdelay $0x3  }
0x33: {  	p0 =	seq.s32 s10, $0x1;
	s10 =	sld [smem:$0x3FAF];
	_ =	sdelay $0x3  }
0x34: {  	[smem:$0x3FAF] =	sst s10  }
0x35: {  	s10 =	sld [smem:$0x3FAE];
	_ =	sdelay $0x3  }
0x36: {  	p1 =	seq.s32 s10, $0x1;
	s10 =	sld [smem:$0x3FAF];
	_ =	sdelay $0x3  }
0x37: {  	[smem:$0x3FAF] =	sst s10  }
0x38: {  	s10 =	sld [smem:$0x3FB0]  }
0x39: {  	_ = 	snop;
	(pc) =	sbr.ind lr, $3  }
0x3a: {  	_ = 	snop  }
0x3b: {  	_ = 	snop  }
0x3c: {  	p2 =	seq.s32 s10, $0x1;
	s10 =	sld [smem:$0x3FAF]  }
0x3d: {  	_ =	shalt  }
0x3e: {  	_ =	shalt  }
0x3f: {  	_ =	shalt  }
0x40: {  	_ =	shalt  }
0x41: {  	_ =	shalt  }
0x42: {  	_ =	shalt  }
0x43: {  	_ =	shalt  }
0x44: {  	_ =	shalt  }
0x45: {  	_ =	shalt  }
0x46: {  	_ =	shalt  }
0x47: {  	_ =	shalt  }
0x48: {  	_ =	shalt  }
0x49: {  	_ =	shalt  }
0x4a: {  	_ =	shalt  }
0x4b: {  	_ =	shalt  }
0x4c: {  	_ =	shalt  }
0x4d: {  	_ =	shalt  }
0x4e: {  	_ =	shalt  }
0x4f: {  	_ =	shalt  }
0x50: {  	_ =	shalt  }
0x51: {  	_ =	shalt  }
0x52: {  	_ =	shalt  }
0x53: {  	_ =	shalt  }
0x54: {  	_ =	shalt  }
0x55: {  	_ =	shalt  }
0x56: {  	_ =	shalt  }
0x57: {  	_ =	shalt  }
0x58: {  	_ =	shalt  }
0x59: {  	_ =	shalt  }
0x5a: {  	_ =	shalt  }
0x5b: {  	_ =	shalt  }
0x5c: {  	_ =	shalt  }
0x5d: {  	_ =	shalt  }
0x5e: {  	_ =	shalt  }
0x5f: {  	_ =	shalt  }
0x60: {  	_ =	shalt  }
0x61: {  	_ =	shalt  }
0x62: {  	_ =	shalt  }
0x63: {  	_ =	shalt  }
0x64: {  	_ =	shalt  }
0x65: {  	_ =	shalt  }
0x66: {  	_ =	shalt  }
0x67: {  	_ =	shalt  }
0x68: {  	_ =	shalt  }
0x69: {  	_ =	shalt  }
0x6a: {  	_ =	shalt  }
0x6b: {  	_ =	shalt  }
0x6c: {  	_ =	shalt  }
0x6d: {  	_ =	shalt  }
0x6e: {  	_ =	shalt  }
0x6f: {  	_ =	shalt  }
0x70: {  	_ =	shalt  }
0x71: {  	_ =	shalt  }
0x72: {  	_ =	shalt  }
0x73: {  	_ =	shalt  }
0x74: {  	_ =	shalt  }
0x75: {  	_ =	shalt  }
0x76: {  	_ =	shalt  }
0x77: {  	_ =	shalt  }
0x78: {  	_ =	shalt  }
0x79: {  	_ =	shalt  }
0x7a: {  	_ =	shalt  }
0x7b: {  	_ =	shalt  }
0x7c: {  	_ =	shalt  }
0x7d: {  	_ =	shalt  }
0x7e: {  	_ =	shalt  }
0x7f: {  	_ =	shalt  }
0x80: {  	_ =	shalt  }
0x81: {  	_ =	shalt  }
0x82: {  	_ =	shalt  }
0x83: {  	_ =	shalt  }
0x84: {  	_ =	shalt  }
0x85: {  	_ =	shalt  }
0x86: {  	_ =	shalt  }
0x87: {  	_ =	shalt  }
.Lfunc_end0:
.L_simem_size_0:
called_computation.1_lowered:
.L_overlay_start_0:
0x88: {  	s2 =	sld [smem:$0x3FD9]  }
0x89: {  	s3 =	sld [smem:$0x3FFE];
	_ =	sdelay $0x1  }
0x8a: {  	s1 =	srdreg.scid  }
0x8b: {  	s0 =	sand.u32 $0x1, s1  }
0x8c: {  	s16 =	sshll.u32 s0, $0xA;
	s2 =	sadd.s32 s3, s2  }
0x8d: {  	s2 =	sadd.s32 s2, s16  }
0x8e: {  	[smem:$0x3FBB] =	sst s2  }
0x8f: {  	_ = 	snop  }
0x90: {  	(tm) =	ssettm $0x1  }
0x91: {  	s17 =	sld [smem:$0x3FFB];
	_ =	sdelay $0x3  }
0x92: {  	_ =	strace s17  }
0x93: {  	s2 =	sld [smem:$0x3FFC];
	_ =	sdelay $0x3  }
0x94: {  	_ =	strace s2  }
0x95: {  	s2 =	sld [smem:$0x3FFD];
	_ =	sdelay $0x3  }
0x96: {  	_ =	strace s2  }
0x97: {  	_ =	strace $0x8FFFFFFF  }
0x98: {  	s18 =	sld [smem:$0x3FDB];
	_ =	sdelay $0x1  }
0x99: {  	s19 =	simm.s32 $_scs_section_size  }
0x9a: {  	s4 =	simm.s32 $_size__tile_overlayer_lowered;
	s5 =	simm.s32 $_tile_overlayer_lowered  }
0x9b: {  	s22 =	simm.s32 $0x1BFF;
	s21 =	sshll.u32 s5, $0x1;
	s2 =	sadd.s32 s19, s18  }
0x9c: {  	s6 =	simm.s32 $0x0;
	s20 =	sshll.u32 s4, $0x1;
	s4 =	sadd.s32 s21, s2  }
0x9d: {  	[timem:s6], [sflag:s22] =	dma.local [hbm:s4], s20  }
0x9e: {  	_ =	swait.ge [sflag:s22], s20  }
0x9f: {  	s3 =	ssub.s32 $0x0, s20;
	[sflag:s22] =	ssyncset.done $0x0  }
0xa0: {  	[sflag:s22] =	ssyncadd.s32 s3;
	_ =	sdelay $0x1  }
0xa1: {  	s23 =	simm.s32 $0x1B8B  }
0xa2: {  	_ =	swait.ge [sflag:s23], $0x1  }
0xa3: {  	[sflag:s23] =	ssyncset.done $0x0  }
0xa4: {  	s25 =	simm.s32 $0x1B8E;
	s24 =	sld [smem:$0x3FFE];
	[sflag:s23] =	ssyncadd.s32 $0xFFFFFFFF  }
0xa5: {  	s26 =	simm.s32 $execute0_lowered;
	[smem:$0x3FD2] =	sst s25  }
0xa6: {  	s4 =	sshll.u32 s26, $0x1;
	_ =	strace $0x80000049;
	[dreg:$0x1] =	wrdreg $0xFFFFFFFF  }
0xa7: {  	s28 =	simm.s32 $_size_execute0_lowered;
	s2 =	sadd.s32 s2, s4;
	[dreg:$0x0] =	wrdreg $0x0  }
0xa8: {  	s4 =	sshll.u32 s28, $0x1;
	[dreg:$0x2] =	wrdreg s2  }
0xa9: {  	[dreg:$0x3] =	wrdreg s4  }
0xaa: {  	[dreg:$0x4] =	wrdreg $0xC0  }
0xab: {  	_ =	task [dreg:s6], $0x5FFFF  }
0xac: {  	[dreg:$0x1] =	wrdreg $0xFFFFFFFF  }
0xad: {  	[dreg:$0x0] =	wrdreg $0x60  }
0xae: {  	[dreg:$0x2] =	wrdreg s24  }
0xaf: {  	[dreg:$0x3] =	wrdreg $0x68000  }
0xb0: {  	[dreg:$0x4] =	wrdreg $0xB8000  }
0xb1: {  	[dreg:$0x5] =	wrdreg $0x9  }
0xb2: {  	_ =	task.clear_ibuf [dreg:s6], $0x6FFFF;
	_ =	strace $0x90000049  }
0xb3: {  	s29 =	simm.s32 $0x9;
	_ =	strace $0x8000004B  }
0xb4: {  	_ =	swait.ge [sflag:s29], $0x1  }
0xb5: {  	[sflag:s29] =	ssyncadd.s32 $0xFFFFFFFF  }
0xb6: {  	_ =	strace $0x9000004B  }
0xb7: {  	_ =	sfence  }
0xb8: {  	s30 =	sld [smem:$0x0];
	_ =	sdelay $0x2  }
0xb9: {  	s31 =	sshll.u32 s1, $0xD;
	s1 =	sshrl.u32 s1, $0x2  }
0xba: {  	s3 =	sand.u32 $0x4000, s31;
	s1 =	sadd.s32 s1, s30  }
0xbb: {  	s0 =	sor.u32 s3, s0;
	s1 =	sshll.u32 s1, $0x11  }
0xbc: {  	s0 =	sor.u32 s1, s0  }
0xbd: {  	s0 =	sadd.s32 $0x8F2B, s0  }
0xbe: {  	[sflag:s0] =	ssyncadd.remote.s32 $0x1  }
0xbf: {  	_ =	sfence.sel $0xFFFF  }
0xc0: {  	[dreg:$0x0] =	wrdreg $0xFFFFFFFF;
	(pc) =	sbr.abs _section_cstart, $3  }
0xc1: {  	[dreg:$0x1] =	wrdreg $0xFFFFFFFF  }
0xc2: {  	_ =	task.clear_ibuf [dreg:s6], $0x2FFFF;
	_ =	strace $0x9FFFFFFF  }
0xc3: {  	(tm) =	ssettm $0x7FFFFFFF  }
tec
execute0_lowered:
.L_overlay_start_1:
0x0: {  	(tag) =	ssettag $0x1  }
0x1: {  	s5 =	rddreg [dreg:$0x0]  }
0x2: {  	s0 =	srdreg.scid;
	s2 =	rddreg [dreg:$0x1]  }
0x3: {  	s11 =	stileid.u32;
	s3 =	rddreg [dreg:$0x2]  }
0x4: {  	s4 =	simm.s32 $0x0;
	s28 =	simm.s32 $0x1;
	s29 =	simm.s32 $0x2  }
0x5: {  	s30 =	simm.s32 $0x80;
	s31 =	simm.s32 $0x5000;
	s10 =	smul.u32 $0x5000, s11  }
0x6: {  	s0 =	sand.u32 $0x1, s0;
	s1 =	sshll.u32 s11, $0x1;
	s6 =	smul.u32 $0xA00, s11  }
0x7: {  	[smem:$0x7FF] =	sst s4;
	s9 =	smul.u32 $0x14000, s11;
	s1 =	sor.u32 s0, s1  }
0x8: {  	s7 =	smul.u32 $0xA000, s0;
	_ =	strace $0x8000004A;
	s0 =	ssub.s32 $0x2, s0  }
0x9: {  	s1 =	smul.u32 $0x500, s1;
	s8 =	sshrl.u32 s10, $0x3;
	s23 =	sshrl.u32 s0, $0x1  }
0xa: {  	s22 =	sadd.s32 s10, s2;
	s25 =	sshrl.u32 s9, $0x2;
	s10 =	sadd.s32 s10, s3  }
0xb: {  	s8 =	sadd.s32 s8, s5;
	s6 =	sadd.s32 s6, s7;
	s0 =	ssub.s32 s0, s23  }
0xc: {  	s26 =	sadd.s32 s25, s3;
	s22 =	sshrl.u32 s22, $0x3;
	s25 =	simm.s32 $0x4  }
0xd: {  	s1 =	sadd.s32 s1, s5;
	s20 =	sadd.s32 s6, s5;
	s5 =	sshll.u32 s11, $0x6  }
0xe: {  	s24 =	sadd.s32 $0xD600, s8;
	s11 =	sadd.s32 $0x800, s26;
	s12 =	sadd.s32 $0x1000, s26  }
0xf: {  	s13 =	sadd.s32 $0x1800, s26;
	s14 =	sadd.s32 $0x2000, s26;
	s15 =	sadd.s32 $0x2800, s26  }
0x10: {  	s16 =	sadd.s32 $0x3000, s26;
	s17 =	sadd.s32 $0x3800, s26;
	s18 =	sadd.s32 $0x4000, s26  }
0x11: {  	s19 =	sadd.s32 $0x4800, s26;
	s21 =	smax.u32 s0, $0x1;
	s26 =	simm.s32 $0x3  }
0x12: {  	[dreg:$0x4] =	wrdreg s24;
	s7 =	sor.u32 $0x1C03, s5;
	s8 =	sadd.s32 $0x17600, s1  }
0x13: {  	v0 =	vimm.f32 $0.0e+00;
	s9 =	sadd.s32 $0x3600, s1;
	s20 =	sadd.s32 $0x21600, s20;
	s24 =	simm.s32 $0x6000  }
.LBB2_1:
0x14: {  	s1 =	simm.s32 $0x80;
	s0 =	simm.s32 $0x0  }
.LBB2_2:
0x15: {  	p0 =	sne.s32 s1, $0x1F80;
	[tilespmem:s0+$0x6000] =	vst v0;
	s23 =	smov.u32 s1;
	s1 =	sadd.s32 $0x80, s1  }
.Ltmp0:
0x16: {  	[tilespmem:s0+$0x6010] =	vst v0;
	(pc) =	sbr.rel @p0 .LBB2_2-.Ltmp0, $2  }
0x17: {  	_ =	sdelay $0x2  }
0x18: {  	s0 =	sshra.s32 s23, $0x2  }
0x19: {  	[tilespmem:s0+$0x6000] =	vst v0  }
0x1a: {  	[tilespmem:s0+$0x6010] =	vst v0;
	s6 =	rddreg [dreg:$0x4];
	s23 =	simm.s32 $0x0  }
0x1b: {  	[spmem:s22], [sflag:s7] =	dma.local [hbm:s6], $0xA00  }
0x1c: {  	[tilespmem:s23], [sflag:$0x1] =	stream.linear.gather [hbm4b:s8+s23], $0x2800, $0x38;
	[tilespmem:$0x10800] =	vst v63  }
0x1d: {  	s1 =	simm.s32 $0x2800  }
0x1e: {  	[tilespmem:s1], [sflag:$0x2] =	stream.linear.gather [hbm4b:s9+s23], $0x2800, $0x38;
	[tilespmem:$0x10800] =	vst v63  }
0x1f: {  	_ = 	snop  }
0x20: {  	[spmem:s10] =	stream.linear.scatter [tilespmem:s24], [sflag:$0x4], $0x800, $0x38;
	[tilespmem:$0x10800] =	vst v63  }
0x21: {  	_ =	swait.ge [sflag:s25], $0x800  }
0x22: {  	[sflag:s25] =	ssyncset.done $0x0  }
0x23: {  	[sflag:s25] =	ssyncadd.s32 $0xFFFFF800  }
0x24: {  	[spmem:s11] =	stream.linear.scatter [tilespmem:s24], [sflag:$0x4], $0x800, $0x38;
	[tilespmem:$0x10800] =	vst v63  }
0x25: {  	_ =	swait.ge [sflag:s25], $0x800  }
0x26: {  	[sflag:s25] =	ssyncset.done $0x0  }
0x27: {  	[sflag:s25] =	ssyncadd.s32 $0xFFFFF800  }
0x28: {  	[spmem:s12] =	stream.linear.scatter [tilespmem:s24], [sflag:$0x4], $0x800, $0x38;
	[tilespmem:$0x10800] =	vst v63  }
0x29: {  	_ =	swait.ge [sflag:s25], $0x800  }
0x2a: {  	[sflag:s25] =	ssyncset.done $0x0  }
0x2b: {  	[sflag:s25] =	ssyncadd.s32 $0xFFFFF800  }
0x2c: {  	[spmem:s13] =	stream.linear.scatter [tilespmem:s24], [sflag:$0x4], $0x800, $0x38;
	[tilespmem:$0x10800] =	vst v63  }
0x2d: {  	_ =	swait.ge [sflag:s25], $0x800  }
0x2e: {  	[sflag:s25] =	ssyncset.done $0x0  }
0x2f: {  	[sflag:s25] =	ssyncadd.s32 $0xFFFFF800  }
0x30: {  	[spmem:s14] =	stream.linear.scatter [tilespmem:s24], [sflag:$0x4], $0x800, $0x38;
	[tilespmem:$0x10800] =	vst v63  }
0x31: {  	_ =	swait.ge [sflag:s25], $0x800  }
0x32: {  	[sflag:s25] =	ssyncset.done $0x0  }
0x33: {  	[sflag:s25] =	ssyncadd.s32 $0xFFFFF800  }
0x34: {  	[spmem:s15] =	stream.linear.scatter [tilespmem:s24], [sflag:$0x4], $0x800, $0x38;
	[tilespmem:$0x10800] =	vst v63  }
0x35: {  	_ =	swait.ge [sflag:s25], $0x800  }
0x36: {  	[sflag:s25] =	ssyncset.done $0x0  }
0x37: {  	[sflag:s25] =	ssyncadd.s32 $0xFFFFF800  }
0x38: {  	[spmem:s16] =	stream.linear.scatter [tilespmem:s24], [sflag:$0x4], $0x800, $0x38;
	[tilespmem:$0x10800] =	vst v63  }
0x39: {  	_ =	swait.ge [sflag:s25], $0x800  }
0x3a: {  	[sflag:s25] =	ssyncset.done $0x0  }
0x3b: {  	[sflag:s25] =	ssyncadd.s32 $0xFFFFF800  }
0x3c: {  	[spmem:s17] =	stream.linear.scatter [tilespmem:s24], [sflag:$0x4], $0x800, $0x38;
	[tilespmem:$0x10800] =	vst v63  }
0x3d: {  	_ =	swait.ge [sflag:s25], $0x800  }
0x3e: {  	[sflag:s25] =	ssyncset.done $0x0  }
0x3f: {  	[sflag:s25] =	ssyncadd.s32 $0xFFFFF800  }
0x40: {  	[spmem:s18] =	stream.linear.scatter [tilespmem:s24], [sflag:$0x4], $0x800, $0x38;
	[tilespmem:$0x10800] =	vst v63  }
0x41: {  	_ =	swait.ge [sflag:s25], $0x800  }
0x42: {  	[sflag:s25] =	ssyncset.done $0x0  }
0x43: {  	[sflag:s25] =	ssyncadd.s32 $0xFFFFF800  }
0x44: {  	[spmem:s19] =	stream.linear.scatter [tilespmem:s24], [sflag:$0x4], $0x800, $0x38;
	[tilespmem:$0x10800] =	vst v63  }
0x45: {  	_ =	swait.ge [sflag:s25], $0x800  }
0x46: {  	[sflag:s25] =	ssyncset.done $0x0  }
0x47: {  	[sflag:s25] =	ssyncadd.s32 $0xFFFFF800  }
0x48: {  	_ =	swait.ge [sflag:s26], $0xA00  }
0x49: {  	[sflag:s26] =	ssyncset.done $0x0  }
0x4a: {  	[sflag:s26] =	ssyncadd.s32 $0xFFFFF600  }
0x4b: {  	_ =	swait.ge [sflag:s28], $0x2800  }
0x4c: {  	[sflag:s28] =	ssyncset.done $0x0  }
0x4d: {  	[sflag:s28] =	ssyncadd.s32 $0xFFFFD800  }
0x4e: {  	_ =	swait.ge [sflag:s29], $0x2800  }
0x4f: {  	[sflag:s29] =	ssyncset.done $0x0  }
0x50: {  	[sflag:s29] =	ssyncadd.s32 $0xFFFFD800  }
0x51: {  	s6 =	simm.s32 $0x0;
	[bflag:$0x0] =	sbarrier.arrive $0xFFFF  }
0x52: {  	[tilespmem:s31], [sflag:$0x1] =	stream.indirect.gather [spmem:s2], $0x20, s6, s30, $0xb8;
	[tilespmem:$0x10800] =	vst v63  }
0x53: {  	_ =	swait.ge [sflag:s28], $0x1000  }
0x54: {  	[sflag:s28] =	ssyncset.done $0x0  }
0x55: {  	s23 =	simm.s32 $0x2800;
	[sflag:s28] =	ssyncadd.s32 $0xFFFFF000  }
0x56: {  	[spmem:s3] =	stream.indirect.scatter.add.f32 [tilespmem:s31], [sflag:$0x4], $0x20, s23, s30, $0xb8;
	[tilespmem:$0x10800] =	vst v63  }
0x57: {  	_ =	swait.ge [sflag:s25], $0x1000  }
0x58: {  	s0 =	simm.s32 $0x400;
	s1 =	simm.s32 $0x200;
	[sflag:s25] =	ssyncset.done $0x0  }
.LBB2_4:
0x59: {  	s23 =	sshra.s32 s1, $0x2  }
0x5a: {  	[sflag:s25] =	ssyncadd.s32 $0xFFFFF000;
	s1 =	smov.u32 s0;
	s6 =	sadd.s32 $0x200, s0  }
0x5b: {  	[tilespmem:s31], [sflag:$0x1] =	stream.indirect.gather [spmem:s2], $0x20, s23, s30, $0xb8;
	[tilespmem:$0x10800] =	vst v63  }
0x5c: {  	p0 =	sne.s32 s0, $0x9E00;
	_ =	swait.ge [sflag:s28], $0x1000  }
.Ltmp1:
0x5d: {  	[sflag:s28] =	ssyncset.done $0x0;
	(pc) =	sbr.rel @p0 .LBB2_4-.Ltmp1, $4  }
0x5e: {  	s0 =	sadd.s32 $0x2800, s23;
	[sflag:s28] =	ssyncadd.s32 $0xFFFFF000  }
0x5f: {  	[spmem:s3] =	stream.indirect.scatter.add.f32 [tilespmem:s31], [sflag:$0x4], $0x20, s0, s30, $0xb8;
	[tilespmem:$0x10800] =	vst v63  }
0x60: {  	_ =	swait.ge [sflag:s25], $0x1000  }
0x61: {  	s0 =	smov.u32 s6;
	[sflag:s25] =	ssyncset.done $0x0  }
0x62: {  	s0 =	sshra.s32 s1, $0x2;
	[sflag:s25] =	ssyncadd.s32 $0xFFFFF000  }
0x63: {  	[tilespmem:s31], [sflag:$0x1] =	stream.indirect.gather [spmem:s2], $0x20, s0, s30, $0xb8;
	[tilespmem:$0x10800] =	vst v63  }
0x64: {  	_ =	swait.ge [sflag:s28], $0x1000  }
0x65: {  	[sflag:s28] =	ssyncset.done $0x0  }
0x66: {  	s0 =	sadd.s32 $0x2800, s0;
	[sflag:s28] =	ssyncadd.s32 $0xFFFFF000  }
0x67: {  	[spmem:s3] =	stream.indirect.scatter.add.f32 [tilespmem:s31], [sflag:$0x4], $0x20, s0, s30, $0xb8;
	[tilespmem:$0x10800] =	vst v63  }
0x68: {  	_ =	swait.ge [sflag:s25], $0x1000  }
0x69: {  	s4 =	sadd.s32 $0x1, s4;
	[sflag:s25] =	ssyncset.done $0x0  }
0x6a: {  	s6 =	sor.u32 $0x1C04, s5;
	p0 =	sne.s32 s4, s21;
	[sflag:s25] =	ssyncadd.s32 $0xFFFFF000  }
.Ltmp2:
0x6b: {  	s23 =	sshrl.u32 s10, $0x3;
	[bflag:$0x0] =	sbarrier.arrive $0xFFFF;
	(pc) =	sbr.rel @p0 .LBB2_1-.Ltmp2, $4  }
0x6c: {  	[hbm:s20], [sflag:s6] =	dma.local [spmem:s23], $0xA00  }
0x6d: {  	_ =	swait.ge [sflag:s25], $0xA00  }
0x6e: {  	[sflag:s25] =	ssyncset.done $0x0  }
0x6f: {  	[sflag:s25] =	ssyncadd.s32 $0xFFFFF600  }
0x70: {  	_ =	sfence.sel $0x180000  }
0x71: {  	[bflag:$0x0] =	sbarrier.arrive $0xFFFF  }
0x72: {  	_ =	strace $0x9000004A  }
0x73: {  	s0 =	stileid.u32;
	[bflag:$0x2] =	sbarrier.arrive $0xFFFF  }
0x74: {  	p0 =	sne.s32 s0, $0x0;
	s0 =	rddreg [dreg:$0x3]  }
0x75: {  	s0 =	sadd.s32 @!p0 $0x100000, s0  }
0x76: {  	[sflag:s0] =	ssyncadd.tile.s32 @!p0 $0x1;
	_ =	shalt  }
.Lfunc_end2:
_tile_overlayer_lowered:
.L_overlay_start_2:
0x77: {  	(tag) =	ssettag $0x2  }
0x78: {  	s0 =	rddreg [dreg:$0x0];
	s2 =	stileid.u32  }
0x79: {  	s1 =	rddreg [dreg:$0x1];
	p0 =	sne.s32 s2, $0x0  }
0x7a: {  	s3 =	rddreg [dreg:$0x2];
	[bflag:$0x3] =	sbarrier.arrive $0xFFFF;
	s2 =	simm.s32 @!p0 $0x1C04  }
0x7b: {  	[timem:s3], [sflag:s2] =	dma.local @!p0 [hbm:s0], s1  }
0x7c: {  	s0 =	simm.s32 @!p0 $0x4  }
0x7d: {  	_ =	swait.ge @!p0 [sflag:s0], s1  }
0x7e: {  	s1 =	ssub.s32 @!p0 $0x0, s1;
	[sflag:s0] =	ssyncset.done @!p0 $0x0  }
0x7f: {  	[sflag:s0] =	ssyncadd.s32 @!p0 s1  }
0x80: {  	[bflag:$0x3] =	sbarrier.arrive $0xFFFF  }
0x81: {  	_ =	shalt  }

// kernel: kernel.20.cloned.1.call-start
scs
__scs_entry_jumppad:
0x0: {  	(pc) =	sbr.rel $0x88, $3  }
0x1: {  	(tag) =	ssettag $0x0;
	lr =	simm.s32 $0x1  }
0x2: {  	[smem:$0x3F94] =	sst lr;
	_ =	strace $0xD0000000  }
0x3: {  	_ = 	snop  }
0x4: {  	_ = 	snop  }
0x5: {  	_ = 	snop  }
0x6: {  	_ = 	snop  }
0x7: {  	_ = 	snop  }
__scs_overlays_trampoline_lowered:
0x8: {  	[smem:$0x3FA3] =	sst s0  }
0x9: {  	[smem:$0x3FA4] =	sst s1  }
0xa: {  	[smem:$0x3FA5] =	sst s2  }
0xb: {  	[smem:$0x3FA6] =	sst s3  }
0xc: {  	[smem:$0x3FA7] =	sst s4  }
0xd: {  	[smem:$0x3FA8] =	sst s5  }
0xe: {  	[smem:$0x3FA9] =	sst s6  }
0xf: {  	[smem:$0x3FAA] =	sst s7  }
0x10: {  	[smem:$0x3FAB] =	sst s8  }
0x11: {  	[smem:$0x3FAC] =	sst s9;
	s0 =	simm.s32 @!p0 $0x0  }
0x12: {  	s1 =	sld [smem:$0x3F92];
	s0 =	simm.s32 @p0 $0x1  }
0x13: {  	[smem:$0x3FAD] =	sst s0;
	s0 =	simm.s32 @!p1 $0x0  }
0x14: {  	s2 =	sld [smem:$0x3F91];
	s0 =	simm.s32 @p1 $0x1  }
0x15: {  	[smem:$0x3FAE] =	sst s0;
	s0 =	simm.s32 @!p2 $0x0  }
0x16: {  	s3 =	sld [smem:$0x3FDB];
	s0 =	simm.s32 @p2 $0x1  }
0x17: {  	s4 =	simm.s32 $0x1BF5;
	[smem:$0x3FB0] =	sst s0  }
0x18: {  	s0 =	sld [smem:$0x3F93];
	_ =	swait.ge [sflag:s4], $0x0  }
0x19: {  	s7 =	sld [smem:$0x3F94]  }
0x1a: {  	s8 =	sadd.s32 $0xFFFFE003, lr  }
0x1b: {  	s9 =	sadd.s32 $0xFFFFFEF7, lr;
	s5 =	simm.s32 $0xFFFFFFFF;
	p2 =	slt.u32 s8, $0xFFFFF086  }
0x1c: {  	p1 =	slt.u32 s9, $0xF7A;
	s5 =	simm.s32 @!p2 $0x0  }
0x1d: {  	s5 =	simm.s32 @p1 $0x1;
	p0 =	seq.s32 s7, s2  }
0x1e: {  	s7 =	smul.u32 @!p0 $0xF7A, s2;
	p2 =	seq.s32 @!p0 s5, $0x0  }
0x1f: {  	s9 =	smul.u32 $0xF7A, s1;
	s8 =	simm.s32 @!p0 $0x1BF5;
	p2 =	por !p2, p0  }
0x20: {  	[sflag:s8] =	ssyncset.s32 @!p0 $0xFFFFF086;
	s6 =	sadd.s32 @!p0 s3, s7;
	s7 =	simm.s32 @!p0 $0x108  }
0x21: {  	s3 =	sadd.s32 s3, s9;
	s6 =	sadd.s32 @!p0 $0x88, s6;
	s7 =	simm.s32 @p2 $0x1082  }
0x22: {  	[simem:s7], [sflag:s8] =	dma.local @!p0 [hbm:s6], $0xF7A  }
0x23: {  	s9 =	sor.u32 $0xD0000000, s2;
	s6 =	simm.s32 $0x108;
	_ =	swait.ge @!p0 [sflag:s8], $0x0  }
0x24: {  	s3 =	sadd.s32 $0x88, s3;
	s6 =	simm.s32 @!p1 $0x1082;
	[sflag:s4] =	ssyncset.s32 $0xFFFFF086  }
0x25: {  	[simem:s6], [sflag:s4] =	dma.local [hbm:s3], $0xF7A  }
0x26: {  	[smem:$0x3F94] =	sst s1;
	(tag) =	ssettag s2;
	_ =	strace s9  }
0x27: {  	s1 =	sld [smem:$0x3FA4]  }
0x28: {  	s2 =	sld [smem:$0x3FA5]  }
0x29: {  	s4 =	sld [smem:$0x3FA7]  }
0x2a: {  	p0 =	seq.s32 s5, $0x0;
	s5 =	sld [smem:$0x3FA8]  }
0x2b: {  	s6 =	sld [smem:$0x3FA9]  }
0x2c: {  	s7 =	sld [smem:$0x3FAA]  }
0x2d: {  	s3 =	simm.s32 $0x108;
	s8 =	sld [smem:$0x3FAB]  }
0x2e: {  	s3 =	simm.s32 @!p0 $0x1082;
	s9 =	sld [smem:$0x3FAC]  }
0x2f: {  	lr =	sadd.s32 s0, s3;
	s0 =	sld [smem:$0x3FA3]  }
0x30: {  	s3 =	sld [smem:$0x3FA6]  }
0x31: {  	[smem:$0x3FAF] =	sst s10  }
0x32: {  	s10 =	sld [smem:$0x3FAD];
	_ =	sdelay $0x3  }
0x33: {  	p0 =	seq.s32 s10, $0x1;
	s10 =	sld [smem:$0x3FAF];
	_ =	sdelay $0x3  }
0x34: {  	[smem:$0x3FAF] =	sst s10  }
0x35: {  	s10 =	sld [smem:$0x3FAE];
	_ =	sdelay $0x3  }
0x36: {  	p1 =	seq.s32 s10, $0x1;
	s10 =	sld [smem:$0x3FAF];
	_ =	sdelay $0x3  }
0x37: {  	[smem:$0x3FAF] =	sst s10  }
0x38: {  	s10 =	sld [smem:$0x3FB0]  }
0x39: {  	_ = 	snop;
	(pc) =	sbr.ind lr, $3  }
0x3a: {  	_ = 	snop  }
0x3b: {  	_ = 	snop  }
0x3c: {  	p2 =	seq.s32 s10, $0x1;
	s10 =	sld [smem:$0x3FAF]  }
0x3d: {  	_ =	shalt  }
0x3e: {  	_ =	shalt  }
0x3f: {  	_ =	shalt  }
0x40: {  	_ =	shalt  }
0x41: {  	_ =	shalt  }
0x42: {  	_ =	shalt  }
0x43: {  	_ =	shalt  }
0x44: {  	_ =	shalt  }
0x45: {  	_ =	shalt  }
0x46: {  	_ =	shalt  }
0x47: {  	_ =	shalt  }
0x48: {  	_ =	shalt  }
0x49: {  	_ =	shalt  }
0x4a: {  	_ =	shalt  }
0x4b: {  	_ =	shalt  }
0x4c: {  	_ =	shalt  }
0x4d: {  	_ =	shalt  }
0x4e: {  	_ =	shalt  }
0x4f: {  	_ =	shalt  }
0x50: {  	_ =	shalt  }
0x51: {  	_ =	shalt  }
0x52: {  	_ =	shalt  }
0x53: {  	_ =	shalt  }
0x54: {  	_ =	shalt  }
0x55: {  	_ =	shalt  }
0x56: {  	_ =	shalt  }
0x57: {  	_ =	shalt  }
0x58: {  	_ =	shalt  }
0x59: {  	_ =	shalt  }
0x5a: {  	_ =	shalt  }
0x5b: {  	_ =	shalt  }
0x5c: {  	_ =	shalt  }
0x5d: {  	_ =	shalt  }
0x5e: {  	_ =	shalt  }
0x5f: {  	_ =	shalt  }
0x60: {  	_ =	shalt  }
0x61: {  	_ =	shalt  }
0x62: {  	_ =	shalt  }
0x63: {  	_ =	shalt  }
0x64: {  	_ =	shalt  }
0x65: {  	_ =	shalt  }
0x66: {  	_ =	shalt  }
0x67: {  	_ =	shalt  }
0x68: {  	_ =	shalt  }
0x69: {  	_ =	shalt  }
0x6a: {  	_ =	shalt  }
0x6b: {  	_ =	shalt  }
0x6c: {  	_ =	shalt  }
0x6d: {  	_ =	shalt  }
0x6e: {  	_ =	shalt  }
0x6f: {  	_ =	shalt  }
0x70: {  	_ =	shalt  }
0x71: {  	_ =	shalt  }
0x72: {  	_ =	shalt  }
0x73: {  	_ =	shalt  }
0x74: {  	_ =	shalt  }
0x75: {  	_ =	shalt  }
0x76: {  	_ =	shalt  }
0x77: {  	_ =	shalt  }
0x78: {  	_ =	shalt  }
0x79: {  	_ =	shalt  }
0x7a: {  	_ =	shalt  }
0x7b: {  	_ =	shalt  }
0x7c: {  	_ =	shalt  }
0x7d: {  	_ =	shalt  }
0x7e: {  	_ =	shalt  }
0x7f: {  	_ =	shalt  }
0x80: {  	_ =	shalt  }
0x81: {  	_ =	shalt  }
0x82: {  	_ =	shalt  }
0x83: {  	_ =	shalt  }
0x84: {  	_ =	shalt  }
0x85: {  	_ =	shalt  }
0x86: {  	_ =	shalt  }
0x87: {  	_ =	shalt  }
.Lfunc_end0:
.L_simem_size_0:
called_computation.2_lowered:
.L_overlay_start_0:
0x88: {  	s2 =	sld [smem:$0x3FD9]  }
0x89: {  	s3 =	sld [smem:$0x3FFE];
	_ =	sdelay $0x1  }
0x8a: {  	s1 =	srdreg.scid  }
0x8b: {  	s0 =	sand.u32 $0x1, s1  }
0x8c: {  	s16 =	sshll.u32 s0, $0xA;
	s2 =	sadd.s32 s3, s2  }
0x8d: {  	s2 =	sadd.s32 s2, s16  }
0x8e: {  	[smem:$0x3FBB] =	sst s2  }
0x8f: {  	_ = 	snop  }
0x90: {  	(tm) =	ssettm $0x1  }
0x91: {  	s17 =	sld [smem:$0x3FFB];
	_ =	sdelay $0x3  }
0x92: {  	_ =	strace s17  }
0x93: {  	s2 =	sld [smem:$0x3FFC];
	_ =	sdelay $0x3  }
0x94: {  	_ =	strace s2  }
0x95: {  	s2 =	sld [smem:$0x3FFD];
	_ =	sdelay $0x3  }
0x96: {  	_ =	strace s2  }
0x97: {  	_ =	strace $0x8FFFFFFF  }
0x98: {  	s18 =	sld [smem:$0x3FDB];
	_ =	sdelay $0x1  }
0x99: {  	s19 =	simm.s32 $_scs_section_size  }
0x9a: {  	s4 =	simm.s32 $_size__tile_overlayer_lowered;
	s5 =	simm.s32 $_tile_overlayer_lowered  }
0x9b: {  	s22 =	simm.s32 $0x1BFF;
	s21 =	sshll.u32 s5, $0x1;
	s2 =	sadd.s32 s19, s18  }
0x9c: {  	s6 =	simm.s32 $0x0;
	s20 =	sshll.u32 s4, $0x1;
	s4 =	sadd.s32 s21, s2  }
0x9d: {  	[timem:s6], [sflag:s22] =	dma.local [hbm:s4], s20  }
0x9e: {  	_ =	swait.ge [sflag:s22], s20  }
0x9f: {  	s3 =	ssub.s32 $0x0, s20;
	[sflag:s22] =	ssyncset.done $0x0  }
0xa0: {  	[sflag:s22] =	ssyncadd.s32 s3;
	_ =	sdelay $0x1  }
0xa1: {  	s23 =	simm.s32 $0x1B8B  }
0xa2: {  	_ =	swait.ge [sflag:s23], $0x1  }
0xa3: {  	[sflag:s23] =	ssyncset.done $0x0  }
0xa4: {  	s25 =	simm.s32 $0x1B8E;
	s24 =	sld [smem:$0x3FFE];
	[sflag:s23] =	ssyncadd.s32 $0xFFFFFFFF  }
0xa5: {  	s26 =	simm.s32 $execute0_lowered;
	[smem:$0x3FD2] =	sst s25  }
0xa6: {  	s4 =	sshll.u32 s26, $0x1;
	_ =	strace $0x8000004C;
	[dreg:$0x1] =	wrdreg $0xFFFFFFFF  }
0xa7: {  	s28 =	simm.s32 $_size_execute0_lowered;
	s2 =	sadd.s32 s2, s4;
	[dreg:$0x0] =	wrdreg $0x0  }
0xa8: {  	s4 =	sshll.u32 s28, $0x1;
	[dreg:$0x2] =	wrdreg s2  }
0xa9: {  	[dreg:$0x3] =	wrdreg s4  }
0xaa: {  	[dreg:$0x4] =	wrdreg $0xC0  }
0xab: {  	_ =	task [dreg:s6], $0x5FFFF  }
0xac: {  	[dreg:$0x1] =	wrdreg $0xFFFFFFFF  }
0xad: {  	[dreg:$0x0] =	wrdreg $0x60  }
0xae: {  	[dreg:$0x2] =	wrdreg s24  }
0xaf: {  	[dreg:$0x3] =	wrdreg $0x68000  }
0xb0: {  	[dreg:$0x4] =	wrdreg $0xB8000  }
0xb1: {  	[dreg:$0x5] =	wrdreg $0x9  }
0xb2: {  	_ =	task.clear_ibuf [dreg:s6], $0x6FFFF;
	_ =	strace $0x9000004C  }
0xb3: {  	s29 =	simm.s32 $0x9;
	_ =	strace $0x8000004E  }
0xb4: {  	_ =	swait.ge [sflag:s29], $0x1  }
0xb5: {  	[sflag:s29] =	ssyncadd.s32 $0xFFFFFFFF  }
0xb6: {  	_ =	strace $0x9000004E  }
0xb7: {  	_ =	sfence  }
0xb8: {  	s30 =	sld [smem:$0x0];
	_ =	sdelay $0x2  }
0xb9: {  	s31 =	sshll.u32 s1, $0xD;
	s1 =	sshrl.u32 s1, $0x2  }
0xba: {  	s3 =	sand.u32 $0x4000, s31;
	s1 =	sadd.s32 s1, s30  }
0xbb: {  	s0 =	sor.u32 s3, s0;
	s1 =	sshll.u32 s1, $0x11  }
0xbc: {  	s0 =	sor.u32 s1, s0  }
0xbd: {  	s0 =	sadd.s32 $0x8F2B, s0  }
0xbe: {  	[sflag:s0] =	ssyncadd.remote.s32 $0x1  }
0xbf: {  	_ =	sfence.sel $0xFFFF  }
0xc0: {  	[dreg:$0x0] =	wrdreg $0xFFFFFFFF;
	(pc) =	sbr.abs _section_cstart, $3  }
0xc1: {  	[dreg:$0x1] =	wrdreg $0xFFFFFFFF  }
0xc2: {  	_ =	task.clear_ibuf [dreg:s6], $0x2FFFF;
	_ =	strace $0x9FFFFFFF  }
0xc3: {  	(tm) =	ssettm $0x7FFFFFFF  }
tec
execute0_lowered:
.L_overlay_start_1:
0x0: {  	(tag) =	ssettag $0x1  }
0x1: {  	s5 =	rddreg [dreg:$0x0]  }
0x2: {  	s0 =	srdreg.scid;
	s2 =	rddreg [dreg:$0x1]  }
0x3: {  	s11 =	stileid.u32;
	s3 =	rddreg [dreg:$0x2]  }
0x4: {  	s4 =	simm.s32 $0x0;
	s28 =	simm.s32 $0x1;
	s29 =	simm.s32 $0x2  }
0x5: {  	s30 =	simm.s32 $0x80;
	s31 =	simm.s32 $0x5000;
	s10 =	smul.u32 $0x5000, s11  }
0x6: {  	s0 =	sand.u32 $0x1, s0;
	s1 =	sshll.u32 s11, $0x1;
	s6 =	smul.u32 $0xA00, s11  }
0x7: {  	[smem:$0x7FF] =	sst s4;
	s9 =	smul.u32 $0x14000, s11;
	s1 =	sor.u32 s0, s1  }
0x8: {  	s7 =	smul.u32 $0xA000, s0;
	_ =	strace $0x8000004D;
	s0 =	ssub.s32 $0x2, s0  }
0x9: {  	s1 =	smul.u32 $0x500, s1;
	s8 =	sshrl.u32 s10, $0x3;
	s23 =	sshrl.u32 s0, $0x1  }
0xa: {  	s22 =	sadd.s32 s10, s2;
	s25 =	sshrl.u32 s9, $0x2;
	s10 =	sadd.s32 s10, s3  }
0xb: {  	s8 =	sadd.s32 s8, s5;
	s6 =	sadd.s32 s6, s7;
	s0 =	ssub.s32 s0, s23  }
0xc: {  	s26 =	sadd.s32 s25, s3;
	s22 =	sshrl.u32 s22, $0x3;
	s25 =	simm.s32 $0x4  }
0xd: {  	s1 =	sadd.s32 s1, s5;
	s20 =	sadd.s32 s6, s5;
	s5 =	sshll.u32 s11, $0x6  }
0xe: {  	s24 =	sadd.s32 $0xD600, s8;
	s11 =	sadd.s32 $0x800, s26;
	s12 =	sadd.s32 $0x1000, s26  }
0xf: {  	s13 =	sadd.s32 $0x1800, s26;
	s14 =	sadd.s32 $0x2000, s26;
	s15 =	sadd.s32 $0x2800, s26  }
0x10: {  	s16 =	sadd.s32 $0x3000, s26;
	s17 =	sadd.s32 $0x3800, s26;
	s18 =	sadd.s32 $0x4000, s26  }
0x11: {  	s19 =	sadd.s32 $0x4800, s26;
	s21 =	smax.u32 s0, $0x1;
	s26 =	simm.s32 $0x3  }
0x12: {  	[dreg:$0x4] =	wrdreg s24;
	s7 =	sor.u32 $0x1C03, s5;
	s8 =	sadd.s32 $0x17600, s1  }
0x13: {  	v0 =	vimm.f32 $0.0e+00;
	s9 =	sadd.s32 $0x3600, s1;
	s20 =	sadd.s32 $0x21600, s20;
	s24 =	simm.s32 $0x6000  }
.LBB2_1:
0x14: {  	s1 =	simm.s32 $0x80;
	s0 =	simm.s32 $0x0  }
.LBB2_2:
0x15: {  	p0 =	sne.s32 s1, $0x1F80;
	[tilespmem:s0+$0x6000] =	vst v0;
	s23 =	smov.u32 s1;
	s1 =	sadd.s32 $0x80, s1  }
.Ltmp0:
0x16: {  	[tilespmem:s0+$0x6010] =	vst v0;
	(pc) =	sbr.rel @p0 .LBB2_2-.Ltmp0, $2  }
0x17: {  	_ =	sdelay $0x2  }
0x18: {  	s0 =	sshra.s32 s23, $0x2  }
0x19: {  	[tilespmem:s0+$0x6000] =	vst v0  }
0x1a: {  	[tilespmem:s0+$0x6010] =	vst v0;
	s6 =	rddreg [dreg:$0x4];
	s23 =	simm.s32 $0x0  }
0x1b: {  	[spmem:s22], [sflag:s7] =	dma.local [hbm:s6], $0xA00  }
0x1c: {  	[tilespmem:s23], [sflag:$0x1] =	stream.linear.gather [hbm4b:s8+s23], $0x2800, $0x38;
	[tilespmem:$0x10800] =	vst v63  }
0x1d: {  	s1 =	simm.s32 $0x2800  }
0x1e: {  	[tilespmem:s1], [sflag:$0x2] =	stream.linear.gather [hbm4b:s9+s23], $0x2800, $0x38;
	[tilespmem:$0x10800] =	vst v63  }
0x1f: {  	_ = 	snop  }
0x20: {  	[spmem:s10] =	stream.linear.scatter [tilespmem:s24], [sflag:$0x4], $0x800, $0x38;
	[tilespmem:$0x10800] =	vst v63  }
0x21: {  	_ =	swait.ge [sflag:s25], $0x800  }
0x22: {  	[sflag:s25] =	ssyncset.done $0x0  }
0x23: {  	[sflag:s25] =	ssyncadd.s32 $0xFFFFF800  }
0x24: {  	[spmem:s11] =	stream.linear.scatter [tilespmem:s24], [sflag:$0x4], $0x800, $0x38;
	[tilespmem:$0x10800] =	vst v63  }
0x25: {  	_ =	swait.ge [sflag:s25], $0x800  }
0x26: {  	[sflag:s25] =	ssyncset.done $0x0  }
0x27: {  	[sflag:s25] =	ssyncadd.s32 $0xFFFFF800  }
0x28: {  	[spmem:s12] =	stream.linear.scatter [tilespmem:s24], [sflag:$0x4], $0x800, $0x38;
	[tilespmem:$0x10800] =	vst v63  }
0x29: {  	_ =	swait.ge [sflag:s25], $0x800  }
0x2a: {  	[sflag:s25] =	ssyncset.done $0x0  }
0x2b: {  	[sflag:s25] =	ssyncadd.s32 $0xFFFFF800  }
0x2c: {  	[spmem:s13] =	stream.linear.scatter [tilespmem:s24], [sflag:$0x4], $0x800, $0x38;
	[tilespmem:$0x10800] =	vst v63  }
0x2d: {  	_ =	swait.ge [sflag:s25], $0x800  }
0x2e: {  	[sflag:s25] =	ssyncset.done $0x0  }
0x2f: {  	[sflag:s25] =	ssyncadd.s32 $0xFFFFF800  }
0x30: {  	[spmem:s14] =	stream.linear.scatter [tilespmem:s24], [sflag:$0x4], $0x800, $0x38;
	[tilespmem:$0x10800] =	vst v63  }
0x31: {  	_ =	swait.ge [sflag:s25], $0x800  }
0x32: {  	[sflag:s25] =	ssyncset.done $0x0  }
0x33: {  	[sflag:s25] =	ssyncadd.s32 $0xFFFFF800  }
0x34: {  	[spmem:s15] =	stream.linear.scatter [tilespmem:s24], [sflag:$0x4], $0x800, $0x38;
	[tilespmem:$0x10800] =	vst v63  }
0x35: {  	_ =	swait.ge [sflag:s25], $0x800  }
0x36: {  	[sflag:s25] =	ssyncset.done $0x0  }
0x37: {  	[sflag:s25] =	ssyncadd.s32 $0xFFFFF800  }
0x38: {  	[spmem:s16] =	stream.linear.scatter [tilespmem:s24], [sflag:$0x4], $0x800, $0x38;
	[tilespmem:$0x10800] =	vst v63  }
0x39: {  	_ =	swait.ge [sflag:s25], $0x800  }
0x3a: {  	[sflag:s25] =	ssyncset.done $0x0  }
0x3b: {  	[sflag:s25] =	ssyncadd.s32 $0xFFFFF800  }
0x3c: {  	[spmem:s17] =	stream.linear.scatter [tilespmem:s24], [sflag:$0x4], $0x800, $0x38;
	[tilespmem:$0x10800] =	vst v63  }
0x3d: {  	_ =	swait.ge [sflag:s25], $0x800  }
0x3e: {  	[sflag:s25] =	ssyncset.done $0x0  }
0x3f: {  	[sflag:s25] =	ssyncadd.s32 $0xFFFFF800  }
0x40: {  	[spmem:s18] =	stream.linear.scatter [tilespmem:s24], [sflag:$0x4], $0x800, $0x38;
	[tilespmem:$0x10800] =	vst v63  }
0x41: {  	_ =	swait.ge [sflag:s25], $0x800  }
0x42: {  	[sflag:s25] =	ssyncset.done $0x0  }
0x43: {  	[sflag:s25] =	ssyncadd.s32 $0xFFFFF800  }
0x44: {  	[spmem:s19] =	stream.linear.scatter [tilespmem:s24], [sflag:$0x4], $0x800, $0x38;
	[tilespmem:$0x10800] =	vst v63  }
0x45: {  	_ =	swait.ge [sflag:s25], $0x800  }
0x46: {  	[sflag:s25] =	ssyncset.done $0x0  }
0x47: {  	[sflag:s25] =	ssyncadd.s32 $0xFFFFF800  }
0x48: {  	_ =	swait.ge [sflag:s26], $0xA00  }
0x49: {  	[sflag:s26] =	ssyncset.done $0x0  }
0x4a: {  	[sflag:s26] =	ssyncadd.s32 $0xFFFFF600  }
0x4b: {  	_ =	swait.ge [sflag:s28], $0x2800  }
0x4c: {  	[sflag:s28] =	ssyncset.done $0x0  }
0x4d: {  	[sflag:s28] =	ssyncadd.s32 $0xFFFFD800  }
0x4e: {  	_ =	swait.ge [sflag:s29], $0x2800  }
0x4f: {  	[sflag:s29] =	ssyncset.done $0x0  }
0x50: {  	[sflag:s29] =	ssyncadd.s32 $0xFFFFD800  }
0x51: {  	s6 =	simm.s32 $0x0;
	[bflag:$0x0] =	sbarrier.arrive $0xFFFF  }
0x52: {  	[tilespmem:s31], [sflag:$0x1] =	stream.indirect.gather [spmem:s2], $0x20, s6, s30, $0xb8;
	[tilespmem:$0x10800] =	vst v63  }
0x53: {  	_ =	swait.ge [sflag:s28], $0x1000  }
0x54: {  	[sflag:s28] =	ssyncset.done $0x0  }
0x55: {  	s23 =	simm.s32 $0x2800;
	[sflag:s28] =	ssyncadd.s32 $0xFFFFF000  }
0x56: {  	[spmem:s3] =	stream.indirect.scatter.add.f32 [tilespmem:s31], [sflag:$0x4], $0x20, s23, s30, $0xb8;
	[tilespmem:$0x10800] =	vst v63  }
0x57: {  	_ =	swait.ge [sflag:s25], $0x1000  }
0x58: {  	s0 =	simm.s32 $0x400;
	s1 =	simm.s32 $0x200;
	[sflag:s25] =	ssyncset.done $0x0  }
.LBB2_4:
0x59: {  	s23 =	sshra.s32 s1, $0x2  }
0x5a: {  	[sflag:s25] =	ssyncadd.s32 $0xFFFFF000;
	s1 =	smov.u32 s0;
	s6 =	sadd.s32 $0x200, s0  }
0x5b: {  	[tilespmem:s31], [sflag:$0x1] =	stream.indirect.gather [spmem:s2], $0x20, s23, s30, $0xb8;
	[tilespmem:$0x10800] =	vst v63  }
0x5c: {  	p0 =	sne.s32 s0, $0x9E00;
	_ =	swait.ge [sflag:s28], $0x1000  }
.Ltmp1:
0x5d: {  	[sflag:s28] =	ssyncset.done $0x0;
	(pc) =	sbr.rel @p0 .LBB2_4-.Ltmp1, $4  }
0x5e: {  	s0 =	sadd.s32 $0x2800, s23;
	[sflag:s28] =	ssyncadd.s32 $0xFFFFF000  }
0x5f: {  	[spmem:s3] =	stream.indirect.scatter.add.f32 [tilespmem:s31], [sflag:$0x4], $0x20, s0, s30, $0xb8;
	[tilespmem:$0x10800] =	vst v63  }
0x60: {  	_ =	swait.ge [sflag:s25], $0x1000  }
0x61: {  	s0 =	smov.u32 s6;
	[sflag:s25] =	ssyncset.done $0x0  }
0x62: {  	s0 =	sshra.s32 s1, $0x2;
	[sflag:s25] =	ssyncadd.s32 $0xFFFFF000  }
0x63: {  	[tilespmem:s31], [sflag:$0x1] =	stream.indirect.gather [spmem:s2], $0x20, s0, s30, $0xb8;
	[tilespmem:$0x10800] =	vst v63  }
0x64: {  	_ =	swait.ge [sflag:s28], $0x1000  }
0x65: {  	[sflag:s28] =	ssyncset.done $0x0  }
0x66: {  	s0 =	sadd.s32 $0x2800, s0;
	[sflag:s28] =	ssyncadd.s32 $0xFFFFF000  }
0x67: {  	[spmem:s3] =	stream.indirect.scatter.add.f32 [tilespmem:s31], [sflag:$0x4], $0x20, s0, s30, $0xb8;
	[tilespmem:$0x10800] =	vst v63  }
0x68: {  	_ =	swait.ge [sflag:s25], $0x1000  }
0x69: {  	s4 =	sadd.s32 $0x1, s4;
	[sflag:s25] =	ssyncset.done $0x0  }
0x6a: {  	s6 =	sor.u32 $0x1C04, s5;
	p0 =	sne.s32 s4, s21;
	[sflag:s25] =	ssyncadd.s32 $0xFFFFF000  }
.Ltmp2:
0x6b: {  	s23 =	sshrl.u32 s10, $0x3;
	[bflag:$0x0] =	sbarrier.arrive $0xFFFF;
	(pc) =	sbr.rel @p0 .LBB2_1-.Ltmp2, $4  }
0x6c: {  	[hbm:s20], [sflag:s6] =	dma.local [spmem:s23], $0xA00  }
0x6d: {  	_ =	swait.ge [sflag:s25], $0xA00  }
0x6e: {  	[sflag:s25] =	ssyncset.done $0x0  }
0x6f: {  	[sflag:s25] =	ssyncadd.s32 $0xFFFFF600  }
0x70: {  	_ =	sfence.sel $0x180000  }
0x71: {  	[bflag:$0x0] =	sbarrier.arrive $0xFFFF  }
0x72: {  	_ =	strace $0x9000004D  }
0x73: {  	s0 =	stileid.u32;
	[bflag:$0x2] =	sbarrier.arrive $0xFFFF  }
0x74: {  	p0 =	sne.s32 s0, $0x0;
	s0 =	rddreg [dreg:$0x3]  }
0x75: {  	s0 =	sadd.s32 @!p0 $0x100000, s0  }
0x76: {  	[sflag:s0] =	ssyncadd.tile.s32 @!p0 $0x1;
	_ =	shalt  }
.Lfunc_end2:
_tile_overlayer_lowered:
.L_overlay_start_2:
0x77: {  	(tag) =	ssettag $0x2  }
0x78: {  	s0 =	rddreg [dreg:$0x0];
	s2 =	stileid.u32  }
0x79: {  	s1 =	rddreg [dreg:$0x1];
	p0 =	sne.s32 s2, $0x0  }
0x7a: {  	s3 =	rddreg [dreg:$0x2];
	[bflag:$0x3] =	sbarrier.arrive $0xFFFF;
	s2 =	simm.s32 @!p0 $0x1C04  }
0x7b: {  	[timem:s3], [sflag:s2] =	dma.local @!p0 [hbm:s0], s1  }
0x7c: {  	s0 =	simm.s32 @!p0 $0x4  }
0x7d: {  	_ =	swait.ge @!p0 [sflag:s0], s1  }
0x7e: {  	s1 =	ssub.s32 @!p0 $0x0, s1;
	[sflag:s0] =	ssyncset.done @!p0 $0x0  }
0x7f: {  	[sflag:s0] =	ssyncadd.s32 @!p0 s1  }
0x80: {  	[bflag:$0x3] =	sbarrier.arrive $0xFFFF  }
0x81: {  	_ =	shalt  }

// kernel: kernel.23.cloned.1.call-start
scs
__scs_entry_jumppad:
0x0: {  	(pc) =	sbr.rel $0x88, $3  }
0x1: {  	(tag) =	ssettag $0x0;
	lr =	simm.s32 $0x1  }
0x2: {  	[smem:$0x3F94] =	sst lr;
	_ =	strace $0xD0000000  }
0x3: {  	_ = 	snop  }
0x4: {  	_ = 	snop  }
0x5: {  	_ = 	snop  }
0x6: {  	_ = 	snop  }
0x7: {  	_ = 	snop  }
__scs_overlays_trampoline_lowered:
0x8: {  	[smem:$0x3FA3] =	sst s0  }
0x9: {  	[smem:$0x3FA4] =	sst s1  }
0xa: {  	[smem:$0x3FA5] =	sst s2  }
0xb: {  	[smem:$0x3FA6] =	sst s3  }
0xc: {  	[smem:$0x3FA7] =	sst s4  }
0xd: {  	[smem:$0x3FA8] =	sst s5  }
0xe: {  	[smem:$0x3FA9] =	sst s6  }
0xf: {  	[smem:$0x3FAA] =	sst s7  }
0x10: {  	[smem:$0x3FAB] =	sst s8  }
0x11: {  	[smem:$0x3FAC] =	sst s9;
	s0 =	simm.s32 @!p0 $0x0  }
0x12: {  	s1 =	sld [smem:$0x3F92];
	s0 =	simm.s32 @p0 $0x1  }
0x13: {  	[smem:$0x3FAD] =	sst s0;
	s0 =	simm.s32 @!p1 $0x0  }
0x14: {  	s2 =	sld [smem:$0x3F91];
	s0 =	simm.s32 @p1 $0x1  }
0x15: {  	[smem:$0x3FAE] =	sst s0;
	s0 =	simm.s32 @!p2 $0x0  }
0x16: {  	s3 =	sld [smem:$0x3FDB];
	s0 =	simm.s32 @p2 $0x1  }
0x17: {  	s4 =	simm.s32 $0x1BF5;
	[smem:$0x3FB0] =	sst s0  }
0x18: {  	s0 =	sld [smem:$0x3F93];
	_ =	swait.ge [sflag:s4], $0x0  }
0x19: {  	s7 =	sld [smem:$0x3F94]  }
0x1a: {  	s8 =	sadd.s32 $0xFFFFE003, lr  }
0x1b: {  	s9 =	sadd.s32 $0xFFFFFEF7, lr;
	s5 =	simm.s32 $0xFFFFFFFF;
	p2 =	slt.u32 s8, $0xFFFFF086  }
0x1c: {  	p1 =	slt.u32 s9, $0xF7A;
	s5 =	simm.s32 @!p2 $0x0  }
0x1d: {  	s5 =	simm.s32 @p1 $0x1;
	p0 =	seq.s32 s7, s2  }
0x1e: {  	s7 =	smul.u32 @!p0 $0xF7A, s2;
	p2 =	seq.s32 @!p0 s5, $0x0  }
0x1f: {  	s9 =	smul.u32 $0xF7A, s1;
	s8 =	simm.s32 @!p0 $0x1BF5;
	p2 =	por !p2, p0  }
0x20: {  	[sflag:s8] =	ssyncset.s32 @!p0 $0xFFFFF086;
	s6 =	sadd.s32 @!p0 s3, s7;
	s7 =	simm.s32 @!p0 $0x108  }
0x21: {  	s3 =	sadd.s32 s3, s9;
	s6 =	sadd.s32 @!p0 $0x88, s6;
	s7 =	simm.s32 @p2 $0x1082  }
0x22: {  	[simem:s7], [sflag:s8] =	dma.local @!p0 [hbm:s6], $0xF7A  }
0x23: {  	s9 =	sor.u32 $0xD0000000, s2;
	s6 =	simm.s32 $0x108;
	_ =	swait.ge @!p0 [sflag:s8], $0x0  }
0x24: {  	s3 =	sadd.s32 $0x88, s3;
	s6 =	simm.s32 @!p1 $0x1082;
	[sflag:s4] =	ssyncset.s32 $0xFFFFF086  }
0x25: {  	[simem:s6], [sflag:s4] =	dma.local [hbm:s3], $0xF7A  }
0x26: {  	[smem:$0x3F94] =	sst s1;
	(tag) =	ssettag s2;
	_ =	strace s9  }
0x27: {  	s1 =	sld [smem:$0x3FA4]  }
0x28: {  	s2 =	sld [smem:$0x3FA5]  }
0x29: {  	s4 =	sld [smem:$0x3FA7]  }
0x2a: {  	p0 =	seq.s32 s5, $0x0;
	s5 =	sld [smem:$0x3FA8]  }
0x2b: {  	s6 =	sld [smem:$0x3FA9]  }
0x2c: {  	s7 =	sld [smem:$0x3FAA]  }
0x2d: {  	s3 =	simm.s32 $0x108;
	s8 =	sld [smem:$0x3FAB]  }
0x2e: {  	s3 =	simm.s32 @!p0 $0x1082;
	s9 =	sld [smem:$0x3FAC]  }
0x2f: {  	lr =	sadd.s32 s0, s3;
	s0 =	sld [smem:$0x3FA3]  }
0x30: {  	s3 =	sld [smem:$0x3FA6]  }
0x31: {  	[smem:$0x3FAF] =	sst s10  }
0x32: {  	s10 =	sld [smem:$0x3FAD];
	_ =	sdelay $0x3  }
0x33: {  	p0 =	seq.s32 s10, $0x1;
	s10 =	sld [smem:$0x3FAF];
	_ =	sdelay $0x3  }
0x34: {  	[smem:$0x3FAF] =	sst s10  }
0x35: {  	s10 =	sld [smem:$0x3FAE];
	_ =	sdelay $0x3  }
0x36: {  	p1 =	seq.s32 s10, $0x1;
	s10 =	sld [smem:$0x3FAF];
	_ =	sdelay $0x3  }
0x37: {  	[smem:$0x3FAF] =	sst s10  }
0x38: {  	s10 =	sld [smem:$0x3FB0]  }
0x39: {  	_ = 	snop;
	(pc) =	sbr.ind lr, $3  }
0x3a: {  	_ = 	snop  }
0x3b: {  	_ = 	snop  }
0x3c: {  	p2 =	seq.s32 s10, $0x1;
	s10 =	sld [smem:$0x3FAF]  }
0x3d: {  	_ =	shalt  }
0x3e: {  	_ =	shalt  }
0x3f: {  	_ =	shalt  }
0x40: {  	_ =	shalt  }
0x41: {  	_ =	shalt  }
0x42: {  	_ =	shalt  }
0x43: {  	_ =	shalt  }
0x44: {  	_ =	shalt  }
0x45: {  	_ =	shalt  }
0x46: {  	_ =	shalt  }
0x47: {  	_ =	shalt  }
0x48: {  	_ =	shalt  }
0x49: {  	_ =	shalt  }
0x4a: {  	_ =	shalt  }
0x4b: {  	_ =	shalt  }
0x4c: {  	_ =	shalt  }
0x4d: {  	_ =	shalt  }
0x4e: {  	_ =	shalt  }
0x4f: {  	_ =	shalt  }
0x50: {  	_ =	shalt  }
0x51: {  	_ =	shalt  }
0x52: {  	_ =	shalt  }
0x53: {  	_ =	shalt  }
0x54: {  	_ =	shalt  }
0x55: {  	_ =	shalt  }
0x56: {  	_ =	shalt  }
0x57: {  	_ =	shalt  }
0x58: {  	_ =	shalt  }
0x59: {  	_ =	shalt  }
0x5a: {  	_ =	shalt  }
0x5b: {  	_ =	shalt  }
0x5c: {  	_ =	shalt  }
0x5d: {  	_ =	shalt  }
0x5e: {  	_ =	shalt  }
0x5f: {  	_ =	shalt  }
0x60: {  	_ =	shalt  }
0x61: {  	_ =	shalt  }
0x62: {  	_ =	shalt  }
0x63: {  	_ =	shalt  }
0x64: {  	_ =	shalt  }
0x65: {  	_ =	shalt  }
0x66: {  	_ =	shalt  }
0x67: {  	_ =	shalt  }
0x68: {  	_ =	shalt  }
0x69: {  	_ =	shalt  }
0x6a: {  	_ =	shalt  }
0x6b: {  	_ =	shalt  }
0x6c: {  	_ =	shalt  }
0x6d: {  	_ =	shalt  }
0x6e: {  	_ =	shalt  }
0x6f: {  	_ =	shalt  }
0x70: {  	_ =	shalt  }
0x71: {  	_ =	shalt  }
0x72: {  	_ =	shalt  }
0x73: {  	_ =	shalt  }
0x74: {  	_ =	shalt  }
0x75: {  	_ =	shalt  }
0x76: {  	_ =	shalt  }
0x77: {  	_ =	shalt  }
0x78: {  	_ =	shalt  }
0x79: {  	_ =	shalt  }
0x7a: {  	_ =	shalt  }
0x7b: {  	_ =	shalt  }
0x7c: {  	_ =	shalt  }
0x7d: {  	_ =	shalt  }
0x7e: {  	_ =	shalt  }
0x7f: {  	_ =	shalt  }
0x80: {  	_ =	shalt  }
0x81: {  	_ =	shalt  }
0x82: {  	_ =	shalt  }
0x83: {  	_ =	shalt  }
0x84: {  	_ =	shalt  }
0x85: {  	_ =	shalt  }
0x86: {  	_ =	shalt  }
0x87: {  	_ =	shalt  }
.Lfunc_end0:
.L_simem_size_0:
called_computation.3_lowered:
.L_overlay_start_0:
0x88: {  	s2 =	sld [smem:$0x3FD9]  }
0x89: {  	s3 =	sld [smem:$0x3FFE];
	_ =	sdelay $0x1  }
0x8a: {  	s1 =	srdreg.scid  }
0x8b: {  	s0 =	sand.u32 $0x1, s1  }
0x8c: {  	s16 =	sshll.u32 s0, $0xA;
	s2 =	sadd.s32 s3, s2  }
0x8d: {  	s2 =	sadd.s32 s2, s16  }
0x8e: {  	[smem:$0x3FBB] =	sst s2  }
0x8f: {  	_ = 	snop  }
0x90: {  	(tm) =	ssettm $0x1  }
0x91: {  	s17 =	sld [smem:$0x3FFB];
	_ =	sdelay $0x3  }
0x92: {  	_ =	strace s17  }
0x93: {  	s2 =	sld [smem:$0x3FFC];
	_ =	sdelay $0x3  }
0x94: {  	_ =	strace s2  }
0x95: {  	s2 =	sld [smem:$0x3FFD];
	_ =	sdelay $0x3  }
0x96: {  	_ =	strace s2  }
0x97: {  	_ =	strace $0x8FFFFFFF  }
0x98: {  	s18 =	sld [smem:$0x3FDB];
	_ =	sdelay $0x1  }
0x99: {  	s19 =	simm.s32 $_scs_section_size  }
0x9a: {  	s4 =	simm.s32 $_size__tile_overlayer_lowered;
	s5 =	simm.s32 $_tile_overlayer_lowered  }
0x9b: {  	s22 =	simm.s32 $0x1BFF;
	s21 =	sshll.u32 s5, $0x1;
	s2 =	sadd.s32 s19, s18  }
0x9c: {  	s6 =	simm.s32 $0x0;
	s20 =	sshll.u32 s4, $0x1;
	s4 =	sadd.s32 s21, s2  }
0x9d: {  	[timem:s6], [sflag:s22] =	dma.local [hbm:s4], s20  }
0x9e: {  	_ =	swait.ge [sflag:s22], s20  }
0x9f: {  	s3 =	ssub.s32 $0x0, s20;
	[sflag:s22] =	ssyncset.done $0x0  }
0xa0: {  	[sflag:s22] =	ssyncadd.s32 s3;
	_ =	sdelay $0x1  }
0xa1: {  	s23 =	simm.s32 $0x1B8B  }
0xa2: {  	_ =	swait.ge [sflag:s23], $0x1  }
0xa3: {  	[sflag:s23] =	ssyncset.done $0x0  }
0xa4: {  	s25 =	simm.s32 $0x1B8E;
	s24 =	sld [smem:$0x3FFE];
	[sflag:s23] =	ssyncadd.s32 $0xFFFFFFFF  }
0xa5: {  	s26 =	simm.s32 $execute0_lowered;
	[smem:$0x3FD2] =	sst s25  }
0xa6: {  	s4 =	sshll.u32 s26, $0x1;
	_ =	strace $0x8000004F;
	[dreg:$0x1] =	wrdreg $0xFFFFFFFF  }
0xa7: {  	s28 =	simm.s32 $_size_execute0_lowered;
	s2 =	sadd.s32 s2, s4;
	[dreg:$0x0] =	wrdreg $0x0  }
0xa8: {  	s4 =	sshll.u32 s28, $0x1;
	[dreg:$0x2] =	wrdreg s2  }
0xa9: {  	[dreg:$0x3] =	wrdreg s4  }
0xaa: {  	[dreg:$0x4] =	wrdreg $0xC0  }
0xab: {  	_ =	task [dreg:s6], $0x5FFFF  }
0xac: {  	[dreg:$0x1] =	wrdreg $0xFFFFFFFF  }
0xad: {  	[dreg:$0x0] =	wrdreg $0x60  }
0xae: {  	[dreg:$0x2] =	wrdreg s24  }
0xaf: {  	[dreg:$0x3] =	wrdreg $0x68000  }
0xb0: {  	[dreg:$0x4] =	wrdreg $0xB8000  }
0xb1: {  	[dreg:$0x5] =	wrdreg $0x9  }
0xb2: {  	_ =	task.clear_ibuf [dreg:s6], $0x6FFFF;
	_ =	strace $0x9000004F  }
0xb3: {  	s29 =	simm.s32 $0x9;
	_ =	strace $0x80000051  }
0xb4: {  	_ =	swait.ge [sflag:s29], $0x1  }
0xb5: {  	[sflag:s29] =	ssyncadd.s32 $0xFFFFFFFF  }
0xb6: {  	_ =	strace $0x90000051  }
0xb7: {  	_ =	sfence  }
0xb8: {  	s30 =	sld [smem:$0x0];
	_ =	sdelay $0x2  }
0xb9: {  	s31 =	sshll.u32 s1, $0xD;
	s1 =	sshrl.u32 s1, $0x2  }
0xba: {  	s3 =	sand.u32 $0x4000, s31;
	s1 =	sadd.s32 s1, s30  }
0xbb: {  	s0 =	sor.u32 s3, s0;
	s1 =	sshll.u32 s1, $0x11  }
0xbc: {  	s0 =	sor.u32 s1, s0  }
0xbd: {  	s0 =	sadd.s32 $0x8F2B, s0  }
0xbe: {  	[sflag:s0] =	ssyncadd.remote.s32 $0x1  }
0xbf: {  	_ =	sfence.sel $0xFFFF  }
0xc0: {  	[dreg:$0x0] =	wrdreg $0xFFFFFFFF;
	(pc) =	sbr.abs _section_cstart, $3  }
0xc1: {  	[dreg:$0x1] =	wrdreg $0xFFFFFFFF  }
0xc2: {  	_ =	task.clear_ibuf [dreg:s6], $0x2FFFF;
	_ =	strace $0x9FFFFFFF  }
0xc3: {  	(tm) =	ssettm $0x7FFFFFFF  }
tec
execute0_lowered:
.L_overlay_start_1:
0x0: {  	(tag) =	ssettag $0x1  }
0x1: {  	s5 =	rddreg [dreg:$0x0]  }
0x2: {  	s0 =	srdreg.scid;
	s2 =	rddreg [dreg:$0x1]  }
0x3: {  	s11 =	stileid.u32;
	s3 =	rddreg [dreg:$0x2]  }
0x4: {  	s4 =	simm.s32 $0x0;
	s28 =	simm.s32 $0x1;
	s29 =	simm.s32 $0x2  }
0x5: {  	s30 =	simm.s32 $0x80;
	s31 =	simm.s32 $0x5000;
	s10 =	smul.u32 $0x5000, s11  }
0x6: {  	s0 =	sand.u32 $0x1, s0;
	s1 =	sshll.u32 s11, $0x1;
	s6 =	smul.u32 $0xA00, s11  }
0x7: {  	[smem:$0x7FF] =	sst s4;
	s9 =	smul.u32 $0x14000, s11;
	s1 =	sor.u32 s0, s1  }
0x8: {  	s7 =	smul.u32 $0xA000, s0;
	_ =	strace $0x80000050;
	s0 =	ssub.s32 $0x2, s0  }
0x9: {  	s1 =	smul.u32 $0x500, s1;
	s8 =	sshrl.u32 s10, $0x3;
	s23 =	sshrl.u32 s0, $0x1  }
0xa: {  	s22 =	sadd.s32 s10, s2;
	s25 =	sshrl.u32 s9, $0x2;
	s10 =	sadd.s32 s10, s3  }
0xb: {  	s8 =	sadd.s32 s8, s5;
	s6 =	sadd.s32 s6, s7;
	s0 =	ssub.s32 s0, s23  }
0xc: {  	s26 =	sadd.s32 s25, s3;
	s22 =	sshrl.u32 s22, $0x3;
	s25 =	simm.s32 $0x4  }
0xd: {  	s1 =	sadd.s32 s1, s5;
	s20 =	sadd.s32 s6, s5;
	s5 =	sshll.u32 s11, $0x6  }
0xe: {  	s24 =	sadd.s32 $0xD600, s8;
	s11 =	sadd.s32 $0x800, s26;
	s12 =	sadd.s32 $0x1000, s26  }
0xf: {  	s13 =	sadd.s32 $0x1800, s26;
	s14 =	sadd.s32 $0x2000, s26;
	s15 =	sadd.s32 $0x2800, s26  }
0x10: {  	s16 =	sadd.s32 $0x3000, s26;
	s17 =	sadd.s32 $0x3800, s26;
	s18 =	sadd.s32 $0x4000, s26  }
0x11: {  	s19 =	sadd.s32 $0x4800, s26;
	s21 =	smax.u32 s0, $0x1;
	s26 =	simm.s32 $0x3  }
0x12: {  	[dreg:$0x4] =	wrdreg s24;
	s7 =	sor.u32 $0x1C03, s5;
	s8 =	sadd.s32 $0x17600, s1  }
0x13: {  	v0 =	vimm.f32 $0.0e+00;
	s9 =	sadd.s32 $0x3600, s1;
	s20 =	sadd.s32 $0x21600, s20;
	s24 =	simm.s32 $0x6000  }
.LBB2_1:
0x14: {  	s1 =	simm.s32 $0x80;
	s0 =	simm.s32 $0x0  }
.LBB2_2:
0x15: {  	p0 =	sne.s32 s1, $0x1F80;
	[tilespmem:s0+$0x6000] =	vst v0;
	s23 =	smov.u32 s1;
	s1 =	sadd.s32 $0x80, s1  }
.Ltmp0:
0x16: {  	[tilespmem:s0+$0x6010] =	vst v0;
	(pc) =	sbr.rel @p0 .LBB2_2-.Ltmp0, $2  }
0x17: {  	_ =	sdelay $0x2  }
0x18: {  	s0 =	sshra.s32 s23, $0x2  }
0x19: {  	[tilespmem:s0+$0x6000] =	vst v0  }
0x1a: {  	[tilespmem:s0+$0x6010] =	vst v0;
	s6 =	rddreg [dreg:$0x4];
	s23 =	simm.s32 $0x0  }
0x1b: {  	[spmem:s22], [sflag:s7] =	dma.local [hbm:s6], $0xA00  }
0x1c: {  	[tilespmem:s23], [sflag:$0x1] =	stream.linear.gather [hbm4b:s8+s23], $0x2800, $0x38;
	[tilespmem:$0x10800] =	vst v63  }
0x1d: {  	s1 =	simm.s32 $0x2800  }
0x1e: {  	[tilespmem:s1], [sflag:$0x2] =	stream.linear.gather [hbm4b:s9+s23], $0x2800, $0x38;
	[tilespmem:$0x10800] =	vst v63  }
0x1f: {  	_ = 	snop  }
0x20: {  	[spmem:s10] =	stream.linear.scatter [tilespmem:s24], [sflag:$0x4], $0x800, $0x38;
	[tilespmem:$0x10800] =	vst v63  }
0x21: {  	_ =	swait.ge [sflag:s25], $0x800  }
0x22: {  	[sflag:s25] =	ssyncset.done $0x0  }
0x23: {  	[sflag:s25] =	ssyncadd.s32 $0xFFFFF800  }
0x24: {  	[spmem:s11] =	stream.linear.scatter [tilespmem:s24], [sflag:$0x4], $0x800, $0x38;
	[tilespmem:$0x10800] =	vst v63  }
0x25: {  	_ =	swait.ge [sflag:s25], $0x800  }
0x26: {  	[sflag:s25] =	ssyncset.done $0x0  }
0x27: {  	[sflag:s25] =	ssyncadd.s32 $0xFFFFF800  }
0x28: {  	[spmem:s12] =	stream.linear.scatter [tilespmem:s24], [sflag:$0x4], $0x800, $0x38;
	[tilespmem:$0x10800] =	vst v63  }
0x29: {  	_ =	swait.ge [sflag:s25], $0x800  }
0x2a: {  	[sflag:s25] =	ssyncset.done $0x0  }
0x2b: {  	[sflag:s25] =	ssyncadd.s32 $0xFFFFF800  }
0x2c: {  	[spmem:s13] =	stream.linear.scatter [tilespmem:s24], [sflag:$0x4], $0x800, $0x38;
	[tilespmem:$0x10800] =	vst v63  }
0x2d: {  	_ =	swait.ge [sflag:s25], $0x800  }
0x2e: {  	[sflag:s25] =	ssyncset.done $0x0  }
0x2f: {  	[sflag:s25] =	ssyncadd.s32 $0xFFFFF800  }
0x30: {  	[spmem:s14] =	stream.linear.scatter [tilespmem:s24], [sflag:$0x4], $0x800, $0x38;
	[tilespmem:$0x10800] =	vst v63  }
0x31: {  	_ =	swait.ge [sflag:s25], $0x800  }
0x32: {  	[sflag:s25] =	ssyncset.done $0x0  }
0x33: {  	[sflag:s25] =	ssyncadd.s32 $0xFFFFF800  }
0x34: {  	[spmem:s15] =	stream.linear.scatter [tilespmem:s24], [sflag:$0x4], $0x800, $0x38;
	[tilespmem:$0x10800] =	vst v63  }
0x35: {  	_ =	swait.ge [sflag:s25], $0x800  }
0x36: {  	[sflag:s25] =	ssyncset.done $0x0  }
0x37: {  	[sflag:s25] =	ssyncadd.s32 $0xFFFFF800  }
0x38: {  	[spmem:s16] =	stream.linear.scatter [tilespmem:s24], [sflag:$0x4], $0x800, $0x38;
	[tilespmem:$0x10800] =	vst v63  }
0x39: {  	_ =	swait.ge [sflag:s25], $0x800  }
0x3a: {  	[sflag:s25] =	ssyncset.done $0x0  }
0x3b: {  	[sflag:s25] =	ssyncadd.s32 $0xFFFFF800  }
0x3c: {  	[spmem:s17] =	stream.linear.scatter [tilespmem:s24], [sflag:$0x4], $0x800, $0x38;
	[tilespmem:$0x10800] =	vst v63  }
0x3d: {  	_ =	swait.ge [sflag:s25], $0x800  }
0x3e: {  	[sflag:s25] =	ssyncset.done $0x0  }
0x3f: {  	[sflag:s25] =	ssyncadd.s32 $0xFFFFF800  }
0x40: {  	[spmem:s18] =	stream.linear.scatter [tilespmem:s24], [sflag:$0x4], $0x800, $0x38;
	[tilespmem:$0x10800] =	vst v63  }
0x41: {  	_ =	swait.ge [sflag:s25], $0x800  }
0x42: {  	[sflag:s25] =	ssyncset.done $0x0  }
0x43: {  	[sflag:s25] =	ssyncadd.s32 $0xFFFFF800  }
0x44: {  	[spmem:s19] =	stream.linear.scatter [tilespmem:s24], [sflag:$0x4], $0x800, $0x38;
	[tilespmem:$0x10800] =	vst v63  }
0x45: {  	_ =	swait.ge [sflag:s25], $0x800  }
0x46: {  	[sflag:s25] =	ssyncset.done $0x0  }
0x47: {  	[sflag:s25] =	ssyncadd.s32 $0xFFFFF800  }
0x48: {  	_ =	swait.ge [sflag:s26], $0xA00  }
0x49: {  	[sflag:s26] =	ssyncset.done $0x0  }
0x4a: {  	[sflag:s26] =	ssyncadd.s32 $0xFFFFF600  }
0x4b: {  	_ =	swait.ge [sflag:s28], $0x2800  }
0x4c: {  	[sflag:s28] =	ssyncset.done $0x0  }
0x4d: {  	[sflag:s28] =	ssyncadd.s32 $0xFFFFD800  }
0x4e: {  	_ =	swait.ge [sflag:s29], $0x2800  }
0x4f: {  	[sflag:s29] =	ssyncset.done $0x0  }
0x50: {  	[sflag:s29] =	ssyncadd.s32 $0xFFFFD800  }
0x51: {  	s6 =	simm.s32 $0x0;
	[bflag:$0x0] =	sbarrier.arrive $0xFFFF  }
0x52: {  	[tilespmem:s31], [sflag:$0x1] =	stream.indirect.gather [spmem:s2], $0x20, s6, s30, $0xb8;
	[tilespmem:$0x10800] =	vst v63  }
0x53: {  	_ =	swait.ge [sflag:s28], $0x1000  }
0x54: {  	[sflag:s28] =	ssyncset.done $0x0  }
0x55: {  	s23 =	simm.s32 $0x2800;
	[sflag:s28] =	ssyncadd.s32 $0xFFFFF000  }
0x56: {  	[spmem:s3] =	stream.indirect.scatter.add.f32 [tilespmem:s31], [sflag:$0x4], $0x20, s23, s30, $0xb8;
	[tilespmem:$0x10800] =	vst v63  }
0x57: {  	_ =	swait.ge [sflag:s25], $0x1000  }
0x58: {  	s0 =	simm.s32 $0x400;
	s1 =	simm.s32 $0x200;
	[sflag:s25] =	ssyncset.done $0x0  }
.LBB2_4:
0x59: {  	s23 =	sshra.s32 s1, $0x2  }
0x5a: {  	[sflag:s25] =	ssyncadd.s32 $0xFFFFF000;
	s1 =	smov.u32 s0;
	s6 =	sadd.s32 $0x200, s0  }
0x5b: {  	[tilespmem:s31], [sflag:$0x1] =	stream.indirect.gather [spmem:s2], $0x20, s23, s30, $0xb8;
	[tilespmem:$0x10800] =	vst v63  }
0x5c: {  	p0 =	sne.s32 s0, $0x9E00;
	_ =	swait.ge [sflag:s28], $0x1000  }
.Ltmp1:
0x5d: {  	[sflag:s28] =	ssyncset.done $0x0;
	(pc) =	sbr.rel @p0 .LBB2_4-.Ltmp1, $4  }
0x5e: {  	s0 =	sadd.s32 $0x2800, s23;
	[sflag:s28] =	ssyncadd.s32 $0xFFFFF000  }
0x5f: {  	[spmem:s3] =	stream.indirect.scatter.add.f32 [tilespmem:s31], [sflag:$0x4], $0x20, s0, s30, $0xb8;
	[tilespmem:$0x10800] =	vst v63  }
0x60: {  	_ =	swait.ge [sflag:s25], $0x1000  }
0x61: {  	s0 =	smov.u32 s6;
	[sflag:s25] =	ssyncset.done $0x0  }
0x62: {  	s0 =	sshra.s32 s1, $0x2;
	[sflag:s25] =	ssyncadd.s32 $0xFFFFF000  }
0x63: {  	[tilespmem:s31], [sflag:$0x1] =	stream.indirect.gather [spmem:s2], $0x20, s0, s30, $0xb8;
	[tilespmem:$0x10800] =	vst v63  }
0x64: {  	_ =	swait.ge [sflag:s28], $0x1000  }
0x65: {  	[sflag:s28] =	ssyncset.done $0x0  }
0x66: {  	s0 =	sadd.s32 $0x2800, s0;
	[sflag:s28] =	ssyncadd.s32 $0xFFFFF000  }
0x67: {  	[spmem:s3] =	stream.indirect.scatter.add.f32 [tilespmem:s31], [sflag:$0x4], $0x20, s0, s30, $0xb8;
	[tilespmem:$0x10800] =	vst v63  }
0x68: {  	_ =	swait.ge [sflag:s25], $0x1000  }
0x69: {  	s4 =	sadd.s32 $0x1, s4;
	[sflag:s25] =	ssyncset.done $0x0  }
0x6a: {  	s6 =	sor.u32 $0x1C04, s5;
	p0 =	sne.s32 s4, s21;
	[sflag:s25] =	ssyncadd.s32 $0xFFFFF000  }
.Ltmp2:
0x6b: {  	s23 =	sshrl.u32 s10, $0x3;
	[bflag:$0x0] =	sbarrier.arrive $0xFFFF;
	(pc) =	sbr.rel @p0 .LBB2_1-.Ltmp2, $4  }
0x6c: {  	[hbm:s20], [sflag:s6] =	dma.local [spmem:s23], $0xA00  }
0x6d: {  	_ =	swait.ge [sflag:s25], $0xA00  }
0x6e: {  	[sflag:s25] =	ssyncset.done $0x0  }
0x6f: {  	[sflag:s25] =	ssyncadd.s32 $0xFFFFF600  }
0x70: {  	_ =	sfence.sel $0x180000  }
0x71: {  	[bflag:$0x0] =	sbarrier.arrive $0xFFFF  }
0x72: {  	_ =	strace $0x90000050  }
0x73: {  	s0 =	stileid.u32;
	[bflag:$0x2] =	sbarrier.arrive $0xFFFF  }
0x74: {  	p0 =	sne.s32 s0, $0x0;
	s0 =	rddreg [dreg:$0x3]  }
0x75: {  	s0 =	sadd.s32 @!p0 $0x100000, s0  }
0x76: {  	[sflag:s0] =	ssyncadd.tile.s32 @!p0 $0x1;
	_ =	shalt  }
.Lfunc_end2:
_tile_overlayer_lowered:
.L_overlay_start_2:
0x77: {  	(tag) =	ssettag $0x2  }
0x78: {  	s0 =	rddreg [dreg:$0x0];
	s2 =	stileid.u32  }
0x79: {  	s1 =	rddreg [dreg:$0x1];
	p0 =	sne.s32 s2, $0x0  }
0x7a: {  	s3 =	rddreg [dreg:$0x2];
	[bflag:$0x3] =	sbarrier.arrive $0xFFFF;
	s2 =	simm.s32 @!p0 $0x1C04  }
0x7b: {  	[timem:s3], [sflag:s2] =	dma.local @!p0 [hbm:s0], s1  }
0x7c: {  	s0 =	simm.s32 @!p0 $0x4  }
0x7d: {  	_ =	swait.ge @!p0 [sflag:s0], s1  }
0x7e: {  	s1 =	ssub.s32 @!p0 $0x0, s1;
	[sflag:s0] =	ssyncset.done @!p0 $0x0  }
0x7f: {  	[sflag:s0] =	ssyncadd.s32 @!p0 s1  }
0x80: {  	[bflag:$0x3] =	sbarrier.arrive $0xFFFF  }
0x81: {  	_ =	shalt  }

// kernel: kernel.26.cloned.1.call-start
scs
__scs_entry_jumppad:
0x0: {  	(pc) =	sbr.rel $0x88, $3  }
0x1: {  	(tag) =	ssettag $0x0;
	lr =	simm.s32 $0x1  }
0x2: {  	[smem:$0x3F94] =	sst lr;
	_ =	strace $0xD0000000  }
0x3: {  	_ = 	snop  }
0x4: {  	_ = 	snop  }
0x5: {  	_ = 	snop  }
0x6: {  	_ = 	snop  }
0x7: {  	_ = 	snop  }
__scs_overlays_trampoline_lowered:
0x8: {  	[smem:$0x3FA3] =	sst s0  }
0x9: {  	[smem:$0x3FA4] =	sst s1  }
0xa: {  	[smem:$0x3FA5] =	sst s2  }
0xb: {  	[smem:$0x3FA6] =	sst s3  }
0xc: {  	[smem:$0x3FA7] =	sst s4  }
0xd: {  	[smem:$0x3FA8] =	sst s5  }
0xe: {  	[smem:$0x3FA9] =	sst s6  }
0xf: {  	[smem:$0x3FAA] =	sst s7  }
0x10: {  	[smem:$0x3FAB] =	sst s8  }
0x11: {  	[smem:$0x3FAC] =	sst s9;
	s0 =	simm.s32 @!p0 $0x0  }
0x12: {  	s1 =	sld [smem:$0x3F92];
	s0 =	simm.s32 @p0 $0x1  }
0x13: {  	[smem:$0x3FAD] =	sst s0;
	s0 =	simm.s32 @!p1 $0x0  }
0x14: {  	s2 =	sld [smem:$0x3F91];
	s0 =	simm.s32 @p1 $0x1  }
0x15: {  	[smem:$0x3FAE] =	sst s0;
	s0 =	simm.s32 @!p2 $0x0  }
0x16: {  	s3 =	sld [smem:$0x3FDB];
	s0 =	simm.s32 @p2 $0x1  }
0x17: {  	s4 =	simm.s32 $0x1BF5;
	[smem:$0x3FB0] =	sst s0  }
0x18: {  	s0 =	sld [smem:$0x3F93];
	_ =	swait.ge [sflag:s4], $0x0  }
0x19: {  	s7 =	sld [smem:$0x3F94]  }
0x1a: {  	s8 =	sadd.s32 $0xFFFFE003, lr  }
0x1b: {  	s9 =	sadd.s32 $0xFFFFFEF7, lr;
	s5 =	simm.s32 $0xFFFFFFFF;
	p2 =	slt.u32 s8, $0xFFFFF086  }
0x1c: {  	p1 =	slt.u32 s9, $0xF7A;
	s5 =	simm.s32 @!p2 $0x0  }
0x1d: {  	s5 =	simm.s32 @p1 $0x1;
	p0 =	seq.s32 s7, s2  }
0x1e: {  	s7 =	smul.u32 @!p0 $0xF7A, s2;
	p2 =	seq.s32 @!p0 s5, $0x0  }
0x1f: {  	s9 =	smul.u32 $0xF7A, s1;
	s8 =	simm.s32 @!p0 $0x1BF5;
	p2 =	por !p2, p0  }
0x20: {  	[sflag:s8] =	ssyncset.s32 @!p0 $0xFFFFF086;
	s6 =	sadd.s32 @!p0 s3, s7;
	s7 =	simm.s32 @!p0 $0x108  }
0x21: {  	s3 =	sadd.s32 s3, s9;
	s6 =	sadd.s32 @!p0 $0x88, s6;
	s7 =	simm.s32 @p2 $0x1082  }
0x22: {  	[simem:s7], [sflag:s8] =	dma.local @!p0 [hbm:s6], $0xF7A  }
0x23: {  	s9 =	sor.u32 $0xD0000000, s2;
	s6 =	simm.s32 $0x108;
	_ =	swait.ge @!p0 [sflag:s8], $0x0  }
0x24: {  	s3 =	sadd.s32 $0x88, s3;
	s6 =	simm.s32 @!p1 $0x1082;
	[sflag:s4] =	ssyncset.s32 $0xFFFFF086  }
0x25: {  	[simem:s6], [sflag:s4] =	dma.local [hbm:s3], $0xF7A  }
0x26: {  	[smem:$0x3F94] =	sst s1;
	(tag) =	ssettag s2;
	_ =	strace s9  }
0x27: {  	s1 =	sld [smem:$0x3FA4]  }
0x28: {  	s2 =	sld [smem:$0x3FA5]  }
0x29: {  	s4 =	sld [smem:$0x3FA7]  }
0x2a: {  	p0 =	seq.s32 s5, $0x0;
	s5 =	sld [smem:$0x3FA8]  }
0x2b: {  	s6 =	sld [smem:$0x3FA9]  }
0x2c: {  	s7 =	sld [smem:$0x3FAA]  }
0x2d: {  	s3 =	simm.s32 $0x108;
	s8 =	sld [smem:$0x3FAB]  }
0x2e: {  	s3 =	simm.s32 @!p0 $0x1082;
	s9 =	sld [smem:$0x3FAC]  }
0x2f: {  	lr =	sadd.s32 s0, s3;
	s0 =	sld [smem:$0x3FA3]  }
0x30: {  	s3 =	sld [smem:$0x3FA6]  }
0x31: {  	[smem:$0x3FAF] =	sst s10  }
0x32: {  	s10 =	sld [smem:$0x3FAD];
	_ =	sdelay $0x3  }
0x33: {  	p0 =	seq.s32 s10, $0x1;
	s10 =	sld [smem:$0x3FAF];
	_ =	sdelay $0x3  }
0x34: {  	[smem:$0x3FAF] =	sst s10  }
0x35: {  	s10 =	sld [smem:$0x3FAE];
	_ =	sdelay $0x3  }
0x36: {  	p1 =	seq.s32 s10, $0x1;
	s10 =	sld [smem:$0x3FAF];
	_ =	sdelay $0x3  }
0x37: {  	[smem:$0x3FAF] =	sst s10  }
0x38: {  	s10 =	sld [smem:$0x3FB0]  }
0x39: {  	_ = 	snop;
	(pc) =	sbr.ind lr, $3  }
0x3a: {  	_ = 	snop  }
0x3b: {  	_ = 	snop  }
0x3c: {  	p2 =	seq.s32 s10, $0x1;
	s10 =	sld [smem:$0x3FAF]  }
0x3d: {  	_ =	shalt  }
0x3e: {  	_ =	shalt  }
0x3f: {  	_ =	shalt  }
0x40: {  	_ =	shalt  }
0x41: {  	_ =	shalt  }
0x42: {  	_ =	shalt  }
0x43: {  	_ =	shalt  }
0x44: {  	_ =	shalt  }
0x45: {  	_ =	shalt  }
0x46: {  	_ =	shalt  }
0x47: {  	_ =	shalt  }
0x48: {  	_ =	shalt  }
0x49: {  	_ =	shalt  }
0x4a: {  	_ =	shalt  }
0x4b: {  	_ =	shalt  }
0x4c: {  	_ =	shalt  }
0x4d: {  	_ =	shalt  }
0x4e: {  	_ =	shalt  }
0x4f: {  	_ =	shalt  }
0x50: {  	_ =	shalt  }
0x51: {  	_ =	shalt  }
0x52: {  	_ =	shalt  }
0x53: {  	_ =	shalt  }
0x54: {  	_ =	shalt  }
0x55: {  	_ =	shalt  }
0x56: {  	_ =	shalt  }
0x57: {  	_ =	shalt  }
0x58: {  	_ =	shalt  }
0x59: {  	_ =	shalt  }
0x5a: {  	_ =	shalt  }
0x5b: {  	_ =	shalt  }
0x5c: {  	_ =	shalt  }
0x5d: {  	_ =	shalt  }
0x5e: {  	_ =	shalt  }
0x5f: {  	_ =	shalt  }
0x60: {  	_ =	shalt  }
0x61: {  	_ =	shalt  }
0x62: {  	_ =	shalt  }
0x63: {  	_ =	shalt  }
0x64: {  	_ =	shalt  }
0x65: {  	_ =	shalt  }
0x66: {  	_ =	shalt  }
0x67: {  	_ =	shalt  }
0x68: {  	_ =	shalt  }
0x69: {  	_ =	shalt  }
0x6a: {  	_ =	shalt  }
0x6b: {  	_ =	shalt  }
0x6c: {  	_ =	shalt  }
0x6d: {  	_ =	shalt  }
0x6e: {  	_ =	shalt  }
0x6f: {  	_ =	shalt  }
0x70: {  	_ =	shalt  }
0x71: {  	_ =	shalt  }
0x72: {  	_ =	shalt  }
0x73: {  	_ =	shalt  }
0x74: {  	_ =	shalt  }
0x75: {  	_ =	shalt  }
0x76: {  	_ =	shalt  }
0x77: {  	_ =	shalt  }
0x78: {  	_ =	shalt  }
0x79: {  	_ =	shalt  }
0x7a: {  	_ =	shalt  }
0x7b: {  	_ =	shalt  }
0x7c: {  	_ =	shalt  }
0x7d: {  	_ =	shalt  }
0x7e: {  	_ =	shalt  }
0x7f: {  	_ =	shalt  }
0x80: {  	_ =	shalt  }
0x81: {  	_ =	shalt  }
0x82: {  	_ =	shalt  }
0x83: {  	_ =	shalt  }
0x84: {  	_ =	shalt  }
0x85: {  	_ =	shalt  }
0x86: {  	_ =	shalt  }
0x87: {  	_ =	shalt  }
.Lfunc_end0:
.L_simem_size_0:
called_computation.4_lowered:
.L_overlay_start_0:
0x88: {  	s2 =	sld [smem:$0x3FD9]  }
0x89: {  	s3 =	sld [smem:$0x3FFE];
	_ =	sdelay $0x1  }
0x8a: {  	s1 =	srdreg.scid  }
0x8b: {  	s0 =	sand.u32 $0x1, s1  }
0x8c: {  	s16 =	sshll.u32 s0, $0xA;
	s2 =	sadd.s32 s3, s2  }
0x8d: {  	s2 =	sadd.s32 s2, s16  }
0x8e: {  	[smem:$0x3FBB] =	sst s2  }
0x8f: {  	_ = 	snop  }
0x90: {  	(tm) =	ssettm $0x1  }
0x91: {  	s17 =	sld [smem:$0x3FFB];
	_ =	sdelay $0x3  }
0x92: {  	_ =	strace s17  }
0x93: {  	s2 =	sld [smem:$0x3FFC];
	_ =	sdelay $0x3  }
0x94: {  	_ =	strace s2  }
0x95: {  	s2 =	sld [smem:$0x3FFD];
	_ =	sdelay $0x3  }
0x96: {  	_ =	strace s2  }
0x97: {  	_ =	strace $0x8FFFFFFF  }
0x98: {  	s18 =	sld [smem:$0x3FDB];
	_ =	sdelay $0x1  }
0x99: {  	s19 =	simm.s32 $_scs_section_size  }
0x9a: {  	s4 =	simm.s32 $_size__tile_overlayer_lowered;
	s5 =	simm.s32 $_tile_overlayer_lowered  }
0x9b: {  	s22 =	simm.s32 $0x1BFF;
	s21 =	sshll.u32 s5, $0x1;
	s2 =	sadd.s32 s19, s18  }
0x9c: {  	s6 =	simm.s32 $0x0;
	s20 =	sshll.u32 s4, $0x1;
	s4 =	sadd.s32 s21, s2  }
0x9d: {  	[timem:s6], [sflag:s22] =	dma.local [hbm:s4], s20  }
0x9e: {  	_ =	swait.ge [sflag:s22], s20  }
0x9f: {  	s3 =	ssub.s32 $0x0, s20;
	[sflag:s22] =	ssyncset.done $0x0  }
0xa0: {  	[sflag:s22] =	ssyncadd.s32 s3;
	_ =	sdelay $0x1  }
0xa1: {  	s23 =	simm.s32 $0x1B8B  }
0xa2: {  	_ =	swait.ge [sflag:s23], $0x1  }
0xa3: {  	[sflag:s23] =	ssyncset.done $0x0  }
0xa4: {  	s25 =	simm.s32 $0x1B8E;
	s24 =	sld [smem:$0x3FFE];
	[sflag:s23] =	ssyncadd.s32 $0xFFFFFFFF  }
0xa5: {  	s26 =	simm.s32 $execute0_lowered;
	[smem:$0x3FD2] =	sst s25  }
0xa6: {  	s4 =	sshll.u32 s26, $0x1;
	_ =	strace $0x80000052;
	[dreg:$0x1] =	wrdreg $0xFFFFFFFF  }
0xa7: {  	s28 =	simm.s32 $_size_execute0_lowered;
	s2 =	sadd.s32 s2, s4;
	[dreg:$0x0] =	wrdreg $0x0  }
0xa8: {  	s4 =	sshll.u32 s28, $0x1;
	[dreg:$0x2] =	wrdreg s2  }
0xa9: {  	[dreg:$0x3] =	wrdreg s4  }
0xaa: {  	[dreg:$0x4] =	wrdreg $0xC0  }
0xab: {  	_ =	task [dreg:s6], $0x5FFFF  }
0xac: {  	[dreg:$0x1] =	wrdreg $0xFFFFFFFF  }
0xad: {  	[dreg:$0x0] =	wrdreg $0x60  }
0xae: {  	[dreg:$0x2] =	wrdreg s24  }
0xaf: {  	[dreg:$0x3] =	wrdreg $0x68000  }
0xb0: {  	[dreg:$0x4] =	wrdreg $0xB8000  }
0xb1: {  	[dreg:$0x5] =	wrdreg $0x9  }
0xb2: {  	_ =	task.clear_ibuf [dreg:s6], $0x6FFFF;
	_ =	strace $0x90000052  }
0xb3: {  	s29 =	simm.s32 $0x9;
	_ =	strace $0x80000054  }
0xb4: {  	_ =	swait.ge [sflag:s29], $0x1  }
0xb5: {  	[sflag:s29] =	ssyncadd.s32 $0xFFFFFFFF  }
0xb6: {  	_ =	strace $0x90000054  }
0xb7: {  	_ =	sfence  }
0xb8: {  	s30 =	sld [smem:$0x0];
	_ =	sdelay $0x2  }
0xb9: {  	s31 =	sshll.u32 s1, $0xD;
	s1 =	sshrl.u32 s1, $0x2  }
0xba: {  	s3 =	sand.u32 $0x4000, s31;
	s1 =	sadd.s32 s1, s30  }
0xbb: {  	s0 =	sor.u32 s3, s0;
	s1 =	sshll.u32 s1, $0x11  }
0xbc: {  	s0 =	sor.u32 s1, s0  }
0xbd: {  	s0 =	sadd.s32 $0x8F2B, s0  }
0xbe: {  	[sflag:s0] =	ssyncadd.remote.s32 $0x1  }
0xbf: {  	_ =	sfence.sel $0xFFFF  }
0xc0: {  	[dreg:$0x0] =	wrdreg $0xFFFFFFFF;
	(pc) =	sbr.abs _section_cstart, $3  }
0xc1: {  	[dreg:$0x1] =	wrdreg $0xFFFFFFFF  }
0xc2: {  	_ =	task.clear_ibuf [dreg:s6], $0x2FFFF;
	_ =	strace $0x9FFFFFFF  }
0xc3: {  	(tm) =	ssettm $0x7FFFFFFF  }
tec
execute0_lowered:
.L_overlay_start_1:
0x0: {  	(tag) =	ssettag $0x1  }
0x1: {  	s5 =	rddreg [dreg:$0x0]  }
0x2: {  	s0 =	srdreg.scid;
	s2 =	rddreg [dreg:$0x1]  }
0x3: {  	s11 =	stileid.u32;
	s3 =	rddreg [dreg:$0x2]  }
0x4: {  	s4 =	simm.s32 $0x0;
	s28 =	simm.s32 $0x1;
	s29 =	simm.s32 $0x2  }
0x5: {  	s30 =	simm.s32 $0x80;
	s31 =	simm.s32 $0x5000;
	s10 =	smul.u32 $0x5000, s11  }
0x6: {  	s0 =	sand.u32 $0x1, s0;
	s1 =	sshll.u32 s11, $0x1;
	s6 =	smul.u32 $0xA00, s11  }
0x7: {  	[smem:$0x7FF] =	sst s4;
	s9 =	smul.u32 $0x14000, s11;
	s1 =	sor.u32 s0, s1  }
0x8: {  	s7 =	smul.u32 $0xA000, s0;
	_ =	strace $0x80000053;
	s0 =	ssub.s32 $0x2, s0  }
0x9: {  	s1 =	smul.u32 $0x500, s1;
	s8 =	sshrl.u32 s10, $0x3;
	s23 =	sshrl.u32 s0, $0x1  }
0xa: {  	s22 =	sadd.s32 s10, s2;
	s25 =	sshrl.u32 s9, $0x2;
	s10 =	sadd.s32 s10, s3  }
0xb: {  	s8 =	sadd.s32 s8, s5;
	s6 =	sadd.s32 s6, s7;
	s0 =	ssub.s32 s0, s23  }
0xc: {  	s26 =	sadd.s32 s25, s3;
	s22 =	sshrl.u32 s22, $0x3;
	s25 =	simm.s32 $0x4  }
0xd: {  	s1 =	sadd.s32 s1, s5;
	s20 =	sadd.s32 s6, s5;
	s5 =	sshll.u32 s11, $0x6  }
0xe: {  	s24 =	sadd.s32 $0xD600, s8;
	s11 =	sadd.s32 $0x800, s26;
	s12 =	sadd.s32 $0x1000, s26  }
0xf: {  	s13 =	sadd.s32 $0x1800, s26;
	s14 =	sadd.s32 $0x2000, s26;
	s15 =	sadd.s32 $0x2800, s26  }
0x10: {  	s16 =	sadd.s32 $0x3000, s26;
	s17 =	sadd.s32 $0x3800, s26;
	s18 =	sadd.s32 $0x4000, s26  }
0x11: {  	s19 =	sadd.s32 $0x4800, s26;
	s21 =	smax.u32 s0, $0x1;
	s26 =	simm.s32 $0x3  }
0x12: {  	[dreg:$0x4] =	wrdreg s24;
	s7 =	sor.u32 $0x1C03, s5;
	s8 =	sadd.s32 $0x17600, s1  }
0x13: {  	v0 =	vimm.f32 $0.0e+00;
	s9 =	sadd.s32 $0x3600, s1;
	s20 =	sadd.s32 $0x21600, s20;
	s24 =	simm.s32 $0x6000  }
.LBB2_1:
0x14: {  	s1 =	simm.s32 $0x80;
	s0 =	simm.s32 $0x0  }
.LBB2_2:
0x15: {  	p0 =	sne.s32 s1, $0x1F80;
	[tilespmem:s0+$0x6000] =	vst v0;
	s23 =	smov.u32 s1;
	s1 =	sadd.s32 $0x80, s1  }
.Ltmp0:
0x16: {  	[tilespmem:s0+$0x6010] =	vst v0;
	(pc) =	sbr.rel @p0 .LBB2_2-.Ltmp0, $2  }
0x17: {  	_ =	sdelay $0x2  }
0x18: {  	s0 =	sshra.s32 s23, $0x2  }
0x19: {  	[tilespmem:s0+$0x6000] =	vst v0  }
0x1a: {  	[tilespmem:s0+$0x6010] =	vst v0;
	s6 =	rddreg [dreg:$0x4];
	s23 =	simm.s32 $0x0  }
0x1b: {  	[spmem:s22], [sflag:s7] =	dma.local [hbm:s6], $0xA00  }
0x1c: {  	[tilespmem:s23], [sflag:$0x1] =	stream.linear.gather [hbm4b:s8+s23], $0x2800, $0x38;
	[tilespmem:$0x10800] =	vst v63  }
0x1d: {  	s1 =	simm.s32 $0x2800  }
0x1e: {  	[tilespmem:s1], [sflag:$0x2] =	stream.linear.gather [hbm4b:s9+s23], $0x2800, $0x38;
	[tilespmem:$0x10800] =	vst v63  }
0x1f: {  	_ = 	snop  }
0x20: {  	[spmem:s10] =	stream.linear.scatter [tilespmem:s24], [sflag:$0x4], $0x800, $0x38;
	[tilespmem:$0x10800] =	vst v63  }
0x21: {  	_ =	swait.ge [sflag:s25], $0x800  }
0x22: {  	[sflag:s25] =	ssyncset.done $0x0  }
0x23: {  	[sflag:s25] =	ssyncadd.s32 $0xFFFFF800  }
0x24: {  	[spmem:s11] =	stream.linear.scatter [tilespmem:s24], [sflag:$0x4], $0x800, $0x38;
	[tilespmem:$0x10800] =	vst v63  }
0x25: {  	_ =	swait.ge [sflag:s25], $0x800  }
0x26: {  	[sflag:s25] =	ssyncset.done $0x0  }
0x27: {  	[sflag:s25] =	ssyncadd.s32 $0xFFFFF800  }
0x28: {  	[spmem:s12] =	stream.linear.scatter [tilespmem:s24], [sflag:$0x4], $0x800, $0x38;
	[tilespmem:$0x10800] =	vst v63  }
0x29: {  	_ =	swait.ge [sflag:s25], $0x800  }
0x2a: {  	[sflag:s25] =	ssyncset.done $0x0  }
0x2b: {  	[sflag:s25] =	ssyncadd.s32 $0xFFFFF800  }
0x2c: {  	[spmem:s13] =	stream.linear.scatter [tilespmem:s24], [sflag:$0x4], $0x800, $0x38;
	[tilespmem:$0x10800] =	vst v63  }
0x2d: {  	_ =	swait.ge [sflag:s25], $0x800  }
0x2e: {  	[sflag:s25] =	ssyncset.done $0x0  }
0x2f: {  	[sflag:s25] =	ssyncadd.s32 $0xFFFFF800  }
0x30: {  	[spmem:s14] =	stream.linear.scatter [tilespmem:s24], [sflag:$0x4], $0x800, $0x38;
	[tilespmem:$0x10800] =	vst v63  }
0x31: {  	_ =	swait.ge [sflag:s25], $0x800  }
0x32: {  	[sflag:s25] =	ssyncset.done $0x0  }
0x33: {  	[sflag:s25] =	ssyncadd.s32 $0xFFFFF800  }
0x34: {  	[spmem:s15] =	stream.linear.scatter [tilespmem:s24], [sflag:$0x4], $0x800, $0x38;
	[tilespmem:$0x10800] =	vst v63  }
0x35: {  	_ =	swait.ge [sflag:s25], $0x800  }
0x36: {  	[sflag:s25] =	ssyncset.done $0x0  }
0x37: {  	[sflag:s25] =	ssyncadd.s32 $0xFFFFF800  }
0x38: {  	[spmem:s16] =	stream.linear.scatter [tilespmem:s24], [sflag:$0x4], $0x800, $0x38;
	[tilespmem:$0x10800] =	vst v63  }
0x39: {  	_ =	swait.ge [sflag:s25], $0x800  }
0x3a: {  	[sflag:s25] =	ssyncset.done $0x0  }
0x3b: {  	[sflag:s25] =	ssyncadd.s32 $0xFFFFF800  }
0x3c: {  	[spmem:s17] =	stream.linear.scatter [tilespmem:s24], [sflag:$0x4], $0x800, $0x38;
	[tilespmem:$0x10800] =	vst v63  }
0x3d: {  	_ =	swait.ge [sflag:s25], $0x800  }
0x3e: {  	[sflag:s25] =	ssyncset.done $0x0  }
0x3f: {  	[sflag:s25] =	ssyncadd.s32 $0xFFFFF800  }
0x40: {  	[spmem:s18] =	stream.linear.scatter [tilespmem:s24], [sflag:$0x4], $0x800, $0x38;
	[tilespmem:$0x10800] =	vst v63  }
0x41: {  	_ =	swait.ge [sflag:s25], $0x800  }
0x42: {  	[sflag:s25] =	ssyncset.done $0x0  }
0x43: {  	[sflag:s25] =	ssyncadd.s32 $0xFFFFF800  }
0x44: {  	[spmem:s19] =	stream.linear.scatter [tilespmem:s24], [sflag:$0x4], $0x800, $0x38;
	[tilespmem:$0x10800] =	vst v63  }
0x45: {  	_ =	swait.ge [sflag:s25], $0x800  }
0x46: {  	[sflag:s25] =	ssyncset.done $0x0  }
0x47: {  	[sflag:s25] =	ssyncadd.s32 $0xFFFFF800  }
0x48: {  	_ =	swait.ge [sflag:s26], $0xA00  }
0x49: {  	[sflag:s26] =	ssyncset.done $0x0  }
0x4a: {  	[sflag:s26] =	ssyncadd.s32 $0xFFFFF600  }
0x4b: {  	_ =	swait.ge [sflag:s28], $0x2800  }
0x4c: {  	[sflag:s28] =	ssyncset.done $0x0  }
0x4d: {  	[sflag:s28] =	ssyncadd.s32 $0xFFFFD800  }
0x4e: {  	_ =	swait.ge [sflag:s29], $0x2800  }
0x4f: {  	[sflag:s29] =	ssyncset.done $0x0  }
0x50: {  	[sflag:s29] =	ssyncadd.s32 $0xFFFFD800  }
0x51: {  	s6 =	simm.s32 $0x0;
	[bflag:$0x0] =	sbarrier.arrive $0xFFFF  }
0x52: {  	[tilespmem:s31], [sflag:$0x1] =	stream.indirect.gather [spmem:s2], $0x20, s6, s30, $0xb8;
	[tilespmem:$0x10800] =	vst v63  }
0x53: {  	_ =	swait.ge [sflag:s28], $0x1000  }
0x54: {  	[sflag:s28] =	ssyncset.done $0x0  }
0x55: {  	s23 =	simm.s32 $0x2800;
	[sflag:s28] =	ssyncadd.s32 $0xFFFFF000  }
0x56: {  	[spmem:s3] =	stream.indirect.scatter.add.f32 [tilespmem:s31], [sflag:$0x4], $0x20, s23, s30, $0xb8;
	[tilespmem:$0x10800] =	vst v63  }
0x57: {  	_ =	swait.ge [sflag:s25], $0x1000  }
0x58: {  	s0 =	simm.s32 $0x400;
	s1 =	simm.s32 $0x200;
	[sflag:s25] =	ssyncset.done $0x0  }
.LBB2_4:
0x59: {  	s23 =	sshra.s32 s1, $0x2  }
0x5a: {  	[sflag:s25] =	ssyncadd.s32 $0xFFFFF000;
	s1 =	smov.u32 s0;
	s6 =	sadd.s32 $0x200, s0  }
0x5b: {  	[tilespmem:s31], [sflag:$0x1] =	stream.indirect.gather [spmem:s2], $0x20, s23, s30, $0xb8;
	[tilespmem:$0x10800] =	vst v63  }
0x5c: {  	p0 =	sne.s32 s0, $0x9E00;
	_ =	swait.ge [sflag:s28], $0x1000  }
.Ltmp1:
0x5d: {  	[sflag:s28] =	ssyncset.done $0x0;
	(pc) =	sbr.rel @p0 .LBB2_4-.Ltmp1, $4  }
0x5e: {  	s0 =	sadd.s32 $0x2800, s23;
	[sflag:s28] =	ssyncadd.s32 $0xFFFFF000  }
0x5f: {  	[spmem:s3] =	stream.indirect.scatter.add.f32 [tilespmem:s31], [sflag:$0x4], $0x20, s0, s30, $0xb8;
	[tilespmem:$0x10800] =	vst v63  }
0x60: {  	_ =	swait.ge [sflag:s25], $0x1000  }
0x61: {  	s0 =	smov.u32 s6;
	[sflag:s25] =	ssyncset.done $0x0  }
0x62: {  	s0 =	sshra.s32 s1, $0x2;
	[sflag:s25] =	ssyncadd.s32 $0xFFFFF000  }
0x63: {  	[tilespmem:s31], [sflag:$0x1] =	stream.indirect.gather [spmem:s2], $0x20, s0, s30, $0xb8;
	[tilespmem:$0x10800] =	vst v63  }
0x64: {  	_ =	swait.ge [sflag:s28], $0x1000  }
0x65: {  	[sflag:s28] =	ssyncset.done $0x0  }
0x66: {  	s0 =	sadd.s32 $0x2800, s0;
	[sflag:s28] =	ssyncadd.s32 $0xFFFFF000  }
0x67: {  	[spmem:s3] =	stream.indirect.scatter.add.f32 [tilespmem:s31], [sflag:$0x4], $0x20, s0, s30, $0xb8;
	[tilespmem:$0x10800] =	vst v63  }
0x68: {  	_ =	swait.ge [sflag:s25], $0x1000  }
0x69: {  	s4 =	sadd.s32 $0x1, s4;
	[sflag:s25] =	ssyncset.done $0x0  }
0x6a: {  	s6 =	sor.u32 $0x1C04, s5;
	p0 =	sne.s32 s4, s21;
	[sflag:s25] =	ssyncadd.s32 $0xFFFFF000  }
.Ltmp2:
0x6b: {  	s23 =	sshrl.u32 s10, $0x3;
	[bflag:$0x0] =	sbarrier.arrive $0xFFFF;
	(pc) =	sbr.rel @p0 .LBB2_1-.Ltmp2, $4  }
0x6c: {  	[hbm:s20], [sflag:s6] =	dma.local [spmem:s23], $0xA00  }
0x6d: {  	_ =	swait.ge [sflag:s25], $0xA00  }
0x6e: {  	[sflag:s25] =	ssyncset.done $0x0  }
0x6f: {  	[sflag:s25] =	ssyncadd.s32 $0xFFFFF600  }
0x70: {  	_ =	sfence.sel $0x180000  }
0x71: {  	[bflag:$0x0] =	sbarrier.arrive $0xFFFF  }
0x72: {  	_ =	strace $0x90000053  }
0x73: {  	s0 =	stileid.u32;
	[bflag:$0x2] =	sbarrier.arrive $0xFFFF  }
0x74: {  	p0 =	sne.s32 s0, $0x0;
	s0 =	rddreg [dreg:$0x3]  }
0x75: {  	s0 =	sadd.s32 @!p0 $0x100000, s0  }
0x76: {  	[sflag:s0] =	ssyncadd.tile.s32 @!p0 $0x1;
	_ =	shalt  }
.Lfunc_end2:
_tile_overlayer_lowered:
.L_overlay_start_2:
0x77: {  	(tag) =	ssettag $0x2  }
0x78: {  	s0 =	rddreg [dreg:$0x0];
	s2 =	stileid.u32  }
0x79: {  	s1 =	rddreg [dreg:$0x1];
	p0 =	sne.s32 s2, $0x0  }
0x7a: {  	s3 =	rddreg [dreg:$0x2];
	[bflag:$0x3] =	sbarrier.arrive $0xFFFF;
	s2 =	simm.s32 @!p0 $0x1C04  }
0x7b: {  	[timem:s3], [sflag:s2] =	dma.local @!p0 [hbm:s0], s1  }
0x7c: {  	s0 =	simm.s32 @!p0 $0x4  }
0x7d: {  	_ =	swait.ge @!p0 [sflag:s0], s1  }
0x7e: {  	s1 =	ssub.s32 @!p0 $0x0, s1;
	[sflag:s0] =	ssyncset.done @!p0 $0x0  }
0x7f: {  	[sflag:s0] =	ssyncadd.s32 @!p0 s1  }
0x80: {  	[bflag:$0x3] =	sbarrier.arrive $0xFFFF  }
0x81: {  	_ =	shalt  }

// kernel: kernel.29.cloned.1.call-start
scs
__scs_entry_jumppad:
0x0: {  	(pc) =	sbr.rel $0x88, $3  }
0x1: {  	(tag) =	ssettag $0x0;
	lr =	simm.s32 $0x1  }
0x2: {  	[smem:$0x3F94] =	sst lr;
	_ =	strace $0xD0000000  }
0x3: {  	_ = 	snop  }
0x4: {  	_ = 	snop  }
0x5: {  	_ = 	snop  }
0x6: {  	_ = 	snop  }
0x7: {  	_ = 	snop  }
__scs_overlays_trampoline_lowered:
0x8: {  	[smem:$0x3FA3] =	sst s0  }
0x9: {  	[smem:$0x3FA4] =	sst s1  }
0xa: {  	[smem:$0x3FA5] =	sst s2  }
0xb: {  	[smem:$0x3FA6] =	sst s3  }
0xc: {  	[smem:$0x3FA7] =	sst s4  }
0xd: {  	[smem:$0x3FA8] =	sst s5  }
0xe: {  	[smem:$0x3FA9] =	sst s6  }
0xf: {  	[smem:$0x3FAA] =	sst s7  }
0x10: {  	[smem:$0x3FAB] =	sst s8  }
0x11: {  	[smem:$0x3FAC] =	sst s9;
	s0 =	simm.s32 @!p0 $0x0  }
0x12: {  	s1 =	sld [smem:$0x3F92];
	s0 =	simm.s32 @p0 $0x1  }
0x13: {  	[smem:$0x3FAD] =	sst s0;
	s0 =	simm.s32 @!p1 $0x0  }
0x14: {  	s2 =	sld [smem:$0x3F91];
	s0 =	simm.s32 @p1 $0x1  }
0x15: {  	[smem:$0x3FAE] =	sst s0;
	s0 =	simm.s32 @!p2 $0x0  }
0x16: {  	s3 =	sld [smem:$0x3FDB];
	s0 =	simm.s32 @p2 $0x1  }
0x17: {  	s4 =	simm.s32 $0x1BF5;
	[smem:$0x3FB0] =	sst s0  }
0x18: {  	s0 =	sld [smem:$0x3F93];
	_ =	swait.ge [sflag:s4], $0x0  }
0x19: {  	s7 =	sld [smem:$0x3F94]  }
0x1a: {  	s8 =	sadd.s32 $0xFFFFE003, lr  }
0x1b: {  	s9 =	sadd.s32 $0xFFFFFEF7, lr;
	s5 =	simm.s32 $0xFFFFFFFF;
	p2 =	slt.u32 s8, $0xFFFFF086  }
0x1c: {  	p1 =	slt.u32 s9, $0xF7A;
	s5 =	simm.s32 @!p2 $0x0  }
0x1d: {  	s5 =	simm.s32 @p1 $0x1;
	p0 =	seq.s32 s7, s2  }
0x1e: {  	s7 =	smul.u32 @!p0 $0xF7A, s2;
	p2 =	seq.s32 @!p0 s5, $0x0  }
0x1f: {  	s9 =	smul.u32 $0xF7A, s1;
	s8 =	simm.s32 @!p0 $0x1BF5;
	p2 =	por !p2, p0  }
0x20: {  	[sflag:s8] =	ssyncset.s32 @!p0 $0xFFFFF086;
	s6 =	sadd.s32 @!p0 s3, s7;
	s7 =	simm.s32 @!p0 $0x108  }
0x21: {  	s3 =	sadd.s32 s3, s9;
	s6 =	sadd.s32 @!p0 $0x88, s6;
	s7 =	simm.s32 @p2 $0x1082  }
0x22: {  	[simem:s7], [sflag:s8] =	dma.local @!p0 [hbm:s6], $0xF7A  }
0x23: {  	s9 =	sor.u32 $0xD0000000, s2;
	s6 =	simm.s32 $0x108;
	_ =	swait.ge @!p0 [sflag:s8], $0x0  }
0x24: {  	s3 =	sadd.s32 $0x88, s3;
	s6 =	simm.s32 @!p1 $0x1082;
	[sflag:s4] =	ssyncset.s32 $0xFFFFF086  }
0x25: {  	[simem:s6], [sflag:s4] =	dma.local [hbm:s3], $0xF7A  }
0x26: {  	[smem:$0x3F94] =	sst s1;
	(tag) =	ssettag s2;
	_ =	strace s9  }
0x27: {  	s1 =	sld [smem:$0x3FA4]  }
0x28: {  	s2 =	sld [smem:$0x3FA5]  }
0x29: {  	s4 =	sld [smem:$0x3FA7]  }
0x2a: {  	p0 =	seq.s32 s5, $0x0;
	s5 =	sld [smem:$0x3FA8]  }
0x2b: {  	s6 =	sld [smem:$0x3FA9]  }
0x2c: {  	s7 =	sld [smem:$0x3FAA]  }
0x2d: {  	s3 =	simm.s32 $0x108;
	s8 =	sld [smem:$0x3FAB]  }
0x2e: {  	s3 =	simm.s32 @!p0 $0x1082;
	s9 =	sld [smem:$0x3FAC]  }
0x2f: {  	lr =	sadd.s32 s0, s3;
	s0 =	sld [smem:$0x3FA3]  }
0x30: {  	s3 =	sld [smem:$0x3FA6]  }
0x31: {  	[smem:$0x3FAF] =	sst s10  }
0x32: {  	s10 =	sld [smem:$0x3FAD];
	_ =	sdelay $0x3  }
0x33: {  	p0 =	seq.s32 s10, $0x1;
	s10 =	sld [smem:$0x3FAF];
	_ =	sdelay $0x3  }
0x34: {  	[smem:$0x3FAF] =	sst s10  }
0x35: {  	s10 =	sld [smem:$0x3FAE];
	_ =	sdelay $0x3  }
0x36: {  	p1 =	seq.s32 s10, $0x1;
	s10 =	sld [smem:$0x3FAF];
	_ =	sdelay $0x3  }
0x37: {  	[smem:$0x3FAF] =	sst s10  }
0x38: {  	s10 =	sld [smem:$0x3FB0]  }
0x39: {  	_ = 	snop;
	(pc) =	sbr.ind lr, $3  }
0x3a: {  	_ = 	snop  }
0x3b: {  	_ = 	snop  }
0x3c: {  	p2 =	seq.s32 s10, $0x1;
	s10 =	sld [smem:$0x3FAF]  }
0x3d: {  	_ =	shalt  }
0x3e: {  	_ =	shalt  }
0x3f: {  	_ =	shalt  }
0x40: {  	_ =	shalt  }
0x41: {  	_ =	shalt  }
0x42: {  	_ =	shalt  }
0x43: {  	_ =	shalt  }
0x44: {  	_ =	shalt  }
0x45: {  	_ =	shalt  }
0x46: {  	_ =	shalt  }
0x47: {  	_ =	shalt  }
0x48: {  	_ =	shalt  }
0x49: {  	_ =	shalt  }
0x4a: {  	_ =	shalt  }
0x4b: {  	_ =	shalt  }
0x4c: {  	_ =	shalt  }
0x4d: {  	_ =	shalt  }
0x4e: {  	_ =	shalt  }
0x4f: {  	_ =	shalt  }
0x50: {  	_ =	shalt  }
0x51: {  	_ =	shalt  }
0x52: {  	_ =	shalt  }
0x53: {  	_ =	shalt  }
0x54: {  	_ =	shalt  }
0x55: {  	_ =	shalt  }
0x56: {  	_ =	shalt  }
0x57: {  	_ =	shalt  }
0x58: {  	_ =	shalt  }
0x59: {  	_ =	shalt  }
0x5a: {  	_ =	shalt  }
0x5b: {  	_ =	shalt  }
0x5c: {  	_ =	shalt  }
0x5d: {  	_ =	shalt  }
0x5e: {  	_ =	shalt  }
0x5f: {  	_ =	shalt  }
0x60: {  	_ =	shalt  }
0x61: {  	_ =	shalt  }
0x62: {  	_ =	shalt  }
0x63: {  	_ =	shalt  }
0x64: {  	_ =	shalt  }
0x65: {  	_ =	shalt  }
0x66: {  	_ =	shalt  }
0x67: {  	_ =	shalt  }
0x68: {  	_ =	shalt  }
0x69: {  	_ =	shalt  }
0x6a: {  	_ =	shalt  }
0x6b: {  	_ =	shalt  }
0x6c: {  	_ =	shalt  }
0x6d: {  	_ =	shalt  }
0x6e: {  	_ =	shalt  }
0x6f: {  	_ =	shalt  }
0x70: {  	_ =	shalt  }
0x71: {  	_ =	shalt  }
0x72: {  	_ =	shalt  }
0x73: {  	_ =	shalt  }
0x74: {  	_ =	shalt  }
0x75: {  	_ =	shalt  }
0x76: {  	_ =	shalt  }
0x77: {  	_ =	shalt  }
0x78: {  	_ =	shalt  }
0x79: {  	_ =	shalt  }
0x7a: {  	_ =	shalt  }
0x7b: {  	_ =	shalt  }
0x7c: {  	_ =	shalt  }
0x7d: {  	_ =	shalt  }
0x7e: {  	_ =	shalt  }
0x7f: {  	_ =	shalt  }
0x80: {  	_ =	shalt  }
0x81: {  	_ =	shalt  }
0x82: {  	_ =	shalt  }
0x83: {  	_ =	shalt  }
0x84: {  	_ =	shalt  }
0x85: {  	_ =	shalt  }
0x86: {  	_ =	shalt  }
0x87: {  	_ =	shalt  }
.Lfunc_end0:
.L_simem_size_0:
called_computation.5_lowered:
.L_overlay_start_0:
0x88: {  	s2 =	sld [smem:$0x3FD9]  }
0x89: {  	s3 =	sld [smem:$0x3FFE];
	_ =	sdelay $0x1  }
0x8a: {  	s1 =	srdreg.scid  }
0x8b: {  	s0 =	sand.u32 $0x1, s1  }
0x8c: {  	s14 =	sshll.u32 s0, $0xA;
	s2 =	sadd.s32 s3, s2  }
0x8d: {  	s2 =	sadd.s32 s2, s14  }
0x8e: {  	[smem:$0x3FBB] =	sst s2  }
0x8f: {  	_ = 	snop  }
0x90: {  	s2 =	sld [smem:$0x3FD0];
	_ =	sdelay $0x2  }
0x91: {  	s15 =	simm.s32 $0xA;
	s4 =	simm.s32 $0x10  }
0x92: {  	[smem:s4], [sflag:s15] =	dma.local [hbm:s2], $0x1  }
0x93: {  	_ =	swait.eq [sflag:s15], $0x1  }
0x94: {  	[sflag:s15] =	ssyncset.done $0x0  }
0x95: {  	[sflag:s15] =	ssyncadd.s32 $0xFFFFFFFF  }
0x96: {  	s16 =	sld [smem:$0x11];
	(tm) =	ssettm $0x1  }
0x97: {  	s17 =	sld [smem:$0x3FFB];
	_ =	sdelay $0x3  }
0x98: {  	_ =	strace s17  }
0x99: {  	s3 =	sld [smem:$0x3FFC];
	_ =	sdelay $0x3  }
0x9a: {  	_ =	strace s3  }
0x9b: {  	s3 =	sld [smem:$0x3FFD];
	_ =	sdelay $0x3  }
0x9c: {  	_ =	strace s3  }
0x9d: {  	_ =	strace $0x8FFFFFFF  }
0x9e: {  	s18 =	sld [smem:$0x3FDB];
	_ =	sdelay $0x1  }
0x9f: {  	s19 =	simm.s32 $_scs_section_size  }
0xa0: {  	s5 =	simm.s32 $_size__tile_overlayer_lowered;
	s6 =	simm.s32 $_tile_overlayer_lowered  }
0xa1: {  	s22 =	simm.s32 $0x1BFF;
	s21 =	sshll.u32 s6, $0x1;
	s3 =	sadd.s32 s19, s18  }
0xa2: {  	s7 =	simm.s32 $0x0;
	s20 =	sshll.u32 s5, $0x1;
	s5 =	sadd.s32 s21, s3  }
0xa3: {  	[timem:s7], [sflag:s22] =	dma.local [hbm:s5], s20  }
0xa4: {  	_ =	swait.ge [sflag:s22], s20  }
0xa5: {  	s4 =	ssub.s32 $0x0, s20;
	[sflag:s22] =	ssyncset.done $0x0  }
0xa6: {  	[sflag:s22] =	ssyncadd.s32 s4;
	_ =	sdelay $0x1  }
0xa7: {  	s23 =	simm.s32 $0x1B8B  }
0xa8: {  	_ =	swait.ge [sflag:s23], $0x1  }
0xa9: {  	[sflag:s23] =	ssyncset.done $0x0  }
0xaa: {  	s25 =	simm.s32 $0x1B8E;
	s24 =	sld [smem:$0x3FFE];
	[sflag:s23] =	ssyncadd.s32 $0xFFFFFFFF  }
0xab: {  	s26 =	simm.s32 $execute0_lowered;
	[smem:$0x3FD2] =	sst s25  }
0xac: {  	s5 =	sshll.u32 s26, $0x1;
	_ =	strace $0x80000055;
	[dreg:$0x1] =	wrdreg $0xFFFFFFFF  }
0xad: {  	s28 =	simm.s32 $_size_execute0_lowered;
	s3 =	sadd.s32 s3, s5;
	[dreg:$0x0] =	wrdreg $0x0  }
0xae: {  	s5 =	sshll.u32 s28, $0x1;
	[dreg:$0x2] =	wrdreg s3  }
0xaf: {  	[dreg:$0x3] =	wrdreg s5  }
0xb0: {  	[dreg:$0x4] =	wrdreg $0xC0  }
0xb1: {  	_ =	task [dreg:s7], $0x5FFFF  }
0xb2: {  	[dreg:$0x1] =	wrdreg $0xFFFFFFFF  }
0xb3: {  	[dreg:$0x0] =	wrdreg $0x60  }
0xb4: {  	[dreg:$0x2] =	wrdreg s24  }
0xb5: {  	[dreg:$0x3] =	wrdreg s16  }
0xb6: {  	[dreg:$0x4] =	wrdreg $0x9  }
0xb7: {  	_ =	task.clear_ibuf [dreg:s7], $0x5FFFF;
	_ =	strace $0x90000055  }
0xb8: {  	s29 =	simm.s32 $0x9;
	_ =	strace $0x80000057  }
0xb9: {  	_ =	swait.ge [sflag:s29], $0x1  }
0xba: {  	[sflag:s29] =	ssyncadd.s32 $0xFFFFFFFF  }
0xbb: {  	_ =	strace $0x90000057  }
0xbc: {  	_ =	sfence  }
0xbd: {  	s30 =	sld [smem:$0x0];
	_ =	sdelay $0x2  }
0xbe: {  	s31 =	sshll.u32 s1, $0xD;
	s1 =	sshrl.u32 s1, $0x2  }
0xbf: {  	s3 =	sand.u32 $0x4000, s31;
	s1 =	sadd.s32 s1, s30  }
0xc0: {  	s0 =	sor.u32 s3, s0;
	s1 =	sshll.u32 s1, $0x11  }
0xc1: {  	s0 =	sor.u32 s1, s0  }
0xc2: {  	s0 =	sadd.s32 $0x8F2B, s0  }
0xc3: {  	[sflag:s0] =	ssyncadd.remote.s32 $0x1  }
0xc4: {  	_ =	sfence.sel $0xFFFF  }
0xc5: {  	[dreg:$0x0] =	wrdreg $0xFFFFFFFF;
	(pc) =	sbr.abs _section_cstart, $3  }
0xc6: {  	[dreg:$0x1] =	wrdreg $0xFFFFFFFF  }
0xc7: {  	_ =	task.clear_ibuf [dreg:s7], $0x2FFFF;
	_ =	strace $0x9FFFFFFF  }
0xc8: {  	(tm) =	ssettm $0x7FFFFFFF  }
0xc9: {  	_ =	shalt  }
tec
execute0_lowered:
.L_overlay_start_1:
0x0: {  	(tag) =	ssettag $0x1  }
0x1: {  	s0 =	srdreg.scid;
	s1 =	rddreg [dreg:$0x0]  }
0x2: {  	s2 =	stileid.u32;
	s7 =	rddreg [dreg:$0x1];
	s9 =	simm.s32 $0x1  }
0x3: {  	s10 =	simm.s32 $0x2800;
	s0 =	sand.u32 $0x1, s0;
	s2 =	sshll.u32 s2, $0x1  }
0x4: {  	s11 =	simm.s32 $0x3160;
	s12 =	simm.s32 $0x2940;
	s3 =	sor.u32 s0, s2  }
0x5: {  	v0 =	vimm.f32 $0.0e+00;
	v1 =	vimm.f32 $-Inf;
	v2 =	vlaneseq.u32;
	s13 =	simm.s32 $0x3980;
	s14 =	simm.s32 $0x0;
	s4 =	smul.u32 $0x500, s3  }
0x6: {  	vm0 =	vmmov $0x1;
	v4 =	vimm.f32 $1.000000000e+00;
	vm1 =	vcmask $0x308;
	s2 =	simm.s32 $0x0;
	s0 =	ssub.s32 $0x2, s0;
	s5 =	smul.u32 $0x28, s3  }
0x7: {  	vm2 =	vcmask $0x70C;
	vm3 =	vcmask $0xB10;
	vm4 =	vcmask $0xF14;
	[smem:$0x7FF] =	sst s2;
	s6 =	smul.u32 $0x104, s3;
	s8 =	sshrl.u32 s0, $0x1  }
0x8: {  	vm5 =	vcmask $0x1318;
	vm6 =	vcmask $0x171C;
	vm7 =	vcmask $0x1B20;
	s31 =	smul.u32 $0xA, s3;
	_ =	strace $0x80000056;
	s0 =	ssub.s32 s0, s8  }
0x9: {  	vm8 =	vcmask $0x1F24;
	vm9 =	vcmask $0x2328;
	vm10 =	vcmask $0x272C;
	s4 =	sadd.s32 s4, s1;
	s5 =	sadd.s32 s5, s1;
	s1 =	sadd.s32 s6, s1  }
0xa: {  	vm11 =	vcmask $0x2B30;
	vm12 =	vcmask $0x2F34;
	vm13 =	vcmask $0x3338;
	s7 =	sadd.s32 s7, s31;
	s8 =	smax.u32 s0, $0x1;
	s3 =	sadd.s32 $0x3600, s4  }
0xb: {  	vm14 =	vcmask $0x373C;
	vm15 =	vmmov $0x7fff;
	v3 =	vor.u32 $0x10, v2;
	s4 =	sadd.s32 $0x35600, s5;
	s5 =	sadd.s32 $0xD600, s1;
	s6 =	sadd.s32 $0xF800, s1  }
.LBB2_1:
0xc: {  	[tilespmem:s2], [sflag:$0x1] =	stream.linear.gather [hbm4b:s3+s2], $0x2800, $0x38;
	[tilespmem:$0x39D0] =	vst v63  }
0xd: {  	_ =	swait.ge [sflag:s9], $0x2800  }
0xe: {  	[sflag:s9] =	ssyncset.done $0x0  }
0xf: {  	[sflag:s9] =	ssyncadd.s32 $0xFFFFD800  }
0x10: {  	[tilespmem:s10], [sflag:$0x1] =	stream.linear.gather [hbm4b:s4+s2], $0x140, $0x38;
	[tilespmem:$0x39D0] =	vst v63  }
0x11: {  	_ =	swait.ge [sflag:s9], $0x140  }
0x12: {  	[sflag:s9] =	ssyncset.done $0x0  }
0x13: {  	s0 =	simm.s32 $0x0;
	[sflag:s9] =	ssyncadd.s32 $0xFFFFFEC0  }
.LBB2_2:
0x14: {  	p0 =	sne.s32 s0, $0x2040  }
.Ltmp0:
0x15: {  	_ = 	snop;
	(pc) =	sbr.rel @p0 .LBB2_2-.Ltmp0, $3  }
0x16: {  	_ =	sdelay $0x1  }
0x17: {  	s1 =	sshra.s32 s0, $0x2  }
0x18: {  	s0 =	sadd.s32 $0x40, s0;
	[tilespmem:s1+$0x2940] =	vst v0  }
0x19: {  	s0 =	simm.s32 $0x40;
	s1 =	simm.s32 $0x0  }
.LBB2_4:
0x1a: {  	p0 =	sne.s32 s0, $0x2040;
	[tilespmem:s1+$0x3160] =	vst v1;
	s1 =	smov.u32 s0;
	s0 =	sadd.s32 $0x40, s0  }
.Ltmp1:
0x1b: {  	(pc) =	sbr.rel @p0 .LBB2_4-.Ltmp1, $2  }
0x1c: {  	_ =	sdelay $0x2  }
0x1d: {  	s1 =	sshra.s32 s1, $0x2  }
0x1e: {  	[tilespmem:s1+$0x3160] =	vst v1  }
0x1f: {  	[tilespmem:$0x3980] =	vst v0  }
0x20: {  	[tilespmem:$0x3990] =	vst v0  }
0x21: {  	[tilespmem:$0x39A0] =	vst v0  }
0x22: {  	[tilespmem:$0x39B0] =	vst v0  }
0x23: {  	s0 =	simm.s32 $0x0;
	[tilespmem:$0x39C0] =	vst v0  }
0x24: {  	v5 =	vld [tilespmem:s0+$0x2800];
	_ =	sdelay $0x4  }
0x25: {  	v6 =	vnsel vm0, $0x0, v5  }
0x26: {  	(xrf0) =	vadd.scan.msk.s32 $0xffff, v6;
	_ =	sdelay $0x5  }
0x27: {  	v6, _, _ =	vpop (xrf0)  }
0x28: {  	(v2sf) =	vpush v6, $0xF;
	_ =	sdelay $0x8  }
0x29: {  	v7 =	vsel vm1, $0x0, v5  }
0x2a: {  	(xrf0) =	vadd.scan.msk.s32 $0xffff, v7;
	_ =	sdelay $0x4  }
0x2b: {  	s15 =	spop (v2sf)  }
0x2c: {  	v7, _, _ =	vpop (xrf0);
	s0 =	sshll.u32 s15, $0x5  }
0x2d: {  	(v2sf) =	vpush v7, $0xF;
	v8 =	vor.u32 s0, v2;
	_ =	sdelay $0x2  }
0x2e: {  	s15 =	simm.s32 $0x100  }
0x2f: {  	v10 =	vld [tilespmem:s15+$0xFFFFFF00]  }
0x30: {  	v9 =	vld.idx.msk [tilespmem:v8+s11+$0x0], $0xffff;
	_ =	sdelay $0x1  }
0x31: {  	v11 =	vor.u32 s0, v3;
	_ =	sdelay $0x2  }
0x32: {  	v12 =	vsel vm2, $0x0, v5;
	v9 =	vmax.f32 v9, v10  }
0x33: {  	(xrf0) =	vadd.scan.msk.s32 $0xffff, v12;
	v13 =	vld [tilespmem:s15+$0xFFFFFF10];
	[tilespmem:v8+s11+$0x0] =	vst.idx.msk $0xffff, v9  }
0x34: {  	v9 =	vld.idx.msk [tilespmem:v11+s11+$0x0], $0xffff;
	_ =	sdelay $0x2  }
0x35: {  	v6 =	vbroadcast v6, $0xF;
	s16 =	spop (v2sf)  }
0x36: {  	s0 =	sshll.u32 s16, $0x5  }
0x37: {  	v12, _, _ =	vpop (xrf0);
	v14 =	vor.u32 s0, v2;
	v9 =	vmax.f32 v9, v13  }
0x38: {  	(v2sf) =	vpush v12, $0xF;
	[tilespmem:v11+s11+$0x0] =	vst.idx.msk $0xffff, v9  }
0x39: {  	[tilespmem:v8+s12+$0x0] =	vst.idx.add.f32.msk $0xffff, v10  }
0x3a: {  	[tilespmem:v11+s12+$0x0] =	vst.idx.add.f32.msk $0xffff, v13  }
0x3b: {  	[tilespmem:v6+s13+$0x0] =	vst.idx.add.f32.msk $0x1, v4  }
0x3c: {  	v6 =	vld.idx.msk [tilespmem:v14+s11+$0x0], $0xffff  }
0x3d: {  	v8 =	vld [tilespmem:s15+$0xFFFFFF20];
	_ =	sdelay $0x1  }
0x3e: {  	v50 =	vor.u32 s0, v3;
	_ =	sdelay $0x2  }
0x3f: {  	v51 =	vsel vm3, $0x0, v5;
	v6 =	vmax.f32 v6, v8  }
0x40: {  	(xrf0) =	vadd.scan.msk.s32 $0xffff, v51;
	v11 =	vld [tilespmem:s15+$0xFFFFFF30];
	[tilespmem:v14+s11+$0x0] =	vst.idx.msk $0xffff, v6  }
0x41: {  	v6 =	vld.idx.msk [tilespmem:v50+s11+$0x0], $0xffff;
	_ =	sdelay $0x2  }
0x42: {  	v7 =	vbroadcast v7, $0xF;
	s17 =	spop (v2sf)  }
0x43: {  	s0 =	sshll.u32 s17, $0x5  }
0x44: {  	v10, _, _ =	vpop (xrf0);
	v52 =	vor.u32 s0, v2;
	v6 =	vmax.f32 v6, v11  }
0x45: {  	(v2sf) =	vpush v10, $0xF;
	[tilespmem:v50+s11+$0x0] =	vst.idx.msk $0xffff, v6  }
0x46: {  	[tilespmem:v14+s12+$0x0] =	vst.idx.add.f32.msk $0xffff, v8  }
0x47: {  	[tilespmem:v50+s12+$0x0] =	vst.idx.add.f32.msk $0xffff, v11  }
0x48: {  	[tilespmem:v7+s13+$0x0] =	vst.idx.add.f32.msk $0x1, v4  }
0x49: {  	v6 =	vld.idx.msk [tilespmem:v52+s11+$0x0], $0xffff  }
0x4a: {  	v7 =	vld [tilespmem:s15+$0xFFFFFF40];
	_ =	sdelay $0x1  }
0x4b: {  	v53 =	vor.u32 s0, v3;
	_ =	sdelay $0x2  }
0x4c: {  	v54 =	vsel vm4, $0x0, v5;
	v6 =	vmax.f32 v6, v7  }
0x4d: {  	(xrf0) =	vadd.scan.msk.s32 $0xffff, v54;
	v11 =	vld [tilespmem:s15+$0xFFFFFF50];
	[tilespmem:v52+s11+$0x0] =	vst.idx.msk $0xffff, v6  }
0x4e: {  	v6 =	vld.idx.msk [tilespmem:v53+s11+$0x0], $0xffff;
	_ =	sdelay $0x2  }
0x4f: {  	v55 =	vbroadcast v12, $0xF;
	s18 =	spop (v2sf)  }
0x50: {  	s0 =	sshll.u32 s18, $0x5  }
0x51: {  	v56, _, _ =	vpop (xrf0);
	v57 =	vor.u32 s0, v2;
	v6 =	vmax.f32 v6, v11  }
0x52: {  	(v2sf) =	vpush v56, $0xF;
	[tilespmem:v53+s11+$0x0] =	vst.idx.msk $0xffff, v6  }
0x53: {  	[tilespmem:v52+s12+$0x0] =	vst.idx.add.f32.msk $0xffff, v7  }
0x54: {  	[tilespmem:v53+s12+$0x0] =	vst.idx.add.f32.msk $0xffff, v11  }
0x55: {  	[tilespmem:v55+s13+$0x0] =	vst.idx.add.f32.msk $0x1, v4  }
0x56: {  	v6 =	vld.idx.msk [tilespmem:v57+s11+$0x0], $0xffff  }
0x57: {  	v7 =	vld [tilespmem:s15+$0xFFFFFF60];
	_ =	sdelay $0x1  }
0x58: {  	v58 =	vor.u32 s0, v3;
	_ =	sdelay $0x2  }
0x59: {  	v59 =	vsel vm5, $0x0, v5;
	v6 =	vmax.f32 v6, v7  }
0x5a: {  	(xrf0) =	vadd.scan.msk.s32 $0xffff, v59;
	v11 =	vld [tilespmem:s15+$0xFFFFFF70];
	[tilespmem:v57+s11+$0x0] =	vst.idx.msk $0xffff, v6  }
0x5b: {  	v6 =	vld.idx.msk [tilespmem:v58+s11+$0x0], $0xffff;
	_ =	sdelay $0x2  }
0x5c: {  	v60 =	vbroadcast v10, $0xF;
	s19 =	spop (v2sf)  }
0x5d: {  	s0 =	sshll.u32 s19, $0x5  }
0x5e: {  	v61, _, _ =	vpop (xrf0);
	v62 =	vor.u32 s0, v2;
	v6 =	vmax.f32 v6, v11  }
0x5f: {  	(v2sf) =	vpush v61, $0xF;
	[tilespmem:v58+s11+$0x0] =	vst.idx.msk $0xffff, v6  }
0x60: {  	[tilespmem:v57+s12+$0x0] =	vst.idx.add.f32.msk $0xffff, v7  }
0x61: {  	[tilespmem:v58+s12+$0x0] =	vst.idx.add.f32.msk $0xffff, v11  }
0x62: {  	[tilespmem:v60+s13+$0x0] =	vst.idx.add.f32.msk $0x1, v4  }
0x63: {  	v6 =	vld.idx.msk [tilespmem:v62+s11+$0x0], $0xffff  }
0x64: {  	v7 =	vld [tilespmem:s15+$0xFFFFFF80];
	_ =	sdelay $0x1  }
0x65: {  	v63 =	vor.u32 s0, v3;
	_ =	sdelay $0x2  }
0x66: {  	v15 =	vsel vm6, $0x0, v5;
	v6 =	vmax.f32 v6, v7  }
0x67: {  	(xrf0) =	vadd.scan.msk.s32 $0xffff, v15;
	v11 =	vld [tilespmem:s15+$0xFFFFFF90];
	[tilespmem:v62+s11+$0x0] =	vst.idx.msk $0xffff, v6  }
0x68: {  	v6 =	vld.idx.msk [tilespmem:v63+s11+$0x0], $0xffff;
	_ =	sdelay $0x2  }
0x69: {  	v16 =	vbroadcast v56, $0xF;
	s20 =	spop (v2sf)  }
0x6a: {  	s0 =	sshll.u32 s20, $0x5  }
0x6b: {  	v17, _, _ =	vpop (xrf0);
	v18 =	vor.u32 s0, v2;
	v6 =	vmax.f32 v6, v11  }
0x6c: {  	(v2sf) =	vpush v17, $0xF;
	[tilespmem:v63+s11+$0x0] =	vst.idx.msk $0xffff, v6  }
0x6d: {  	[tilespmem:v62+s12+$0x0] =	vst.idx.add.f32.msk $0xffff, v7  }
0x6e: {  	[tilespmem:v63+s12+$0x0] =	vst.idx.add.f32.msk $0xffff, v11  }
0x6f: {  	[tilespmem:v16+s13+$0x0] =	vst.idx.add.f32.msk $0x1, v4  }
0x70: {  	v6 =	vld.idx.msk [tilespmem:v18+s11+$0x0], $0xffff  }
0x71: {  	v7 =	vld [tilespmem:s15+$0xFFFFFFA0];
	_ =	sdelay $0x1  }
0x72: {  	v19 =	vor.u32 s0, v3;
	_ =	sdelay $0x2  }
0x73: {  	v20 =	vsel vm7, $0x0, v5;
	v6 =	vmax.f32 v6, v7  }
0x74: {  	(xrf0) =	vadd.scan.msk.s32 $0xffff, v20;
	v11 =	vld [tilespmem:s15+$0xFFFFFFB0];
	[tilespmem:v18+s11+$0x0] =	vst.idx.msk $0xffff, v6  }
0x75: {  	v6 =	vld.idx.msk [tilespmem:v19+s11+$0x0], $0xffff;
	_ =	sdelay $0x2  }
0x76: {  	v21 =	vbroadcast v61, $0xF;
	s21 =	spop (v2sf)  }
0x77: {  	s0 =	sshll.u32 s21, $0x5  }
0x78: {  	v22, _, _ =	vpop (xrf0);
	v23 =	vor.u32 s0, v2;
	v6 =	vmax.f32 v6, v11  }
0x79: {  	(v2sf) =	vpush v22, $0xF;
	[tilespmem:v19+s11+$0x0] =	vst.idx.msk $0xffff, v6  }
0x7a: {  	[tilespmem:v18+s12+$0x0] =	vst.idx.add.f32.msk $0xffff, v7  }
0x7b: {  	[tilespmem:v19+s12+$0x0] =	vst.idx.add.f32.msk $0xffff, v11  }
0x7c: {  	[tilespmem:v21+s13+$0x0] =	vst.idx.add.f32.msk $0x1, v4  }
0x7d: {  	v6 =	vld.idx.msk [tilespmem:v23+s11+$0x0], $0xffff  }
0x7e: {  	v7 =	vld [tilespmem:s15+$0xFFFFFFC0];
	_ =	sdelay $0x1  }
0x7f: {  	v24 =	vor.u32 s0, v3;
	_ =	sdelay $0x2  }
0x80: {  	v25 =	vsel vm8, $0x0, v5;
	v6 =	vmax.f32 v6, v7  }
0x81: {  	(xrf0) =	vadd.scan.msk.s32 $0xffff, v25;
	v11 =	vld [tilespmem:s15+$0xFFFFFFD0];
	[tilespmem:v23+s11+$0x0] =	vst.idx.msk $0xffff, v6  }
0x82: {  	v6 =	vld.idx.msk [tilespmem:v24+s11+$0x0], $0xffff;
	_ =	sdelay $0x2  }
0x83: {  	v26 =	vbroadcast v17, $0xF;
	s22 =	spop (v2sf)  }
0x84: {  	s0 =	sshll.u32 s22, $0x5  }
0x85: {  	v27, _, _ =	vpop (xrf0);
	v28 =	vor.u32 s0, v2;
	v6 =	vmax.f32 v6, v11  }
0x86: {  	(v2sf) =	vpush v27, $0xF;
	[tilespmem:v24+s11+$0x0] =	vst.idx.msk $0xffff, v6  }
0x87: {  	[tilespmem:v23+s12+$0x0] =	vst.idx.add.f32.msk $0xffff, v7  }
0x88: {  	[tilespmem:v24+s12+$0x0] =	vst.idx.add.f32.msk $0xffff, v11  }
0x89: {  	[tilespmem:v26+s13+$0x0] =	vst.idx.add.f32.msk $0x1, v4  }
0x8a: {  	v6 =	vld.idx.msk [tilespmem:v28+s11+$0x0], $0xffff  }
0x8b: {  	v7 =	vld [tilespmem:s15+$0xFFFFFFE0];
	_ =	sdelay $0x1  }
0x8c: {  	v29 =	vor.u32 s0, v3;
	_ =	sdelay $0x2  }
0x8d: {  	v30 =	vsel vm9, $0x0, v5;
	v6 =	vmax.f32 v6, v7  }
0x8e: {  	(xrf0) =	vadd.scan.msk.s32 $0xffff, v30;
	v11 =	vld [tilespmem:s15+$0xFFFFFFF0];
	[tilespmem:v28+s11+$0x0] =	vst.idx.msk $0xffff, v6  }
0x8f: {  	v6 =	vld.idx.msk [tilespmem:v29+s11+$0x0], $0xffff;
	_ =	sdelay $0x2  }
0x90: {  	v31 =	vbroadcast v22, $0xF;
	s23 =	spop (v2sf)  }
0x91: {  	s0 =	sshll.u32 s23, $0x5  }
0x92: {  	v32, _, _ =	vpop (xrf0);
	v33 =	vor.u32 s0, v2;
	v6 =	vmax.f32 v6, v11  }
0x93: {  	(v2sf) =	vpush v32, $0xF;
	[tilespmem:v29+s11+$0x0] =	vst.idx.msk $0xffff, v6  }
0x94: {  	[tilespmem:v28+s12+$0x0] =	vst.idx.add.f32.msk $0xffff, v7  }
0x95: {  	[tilespmem:v29+s12+$0x0] =	vst.idx.add.f32.msk $0xffff, v11  }
0x96: {  	[tilespmem:v31+s13+$0x0] =	vst.idx.add.f32.msk $0x1, v4  }
0x97: {  	v6 =	vld.idx.msk [tilespmem:v33+s11+$0x0], $0xffff  }
0x98: {  	v7 =	vld [tilespmem:s15+$0x0];
	_ =	sdelay $0x1  }
0x99: {  	v34 =	vor.u32 s0, v3;
	_ =	sdelay $0x2  }
0x9a: {  	v35 =	vsel vm10, $0x0, v5;
	v6 =	vmax.f32 v6, v7  }
0x9b: {  	(xrf0) =	vadd.scan.msk.s32 $0xffff, v35;
	v11 =	vld [tilespmem:s15+$0x10];
	[tilespmem:v33+s11+$0x0] =	vst.idx.msk $0xffff, v6  }
0x9c: {  	v6 =	vld.idx.msk [tilespmem:v34+s11+$0x0], $0xffff;
	_ =	sdelay $0x2  }
0x9d: {  	v36 =	vbroadcast v27, $0xF;
	s24 =	spop (v2sf)  }
0x9e: {  	s0 =	sshll.u32 s24, $0x5  }
0x9f: {  	v37, _, _ =	vpop (xrf0);
	v38 =	vor.u32 s0, v2;
	v6 =	vmax.f32 v6, v11  }
0xa0: {  	(v2sf) =	vpush v37, $0xF;
	[tilespmem:v34+s11+$0x0] =	vst.idx.msk $0xffff, v6  }
0xa1: {  	[tilespmem:v33+s12+$0x0] =	vst.idx.add.f32.msk $0xffff, v7  }
0xa2: {  	[tilespmem:v34+s12+$0x0] =	vst.idx.add.f32.msk $0xffff, v11  }
0xa3: {  	[tilespmem:v36+s13+$0x0] =	vst.idx.add.f32.msk $0x1, v4  }
0xa4: {  	v6 =	vld.idx.msk [tilespmem:v38+s11+$0x0], $0xffff  }
0xa5: {  	v7 =	vld [tilespmem:s15+$0x20];
	_ =	sdelay $0x1  }
0xa6: {  	v39 =	vor.u32 s0, v3;
	_ =	sdelay $0x2  }
0xa7: {  	v40 =	vsel vm11, $0x0, v5;
	v6 =	vmax.f32 v6, v7  }
0xa8: {  	(xrf0) =	vadd.scan.msk.s32 $0xffff, v40;
	v11 =	vld [tilespmem:s15+$0x30];
	[tilespmem:v38+s11+$0x0] =	vst.idx.msk $0xffff, v6  }
0xa9: {  	v6 =	vld.idx.msk [tilespmem:v39+s11+$0x0], $0xffff;
	_ =	sdelay $0x2  }
0xaa: {  	v41 =	vbroadcast v32, $0xF;
	s25 =	spop (v2sf)  }
0xab: {  	s0 =	sshll.u32 s25, $0x5  }
0xac: {  	v42, _, _ =	vpop (xrf0);
	v43 =	vor.u32 s0, v2;
	v6 =	vmax.f32 v6, v11  }
0xad: {  	(v2sf) =	vpush v42, $0xF;
	[tilespmem:v39+s11+$0x0] =	vst.idx.msk $0xffff, v6  }
0xae: {  	[tilespmem:v38+s12+$0x0] =	vst.idx.add.f32.msk $0xffff, v7  }
0xaf: {  	[tilespmem:v39+s12+$0x0] =	vst.idx.add.f32.msk $0xffff, v11  }
0xb0: {  	[tilespmem:v41+s13+$0x0] =	vst.idx.add.f32.msk $0x1, v4  }
0xb1: {  	v6 =	vld.idx.msk [tilespmem:v43+s11+$0x0], $0xffff  }
0xb2: {  	v7 =	vld [tilespmem:s15+$0x40];
	_ =	sdelay $0x1  }
0xb3: {  	v44 =	vor.u32 s0, v3;
	_ =	sdelay $0x2  }
0xb4: {  	v45 =	vsel vm12, $0x0, v5;
	v6 =	vmax.f32 v6, v7  }
0xb5: {  	(xrf0) =	vadd.scan.msk.s32 $0xffff, v45;
	v11 =	vld [tilespmem:s15+$0x50];
	[tilespmem:v43+s11+$0x0] =	vst.idx.msk $0xffff, v6  }
0xb6: {  	v6 =	vld.idx.msk [tilespmem:v44+s11+$0x0], $0xffff;
	_ =	sdelay $0x2  }
0xb7: {  	v46 =	vbroadcast v37, $0xF;
	s26 =	spop (v2sf)  }
0xb8: {  	s0 =	sshll.u32 s26, $0x5  }
0xb9: {  	v47, _, _ =	vpop (xrf0);
	v48 =	vor.u32 s0, v2;
	v6 =	vmax.f32 v6, v11  }
0xba: {  	(v2sf) =	vpush v47, $0xF;
	[tilespmem:v44+s11+$0x0] =	vst.idx.msk $0xffff, v6  }
0xbb: {  	[tilespmem:v43+s12+$0x0] =	vst.idx.add.f32.msk $0xffff, v7  }
0xbc: {  	[tilespmem:v44+s12+$0x0] =	vst.idx.add.f32.msk $0xffff, v11  }
0xbd: {  	[tilespmem:v46+s13+$0x0] =	vst.idx.add.f32.msk $0x1, v4  }
0xbe: {  	v6 =	vld.idx.msk [tilespmem:v48+s11+$0x0], $0xffff  }
0xbf: {  	v7 =	vld [tilespmem:s15+$0x60];
	_ =	sdelay $0x1  }
0xc0: {  	v49 =	vor.u32 s0, v3;
	_ =	sdelay $0x2  }
0xc1: {  	v50 =	vsel vm13, $0x0, v5;
	v6 =	vmax.f32 v6, v7  }
0xc2: {  	(xrf0) =	vadd.scan.msk.s32 $0xffff, v50;
	v11 =	vld [tilespmem:s15+$0x70];
	[tilespmem:v48+s11+$0x0] =	vst.idx.msk $0xffff, v6  }
0xc3: {  	v6 =	vld.idx.msk [tilespmem:v49+s11+$0x0], $0xffff;
	_ =	sdelay $0x2  }
0xc4: {  	v51 =	vbroadcast v42, $0xF;
	s28 =	spop (v2sf)  }
0xc5: {  	s0 =	sshll.u32 s28, $0x5  }
0xc6: {  	v52, _, _ =	vpop (xrf0);
	v53 =	vor.u32 s0, v2;
	v6 =	vmax.f32 v6, v11  }
0xc7: {  	(v2sf) =	vpush v52, $0xF;
	[tilespmem:v49+s11+$0x0] =	vst.idx.msk $0xffff, v6  }
0xc8: {  	[tilespmem:v48+s12+$0x0] =	vst.idx.add.f32.msk $0xffff, v7  }
0xc9: {  	[tilespmem:v49+s12+$0x0] =	vst.idx.add.f32.msk $0xffff, v11  }
0xca: {  	[tilespmem:v51+s13+$0x0] =	vst.idx.add.f32.msk $0x1, v4  }
0xcb: {  	v6 =	vld.idx.msk [tilespmem:v53+s11+$0x0], $0xffff  }
0xcc: {  	v7 =	vld [tilespmem:s15+$0x80];
	_ =	sdelay $0x1  }
0xcd: {  	v54 =	vor.u32 s0, v3;
	_ =	sdelay $0x2  }
0xce: {  	v55 =	vsel vm14, $0x0, v5;
	v6 =	vmax.f32 v6, v7  }
0xcf: {  	(xrf0) =	vadd.scan.msk.s32 $0xffff, v55;
	v11 =	vld [tilespmem:s15+$0x90];
	[tilespmem:v53+s11+$0x0] =	vst.idx.msk $0xffff, v6  }
0xd0: {  	v6 =	vld.idx.msk [tilespmem:v54+s11+$0x0], $0xffff;
	_ =	sdelay $0x2  }
0xd1: {  	v56 =	vbroadcast v47, $0xF;
	s29 =	spop (v2sf)  }
0xd2: {  	s0 =	sshll.u32 s29, $0x5  }
0xd3: {  	v57, _, _ =	vpop (xrf0);
	v58 =	vor.u32 s0, v2;
	v6 =	vmax.f32 v6, v11  }
0xd4: {  	(v2sf) =	vpush v57, $0xF;
	[tilespmem:v54+s11+$0x0] =	vst.idx.msk $0xffff, v6  }
0xd5: {  	[tilespmem:v53+s12+$0x0] =	vst.idx.add.f32.msk $0xffff, v7  }
0xd6: {  	[tilespmem:v54+s12+$0x0] =	vst.idx.add.f32.msk $0xffff, v11  }
0xd7: {  	[tilespmem:v56+s13+$0x0] =	vst.idx.add.f32.msk $0x1, v4  }
0xd8: {  	v6 =	vld.idx.msk [tilespmem:v58+s11+$0x0], $0xffff  }
0xd9: {  	v7 =	vld [tilespmem:s15+$0xA0];
	_ =	sdelay $0x1  }
0xda: {  	v59 =	vor.u32 s0, v3;
	_ =	sdelay $0x2  }
0xdb: {  	v5 =	vsel vm15, $0x0, v5;
	v6 =	vmax.f32 v6, v7  }
0xdc: {  	(xrf0) =	vadd.scan.msk.s32 $0xffff, v5;
	v9 =	vld [tilespmem:s15+$0xB0];
	[tilespmem:v58+s11+$0x0] =	vst.idx.msk $0xffff, v6  }
0xdd: {  	v5 =	vld.idx.msk [tilespmem:v59+s11+$0x0], $0xffff;
	_ =	sdelay $0x2  }
0xde: {  	s30 =	spop (v2sf);
	v6 =	vbroadcast v52, $0xF  }
0xdf: {  	s0 =	sshll.u32 s30, $0x5  }
0xe0: {  	v60, _, _ =	vpop (xrf0);
	v61 =	vor.u32 s0, v2;
	v5 =	vmax.f32 v5, v9  }
0xe1: {  	(v2sf) =	vpush v60, $0xF;
	[tilespmem:v59+s11+$0x0] =	vst.idx.msk $0xffff, v5  }
0xe2: {  	[tilespmem:v58+s12+$0x0] =	vst.idx.add.f32.msk $0xffff, v7  }
0xe3: {  	[tilespmem:v59+s12+$0x0] =	vst.idx.add.f32.msk $0xffff, v9  }
0xe4: {  	[tilespmem:v6+s13+$0x0] =	vst.idx.add.f32.msk $0x1, v4  }
0xe5: {  	v5 =	vld.idx.msk [tilespmem:v61+s11+$0x0], $0xffff  }
0xe6: {  	v6 =	vld [tilespmem:s15+$0xC0];
	_ =	sdelay $0x1  }
0xe7: {  	v7 =	vor.u32 s0, v3;
	_ =	sdelay $0x2  }
0xe8: {  	v5 =	vmax.f32 v5, v6  }
0xe9: {  	v8 =	vld [tilespmem:s15+$0xD0];
	[tilespmem:v61+s11+$0x0] =	vst.idx.msk $0xffff, v5  }
0xea: {  	v5 =	vld.idx.msk [tilespmem:v7+s11+$0x0], $0xffff;
	_ =	sdelay $0x2  }
0xeb: {  	v62 =	vbroadcast v57, $0xF;
	s31 =	spop (v2sf)  }
0xec: {  	s0 =	sshll.u32 s31, $0x5  }
0xed: {  	v63 =	vor.u32 s0, v2;
	v5 =	vmax.f32 v5, v8  }
0xee: {  	[tilespmem:v7+s11+$0x0] =	vst.idx.msk $0xffff, v5  }
0xef: {  	[tilespmem:v61+s12+$0x0] =	vst.idx.add.f32.msk $0xffff, v6  }
0xf0: {  	[tilespmem:v7+s12+$0x0] =	vst.idx.add.f32.msk $0xffff, v8  }
0xf1: {  	[tilespmem:v62+s13+$0x0] =	vst.idx.add.f32.msk $0x1, v4  }
0xf2: {  	v5 =	vld.idx.msk [tilespmem:v63+s11+$0x0], $0xffff  }
0xf3: {  	v6 =	vld [tilespmem:s15+$0xE0];
	_ =	sdelay $0x1  }
0xf4: {  	v7 =	vor.u32 s0, v3;
	_ =	sdelay $0x2  }
0xf5: {  	v5 =	vmax.f32 v5, v6  }
0xf6: {  	v8 =	vld [tilespmem:s15+$0xF0];
	[tilespmem:v63+s11+$0x0] =	vst.idx.msk $0xffff, v5  }
0xf7: {  	v5 =	vld.idx.msk [tilespmem:v7+s11+$0x0], $0xffff;
	_ =	sdelay $0x4  }
0xf8: {  	v5 =	vmax.f32 v5, v8  }
0xf9: {  	[tilespmem:v7+s11+$0x0] =	vst.idx.msk $0xffff, v5;
	v5 =	vbroadcast v60, $0xF;
	_ =	sdelay $0x2  }
0xfa: {  	[tilespmem:v63+s12+$0x0] =	vst.idx.add.f32.msk $0xffff, v6  }
0xfb: {  	s16 =	simm.s32 $0x40;
	s0 =	simm.s32 $0x80;
	[tilespmem:v7+s12+$0x0] =	vst.idx.add.f32.msk $0xffff, v8  }
.LBB2_6:
0xfc: {  	s1 =	sshra.s32 s16, $0x2  }
0xfd: {  	[tilespmem:v5+s13+$0x0] =	vst.idx.add.f32.msk $0x1, v4;
	s15 =	sadd.s32 $0x200, s15;
	s16 =	smov.u32 s0;
	s17 =	sadd.s32 $0x40, s0  }
0xfe: {  	p0 =	sne.s32 s0, $0x4C0;
	v5 =	vld [tilespmem:s1+$0x2800];
	_ =	sdelay $0x4  }
0xff: {  	v6 =	vnsel vm0, $0x0, v5;
	v7 =	vsel vm1, $0x0, v5;
	v8 =	vsel vm2, $0x0, v5  }
0x100: {  	v9 =	vsel vm3, $0x0, v5;
	v10 =	vsel vm4, $0x0, v5;
	v11 =	vsel vm5, $0x0, v5;
	(xrf0) =	vadd.scan.msk.s32 $0xffff, v6  }
0x101: {  	v12 =	vsel vm7, $0x0, v5;
	v13 =	vsel vm8, $0x0, v5;
	v6 =	vsel vm6, $0x0, v5;
	(xrf0) =	vadd.scan.msk.s32 $0xffff, v7  }
0x102: {  	v14 =	vsel vm10, $0x0, v5;
	v20 =	vsel vm11, $0x0, v5;
	v7 =	vsel vm9, $0x0, v5;
	(xrf0) =	vadd.scan.msk.s32 $0xffff, v8  }
0x103: {  	v21 =	vsel vm13, $0x0, v5;
	v22 =	vsel vm14, $0x0, v5;
	v8 =	vsel vm12, $0x0, v5;
	(xrf0) =	vadd.scan.msk.s32 $0xffff, v9  }
0x104: {  	v5 =	vsel vm15, $0x0, v5;
	(xrf0) =	vadd.scan.msk.s32 $0xffff, v10  }
0x105: {  	(xrf0) =	vadd.scan.msk.s32 $0xffff, v11  }
0x106: {  	v23, _, _ =	vpop (xrf0);
	(xrf0) =	vadd.scan.msk.s32 $0xffff, v6  }
0x107: {  	(v2sf) =	vpush v23, $0xF;
	v19, _, _ =	vpop (xrf0);
	(xrf0) =	vadd.scan.msk.s32 $0xffff, v12  }
0x108: {  	(v2sf) =	vpush v19, $0xF;
	v18, _, _ =	vpop (xrf0);
	(xrf0) =	vadd.scan.msk.s32 $0xffff, v13  }
0x109: {  	(v2sf) =	vpush v18, $0xF;
	v17, _, _ =	vpop (xrf0);
	(xrf0) =	vadd.scan.msk.s32 $0xffff, v7  }
0x10a: {  	(v2sf) =	vpush v17, $0xF;
	v16, _, _ =	vpop (xrf0);
	(xrf0) =	vadd.scan.msk.s32 $0xffff, v14  }
0x10b: {  	(v2sf) =	vpush v16, $0xF;
	v15, _, _ =	vpop (xrf0);
	(xrf0) =	vadd.scan.msk.s32 $0xffff, v20  }
0x10c: {  	(v2sf) =	vpush v15, $0xF;
	v14, _, _ =	vpop (xrf0);
	(xrf0) =	vadd.scan.msk.s32 $0xffff, v8  }
0x10d: {  	(v2sf) =	vpush v14, $0xF;
	v13, _, _ =	vpop (xrf0);
	(xrf0) =	vadd.scan.msk.s32 $0xffff, v21  }
0x10e: {  	(v2sf) =	vpush v13, $0xF;
	v12, _, _ =	vpop (xrf0);
	(xrf0) =	vadd.scan.msk.s32 $0xffff, v22  }
0x10f: {  	(v2sf) =	vpush v12, $0xF;
	v11, _, _ =	vpop (xrf0);
	(xrf0) =	vadd.scan.msk.s32 $0xffff, v5  }
0x110: {  	(v2sf) =	vpush v11, $0xF;
	v10, _, _ =	vpop (xrf0)  }
0x111: {  	(v2sf) =	vpush v10, $0xF;
	v9, _, _ =	vpop (xrf0)  }
0x112: {  	(v2sf) =	vpush v9, $0xF;
	v8, _, _ =	vpop (xrf0)  }
0x113: {  	(v2sf) =	vpush v8, $0xF;
	v7, _, _ =	vpop (xrf0)  }
0x114: {  	(v2sf) =	vpush v7, $0xF;
	v6, _, _ =	vpop (xrf0)  }
0x115: {  	(v2sf) =	vpush v6, $0xF;
	v5, _, _ =	vpop (xrf0)  }
0x116: {  	s0 =	spop (v2sf);
	(v2sf) =	vpush v5, $0xF  }
0x117: {  	s18 =	sshll.u32 s0, $0x5;
	s0 =	spop (v2sf)  }
0x118: {  	v20 =	vor.u32 s18, v2;
	s0 =	sshll.u32 s0, $0x5;
	s1 =	spop (v2sf)  }
0x119: {  	s1 =	sshll.u32 s1, $0x5;
	s19 =	spop (v2sf)  }
0x11a: {  	s31 =	sshll.u32 s19, $0x5;
	s19 =	spop (v2sf)  }
0x11b: {  	s30 =	sshll.u32 s19, $0x5;
	s19 =	spop (v2sf)  }
0x11c: {  	s29 =	sshll.u32 s19, $0x5;
	s19 =	spop (v2sf)  }
0x11d: {  	v21 =	vld.idx.msk [tilespmem:v20+s11+$0x0], $0xffff;
	s28 =	sshll.u32 s19, $0x5;
	s19 =	spop (v2sf)  }
0x11e: {  	v22 =	vld [tilespmem:s15+$0xFFFFFF00];
	s26 =	sshll.u32 s19, $0x5;
	s19 =	spop (v2sf)  }
0x11f: {  	s25 =	sshll.u32 s19, $0x5;
	s19 =	spop (v2sf)  }
0x120: {  	v24 =	vor.u32 s18, v3;
	s24 =	sshll.u32 s19, $0x5;
	s18 =	spop (v2sf)  }
0x121: {  	s23 =	sshll.u32 s18, $0x5;
	s18 =	spop (v2sf)  }
0x122: {  	s22 =	sshll.u32 s18, $0x5;
	s18 =	spop (v2sf)  }
0x123: {  	v25 =	vld [tilespmem:s15+$0xFFFFFF10];
	v21 =	vmax.f32 v21, v22;
	s21 =	sshll.u32 s18, $0x5;
	s18 =	spop (v2sf)  }
0x124: {  	[tilespmem:v20+s11+$0x0] =	vst.idx.msk $0xffff, v21;
	s20 =	sshll.u32 s18, $0x5;
	s18 =	spop (v2sf)  }
0x125: {  	v21 =	vld.idx.msk [tilespmem:v24+s11+$0x0], $0xffff;
	s19 =	sshll.u32 s18, $0x5;
	s18 =	spop (v2sf)  }
0x126: {  	s18 =	sshll.u32 s18, $0x5;
	_ =	sdelay $0x2  }
0x127: {  	v23 =	vbroadcast v23, $0xF;
	_ =	sdelay $0x1  }
0x128: {  	v26 =	vor.u32 s0, v2;
	v21 =	vmax.f32 v21, v25  }
0x129: {  	[tilespmem:v24+s11+$0x0] =	vst.idx.msk $0xffff, v21  }
0x12a: {  	[tilespmem:v20+s12+$0x0] =	vst.idx.add.f32.msk $0xffff, v22  }
0x12b: {  	[tilespmem:v24+s12+$0x0] =	vst.idx.add.f32.msk $0xffff, v25  }
0x12c: {  	[tilespmem:v23+s13+$0x0] =	vst.idx.add.f32.msk $0x1, v4  }
0x12d: {  	v20 =	vld.idx.msk [tilespmem:v26+s11+$0x0], $0xffff  }
0x12e: {  	v21 =	vld [tilespmem:s15+$0xFFFFFF20];
	_ =	sdelay $0x1  }
0x12f: {  	v22 =	vor.u32 s0, v3;
	_ =	sdelay $0x2  }
0x130: {  	v23 =	vld [tilespmem:s15+$0xFFFFFF30];
	v20 =	vmax.f32 v20, v21  }
0x131: {  	[tilespmem:v26+s11+$0x0] =	vst.idx.msk $0xffff, v20  }
0x132: {  	v20 =	vld.idx.msk [tilespmem:v22+s11+$0x0], $0xffff;
	_ =	sdelay $0x3  }
0x133: {  	v19 =	vbroadcast v19, $0xF;
	_ =	sdelay $0x1  }
0x134: {  	v24 =	vor.u32 s1, v2;
	v20 =	vmax.f32 v20, v23  }
0x135: {  	[tilespmem:v22+s11+$0x0] =	vst.idx.msk $0xffff, v20  }
0x136: {  	[tilespmem:v26+s12+$0x0] =	vst.idx.add.f32.msk $0xffff, v21  }
0x137: {  	[tilespmem:v22+s12+$0x0] =	vst.idx.add.f32.msk $0xffff, v23  }
0x138: {  	[tilespmem:v19+s13+$0x0] =	vst.idx.add.f32.msk $0x1, v4  }
0x139: {  	v19 =	vld.idx.msk [tilespmem:v24+s11+$0x0], $0xffff  }
0x13a: {  	v20 =	vld [tilespmem:s15+$0xFFFFFF40];
	_ =	sdelay $0x1  }
0x13b: {  	v21 =	vor.u32 s1, v3;
	_ =	sdelay $0x2  }
0x13c: {  	v22 =	vld [tilespmem:s15+$0xFFFFFF50];
	v19 =	vmax.f32 v19, v20  }
0x13d: {  	[tilespmem:v24+s11+$0x0] =	vst.idx.msk $0xffff, v19  }
0x13e: {  	v19 =	vld.idx.msk [tilespmem:v21+s11+$0x0], $0xffff;
	_ =	sdelay $0x3  }
0x13f: {  	v18 =	vbroadcast v18, $0xF;
	_ =	sdelay $0x1  }
0x140: {  	v23 =	vor.u32 s31, v2;
	v19 =	vmax.f32 v19, v22  }
0x141: {  	[tilespmem:v21+s11+$0x0] =	vst.idx.msk $0xffff, v19  }
0x142: {  	[tilespmem:v24+s12+$0x0] =	vst.idx.add.f32.msk $0xffff, v20  }
0x143: {  	[tilespmem:v21+s12+$0x0] =	vst.idx.add.f32.msk $0xffff, v22  }
0x144: {  	[tilespmem:v18+s13+$0x0] =	vst.idx.add.f32.msk $0x1, v4  }
0x145: {  	v18 =	vld.idx.msk [tilespmem:v23+s11+$0x0], $0xffff  }
0x146: {  	v19 =	vld [tilespmem:s15+$0xFFFFFF60];
	_ =	sdelay $0x1  }
0x147: {  	v20 =	vor.u32 s31, v3;
	_ =	sdelay $0x2  }
0x148: {  	v21 =	vld [tilespmem:s15+$0xFFFFFF70];
	v18 =	vmax.f32 v18, v19  }
0x149: {  	[tilespmem:v23+s11+$0x0] =	vst.idx.msk $0xffff, v18  }
0x14a: {  	v18 =	vld.idx.msk [tilespmem:v20+s11+$0x0], $0xffff;
	_ =	sdelay $0x3  }
0x14b: {  	v17 =	vbroadcast v17, $0xF;
	_ =	sdelay $0x1  }
0x14c: {  	v22 =	vor.u32 s30, v2;
	v18 =	vmax.f32 v18, v21  }
0x14d: {  	[tilespmem:v20+s11+$0x0] =	vst.idx.msk $0xffff, v18  }
0x14e: {  	[tilespmem:v23+s12+$0x0] =	vst.idx.add.f32.msk $0xffff, v19  }
0x14f: {  	[tilespmem:v20+s12+$0x0] =	vst.idx.add.f32.msk $0xffff, v21  }
0x150: {  	[tilespmem:v17+s13+$0x0] =	vst.idx.add.f32.msk $0x1, v4  }
0x151: {  	v17 =	vld.idx.msk [tilespmem:v22+s11+$0x0], $0xffff  }
0x152: {  	v18 =	vld [tilespmem:s15+$0xFFFFFF80];
	_ =	sdelay $0x1  }
0x153: {  	v19 =	vor.u32 s30, v3;
	_ =	sdelay $0x2  }
0x154: {  	v20 =	vld [tilespmem:s15+$0xFFFFFF90];
	v17 =	vmax.f32 v17, v18  }
0x155: {  	[tilespmem:v22+s11+$0x0] =	vst.idx.msk $0xffff, v17  }
0x156: {  	v17 =	vld.idx.msk [tilespmem:v19+s11+$0x0], $0xffff;
	_ =	sdelay $0x3  }
0x157: {  	v16 =	vbroadcast v16, $0xF;
	_ =	sdelay $0x1  }
0x158: {  	v21 =	vor.u32 s29, v2;
	v17 =	vmax.f32 v17, v20  }
0x159: {  	[tilespmem:v19+s11+$0x0] =	vst.idx.msk $0xffff, v17  }
0x15a: {  	[tilespmem:v22+s12+$0x0] =	vst.idx.add.f32.msk $0xffff, v18  }
0x15b: {  	[tilespmem:v19+s12+$0x0] =	vst.idx.add.f32.msk $0xffff, v20  }
0x15c: {  	[tilespmem:v16+s13+$0x0] =	vst.idx.add.f32.msk $0x1, v4  }
0x15d: {  	v16 =	vld.idx.msk [tilespmem:v21+s11+$0x0], $0xffff  }
0x15e: {  	v17 =	vld [tilespmem:s15+$0xFFFFFFA0];
	_ =	sdelay $0x1  }
0x15f: {  	v18 =	vor.u32 s29, v3;
	_ =	sdelay $0x2  }
0x160: {  	v19 =	vld [tilespmem:s15+$0xFFFFFFB0];
	v16 =	vmax.f32 v16, v17  }
0x161: {  	[tilespmem:v21+s11+$0x0] =	vst.idx.msk $0xffff, v16  }
0x162: {  	v16 =	vld.idx.msk [tilespmem:v18+s11+$0x0], $0xffff;
	_ =	sdelay $0x3  }
0x163: {  	v15 =	vbroadcast v15, $0xF;
	_ =	sdelay $0x1  }
0x164: {  	v20 =	vor.u32 s28, v2;
	v16 =	vmax.f32 v16, v19  }
0x165: {  	[tilespmem:v18+s11+$0x0] =	vst.idx.msk $0xffff, v16  }
0x166: {  	[tilespmem:v21+s12+$0x0] =	vst.idx.add.f32.msk $0xffff, v17  }
0x167: {  	[tilespmem:v18+s12+$0x0] =	vst.idx.add.f32.msk $0xffff, v19  }
0x168: {  	[tilespmem:v15+s13+$0x0] =	vst.idx.add.f32.msk $0x1, v4  }
0x169: {  	v15 =	vld.idx.msk [tilespmem:v20+s11+$0x0], $0xffff  }
0x16a: {  	v16 =	vld [tilespmem:s15+$0xFFFFFFC0];
	_ =	sdelay $0x1  }
0x16b: {  	v17 =	vor.u32 s28, v3;
	_ =	sdelay $0x2  }
0x16c: {  	v18 =	vld [tilespmem:s15+$0xFFFFFFD0];
	v15 =	vmax.f32 v15, v16  }
0x16d: {  	[tilespmem:v20+s11+$0x0] =	vst.idx.msk $0xffff, v15  }
0x16e: {  	v15 =	vld.idx.msk [tilespmem:v17+s11+$0x0], $0xffff;
	_ =	sdelay $0x3  }
0x16f: {  	v14 =	vbroadcast v14, $0xF;
	_ =	sdelay $0x1  }
0x170: {  	v19 =	vor.u32 s26, v2;
	v15 =	vmax.f32 v15, v18  }
0x171: {  	[tilespmem:v17+s11+$0x0] =	vst.idx.msk $0xffff, v15  }
0x172: {  	[tilespmem:v20+s12+$0x0] =	vst.idx.add.f32.msk $0xffff, v16  }
0x173: {  	[tilespmem:v17+s12+$0x0] =	vst.idx.add.f32.msk $0xffff, v18  }
0x174: {  	[tilespmem:v14+s13+$0x0] =	vst.idx.add.f32.msk $0x1, v4  }
0x175: {  	v14 =	vld.idx.msk [tilespmem:v19+s11+$0x0], $0xffff  }
0x176: {  	v15 =	vld [tilespmem:s15+$0xFFFFFFE0];
	_ =	sdelay $0x1  }
0x177: {  	v16 =	vor.u32 s26, v3;
	_ =	sdelay $0x2  }
0x178: {  	v17 =	vld [tilespmem:s15+$0xFFFFFFF0];
	v14 =	vmax.f32 v14, v15  }
0x179: {  	[tilespmem:v19+s11+$0x0] =	vst.idx.msk $0xffff, v14  }
0x17a: {  	v14 =	vld.idx.msk [tilespmem:v16+s11+$0x0], $0xffff;
	_ =	sdelay $0x3  }
0x17b: {  	v13 =	vbroadcast v13, $0xF;
	_ =	sdelay $0x1  }
0x17c: {  	v18 =	vor.u32 s25, v2;
	v14 =	vmax.f32 v14, v17  }
0x17d: {  	[tilespmem:v16+s11+$0x0] =	vst.idx.msk $0xffff, v14  }
0x17e: {  	[tilespmem:v19+s12+$0x0] =	vst.idx.add.f32.msk $0xffff, v15  }
0x17f: {  	[tilespmem:v16+s12+$0x0] =	vst.idx.add.f32.msk $0xffff, v17  }
0x180: {  	[tilespmem:v13+s13+$0x0] =	vst.idx.add.f32.msk $0x1, v4  }
0x181: {  	v13 =	vld.idx.msk [tilespmem:v18+s11+$0x0], $0xffff  }
0x182: {  	v14 =	vld [tilespmem:s15+$0x0];
	_ =	sdelay $0x1  }
0x183: {  	v15 =	vor.u32 s25, v3;
	_ =	sdelay $0x2  }
0x184: {  	v16 =	vld [tilespmem:s15+$0x10];
	v13 =	vmax.f32 v13, v14  }
0x185: {  	[tilespmem:v18+s11+$0x0] =	vst.idx.msk $0xffff, v13  }
0x186: {  	v13 =	vld.idx.msk [tilespmem:v15+s11+$0x0], $0xffff;
	_ =	sdelay $0x3  }
0x187: {  	v12 =	vbroadcast v12, $0xF;
	_ =	sdelay $0x1  }
0x188: {  	v17 =	vor.u32 s24, v2;
	v13 =	vmax.f32 v13, v16  }
0x189: {  	[tilespmem:v15+s11+$0x0] =	vst.idx.msk $0xffff, v13  }
0x18a: {  	[tilespmem:v18+s12+$0x0] =	vst.idx.add.f32.msk $0xffff, v14  }
0x18b: {  	[tilespmem:v15+s12+$0x0] =	vst.idx.add.f32.msk $0xffff, v16  }
0x18c: {  	[tilespmem:v12+s13+$0x0] =	vst.idx.add.f32.msk $0x1, v4  }
0x18d: {  	v12 =	vld.idx.msk [tilespmem:v17+s11+$0x0], $0xffff  }
0x18e: {  	v13 =	vld [tilespmem:s15+$0x20]  }
0x18f: {  	v14 =	vld [tilespmem:s15+$0x30]  }
0x190: {  	v15 =	vor.u32 s24, v3;
	_ =	sdelay $0x2  }
0x191: {  	v12 =	vmax.f32 v12, v13  }
0x192: {  	[tilespmem:v17+s11+$0x0] =	vst.idx.msk $0xffff, v12  }
0x193: {  	v12 =	vld.idx.msk [tilespmem:v15+s11+$0x0], $0xffff;
	_ =	sdelay $0x3  }
0x194: {  	v11 =	vbroadcast v11, $0xF;
	_ =	sdelay $0x1  }
0x195: {  	v16 =	vor.u32 s23, v2;
	v12 =	vmax.f32 v12, v14  }
0x196: {  	[tilespmem:v15+s11+$0x0] =	vst.idx.msk $0xffff, v12  }
0x197: {  	[tilespmem:v17+s12+$0x0] =	vst.idx.add.f32.msk $0xffff, v13  }
0x198: {  	[tilespmem:v15+s12+$0x0] =	vst.idx.add.f32.msk $0xffff, v14  }
0x199: {  	[tilespmem:v11+s13+$0x0] =	vst.idx.add.f32.msk $0x1, v4  }
0x19a: {  	v11 =	vld.idx.msk [tilespmem:v16+s11+$0x0], $0xffff  }
0x19b: {  	v12 =	vld [tilespmem:s15+$0x40]  }
0x19c: {  	v13 =	vld [tilespmem:s15+$0x50]  }
0x19d: {  	v14 =	vor.u32 s23, v3;
	_ =	sdelay $0x2  }
0x19e: {  	v11 =	vmax.f32 v11, v12  }
0x19f: {  	[tilespmem:v16+s11+$0x0] =	vst.idx.msk $0xffff, v11  }
0x1a0: {  	v11 =	vld.idx.msk [tilespmem:v14+s11+$0x0], $0xffff;
	_ =	sdelay $0x3  }
0x1a1: {  	v10 =	vbroadcast v10, $0xF;
	_ =	sdelay $0x1  }
0x1a2: {  	v15 =	vor.u32 s22, v2;
	v11 =	vmax.f32 v11, v13  }
0x1a3: {  	[tilespmem:v14+s11+$0x0] =	vst.idx.msk $0xffff, v11  }
0x1a4: {  	[tilespmem:v16+s12+$0x0] =	vst.idx.add.f32.msk $0xffff, v12  }
0x1a5: {  	[tilespmem:v14+s12+$0x0] =	vst.idx.add.f32.msk $0xffff, v13  }
0x1a6: {  	[tilespmem:v10+s13+$0x0] =	vst.idx.add.f32.msk $0x1, v4  }
0x1a7: {  	v10 =	vld.idx.msk [tilespmem:v15+s11+$0x0], $0xffff  }
0x1a8: {  	v11 =	vld [tilespmem:s15+$0x60]  }
0x1a9: {  	v12 =	vld [tilespmem:s15+$0x70]  }
0x1aa: {  	v13 =	vor.u32 s22, v3;
	_ =	sdelay $0x2  }
0x1ab: {  	v10 =	vmax.f32 v10, v11  }
0x1ac: {  	[tilespmem:v15+s11+$0x0] =	vst.idx.msk $0xffff, v10  }
0x1ad: {  	v10 =	vld.idx.msk [tilespmem:v13+s11+$0x0], $0xffff;
	_ =	sdelay $0x3  }
0x1ae: {  	v9 =	vbroadcast v9, $0xF;
	_ =	sdelay $0x1  }
0x1af: {  	v14 =	vor.u32 s21, v2;
	v10 =	vmax.f32 v10, v12  }
0x1b0: {  	[tilespmem:v13+s11+$0x0] =	vst.idx.msk $0xffff, v10  }
0x1b1: {  	[tilespmem:v15+s12+$0x0] =	vst.idx.add.f32.msk $0xffff, v11  }
0x1b2: {  	[tilespmem:v13+s12+$0x0] =	vst.idx.add.f32.msk $0xffff, v12  }
0x1b3: {  	[tilespmem:v9+s13+$0x0] =	vst.idx.add.f32.msk $0x1, v4  }
0x1b4: {  	v9 =	vld.idx.msk [tilespmem:v14+s11+$0x0], $0xffff  }
0x1b5: {  	v10 =	vld [tilespmem:s15+$0x80]  }
0x1b6: {  	v11 =	vld [tilespmem:s15+$0x90]  }
0x1b7: {  	v12 =	vor.u32 s21, v3;
	_ =	sdelay $0x2  }
0x1b8: {  	v9 =	vmax.f32 v9, v10  }
0x1b9: {  	[tilespmem:v14+s11+$0x0] =	vst.idx.msk $0xffff, v9  }
0x1ba: {  	v9 =	vld.idx.msk [tilespmem:v12+s11+$0x0], $0xffff;
	_ =	sdelay $0x3  }
0x1bb: {  	v8 =	vbroadcast v8, $0xF;
	_ =	sdelay $0x1  }
0x1bc: {  	v13 =	vor.u32 s20, v2;
	v9 =	vmax.f32 v9, v11  }
0x1bd: {  	[tilespmem:v12+s11+$0x0] =	vst.idx.msk $0xffff, v9  }
0x1be: {  	[tilespmem:v14+s12+$0x0] =	vst.idx.add.f32.msk $0xffff, v10  }
0x1bf: {  	[tilespmem:v12+s12+$0x0] =	vst.idx.add.f32.msk $0xffff, v11  }
0x1c0: {  	[tilespmem:v8+s13+$0x0] =	vst.idx.add.f32.msk $0x1, v4  }
0x1c1: {  	v8 =	vld.idx.msk [tilespmem:v13+s11+$0x0], $0xffff  }
0x1c2: {  	v9 =	vld [tilespmem:s15+$0xA0]  }
0x1c3: {  	v10 =	vld [tilespmem:s15+$0xB0]  }
0x1c4: {  	v11 =	vor.u32 s20, v3;
	_ =	sdelay $0x2  }
0x1c5: {  	v8 =	vmax.f32 v8, v9  }
0x1c6: {  	[tilespmem:v13+s11+$0x0] =	vst.idx.msk $0xffff, v8  }
0x1c7: {  	v8 =	vld.idx.msk [tilespmem:v11+s11+$0x0], $0xffff;
	_ =	sdelay $0x3  }
0x1c8: {  	v7 =	vbroadcast v7, $0xF;
	_ =	sdelay $0x1  }
0x1c9: {  	v12 =	vor.u32 s19, v2;
	v8 =	vmax.f32 v8, v10  }
0x1ca: {  	[tilespmem:v11+s11+$0x0] =	vst.idx.msk $0xffff, v8  }
0x1cb: {  	[tilespmem:v13+s12+$0x0] =	vst.idx.add.f32.msk $0xffff, v9  }
0x1cc: {  	[tilespmem:v11+s12+$0x0] =	vst.idx.add.f32.msk $0xffff, v10  }
0x1cd: {  	[tilespmem:v7+s13+$0x0] =	vst.idx.add.f32.msk $0x1, v4  }
0x1ce: {  	v7 =	vld.idx.msk [tilespmem:v12+s11+$0x0], $0xffff  }
0x1cf: {  	v8 =	vld [tilespmem:s15+$0xC0]  }
0x1d0: {  	v9 =	vld [tilespmem:s15+$0xD0]  }
0x1d1: {  	v10 =	vor.u32 s19, v3;
	_ =	sdelay $0x2  }
0x1d2: {  	v7 =	vmax.f32 v7, v8  }
0x1d3: {  	[tilespmem:v12+s11+$0x0] =	vst.idx.msk $0xffff, v7  }
0x1d4: {  	v7 =	vld.idx.msk [tilespmem:v10+s11+$0x0], $0xffff;
	_ =	sdelay $0x3  }
0x1d5: {  	v6 =	vbroadcast v6, $0xF;
	_ =	sdelay $0x1  }
0x1d6: {  	v11 =	vor.u32 s18, v2;
	v7 =	vmax.f32 v7, v9  }
0x1d7: {  	[tilespmem:v10+s11+$0x0] =	vst.idx.msk $0xffff, v7  }
0x1d8: {  	[tilespmem:v12+s12+$0x0] =	vst.idx.add.f32.msk $0xffff, v8  }
0x1d9: {  	[tilespmem:v10+s12+$0x0] =	vst.idx.add.f32.msk $0xffff, v9  }
0x1da: {  	[tilespmem:v6+s13+$0x0] =	vst.idx.add.f32.msk $0x1, v4  }
0x1db: {  	v6 =	vld.idx.msk [tilespmem:v11+s11+$0x0], $0xffff  }
0x1dc: {  	v7 =	vld [tilespmem:s15+$0xE0]  }
0x1dd: {  	v8 =	vld [tilespmem:s15+$0xF0]  }
0x1de: {  	v9 =	vor.u32 s18, v3;
	_ =	sdelay $0x2  }
0x1df: {  	v6 =	vmax.f32 v6, v7  }
0x1e0: {  	[tilespmem:v11+s11+$0x0] =	vst.idx.msk $0xffff, v6  }
0x1e1: {  	v6 =	vld.idx.msk [tilespmem:v9+s11+$0x0], $0xffff;
	_ =	sdelay $0x3  }
0x1e2: {  	v5 =	vbroadcast v5, $0xF  }
.Ltmp2:
0x1e3: {  	(pc) =	sbr.rel @p0 .LBB2_6-.Ltmp2, $4  }
0x1e4: {  	v6 =	vmax.f32 v6, v8  }
0x1e5: {  	[tilespmem:v9+s11+$0x0] =	vst.idx.msk $0xffff, v6  }
0x1e6: {  	[tilespmem:v11+s12+$0x0] =	vst.idx.add.f32.msk $0xffff, v7  }
0x1e7: {  	s0 =	smov.u32 s17;
	[tilespmem:v9+s12+$0x0] =	vst.idx.add.f32.msk $0xffff, v8  }
0x1e8: {  	_ =	sdelay $0x3  }
0x1e9: {  	s0 =	sshra.s32 s16, $0x2;
	[tilespmem:v5+s13+$0x0] =	vst.idx.add.f32.msk $0x1, v4  }
0x1ea: {  	v5 =	vld [tilespmem:s0+$0x2800];
	_ =	sdelay $0x4  }
0x1eb: {  	v6 =	vnsel vm0, $0x0, v5  }
0x1ec: {  	(xrf0) =	vadd.scan.msk.s32 $0xffff, v6;
	_ =	sdelay $0x5  }
0x1ed: {  	v6, _, _ =	vpop (xrf0)  }
0x1ee: {  	(v2sf) =	vpush v6, $0xF;
	_ =	sdelay $0x8  }
0x1ef: {  	v7 =	vsel vm1, $0x0, v5  }
0x1f0: {  	(xrf0) =	vadd.scan.msk.s32 $0xffff, v7;
	_ =	sdelay $0x4  }
0x1f1: {  	s1 =	spop (v2sf)  }
0x1f2: {  	v7, _, _ =	vpop (xrf0);
	s0 =	sshll.u32 s1, $0x5  }
0x1f3: {  	(v2sf) =	vpush v7, $0xF;
	v8 =	vor.u32 s0, v2;
	_ =	sdelay $0x2  }
0x1f4: {  	s15 =	sadd.s32 $0x200, s15  }
0x1f5: {  	v10 =	vld [tilespmem:s15+$0xFFFFFF00]  }
0x1f6: {  	v9 =	vld.idx.msk [tilespmem:v8+s11+$0x0], $0xffff;
	_ =	sdelay $0x1  }
0x1f7: {  	v11 =	vor.u32 s0, v3;
	_ =	sdelay $0x2  }
0x1f8: {  	v12 =	vsel vm2, $0x0, v5;
	v9 =	vmax.f32 v9, v10  }
0x1f9: {  	v13 =	vld [tilespmem:s15+$0xFFFFFF10];
	(xrf0) =	vadd.scan.msk.s32 $0xffff, v12;
	[tilespmem:v8+s11+$0x0] =	vst.idx.msk $0xffff, v9  }
0x1fa: {  	v9 =	vld.idx.msk [tilespmem:v11+s11+$0x0], $0xffff;
	_ =	sdelay $0x2  }
0x1fb: {  	v6 =	vbroadcast v6, $0xF;
	s16 =	spop (v2sf)  }
0x1fc: {  	s0 =	sshll.u32 s16, $0x5  }
0x1fd: {  	v12, _, _ =	vpop (xrf0);
	v14 =	vor.u32 s0, v2;
	v9 =	vmax.f32 v9, v13  }
0x1fe: {  	(v2sf) =	vpush v12, $0xF;
	[tilespmem:v11+s11+$0x0] =	vst.idx.msk $0xffff, v9  }
0x1ff: {  	[tilespmem:v8+s12+$0x0] =	vst.idx.add.f32.msk $0xffff, v10  }
0x200: {  	[tilespmem:v11+s12+$0x0] =	vst.idx.add.f32.msk $0xffff, v13  }
0x201: {  	[tilespmem:v6+s13+$0x0] =	vst.idx.add.f32.msk $0x1, v4  }
0x202: {  	v6 =	vld.idx.msk [tilespmem:v14+s11+$0x0], $0xffff  }
0x203: {  	v8 =	vld [tilespmem:s15+$0xFFFFFF20];
	_ =	sdelay $0x1  }
0x204: {  	v48 =	vor.u32 s0, v3;
	_ =	sdelay $0x2  }
0x205: {  	v49 =	vsel vm3, $0x0, v5;
	v6 =	vmax.f32 v6, v8  }
0x206: {  	(xrf0) =	vadd.scan.msk.s32 $0xffff, v49;
	v11 =	vld [tilespmem:s15+$0xFFFFFF30];
	[tilespmem:v14+s11+$0x0] =	vst.idx.msk $0xffff, v6  }
0x207: {  	v6 =	vld.idx.msk [tilespmem:v48+s11+$0x0], $0xffff;
	_ =	sdelay $0x2  }
0x208: {  	v7 =	vbroadcast v7, $0xF;
	s17 =	spop (v2sf)  }
0x209: {  	s0 =	sshll.u32 s17, $0x5  }
0x20a: {  	v10, _, _ =	vpop (xrf0);
	v50 =	vor.u32 s0, v2;
	v6 =	vmax.f32 v6, v11  }
0x20b: {  	(v2sf) =	vpush v10, $0xF;
	[tilespmem:v48+s11+$0x0] =	vst.idx.msk $0xffff, v6  }
0x20c: {  	[tilespmem:v14+s12+$0x0] =	vst.idx.add.f32.msk $0xffff, v8  }
0x20d: {  	[tilespmem:v48+s12+$0x0] =	vst.idx.add.f32.msk $0xffff, v11  }
0x20e: {  	[tilespmem:v7+s13+$0x0] =	vst.idx.add.f32.msk $0x1, v4  }
0x20f: {  	v6 =	vld.idx.msk [tilespmem:v50+s11+$0x0], $0xffff  }
0x210: {  	v7 =	vld [tilespmem:s15+$0xFFFFFF40];
	_ =	sdelay $0x1  }
0x211: {  	v51 =	vor.u32 s0, v3;
	_ =	sdelay $0x2  }
0x212: {  	v52 =	vsel vm4, $0x0, v5;
	v6 =	vmax.f32 v6, v7  }
0x213: {  	(xrf0) =	vadd.scan.msk.s32 $0xffff, v52;
	v11 =	vld [tilespmem:s15+$0xFFFFFF50];
	[tilespmem:v50+s11+$0x0] =	vst.idx.msk $0xffff, v6  }
0x214: {  	v6 =	vld.idx.msk [tilespmem:v51+s11+$0x0], $0xffff;
	_ =	sdelay $0x2  }
0x215: {  	v53 =	vbroadcast v12, $0xF;
	s18 =	spop (v2sf)  }
0x216: {  	s0 =	sshll.u32 s18, $0x5  }
0x217: {  	v54, _, _ =	vpop (xrf0);
	v55 =	vor.u32 s0, v2;
	v6 =	vmax.f32 v6, v11  }
0x218: {  	(v2sf) =	vpush v54, $0xF;
	[tilespmem:v51+s11+$0x0] =	vst.idx.msk $0xffff, v6  }
0x219: {  	[tilespmem:v50+s12+$0x0] =	vst.idx.add.f32.msk $0xffff, v7  }
0x21a: {  	[tilespmem:v51+s12+$0x0] =	vst.idx.add.f32.msk $0xffff, v11  }
0x21b: {  	[tilespmem:v53+s13+$0x0] =	vst.idx.add.f32.msk $0x1, v4  }
0x21c: {  	v6 =	vld.idx.msk [tilespmem:v55+s11+$0x0], $0xffff  }
0x21d: {  	v7 =	vld [tilespmem:s15+$0xFFFFFF60];
	_ =	sdelay $0x1  }
0x21e: {  	v56 =	vor.u32 s0, v3;
	_ =	sdelay $0x2  }
0x21f: {  	v57 =	vsel vm5, $0x0, v5;
	v6 =	vmax.f32 v6, v7  }
0x220: {  	(xrf0) =	vadd.scan.msk.s32 $0xffff, v57;
	v11 =	vld [tilespmem:s15+$0xFFFFFF70];
	[tilespmem:v55+s11+$0x0] =	vst.idx.msk $0xffff, v6  }
0x221: {  	v6 =	vld.idx.msk [tilespmem:v56+s11+$0x0], $0xffff;
	_ =	sdelay $0x2  }
0x222: {  	v58 =	vbroadcast v10, $0xF;
	s19 =	spop (v2sf)  }
0x223: {  	s0 =	sshll.u32 s19, $0x5  }
0x224: {  	v59, _, _ =	vpop (xrf0);
	v60 =	vor.u32 s0, v2;
	v6 =	vmax.f32 v6, v11  }
0x225: {  	(v2sf) =	vpush v59, $0xF;
	[tilespmem:v56+s11+$0x0] =	vst.idx.msk $0xffff, v6  }
0x226: {  	[tilespmem:v55+s12+$0x0] =	vst.idx.add.f32.msk $0xffff, v7  }
0x227: {  	[tilespmem:v56+s12+$0x0] =	vst.idx.add.f32.msk $0xffff, v11  }
0x228: {  	[tilespmem:v58+s13+$0x0] =	vst.idx.add.f32.msk $0x1, v4  }
0x229: {  	v6 =	vld.idx.msk [tilespmem:v60+s11+$0x0], $0xffff  }
0x22a: {  	v7 =	vld [tilespmem:s15+$0xFFFFFF80];
	_ =	sdelay $0x1  }
0x22b: {  	v61 =	vor.u32 s0, v3;
	_ =	sdelay $0x2  }
0x22c: {  	v62 =	vsel vm6, $0x0, v5;
	v6 =	vmax.f32 v6, v7  }
0x22d: {  	(xrf0) =	vadd.scan.msk.s32 $0xffff, v62;
	v11 =	vld [tilespmem:s15+$0xFFFFFF90];
	[tilespmem:v60+s11+$0x0] =	vst.idx.msk $0xffff, v6  }
0x22e: {  	v6 =	vld.idx.msk [tilespmem:v61+s11+$0x0], $0xffff;
	_ =	sdelay $0x2  }
0x22f: {  	v63 =	vbroadcast v54, $0xF;
	s20 =	spop (v2sf)  }
0x230: {  	s0 =	sshll.u32 s20, $0x5  }
0x231: {  	v16, _, _ =	vpop (xrf0);
	v17 =	vor.u32 s0, v2;
	v6 =	vmax.f32 v6, v11  }
0x232: {  	(v2sf) =	vpush v16, $0xF;
	[tilespmem:v61+s11+$0x0] =	vst.idx.msk $0xffff, v6  }
0x233: {  	[tilespmem:v60+s12+$0x0] =	vst.idx.add.f32.msk $0xffff, v7  }
0x234: {  	[tilespmem:v61+s12+$0x0] =	vst.idx.add.f32.msk $0xffff, v11  }
0x235: {  	[tilespmem:v63+s13+$0x0] =	vst.idx.add.f32.msk $0x1, v4  }
0x236: {  	v6 =	vld.idx.msk [tilespmem:v17+s11+$0x0], $0xffff  }
0x237: {  	v7 =	vld [tilespmem:s15+$0xFFFFFFA0];
	_ =	sdelay $0x1  }
0x238: {  	v18 =	vor.u32 s0, v3;
	_ =	sdelay $0x2  }
0x239: {  	v19 =	vsel vm7, $0x0, v5;
	v6 =	vmax.f32 v6, v7  }
0x23a: {  	(xrf0) =	vadd.scan.msk.s32 $0xffff, v19;
	v11 =	vld [tilespmem:s15+$0xFFFFFFB0];
	[tilespmem:v17+s11+$0x0] =	vst.idx.msk $0xffff, v6  }
0x23b: {  	v6 =	vld.idx.msk [tilespmem:v18+s11+$0x0], $0xffff;
	_ =	sdelay $0x2  }
0x23c: {  	v20 =	vbroadcast v59, $0xF;
	s21 =	spop (v2sf)  }
0x23d: {  	s0 =	sshll.u32 s21, $0x5  }
0x23e: {  	v21, _, _ =	vpop (xrf0);
	v22 =	vor.u32 s0, v2;
	v6 =	vmax.f32 v6, v11  }
0x23f: {  	(v2sf) =	vpush v21, $0xF;
	[tilespmem:v18+s11+$0x0] =	vst.idx.msk $0xffff, v6  }
0x240: {  	[tilespmem:v17+s12+$0x0] =	vst.idx.add.f32.msk $0xffff, v7  }
0x241: {  	[tilespmem:v18+s12+$0x0] =	vst.idx.add.f32.msk $0xffff, v11  }
0x242: {  	[tilespmem:v20+s13+$0x0] =	vst.idx.add.f32.msk $0x1, v4  }
0x243: {  	v6 =	vld.idx.msk [tilespmem:v22+s11+$0x0], $0xffff  }
0x244: {  	v7 =	vld [tilespmem:s15+$0xFFFFFFC0];
	_ =	sdelay $0x1  }
0x245: {  	v23 =	vor.u32 s0, v3;
	_ =	sdelay $0x2  }
0x246: {  	v24 =	vsel vm8, $0x0, v5;
	v6 =	vmax.f32 v6, v7  }
0x247: {  	(xrf0) =	vadd.scan.msk.s32 $0xffff, v24;
	v11 =	vld [tilespmem:s15+$0xFFFFFFD0];
	[tilespmem:v22+s11+$0x0] =	vst.idx.msk $0xffff, v6  }
0x248: {  	v6 =	vld.idx.msk [tilespmem:v23+s11+$0x0], $0xffff;
	_ =	sdelay $0x2  }
0x249: {  	v25 =	vbroadcast v16, $0xF;
	s22 =	spop (v2sf)  }
0x24a: {  	s0 =	sshll.u32 s22, $0x5  }
0x24b: {  	v26, _, _ =	vpop (xrf0);
	v27 =	vor.u32 s0, v2;
	v6 =	vmax.f32 v6, v11  }
0x24c: {  	(v2sf) =	vpush v26, $0xF;
	[tilespmem:v23+s11+$0x0] =	vst.idx.msk $0xffff, v6  }
0x24d: {  	[tilespmem:v22+s12+$0x0] =	vst.idx.add.f32.msk $0xffff, v7  }
0x24e: {  	[tilespmem:v23+s12+$0x0] =	vst.idx.add.f32.msk $0xffff, v11  }
0x24f: {  	[tilespmem:v25+s13+$0x0] =	vst.idx.add.f32.msk $0x1, v4  }
0x250: {  	v6 =	vld.idx.msk [tilespmem:v27+s11+$0x0], $0xffff  }
0x251: {  	v7 =	vld [tilespmem:s15+$0xFFFFFFE0];
	_ =	sdelay $0x1  }
0x252: {  	v28 =	vor.u32 s0, v3;
	_ =	sdelay $0x2  }
0x253: {  	v29 =	vsel vm9, $0x0, v5;
	v6 =	vmax.f32 v6, v7  }
0x254: {  	(xrf0) =	vadd.scan.msk.s32 $0xffff, v29;
	v11 =	vld [tilespmem:s15+$0xFFFFFFF0];
	[tilespmem:v27+s11+$0x0] =	vst.idx.msk $0xffff, v6  }
0x255: {  	v6 =	vld.idx.msk [tilespmem:v28+s11+$0x0], $0xffff;
	_ =	sdelay $0x2  }
0x256: {  	v30 =	vbroadcast v21, $0xF;
	s23 =	spop (v2sf)  }
0x257: {  	s0 =	sshll.u32 s23, $0x5  }
0x258: {  	v31, _, _ =	vpop (xrf0);
	v32 =	vor.u32 s0, v2;
	v6 =	vmax.f32 v6, v11  }
0x259: {  	(v2sf) =	vpush v31, $0xF;
	[tilespmem:v28+s11+$0x0] =	vst.idx.msk $0xffff, v6  }
0x25a: {  	[tilespmem:v27+s12+$0x0] =	vst.idx.add.f32.msk $0xffff, v7  }
0x25b: {  	[tilespmem:v28+s12+$0x0] =	vst.idx.add.f32.msk $0xffff, v11  }
0x25c: {  	[tilespmem:v30+s13+$0x0] =	vst.idx.add.f32.msk $0x1, v4  }
0x25d: {  	v6 =	vld.idx.msk [tilespmem:v32+s11+$0x0], $0xffff  }
0x25e: {  	v7 =	vld [tilespmem:s15+$0x0];
	_ =	sdelay $0x1  }
0x25f: {  	v33 =	vor.u32 s0, v3;
	_ =	sdelay $0x2  }
0x260: {  	v34 =	vsel vm10, $0x0, v5;
	v6 =	vmax.f32 v6, v7  }
0x261: {  	(xrf0) =	vadd.scan.msk.s32 $0xffff, v34;
	v11 =	vld [tilespmem:s15+$0x10];
	[tilespmem:v32+s11+$0x0] =	vst.idx.msk $0xffff, v6  }
0x262: {  	v6 =	vld.idx.msk [tilespmem:v33+s11+$0x0], $0xffff;
	_ =	sdelay $0x2  }
0x263: {  	v35 =	vbroadcast v26, $0xF;
	s24 =	spop (v2sf)  }
0x264: {  	s0 =	sshll.u32 s24, $0x5  }
0x265: {  	v36, _, _ =	vpop (xrf0);
	v37 =	vor.u32 s0, v2;
	v6 =	vmax.f32 v6, v11  }
0x266: {  	(v2sf) =	vpush v36, $0xF;
	[tilespmem:v33+s11+$0x0] =	vst.idx.msk $0xffff, v6  }
0x267: {  	[tilespmem:v32+s12+$0x0] =	vst.idx.add.f32.msk $0xffff, v7  }
0x268: {  	[tilespmem:v33+s12+$0x0] =	vst.idx.add.f32.msk $0xffff, v11  }
0x269: {  	[tilespmem:v35+s13+$0x0] =	vst.idx.add.f32.msk $0x1, v4  }
0x26a: {  	v6 =	vld.idx.msk [tilespmem:v37+s11+$0x0], $0xffff  }
0x26b: {  	v7 =	vld [tilespmem:s15+$0x20];
	_ =	sdelay $0x1  }
0x26c: {  	v38 =	vor.u32 s0, v3;
	_ =	sdelay $0x2  }
0x26d: {  	v39 =	vsel vm11, $0x0, v5;
	v6 =	vmax.f32 v6, v7  }
0x26e: {  	(xrf0) =	vadd.scan.msk.s32 $0xffff, v39;
	v11 =	vld [tilespmem:s15+$0x30];
	[tilespmem:v37+s11+$0x0] =	vst.idx.msk $0xffff, v6  }
0x26f: {  	v6 =	vld.idx.msk [tilespmem:v38+s11+$0x0], $0xffff;
	_ =	sdelay $0x2  }
0x270: {  	v40 =	vbroadcast v31, $0xF;
	s25 =	spop (v2sf)  }
0x271: {  	s0 =	sshll.u32 s25, $0x5  }
0x272: {  	v41, _, _ =	vpop (xrf0);
	v42 =	vor.u32 s0, v2;
	v6 =	vmax.f32 v6, v11  }
0x273: {  	(v2sf) =	vpush v41, $0xF;
	[tilespmem:v38+s11+$0x0] =	vst.idx.msk $0xffff, v6  }
0x274: {  	[tilespmem:v37+s12+$0x0] =	vst.idx.add.f32.msk $0xffff, v7  }
0x275: {  	[tilespmem:v38+s12+$0x0] =	vst.idx.add.f32.msk $0xffff, v11  }
0x276: {  	[tilespmem:v40+s13+$0x0] =	vst.idx.add.f32.msk $0x1, v4  }
0x277: {  	v6 =	vld.idx.msk [tilespmem:v42+s11+$0x0], $0xffff  }
0x278: {  	v7 =	vld [tilespmem:s15+$0x40];
	_ =	sdelay $0x1  }
0x279: {  	v43 =	vor.u32 s0, v3;
	_ =	sdelay $0x2  }
0x27a: {  	v44 =	vsel vm12, $0x0, v5;
	v6 =	vmax.f32 v6, v7  }
0x27b: {  	(xrf0) =	vadd.scan.msk.s32 $0xffff, v44;
	v11 =	vld [tilespmem:s15+$0x50];
	[tilespmem:v42+s11+$0x0] =	vst.idx.msk $0xffff, v6  }
0x27c: {  	v6 =	vld.idx.msk [tilespmem:v43+s11+$0x0], $0xffff;
	_ =	sdelay $0x2  }
0x27d: {  	v45 =	vbroadcast v36, $0xF;
	s26 =	spop (v2sf)  }
0x27e: {  	s0 =	sshll.u32 s26, $0x5  }
0x27f: {  	v46, _, _ =	vpop (xrf0);
	v47 =	vor.u32 s0, v2;
	v6 =	vmax.f32 v6, v11  }
0x280: {  	(v2sf) =	vpush v46, $0xF;
	[tilespmem:v43+s11+$0x0] =	vst.idx.msk $0xffff, v6  }
0x281: {  	[tilespmem:v42+s12+$0x0] =	vst.idx.add.f32.msk $0xffff, v7  }
0x282: {  	[tilespmem:v43+s12+$0x0] =	vst.idx.add.f32.msk $0xffff, v11  }
0x283: {  	[tilespmem:v45+s13+$0x0] =	vst.idx.add.f32.msk $0x1, v4  }
0x284: {  	v6 =	vld.idx.msk [tilespmem:v47+s11+$0x0], $0xffff  }
0x285: {  	v7 =	vld [tilespmem:s15+$0x60];
	_ =	sdelay $0x1  }
0x286: {  	v48 =	vor.u32 s0, v3;
	_ =	sdelay $0x2  }
0x287: {  	v49 =	vsel vm13, $0x0, v5;
	v6 =	vmax.f32 v6, v7  }
0x288: {  	(xrf0) =	vadd.scan.msk.s32 $0xffff, v49;
	v11 =	vld [tilespmem:s15+$0x70];
	[tilespmem:v47+s11+$0x0] =	vst.idx.msk $0xffff, v6  }
0x289: {  	v6 =	vld.idx.msk [tilespmem:v48+s11+$0x0], $0xffff;
	_ =	sdelay $0x2  }
0x28a: {  	v50 =	vbroadcast v41, $0xF;
	s28 =	spop (v2sf)  }
0x28b: {  	s0 =	sshll.u32 s28, $0x5  }
0x28c: {  	v51, _, _ =	vpop (xrf0);
	v52 =	vor.u32 s0, v2;
	v6 =	vmax.f32 v6, v11  }
0x28d: {  	(v2sf) =	vpush v51, $0xF;
	[tilespmem:v48+s11+$0x0] =	vst.idx.msk $0xffff, v6  }
0x28e: {  	[tilespmem:v47+s12+$0x0] =	vst.idx.add.f32.msk $0xffff, v7  }
0x28f: {  	[tilespmem:v48+s12+$0x0] =	vst.idx.add.f32.msk $0xffff, v11  }
0x290: {  	[tilespmem:v50+s13+$0x0] =	vst.idx.add.f32.msk $0x1, v4  }
0x291: {  	v6 =	vld.idx.msk [tilespmem:v52+s11+$0x0], $0xffff  }
0x292: {  	v7 =	vld [tilespmem:s15+$0x80];
	_ =	sdelay $0x1  }
0x293: {  	v53 =	vor.u32 s0, v3;
	_ =	sdelay $0x2  }
0x294: {  	v54 =	vsel vm14, $0x0, v5;
	v6 =	vmax.f32 v6, v7  }
0x295: {  	(xrf0) =	vadd.scan.msk.s32 $0xffff, v54;
	v11 =	vld [tilespmem:s15+$0x90];
	[tilespmem:v52+s11+$0x0] =	vst.idx.msk $0xffff, v6  }
0x296: {  	v6 =	vld.idx.msk [tilespmem:v53+s11+$0x0], $0xffff;
	_ =	sdelay $0x2  }
0x297: {  	v55 =	vbroadcast v46, $0xF;
	s29 =	spop (v2sf)  }
0x298: {  	s0 =	sshll.u32 s29, $0x5  }
0x299: {  	v56, _, _ =	vpop (xrf0);
	v57 =	vor.u32 s0, v2;
	v6 =	vmax.f32 v6, v11  }
0x29a: {  	(v2sf) =	vpush v56, $0xF;
	[tilespmem:v53+s11+$0x0] =	vst.idx.msk $0xffff, v6  }
0x29b: {  	[tilespmem:v52+s12+$0x0] =	vst.idx.add.f32.msk $0xffff, v7  }
0x29c: {  	[tilespmem:v53+s12+$0x0] =	vst.idx.add.f32.msk $0xffff, v11  }
0x29d: {  	[tilespmem:v55+s13+$0x0] =	vst.idx.add.f32.msk $0x1, v4  }
0x29e: {  	v6 =	vld.idx.msk [tilespmem:v57+s11+$0x0], $0xffff  }
0x29f: {  	v7 =	vld [tilespmem:s15+$0xA0];
	_ =	sdelay $0x1  }
0x2a0: {  	v58 =	vor.u32 s0, v3;
	_ =	sdelay $0x2  }
0x2a1: {  	v5 =	vsel vm15, $0x0, v5;
	v6 =	vmax.f32 v6, v7  }
0x2a2: {  	(xrf0) =	vadd.scan.msk.s32 $0xffff, v5;
	v9 =	vld [tilespmem:s15+$0xB0];
	[tilespmem:v57+s11+$0x0] =	vst.idx.msk $0xffff, v6  }
0x2a3: {  	v5 =	vld.idx.msk [tilespmem:v58+s11+$0x0], $0xffff;
	_ =	sdelay $0x2  }
0x2a4: {  	s30 =	spop (v2sf);
	v6 =	vbroadcast v51, $0xF  }
0x2a5: {  	s0 =	sshll.u32 s30, $0x5  }
0x2a6: {  	v59, _, _ =	vpop (xrf0);
	v60 =	vor.u32 s0, v2;
	v5 =	vmax.f32 v5, v9  }
0x2a7: {  	(v2sf) =	vpush v59, $0xF;
	[tilespmem:v58+s11+$0x0] =	vst.idx.msk $0xffff, v5  }
0x2a8: {  	[tilespmem:v57+s12+$0x0] =	vst.idx.add.f32.msk $0xffff, v7  }
0x2a9: {  	[tilespmem:v58+s12+$0x0] =	vst.idx.add.f32.msk $0xffff, v9  }
0x2aa: {  	[tilespmem:v6+s13+$0x0] =	vst.idx.add.f32.msk $0x1, v4  }
0x2ab: {  	v5 =	vld.idx.msk [tilespmem:v60+s11+$0x0], $0xffff  }
0x2ac: {  	v6 =	vld [tilespmem:s15+$0xC0];
	_ =	sdelay $0x1  }
0x2ad: {  	v7 =	vor.u32 s0, v3;
	_ =	sdelay $0x2  }
0x2ae: {  	v5 =	vmax.f32 v5, v6  }
0x2af: {  	v8 =	vld [tilespmem:s15+$0xD0];
	[tilespmem:v60+s11+$0x0] =	vst.idx.msk $0xffff, v5  }
0x2b0: {  	v5 =	vld.idx.msk [tilespmem:v7+s11+$0x0], $0xffff;
	_ =	sdelay $0x2  }
0x2b1: {  	v61 =	vbroadcast v56, $0xF;
	s31 =	spop (v2sf)  }
0x2b2: {  	s0 =	sshll.u32 s31, $0x5  }
0x2b3: {  	v62 =	vor.u32 s0, v2;
	v5 =	vmax.f32 v5, v8  }
0x2b4: {  	[tilespmem:v7+s11+$0x0] =	vst.idx.msk $0xffff, v5  }
0x2b5: {  	[tilespmem:v60+s12+$0x0] =	vst.idx.add.f32.msk $0xffff, v6  }
0x2b6: {  	[tilespmem:v7+s12+$0x0] =	vst.idx.add.f32.msk $0xffff, v8  }
0x2b7: {  	[tilespmem:v61+s13+$0x0] =	vst.idx.add.f32.msk $0x1, v4  }
0x2b8: {  	v5 =	vld.idx.msk [tilespmem:v62+s11+$0x0], $0xffff  }
0x2b9: {  	v6 =	vld [tilespmem:s15+$0xE0];
	_ =	sdelay $0x1  }
0x2ba: {  	v7 =	vor.u32 s0, v3;
	_ =	sdelay $0x2  }
0x2bb: {  	v5 =	vmax.f32 v5, v6  }
0x2bc: {  	v8 =	vld [tilespmem:s15+$0xF0];
	[tilespmem:v62+s11+$0x0] =	vst.idx.msk $0xffff, v5  }
0x2bd: {  	v5 =	vld.idx.msk [tilespmem:v7+s11+$0x0], $0xffff;
	_ =	sdelay $0x2  }
0x2be: {  	v63 =	vbroadcast v59, $0xF;
	_ =	sdelay $0x1  }
0x2bf: {  	v5 =	vmax.f32 v5, v8  }
0x2c0: {  	[tilespmem:v7+s11+$0x0] =	vst.idx.msk $0xffff, v5  }
0x2c1: {  	[tilespmem:v62+s12+$0x0] =	vst.idx.add.f32.msk $0xffff, v6  }
0x2c2: {  	[tilespmem:v7+s12+$0x0] =	vst.idx.add.f32.msk $0xffff, v8  }
0x2c3: {  	[tilespmem:v63+s13+$0x0] =	vst.idx.add.f32.msk $0x1, v4  }
0x2c4: {  	[hbm4b:s5+s2] =	stream.linear.scatter [tilespmem:s12], [sflag:$0x1], $0x820, $0x38;
	[tilespmem:$0x39D0] =	vst v63  }
0x2c5: {  	_ =	swait.ge [sflag:s9], $0x820  }
0x2c6: {  	[sflag:s9] =	ssyncset.done $0x0  }
0x2c7: {  	[sflag:s9] =	ssyncadd.s32 $0xFFFFF7E0  }
0x2c8: {  	[hbm4b:s6+s2] =	stream.linear.scatter [tilespmem:s11], [sflag:$0x1], $0x820, $0x38;
	[tilespmem:$0x39D0] =	vst v63  }
0x2c9: {  	s14 =	sadd.s32 $0x1, s14;
	_ =	swait.ge [sflag:s9], $0x820  }
0x2ca: {  	p0 =	sne.s32 s14, s8;
	[sflag:s9] =	ssyncset.done $0x0  }
.Ltmp3:
0x2cb: {  	[sflag:s9] =	ssyncadd.s32 $0xFFFFF7E0;
	(pc) =	sbr.rel @p0 .LBB2_1-.Ltmp3, $4  }
0x2cc: {  	[hbm4b:s7+s2] =	stream.linear.scatter [tilespmem:s13], [sflag:$0x1], $0x50, $0x38;
	[tilespmem:$0x39D0] =	vst v63  }
0x2cd: {  	_ =	swait.ge [sflag:s9], $0x50  }
0x2ce: {  	[sflag:s9] =	ssyncset.done $0x0  }
0x2cf: {  	[sflag:s9] =	ssyncadd.s32 $0xFFFFFFB0  }
0x2d0: {  	_ =	sfence.sel $0x180000  }
0x2d1: {  	[bflag:$0x0] =	sbarrier.arrive $0xFFFF  }
0x2d2: {  	_ =	strace $0x90000056  }
0x2d3: {  	s0 =	stileid.u32;
	[bflag:$0x2] =	sbarrier.arrive $0xFFFF  }
0x2d4: {  	p0 =	sne.s32 s0, $0x0;
	s0 =	rddreg [dreg:$0x2]  }
0x2d5: {  	s0 =	sadd.s32 @!p0 $0x100000, s0  }
0x2d6: {  	[sflag:s0] =	ssyncadd.tile.s32 @!p0 $0x1;
	_ =	shalt  }
.Lfunc_end2:
_tile_overlayer_lowered:
.L_overlay_start_2:
0x2d7: {  	(tag) =	ssettag $0x2  }
0x2d8: {  	s0 =	rddreg [dreg:$0x0];
	s2 =	stileid.u32  }
0x2d9: {  	s1 =	rddreg [dreg:$0x1];
	p0 =	sne.s32 s2, $0x0  }
0x2da: {  	s3 =	rddreg [dreg:$0x2];
	[bflag:$0x3] =	sbarrier.arrive $0xFFFF;
	s2 =	simm.s32 @!p0 $0x1C01  }
0x2db: {  	[timem:s3], [sflag:s2] =	dma.local @!p0 [hbm:s0], s1  }
0x2dc: {  	s0 =	simm.s32 @!p0 $0x1  }
0x2dd: {  	_ =	swait.ge @!p0 [sflag:s0], s1  }
0x2de: {  	s1 =	ssub.s32 @!p0 $0x0, s1;
	[sflag:s0] =	ssyncset.done @!p0 $0x0  }
0x2df: {  	[sflag:s0] =	ssyncadd.s32 @!p0 s1  }
0x2e0: {  	[bflag:$0x3] =	sbarrier.arrive $0xFFFF  }
0x2e1: {  	_ =	shalt  }

</sc_bundles>
